<compile_context>
chip_gen: v7x
topology: tpu7x:2x2x1
jax: 0.10.2.dev20260603
libtpu: 0.0.44.dev20260713+nightly
codegen_flags: <defaults>
</compile_context>

<pallas_src>
import functools

import jax
import jax.numpy as jnp
from jax import lax
from jax.experimental import pallas as pl
from jax.experimental.pallas import tpu as pltpu
from jax.experimental.pallas import tpu_sc as plsc

_N = 10000
_E = 320000
_DIN = 128
_DHID = 16
_NCLS = 10

_NPAD = 10240
_RB = 1024
_GRID = _NPAD // _RB

_NCORES = 2
_NSUB = 16
_NW = _NCORES * _NSUB
_EPW = _E // _NW
_CH = 80
_NCH = _EPW // _CH
_SCH = 496
_SNCH = _EPW // _SCH
_STAIL = _EPW - _SNCH * _SCH
_RPT = _NPAD // _NSUB
_DEGW = _DHID
_PK = 128 // _DHID
_PROWS = _NPAD // _PK
_RBP = _RB // _PK


def _mesh():
    return plsc.VectorSubcoreMesh(
        core_axis_name="c", subcore_axis_name="s",
        num_cores=_NCORES, num_subcores=_NSUB)


def _sc_degree(ei, ones, zeros16):

    @functools.partial(
        pl.kernel, mesh=_mesh(),
        compiler_params=pltpu.CompilerParams(use_tc_tiling_on_sc=False),
        out_type=jax.ShapeDtypeStruct((_NCORES, _NPAD, _DEGW), jnp.float32),
        scratch_types=[
            pltpu.VMEM((_EPW,), jnp.int32),
            pltpu.VMEM((_SCH, _DEGW), jnp.float32),
            pltpu.VMEM_SHARED((_NPAD, _DEGW), jnp.float32),
            [pltpu.SemaphoreType.DMA] * 4,
        ])
    def deg_kernel(ei_hbm, ones_hbm, z_hbm, out_hbm, didx, ones_v, acc, sem):
        cid = lax.axis_index("c")
        sid = lax.axis_index("s")
        wid = sid * _NCORES + cid
        pltpu.sync_copy(z_hbm, acc.at[pl.ds(sid * _RPT, _RPT)])
        pltpu.sync_copy(ones_hbm, ones_v)
        pltpu.sync_copy(ei_hbm.at[1, pl.ds(wid * _EPW, _EPW)], didx)
        plsc.subcore_barrier()

        def dst_at(c):
            return acc.at[didx.at[pl.ds(c * _SCH, _SCH)]]

        for k in range(4):
            pltpu.async_copy(ones_v, dst_at(k), sem[k], add=True)

        def chunk(j, c):
            for k in range(4):
                pltpu.make_async_copy(ones_v, dst_at(4 * (j - 1) + k),
                                      sem[k]).wait()
                pltpu.async_copy(ones_v, dst_at(4 * j + k), sem[k],
                                 add=True)
            return c

        lax.fori_loop(1, _SNCH // 4, chunk, None)
        c0 = 4 * (_SNCH // 4 - 1)
        tb = _SNCH * _SCH
        tail = pltpu.make_async_copy(
            ones_v.at[pl.ds(0, _STAIL)],
            acc.at[didx.at[pl.ds(tb, _STAIL)]], sem[3])
        for k in range(4):
            pltpu.make_async_copy(ones_v, dst_at(c0 + k), sem[k]).wait()
        for k in range(_SNCH - c0 - 4):
            pltpu.async_copy(ones_v, dst_at(c0 + 4 + k), sem[k], add=True)
        pltpu.async_copy(ones_v.at[pl.ds(0, _STAIL)],
                         acc.at[didx.at[pl.ds(tb, _STAIL)]], sem[3],
                         add=True)
        for k in range(_SNCH - c0 - 4):
            pltpu.make_async_copy(ones_v, dst_at(c0 + 4 + k), sem[k]).wait()
        tail.wait()
        plsc.subcore_barrier()
        pltpu.sync_copy(acc.at[pl.ds(sid * _RPT, _RPT)],
                        out_hbm.at[cid, pl.ds(sid * _RPT, _RPT)])

    return deg_kernel(ei, ones, zeros16)


def _sc_scatter(hh, ei, zeros16):

    @functools.partial(
        pl.kernel, mesh=_mesh(),
        compiler_params=pltpu.CompilerParams(use_tc_tiling_on_sc=False),
        out_type=jax.ShapeDtypeStruct((_NCORES, _NPAD, _DHID), jnp.float32),
        scratch_types=[
            pltpu.VMEM((_EPW,), jnp.int32),
            pltpu.VMEM((_EPW,), jnp.int32),
            pltpu.VMEM((4, _SCH, _DHID), jnp.float32),
            pltpu.VMEM((_STAIL, _DHID), jnp.float32),
            pltpu.VMEM_SHARED((_NPAD, _DHID), jnp.float32),
            [pltpu.SemaphoreType.DMA] * 4,
            [pltpu.SemaphoreType.DMA] * 4,
        ])
    def scat_kernel(hh_hbm, ei_hbm, z_hbm, out_hbm,
                    sidx, didx, rows, rowt, acc, gsem, ssem):
        cid = lax.axis_index("c")
        sid = lax.axis_index("s")
        wid = sid * _NCORES + cid
        pltpu.sync_copy(z_hbm, acc.at[pl.ds(sid * _RPT, _RPT)])
        pltpu.sync_copy(ei_hbm.at[0, pl.ds(wid * _EPW, _EPW)], sidx)
        pltpu.sync_copy(ei_hbm.at[1, pl.ds(wid * _EPW, _EPW)], didx)
        plsc.subcore_barrier()

        def gat(c, k):
            return pltpu.make_async_copy(
                hh_hbm.at[sidx.at[pl.ds(c * _SCH, _SCH)]], rows.at[k],
                gsem[k])

        def sca(c, k):
            return pltpu.make_async_copy(
                rows.at[k], acc.at[didx.at[pl.ds(c * _SCH, _SCH)]], ssem[k])

        def start_gat(c, k):
            pltpu.async_copy(hh_hbm.at[sidx.at[pl.ds(c * _SCH, _SCH)]],
                             rows.at[k], gsem[k])

        def start_sca(c, k):
            pltpu.async_copy(rows.at[k],
                             acc.at[didx.at[pl.ds(c * _SCH, _SCH)]],
                             ssem[k], add=True)

        for k in range(4):
            start_gat(k, k)

        def quad(j, carry):
            c0 = 4 * j
            for k in range(4):
                gat(c0 + k, k).wait()
                start_sca(c0 + k, k)
            for k in range(4):
                sca(c0 + k, k).wait()
                start_gat(c0 + 4 + k, k)
            return carry

        nq = _SNCH // 4 - 1
        lax.fori_loop(0, nq, quad, None)
        c0 = 4 * nq
        tb = _SNCH * _SCH
        for k in range(4):
            gat(c0 + k, k).wait()
            start_sca(c0 + k, k)
        for k in range(_SNCH - c0 - 4):
            sca(c0 + k, k).wait()
            start_gat(c0 + 4 + k, k)
        pltpu.async_copy(hh_hbm.at[sidx.at[pl.ds(tb, _STAIL)]], rowt,
                         gsem[3])
        for k in range(_SNCH - c0 - 4, 4):
            sca(c0 + k, k).wait()
        for k in range(_SNCH - c0 - 4):
            gat(c0 + 4 + k, k).wait()
            start_sca(c0 + 4 + k, k)
        pltpu.make_async_copy(hh_hbm.at[sidx.at[pl.ds(tb, _STAIL)]], rowt,
                              gsem[3]).wait()
        pltpu.sync_copy(rowt, acc.at[didx.at[pl.ds(tb, _STAIL)]], add=True)
        for k in range(_SNCH - c0 - 4):
            sca(c0 + 4 + k, k).wait()
        plsc.subcore_barrier()
        pltpu.sync_copy(acc.at[pl.ds(sid * _RPT, _RPT)],
                        out_hbm.at[cid, pl.ds(sid * _RPT, _RPT)])

    return scat_kernel(hh, ei, zeros16)


def _dinv_packed(deg_ref):
    dsum = deg_ref[0] + deg_ref[1] + 1.0
    return lax.rsqrt(jnp.maximum(dsum, 1.0))


def _tc1_body(xp_ref, w1_ref, deg_ref, o_ref):
    hp = jnp.dot(xp_ref[...], w1_ref[...],
                 preferred_element_type=jnp.float32)
    o_ref[...] = hp * _dinv_packed(deg_ref)


def _tc1(xp, W1blk, degp):
    return pl.pallas_call(
        _tc1_body,
        grid=(_GRID,),
        in_specs=[
            pl.BlockSpec((_RBP, _PK * _DIN), lambda i: (i, 0)),
            pl.BlockSpec((_PK * _DIN, 128), lambda i: (0, 0)),
            pl.BlockSpec((_NCORES, _RBP, 128), lambda i: (0, i, 0)),
        ],
        out_specs=pl.BlockSpec((_RBP, 128), lambda i: (i, 0)),
        out_shape=jax.ShapeDtypeStruct((_PROWS, 128), jnp.float32),
    )(xp, W1blk, degp)


def _tc2_body(acc_ref, hh_ref, deg_ref, w2_ref, b1_ref, o_ref):
    dinv = _dinv_packed(deg_ref)
    s = acc_ref[0] + acc_ref[1] + hh_ref[...]
    h1 = jnp.maximum(s * dinv + b1_ref[...], 0.0)
    h2 = jnp.dot(h1, w2_ref[...], preferred_element_type=jnp.float32)
    o_ref[...] = h2 * dinv


def _tc2(acc1p, hhp, degp, W2blk, b1p):
    return pl.pallas_call(
        _tc2_body,
        grid=(_GRID,),
        in_specs=[
            pl.BlockSpec((_NCORES, _RBP, 128), lambda i: (0, i, 0)),
            pl.BlockSpec((_RBP, 128), lambda i: (i, 0)),
            pl.BlockSpec((_NCORES, _RBP, 128), lambda i: (0, i, 0)),
            pl.BlockSpec((128, 128), lambda i: (0, 0)),
            pl.BlockSpec((1, 128), lambda i: (0, 0)),
        ],
        out_specs=pl.BlockSpec((_RBP, 128), lambda i: (i, 0)),
        out_shape=jax.ShapeDtypeStruct((_PROWS, 128), jnp.float32),
    )(acc1p, hhp, degp, W2blk, b1p)


def _tc3_body(acc_ref, hh_ref, deg_ref, b2_ref, o_ref):
    dinv = _dinv_packed(deg_ref)
    s = acc_ref[0] + acc_ref[1] + hh_ref[...]
    zp = s * dinv + b2_ref[...]
    col = lax.broadcasted_iota(jnp.int32, (_RBP, _DHID), 1)
    mask = col < _NCLS
    mparts = []
    for a in range(_PK):
        z = zp[:, a * _DHID:(a + 1) * _DHID]
        neg = jnp.full_like(z, -3.0e38)
        m = jnp.max(jnp.where(mask, z, neg), axis=1, keepdims=True)
        mparts.append(jnp.broadcast_to(m, (_RBP, _DHID)))
    mb = jnp.concatenate(mparts, axis=1)
    lane = lax.broadcasted_iota(jnp.int32, (_RBP, 128), 1)
    maskp = lax.rem(lane, _DHID) < _NCLS
    e = jnp.where(maskp, jnp.exp(zp - mb), 0.0)
    gi = lax.broadcasted_iota(jnp.int32, (128, 128), 0) // _DHID
    gj = lax.broadcasted_iota(jnp.int32, (128, 128), 1) // _DHID
    gmat = (gi == gj).astype(jnp.float32)
    gsum = jnp.dot(e, gmat, preferred_element_type=jnp.float32,
                   precision=lax.Precision.HIGHEST)
    o_ref[...] = zp - mb - jnp.log(gsum)


def _tc3(acc2p, hh2p, degp, b2p):
    return pl.pallas_call(
        _tc3_body,
        grid=(_GRID,),
        in_specs=[
            pl.BlockSpec((_NCORES, _RBP, 128), lambda i: (0, i, 0)),
            pl.BlockSpec((_RBP, 128), lambda i: (i, 0)),
            pl.BlockSpec((_NCORES, _RBP, 128), lambda i: (0, i, 0)),
            pl.BlockSpec((1, 128), lambda i: (0, 0)),
        ],
        out_specs=pl.BlockSpec((_RBP, 128), lambda i: (i, 0)),
        out_shape=jax.ShapeDtypeStruct((_PROWS, 128), jnp.float32),
    )(acc2p, hh2p, degp, b2p)


def kernel(x, edge_index, W1, b1, W2, b2):
    ei = edge_index.astype(jnp.int32)
    W2p = jnp.pad(W2, ((0, 0), (0, _DHID - _NCLS)))
    W2blk = jnp.kron(jnp.eye(_PK, dtype=jnp.float32), W2p)
    W1blk = jnp.kron(jnp.eye(_PK, dtype=jnp.float32), W1)
    xp = jnp.pad(x.reshape(_N * _DIN), (0, (_NPAD - _N) * _DIN)).reshape(
        _PROWS, _PK * _DIN)
    b1p = jnp.tile(b1, _PK).reshape(1, 128)
    b2p = jnp.tile(jnp.pad(b2, (0, _DHID - _NCLS)), _PK).reshape(1, 128)
    ones = jnp.ones((_SCH, _DEGW), jnp.float32)
    zeros16 = jnp.zeros((_RPT, _DHID), jnp.float32)

    deg_parts = _sc_degree(ei, ones, zeros16)
    degp = deg_parts.reshape(_NCORES, _PROWS, 128)
    hhp = _tc1(xp, W1blk, degp)
    acc1 = _sc_scatter(hhp.reshape(_NPAD, _DHID), ei, zeros16)
    hh2p = _tc2(acc1.reshape(_NCORES, _PROWS, 128), hhp, degp, W2blk, b1p)
    acc2 = _sc_scatter(hh2p.reshape(_NPAD, _DHID), ei, zeros16)
    outp = _tc3(acc2.reshape(_NCORES, _PROWS, 128), hh2p, degp, b2p)
    return outp.reshape(_NPAD, _DHID)[:_N, :_NCLS]

# --- scband reference (transcript-rebuilt; emitter-appended) ---
"""Pipeline reference for scband-gcn-11776800326010 (READ-ONLY COPY).

The authoritative reference and input builder live on the scoring server;
editing this copy changes nothing except your own understanding.
"""

import jax, jax.numpy as jnp
import numpy as np

N_NODES = 10000
N_EDGES = 320000
D_IN = 128
D_HID = 16
N_CLASSES = 10


def _gcn_conv(x, src, dst, W, b, n):
    # GCNConv (Kipf & Welling): D^{-1/2} (A + I) D^{-1/2} X W + b
    loop = jnp.arange(n, dtype=src.dtype)
    src_sl = jnp.concatenate([src, loop])
    dst_sl = jnp.concatenate([dst, loop])
    deg = jnp.zeros((n,), dtype=x.dtype).at[dst_sl].add(1.0)
    dinv = jax.lax.rsqrt(jnp.maximum(deg, 1.0))
    norm = dinv[src_sl] * dinv[dst_sl]
    h = x @ W
    msg = jnp.take(h, src_sl, axis=0) * norm[:, None]
    out = jax.ops.segment_sum(msg, dst_sl, num_segments=n)
    return out + b


def setup_inputs(seed: int = 0) -> dict:
    key = jax.random.key(seed)
    k1, k2, k3, k4, k5, k6 = jax.random.split(key, 6)
    x = jax.random.normal(k1, (N_NODES, D_IN), dtype=jnp.float32)
    edge_index = jax.random.randint(k2, (2, N_EDGES), 0, N_NODES, dtype=jnp.int64)
    W1 = jax.random.normal(k3, (D_IN, D_HID), dtype=jnp.float32) * (1.0 / np.sqrt(D_IN))
    b1 = jnp.zeros((D_HID,), dtype=jnp.float32)
    W2 = jax.random.normal(k4, (D_HID, N_CLASSES), dtype=jnp.float32) * (1.0 / np.sqrt(D_HID))
    b2 = jnp.zeros((N_CLASSES,), dtype=jnp.float32)
    return {"x": x, "edge_index": edge_index, "W1": W1, "b1": b1, "W2": W2, "b2": b2}


def reference(x, edge_index, W1, b1, W2, b2):
    n = x.shape[0]
    src = edge_index[0]
    dst = edge_index[1]
    h = _gcn_conv(x, src, dst, W1, b1, n)
    h = jax.nn.relu(h)
    # F.dropout with training=False (eval mode) is identity
    h = _gcn_conv(h, src, dst, W2, b2, n)
    return jax.nn.log_softmax(h, axis=1)

if __name__ == "__main__":
    import jax
    _d = setup_inputs()
    print(jax.jit(kernel)(*tuple(_d.values())))

</pallas_src>

<mosaic_0001>
#map = affine_map<(d0, d1) -> (0, 0)>
#map1 = affine_map<(d0, d1) -> (0, 0, 0)>
module attributes {stable_mosaic.version = 14 : i64} {
  func.func @scat_kernel(%arg0: i32, %arg1: i32, %arg2: memref<10240x16xf32, #tpu.memory_space<hbm>>, %arg3: memref<2x320000xi32, #tpu.memory_space<hbm>>, %arg4: memref<640x16xf32, #tpu.memory_space<hbm>>, %arg5: memref<2x10240x16xf32, #tpu.memory_space<hbm>>, %arg6: memref<10000xi32, #tpu.memory_space<vmem>>, %arg7: memref<10000xi32, #tpu.memory_space<vmem>>, %arg8: memref<4x496x16xf32, #tpu.memory_space<vmem>>, %arg9: memref<80x16xf32, #tpu.memory_space<vmem>>, %arg10: memref<10240x16xf32, #tpu.memory_space<vmem_shared>>, %arg11: memref<!tpu.dma_semaphore, #tpu.memory_space<semaphore_mem>>, %arg12: memref<!tpu.dma_semaphore, #tpu.memory_space<semaphore_mem>>, %arg13: memref<!tpu.dma_semaphore, #tpu.memory_space<semaphore_mem>>, %arg14: memref<!tpu.dma_semaphore, #tpu.memory_space<semaphore_mem>>, %arg15: memref<!tpu.dma_semaphore, #tpu.memory_space<semaphore_mem>>, %arg16: memref<!tpu.dma_semaphore, #tpu.memory_space<semaphore_mem>>, %arg17: memref<!tpu.dma_semaphore, #tpu.memory_space<semaphore_mem>>, %arg18: memref<!tpu.dma_semaphore, #tpu.memory_space<semaphore_mem>>) attributes {dimension_semantics = [#tpu.dimension_semantics<core_parallel>, #tpu.dimension_semantics<subcore_parallel>], iteration_bounds = array<i64: 2, 16>, scalar_prefetch = 0 : i64, scratch_operands = 13 : i64, tpu.core_type = #tpu.core_type<sc_vector_subcore>, window_params = [{transform_indices = #map}, {transform_indices = #map}, {transform_indices = #map}, {transform_indices = #map1}]} {
    %mul3A = arith.constant 2 : i32
    %mul3A_0 = arith.muli %arg1, %mul3A : i32
    %add3A = arith.addi %mul3A_0, %arg0 : i32
    %mul3A_1 = arith.constant 640 : i32
    %mul3A_2 = arith.muli %arg1, %mul3A_1 : i32
    "tpu.region"() ({
      %run_scoped3A_185 = tpu.sem_alloc : memref<!tpu.dma_semaphore, #tpu.memory_space<semaphore_mem>>
      %dma_start3A_186 = arith.constant 0 : i32
      %dma_start3A_187 = tpu.memref_slice %arg10[%mul3A_2, %dma_start3A_186] : memref<10240x16xf32, #tpu.memory_space<vmem_shared>> -> memref<640x16xf32, #tpu.memory_space<vmem_shared>>
      tpu.enqueue_dma source(%arg4 : memref<640x16xf32, #tpu.memory_space<hbm>>) target(%dma_start3A_187 : memref<640x16xf32, #tpu.memory_space<vmem_shared>>) target_semaphore(%run_scoped3A_185 : memref<!tpu.dma_semaphore, #tpu.memory_space<semaphore_mem>>)
      %dma_wait3A_188 = arith.constant 0 : i32
      %dma_wait3A_189 = tpu.memref_slice %arg10[%mul3A_2, %dma_wait3A_188] : memref<10240x16xf32, #tpu.memory_space<vmem_shared>> -> memref<640x16xf32, #tpu.memory_space<vmem_shared>>
      tpu.wait_dma2 semaphore(%run_scoped3A_185 : memref<!tpu.dma_semaphore, #tpu.memory_space<semaphore_mem>>) src(%arg4 : memref<640x16xf32, #tpu.memory_space<hbm>>) dst(%dma_wait3A_189 : memref<640x16xf32, #tpu.memory_space<vmem_shared>>)
      tpu.yield
    }) : () -> ()
    %mul3A_3 = arith.constant 10000 : i32
    %mul3A_4 = arith.muli %add3A, %mul3A_3 : i32
    %run_scoped3A = arith.constant 0 : i32
    "tpu.region"() ({
      %run_scoped3A_185 = tpu.sem_alloc : memref<!tpu.dma_semaphore, #tpu.memory_space<semaphore_mem>>
      %dma_start3A_186 = tpu.memref_slice %arg3[%run_scoped3A, %mul3A_4] : memref<2x320000xi32, #tpu.memory_space<hbm>> -> memref<1x10000xi32, #tpu.memory_space<hbm>>
      %dma_start3A_187 = tpu.memref_squeeze %dma_start3A_186 : memref<1x10000xi32, #tpu.memory_space<hbm>> -> memref<10000xi32, #tpu.memory_space<hbm>>
      %dma_start3A_188 = tpu.memref_slice %arg3[%run_scoped3A, %mul3A_4] : memref<2x320000xi32, #tpu.memory_space<hbm>> -> memref<1x10000xi32, #tpu.memory_space<hbm>>
      %dma_start3A_189 = tpu.memref_squeeze %dma_start3A_188 : memref<1x10000xi32, #tpu.memory_space<hbm>> -> memref<10000xi32, #tpu.memory_space<hbm>>
      tpu.enqueue_dma source(%dma_start3A_189 : memref<10000xi32, #tpu.memory_space<hbm>>) target(%arg6 : memref<10000xi32, #tpu.memory_space<vmem>>) target_semaphore(%run_scoped3A_185 : memref<!tpu.dma_semaphore, #tpu.memory_space<semaphore_mem>>)
      %dma_wait3A_190 = tpu.memref_slice %arg3[%run_scoped3A, %mul3A_4] : memref<2x320000xi32, #tpu.memory_space<hbm>> -> memref<1x10000xi32, #tpu.memory_space<hbm>>
      %dma_wait3A_191 = tpu.memref_squeeze %dma_wait3A_190 : memref<1x10000xi32, #tpu.memory_space<hbm>> -> memref<10000xi32, #tpu.memory_space<hbm>>
      %dma_wait3A_192 = tpu.memref_slice %arg3[%run_scoped3A, %mul3A_4] : memref<2x320000xi32, #tpu.memory_space<hbm>> -> memref<1x10000xi32, #tpu.memory_space<hbm>>
      %dma_wait3A_193 = tpu.memref_squeeze %dma_wait3A_192 : memref<1x10000xi32, #tpu.memory_space<hbm>> -> memref<10000xi32, #tpu.memory_space<hbm>>
      tpu.wait_dma2 semaphore(%run_scoped3A_185 : memref<!tpu.dma_semaphore, #tpu.memory_space<semaphore_mem>>) src(%dma_wait3A_193 : memref<10000xi32, #tpu.memory_space<hbm>>) dst(%arg6 : memref<10000xi32, #tpu.memory_space<vmem>>)
      tpu.yield
    }) : () -> ()
    %mul3A_5 = arith.constant 10000 : i32
    %mul3A_6 = arith.muli %add3A, %mul3A_5 : i32
    %run_scoped3A_7 = arith.constant 1 : i32
    "tpu.region"() ({
      %run_scoped3A_185 = tpu.sem_alloc : memref<!tpu.dma_semaphore, #tpu.memory_space<semaphore_mem>>
      %dma_start3A_186 = tpu.memref_slice %arg3[%run_scoped3A_7, %mul3A_6] : memref<2x320000xi32, #tpu.memory_space<hbm>> -> memref<1x10000xi32, #tpu.memory_space<hbm>>
      %dma_start3A_187 = tpu.memref_squeeze %dma_start3A_186 : memref<1x10000xi32, #tpu.memory_space<hbm>> -> memref<10000xi32, #tpu.memory_space<hbm>>
      %dma_start3A_188 = tpu.memref_slice %arg3[%run_scoped3A_7, %mul3A_6] : memref<2x320000xi32, #tpu.memory_space<hbm>> -> memref<1x10000xi32, #tpu.memory_space<hbm>>
      %dma_start3A_189 = tpu.memref_squeeze %dma_start3A_188 : memref<1x10000xi32, #tpu.memory_space<hbm>> -> memref<10000xi32, #tpu.memory_space<hbm>>
      tpu.enqueue_dma source(%dma_start3A_189 : memref<10000xi32, #tpu.memory_space<hbm>>) target(%arg7 : memref<10000xi32, #tpu.memory_space<vmem>>) target_semaphore(%run_scoped3A_185 : memref<!tpu.dma_semaphore, #tpu.memory_space<semaphore_mem>>)
      %dma_wait3A_190 = tpu.memref_slice %arg3[%run_scoped3A_7, %mul3A_6] : memref<2x320000xi32, #tpu.memory_space<hbm>> -> memref<1x10000xi32, #tpu.memory_space<hbm>>
      %dma_wait3A_191 = tpu.memref_squeeze %dma_wait3A_190 : memref<1x10000xi32, #tpu.memory_space<hbm>> -> memref<10000xi32, #tpu.memory_space<hbm>>
      %dma_wait3A_192 = tpu.memref_slice %arg3[%run_scoped3A_7, %mul3A_6] : memref<2x320000xi32, #tpu.memory_space<hbm>> -> memref<1x10000xi32, #tpu.memory_space<hbm>>
      %dma_wait3A_193 = tpu.memref_squeeze %dma_wait3A_192 : memref<1x10000xi32, #tpu.memory_space<hbm>> -> memref<10000xi32, #tpu.memory_space<hbm>>
      tpu.wait_dma2 semaphore(%run_scoped3A_185 : memref<!tpu.dma_semaphore, #tpu.memory_space<semaphore_mem>>) src(%dma_wait3A_193 : memref<10000xi32, #tpu.memory_space<hbm>>) dst(%arg7 : memref<10000xi32, #tpu.memory_space<vmem>>)
      tpu.yield
    }) : () -> ()
    %barrier3A = arith.constant 0 : index
    tpu.barrier barrier_id(%barrier3A)
    %dma_start3A = arith.constant 0 : i32
    %dma_start3A_8 = arith.constant 0 : i32
    %dma_start3A_9 = arith.constant 0 : i32
    %dma_start3A_10 = tpu.memref_slice %arg8[%dma_start3A, %dma_start3A_8, %dma_start3A_9] : memref<4x496x16xf32, #tpu.memory_space<vmem>> -> memref<1x496x16xf32, #tpu.memory_space<vmem>>
    %dma_start3A_11 = tpu.memref_squeeze %dma_start3A_10 : memref<1x496x16xf32, #tpu.memory_space<vmem>> -> memref<496x16xf32, #tpu.memory_space<vmem>>
    %dma_start3A_12 = arith.constant 0 : i32
    %dma_start3A_13 = tpu.memref_slice %arg6[%dma_start3A_12] : memref<10000xi32, #tpu.memory_space<vmem>> -> memref<496xi32, #tpu.memory_space<vmem>>
    %dma_start3A_14 = arith.constant 0 : i32
    %dma_start3A_15 = arith.constant 0 : i32
    %dma_start3A_16 = tpu.memref_slice %arg2[%dma_start3A_14, %dma_start3A_15] : memref<10240x16xf32, #tpu.memory_space<hbm>> -> memref<10240x16xf32, #tpu.memory_space<hbm>>
    tpu.enqueue_indirect_dma source(%dma_start3A_16 : memref<10240x16xf32, #tpu.memory_space<hbm>>) target(%dma_start3A_11 : memref<496x16xf32, #tpu.memory_space<vmem>>) offsets(%dma_start3A_13 : memref<496xi32, #tpu.memory_space<vmem>>) semaphore(%arg11 : memref<!tpu.dma_semaphore, #tpu.memory_space<semaphore_mem>>)
    %dma_start3A_17 = arith.constant 1 : i32
    %dma_start3A_18 = arith.constant 0 : i32
    %dma_start3A_19 = arith.constant 0 : i32
    %dma_start3A_20 = tpu.memref_slice %arg8[%dma_start3A_17, %dma_start3A_18, %dma_start3A_19] : memref<4x496x16xf32, #tpu.memory_space<vmem>> -> memref<1x496x16xf32, #tpu.memory_space<vmem>>
    %dma_start3A_21 = tpu.memref_squeeze %dma_start3A_20 : memref<1x496x16xf32, #tpu.memory_space<vmem>> -> memref<496x16xf32, #tpu.memory_space<vmem>>
    %dma_start3A_22 = arith.constant 496 : i32
    %dma_start3A_23 = tpu.memref_slice %arg6[%dma_start3A_22] : memref<10000xi32, #tpu.memory_space<vmem>> -> memref<496xi32, #tpu.memory_space<vmem>>
    %dma_start3A_24 = arith.constant 0 : i32
    %dma_start3A_25 = arith.constant 0 : i32
    %dma_start3A_26 = tpu.memref_slice %arg2[%dma_start3A_24, %dma_start3A_25] : memref<10240x16xf32, #tpu.memory_space<hbm>> -> memref<10240x16xf32, #tpu.memory_space<hbm>>
    tpu.enqueue_indirect_dma source(%dma_start3A_26 : memref<10240x16xf32, #tpu.memory_space<hbm>>) target(%dma_start3A_21 : memref<496x16xf32, #tpu.memory_space<vmem>>) offsets(%dma_start3A_23 : memref<496xi32, #tpu.memory_space<vmem>>) semaphore(%arg12 : memref<!tpu.dma_semaphore, #tpu.memory_space<semaphore_mem>>)
    %dma_start3A_27 = arith.constant 2 : i32
    %dma_start3A_28 = arith.constant 0 : i32
    %dma_start3A_29 = arith.constant 0 : i32
    %dma_start3A_30 = tpu.memref_slice %arg8[%dma_start3A_27, %dma_start3A_28, %dma_start3A_29] : memref<4x496x16xf32, #tpu.memory_space<vmem>> -> memref<1x496x16xf32, #tpu.memory_space<vmem>>
    %dma_start3A_31 = tpu.memref_squeeze %dma_start3A_30 : memref<1x496x16xf32, #tpu.memory_space<vmem>> -> memref<496x16xf32, #tpu.memory_space<vmem>>
    %dma_start3A_32 = arith.constant 992 : i32
    %dma_start3A_33 = tpu.memref_slice %arg6[%dma_start3A_32] : memref<10000xi32, #tpu.memory_space<vmem>> -> memref<496xi32, #tpu.memory_space<vmem>>
    %dma_start3A_34 = arith.constant 0 : i32
    %dma_start3A_35 = arith.constant 0 : i32
    %dma_start3A_36 = tpu.memref_slice %arg2[%dma_start3A_34, %dma_start3A_35] : memref<10240x16xf32, #tpu.memory_space<hbm>> -> memref<10240x16xf32, #tpu.memory_space<hbm>>
    tpu.enqueue_indirect_dma source(%dma_start3A_36 : memref<10240x16xf32, #tpu.memory_space<hbm>>) target(%dma_start3A_31 : memref<496x16xf32, #tpu.memory_space<vmem>>) offsets(%dma_start3A_33 : memref<496xi32, #tpu.memory_space<vmem>>) semaphore(%arg13 : memref<!tpu.dma_semaphore, #tpu.memory_space<semaphore_mem>>)
    %dma_start3A_37 = arith.constant 3 : i32
    %dma_start3A_38 = arith.constant 0 : i32
    %dma_start3A_39 = arith.constant 0 : i32
    %dma_start3A_40 = tpu.memref_slice %arg8[%dma_start3A_37, %dma_start3A_38, %dma_start3A_39] : memref<4x496x16xf32, #tpu.memory_space<vmem>> -> memref<1x496x16xf32, #tpu.memory_space<vmem>>
    %dma_start3A_41 = tpu.memref_squeeze %dma_start3A_40 : memref<1x496x16xf32, #tpu.memory_space<vmem>> -> memref<496x16xf32, #tpu.memory_space<vmem>>
    %dma_start3A_42 = arith.constant 1488 : i32
    %dma_start3A_43 = tpu.memref_slice %arg6[%dma_start3A_42] : memref<10000xi32, #tpu.memory_space<vmem>> -> memref<496xi32, #tpu.memory_space<vmem>>
    %dma_start3A_44 = arith.constant 0 : i32
    %dma_start3A_45 = arith.constant 0 : i32
    %dma_start3A_46 = tpu.memref_slice %arg2[%dma_start3A_44, %dma_start3A_45] : memref<10240x16xf32, #tpu.memory_space<hbm>> -> memref<10240x16xf32, #tpu.memory_space<hbm>>
    tpu.enqueue_indirect_dma source(%dma_start3A_46 : memref<10240x16xf32, #tpu.memory_space<hbm>>) target(%dma_start3A_41 : memref<496x16xf32, #tpu.memory_space<vmem>>) offsets(%dma_start3A_43 : memref<496xi32, #tpu.memory_space<vmem>>) semaphore(%arg14 : memref<!tpu.dma_semaphore, #tpu.memory_space<semaphore_mem>>)
    %scan3A = arith.constant 0 : i32
    %scan3A_47 = arith.constant 4 : i32
    %scan3A_48 = arith.addi %scan3A, %scan3A_47 : i32
    %scan3A_49 = arith.constant 1 : i32
    scf.for %scan3A_185 = %scan3A to %scan3A_48 step %scan3A_49  : i32 {
      %mul3A_186 = arith.constant 4 : i32
      %mul3A_187 = arith.muli %mul3A_186, %scan3A_185 : i32
      %add3A_188 = arith.constant 0 : i32
      %add3A_189 = arith.addi %mul3A_187, %add3A_188 : i32
      %mul3A_190 = arith.constant 496 : i32
      %mul3A_191 = arith.muli %add3A_189, %mul3A_190 : i32
      %dma_wait3A_192 = arith.constant 0 : i32
      %dma_wait3A_193 = arith.constant 0 : i32
      %dma_wait3A_194 = arith.constant 0 : i32
      %dma_wait3A_195 = tpu.memref_slice %arg8[%dma_wait3A_192, %dma_wait3A_193, %dma_wait3A_194] : memref<4x496x16xf32, #tpu.memory_space<vmem>> -> memref<1x496x16xf32, #tpu.memory_space<vmem>>
      %dma_wait3A_196 = tpu.memref_squeeze %dma_wait3A_195 : memref<1x496x16xf32, #tpu.memory_space<vmem>> -> memref<496x16xf32, #tpu.memory_space<vmem>>
      %dma_wait3A_197 = tpu.memref_slice %arg6[%mul3A_191] : memref<10000xi32, #tpu.memory_space<vmem>> -> memref<496xi32, #tpu.memory_space<vmem>>
      %dma_wait3A_198 = arith.constant 0 : i32
      %dma_wait3A_199 = arith.constant 0 : i32
      %dma_wait3A_200 = tpu.memref_slice %arg2[%dma_wait3A_198, %dma_wait3A_199] : memref<10240x16xf32, #tpu.memory_space<hbm>> -> memref<10240x16xf32, #tpu.memory_space<hbm>>
      tpu.wait_indirect_dma semaphore(%arg11 : memref<!tpu.dma_semaphore, #tpu.memory_space<semaphore_mem>>) src(%dma_wait3A_200 : memref<10240x16xf32, #tpu.memory_space<hbm>>) dst(%dma_wait3A_196 : memref<496x16xf32, #tpu.memory_space<vmem>>)
      %add3A_201 = arith.constant 0 : i32
      %add3A_202 = arith.addi %mul3A_187, %add3A_201 : i32
      %mul3A_203 = arith.constant 496 : i32
      %mul3A_204 = arith.muli %add3A_202, %mul3A_203 : i32
      %dma_start3A_205 = arith.constant 0 : i32
      %dma_start3A_206 = arith.constant 0 : i32
      %dma_start3A_207 = arith.constant 0 : i32
      %dma_start3A_208 = tpu.memref_slice %arg8[%dma_start3A_205, %dma_start3A_206, %dma_start3A_207] : memref<4x496x16xf32, #tpu.memory_space<vmem>> -> memref<1x496x16xf32, #tpu.memory_space<vmem>>
      %dma_start3A_209 = tpu.memref_squeeze %dma_start3A_208 : memref<1x496x16xf32, #tpu.memory_space<vmem>> -> memref<496x16xf32, #tpu.memory_space<vmem>>
      %dma_start3A_210 = tpu.memref_slice %arg7[%mul3A_204] : memref<10000xi32, #tpu.memory_space<vmem>> -> memref<496xi32, #tpu.memory_space<vmem>>
      %dma_start3A_211 = arith.constant 0 : i32
      %dma_start3A_212 = arith.constant 0 : i32
      %dma_start3A_213 = tpu.memref_slice %arg10[%dma_start3A_211, %dma_start3A_212] : memref<10240x16xf32, #tpu.memory_space<vmem_shared>> -> memref<10240x16xf32, #tpu.memory_space<vmem_shared>>
      tpu.enqueue_indirect_dma source(%dma_start3A_209 : memref<496x16xf32, #tpu.memory_space<vmem>>) target(%dma_start3A_213 : memref<10240x16xf32, #tpu.memory_space<vmem_shared>>) offsets(%dma_start3A_210 : memref<496xi32, #tpu.memory_space<vmem>>) semaphore(%arg15 : memref<!tpu.dma_semaphore, #tpu.memory_space<semaphore_mem>>) {add = true}
      %add3A_214 = arith.constant 1 : i32
      %add3A_215 = arith.addi %mul3A_187, %add3A_214 : i32
      %mul3A_216 = arith.constant 496 : i32
      %mul3A_217 = arith.muli %add3A_215, %mul3A_216 : i32
      %dma_wait3A_218 = arith.constant 1 : i32
      %dma_wait3A_219 = arith.constant 0 : i32
      %dma_wait3A_220 = arith.constant 0 : i32
      %dma_wait3A_221 = tpu.memref_slice %arg8[%dma_wait3A_218, %dma_wait3A_219, %dma_wait3A_220] : memref<4x496x16xf32, #tpu.memory_space<vmem>> -> memref<1x496x16xf32, #tpu.memory_space<vmem>>
      %dma_wait3A_222 = tpu.memref_squeeze %dma_wait3A_221 : memref<1x496x16xf32, #tpu.memory_space<vmem>> -> memref<496x16xf32, #tpu.memory_space<vmem>>
      %dma_wait3A_223 = tpu.memref_slice %arg6[%mul3A_217] : memref<10000xi32, #tpu.memory_space<vmem>> -> memref<496xi32, #tpu.memory_space<vmem>>
      %dma_wait3A_224 = arith.constant 0 : i32
      %dma_wait3A_225 = arith.constant 0 : i32
      %dma_wait3A_226 = tpu.memref_slice %arg2[%dma_wait3A_224, %dma_wait3A_225] : memref<10240x16xf32, #tpu.memory_space<hbm>> -> memref<10240x16xf32, #tpu.memory_space<hbm>>
      tpu.wait_indirect_dma semaphore(%arg12 : memref<!tpu.dma_semaphore, #tpu.memory_space<semaphore_mem>>) src(%dma_wait3A_226 : memref<10240x16xf32, #tpu.memory_space<hbm>>) dst(%dma_wait3A_222 : memref<496x16xf32, #tpu.memory_space<vmem>>)
      %add3A_227 = arith.constant 1 : i32
      %add3A_228 = arith.addi %mul3A_187, %add3A_227 : i32
      %mul3A_229 = arith.constant 496 : i32
      %mul3A_230 = arith.muli %add3A_228, %mul3A_229 : i32
      %dma_start3A_231 = arith.constant 1 : i32
      %dma_start3A_232 = arith.constant 0 : i32
      %dma_start3A_233 = arith.constant 0 : i32
      %dma_start3A_234 = tpu.memref_slice %arg8[%dma_start3A_231, %dma_start3A_232, %dma_start3A_233] : memref<4x496x16xf32, #tpu.memory_space<vmem>> -> memref<1x496x16xf32, #tpu.memory_space<vmem>>
      %dma_start3A_235 = tpu.memref_squeeze %dma_start3A_234 : memref<1x496x16xf32, #tpu.memory_space<vmem>> -> memref<496x16xf32, #tpu.memory_space<vmem>>
      %dma_start3A_236 = tpu.memref_slice %arg7[%mul3A_230] : memref<10000xi32, #tpu.memory_space<vmem>> -> memref<496xi32, #tpu.memory_space<vmem>>
      %dma_start3A_237 = arith.constant 0 : i32
      %dma_start3A_238 = arith.constant 0 : i32
      %dma_start3A_239 = tpu.memref_slice %arg10[%dma_start3A_237, %dma_start3A_238] : memref<10240x16xf32, #tpu.memory_space<vmem_shared>> -> memref<10240x16xf32, #tpu.memory_space<vmem_shared>>
      tpu.enqueue_indirect_dma source(%dma_start3A_235 : memref<496x16xf32, #tpu.memory_space<vmem>>) target(%dma_start3A_239 : memref<10240x16xf32, #tpu.memory_space<vmem_shared>>) offsets(%dma_start3A_236 : memref<496xi32, #tpu.memory_space<vmem>>) semaphore(%arg16 : memref<!tpu.dma_semaphore, #tpu.memory_space<semaphore_mem>>) {add = true}
      %add3A_240 = arith.constant 2 : i32
      %add3A_241 = arith.addi %mul3A_187, %add3A_240 : i32
      %mul3A_242 = arith.constant 496 : i32
      %mul3A_243 = arith.muli %add3A_241, %mul3A_242 : i32
      %dma_wait3A_244 = arith.constant 2 : i32
      %dma_wait3A_245 = arith.constant 0 : i32
      %dma_wait3A_246 = arith.constant 0 : i32
      %dma_wait3A_247 = tpu.memref_slice %arg8[%dma_wait3A_244, %dma_wait3A_245, %dma_wait3A_246] : memref<4x496x16xf32, #tpu.memory_space<vmem>> -> memref<1x496x16xf32, #tpu.memory_space<vmem>>
      %dma_wait3A_248 = tpu.memref_squeeze %dma_wait3A_247 : memref<1x496x16xf32, #tpu.memory_space<vmem>> -> memref<496x16xf32, #tpu.memory_space<vmem>>
      %dma_wait3A_249 = tpu.memref_slice %arg6[%mul3A_243] : memref<10000xi32, #tpu.memory_space<vmem>> -> memref<496xi32, #tpu.memory_space<vmem>>
      %dma_wait3A_250 = arith.constant 0 : i32
      %dma_wait3A_251 = arith.constant 0 : i32
      %dma_wait3A_252 = tpu.memref_slice %arg2[%dma_wait3A_250, %dma_wait3A_251] : memref<10240x16xf32, #tpu.memory_space<hbm>> -> memref<10240x16xf32, #tpu.memory_space<hbm>>
      tpu.wait_indirect_dma semaphore(%arg13 : memref<!tpu.dma_semaphore, #tpu.memory_space<semaphore_mem>>) src(%dma_wait3A_252 : memref<10240x16xf32, #tpu.memory_space<hbm>>) dst(%dma_wait3A_248 : memref<496x16xf32, #tpu.memory_space<vmem>>)
      %add3A_253 = arith.constant 2 : i32
      %add3A_254 = arith.addi %mul3A_187, %add3A_253 : i32
      %mul3A_255 = arith.constant 496 : i32
      %mul3A_256 = arith.muli %add3A_254, %mul3A_255 : i32
      %dma_start3A_257 = arith.constant 2 : i32
      %dma_start3A_258 = arith.constant 0 : i32
      %dma_start3A_259 = arith.constant 0 : i32
      %dma_start3A_260 = tpu.memref_slice %arg8[%dma_start3A_257, %dma_start3A_258, %dma_start3A_259] : memref<4x496x16xf32, #tpu.memory_space<vmem>> -> memref<1x496x16xf32, #tpu.memory_space<vmem>>
      %dma_start3A_261 = tpu.memref_squeeze %dma_start3A_260 : memref<1x496x16xf32, #tpu.memory_space<vmem>> -> memref<496x16xf32, #tpu.memory_space<vmem>>
      %dma_start3A_262 = tpu.memref_slice %arg7[%mul3A_256] : memref<10000xi32, #tpu.memory_space<vmem>> -> memref<496xi32, #tpu.memory_space<vmem>>
      %dma_start3A_263 = arith.constant 0 : i32
      %dma_start3A_264 = arith.constant 0 : i32
      %dma_start3A_265 = tpu.memref_slice %arg10[%dma_start3A_263, %dma_start3A_264] : memref<10240x16xf32, #tpu.memory_space<vmem_shared>> -> memref<10240x16xf32, #tpu.memory_space<vmem_shared>>
      tpu.enqueue_indirect_dma source(%dma_start3A_261 : memref<496x16xf32, #tpu.memory_space<vmem>>) target(%dma_start3A_265 : memref<10240x16xf32, #tpu.memory_space<vmem_shared>>) offsets(%dma_start3A_262 : memref<496xi32, #tpu.memory_space<vmem>>) semaphore(%arg17 : memref<!tpu.dma_semaphore, #tpu.memory_space<semaphore_mem>>) {add = true}
      %add3A_266 = arith.constant 3 : i32
      %add3A_267 = arith.addi %mul3A_187, %add3A_266 : i32
      %mul3A_268 = arith.constant 496 : i32
      %mul3A_269 = arith.muli %add3A_267, %mul3A_268 : i32
      %dma_wait3A_270 = arith.constant 3 : i32
      %dma_wait3A_271 = arith.constant 0 : i32
      %dma_wait3A_272 = arith.constant 0 : i32
      %dma_wait3A_273 = tpu.memref_slice %arg8[%dma_wait3A_270, %dma_wait3A_271, %dma_wait3A_272] : memref<4x496x16xf32, #tpu.memory_space<vmem>> -> memref<1x496x16xf32, #tpu.memory_space<vmem>>
      %dma_wait3A_274 = tpu.memref_squeeze %dma_wait3A_273 : memref<1x496x16xf32, #tpu.memory_space<vmem>> -> memref<496x16xf32, #tpu.memory_space<vmem>>
      %dma_wait3A_275 = tpu.memref_slice %arg6[%mul3A_269] : memref<10000xi32, #tpu.memory_space<vmem>> -> memref<496xi32, #tpu.memory_space<vmem>>
      %dma_wait3A_276 = arith.constant 0 : i32
      %dma_wait3A_277 = arith.constant 0 : i32
      %dma_wait3A_278 = tpu.memref_slice %arg2[%dma_wait3A_276, %dma_wait3A_277] : memref<10240x16xf32, #tpu.memory_space<hbm>> -> memref<10240x16xf32, #tpu.memory_space<hbm>>
      tpu.wait_indirect_dma semaphore(%arg14 : memref<!tpu.dma_semaphore, #tpu.memory_space<semaphore_mem>>) src(%dma_wait3A_278 : memref<10240x16xf32, #tpu.memory_space<hbm>>) dst(%dma_wait3A_274 : memref<496x16xf32, #tpu.memory_space<vmem>>)
      %add3A_279 = arith.constant 3 : i32
      %add3A_280 = arith.addi %mul3A_187, %add3A_279 : i32
      %mul3A_281 = arith.constant 496 : i32
      %mul3A_282 = arith.muli %add3A_280, %mul3A_281 : i32
      %dma_start3A_283 = arith.constant 3 : i32
      %dma_start3A_284 = arith.constant 0 : i32
      %dma_start3A_285 = arith.constant 0 : i32
      %dma_start3A_286 = tpu.memref_slice %arg8[%dma_start3A_283, %dma_start3A_284, %dma_start3A_285] : memref<4x496x16xf32, #tpu.memory_space<vmem>> -> memref<1x496x16xf32, #tpu.memory_space<vmem>>
      %dma_start3A_287 = tpu.memref_squeeze %dma_start3A_286 : memref<1x496x16xf32, #tpu.memory_space<vmem>> -> memref<496x16xf32, #tpu.memory_space<vmem>>
      %dma_start3A_288 = tpu.memref_slice %arg7[%mul3A_282] : memref<10000xi32, #tpu.memory_space<vmem>> -> memref<496xi32, #tpu.memory_space<vmem>>
      %dma_start3A_289 = arith.constant 0 : i32
      %dma_start3A_290 = arith.constant 0 : i32
      %dma_start3A_291 = tpu.memref_slice %arg10[%dma_start3A_289, %dma_start3A_290] : memref<10240x16xf32, #tpu.memory_space<vmem_shared>> -> memref<10240x16xf32, #tpu.memory_space<vmem_shared>>
      tpu.enqueue_indirect_dma source(%dma_start3A_287 : memref<496x16xf32, #tpu.memory_space<vmem>>) target(%dma_start3A_291 : memref<10240x16xf32, #tpu.memory_space<vmem_shared>>) offsets(%dma_start3A_288 : memref<496xi32, #tpu.memory_space<vmem>>) semaphore(%arg18 : memref<!tpu.dma_semaphore, #tpu.memory_space<semaphore_mem>>) {add = true}
      %add3A_292 = arith.constant 0 : i32
      %add3A_293 = arith.addi %mul3A_187, %add3A_292 : i32
      %mul3A_294 = arith.constant 496 : i32
      %mul3A_295 = arith.muli %add3A_293, %mul3A_294 : i32
      %dma_wait3A_296 = arith.constant 0 : i32
      %dma_wait3A_297 = arith.constant 0 : i32
      %dma_wait3A_298 = arith.constant 0 : i32
      %dma_wait3A_299 = tpu.memref_slice %arg8[%dma_wait3A_296, %dma_wait3A_297, %dma_wait3A_298] : memref<4x496x16xf32, #tpu.memory_space<vmem>> -> memref<1x496x16xf32, #tpu.memory_space<vmem>>
      %dma_wait3A_300 = tpu.memref_squeeze %dma_wait3A_299 : memref<1x496x16xf32, #tpu.memory_space<vmem>> -> memref<496x16xf32, #tpu.memory_space<vmem>>
      %dma_wait3A_301 = tpu.memref_slice %arg7[%mul3A_295] : memref<10000xi32, #tpu.memory_space<vmem>> -> memref<496xi32, #tpu.memory_space<vmem>>
      %dma_wait3A_302 = arith.constant 0 : i32
      %dma_wait3A_303 = arith.constant 0 : i32
      %dma_wait3A_304 = tpu.memref_slice %arg10[%dma_wait3A_302, %dma_wait3A_303] : memref<10240x16xf32, #tpu.memory_space<vmem_shared>> -> memref<10240x16xf32, #tpu.memory_space<vmem_shared>>
      tpu.wait_indirect_dma semaphore(%arg15 : memref<!tpu.dma_semaphore, #tpu.memory_space<semaphore_mem>>) src(%dma_wait3A_300 : memref<496x16xf32, #tpu.memory_space<vmem>>) dst(%dma_wait3A_304 : memref<10240x16xf32, #tpu.memory_space<vmem_shared>>)
      %add3A_305 = arith.constant 4 : i32
      %add3A_306 = arith.addi %mul3A_187, %add3A_305 : i32
      %add3A_307 = arith.constant 0 : i32
      %add3A_308 = arith.addi %add3A_306, %add3A_307 : i32
      %mul3A_309 = arith.constant 496 : i32
      %mul3A_310 = arith.muli %add3A_308, %mul3A_309 : i32
      %dma_start3A_311 = arith.constant 0 : i32
      %dma_start3A_312 = arith.constant 0 : i32
      %dma_start3A_313 = arith.constant 0 : i32
      %dma_start3A_314 = tpu.memref_slice %arg8[%dma_start3A_311, %dma_start3A_312, %dma_start3A_313] : memref<4x496x16xf32, #tpu.memory_space<vmem>> -> memref<1x496x16xf32, #tpu.memory_space<vmem>>
      %dma_start3A_315 = tpu.memref_squeeze %dma_start3A_314 : memref<1x496x16xf32, #tpu.memory_space<vmem>> -> memref<496x16xf32, #tpu.memory_space<vmem>>
      %dma_start3A_316 = tpu.memref_slice %arg6[%mul3A_310] : memref<10000xi32, #tpu.memory_space<vmem>> -> memref<496xi32, #tpu.memory_space<vmem>>
      %dma_start3A_317 = arith.constant 0 : i32
      %dma_start3A_318 = arith.constant 0 : i32
      %dma_start3A_319 = tpu.memref_slice %arg2[%dma_start3A_317, %dma_start3A_318] : memref<10240x16xf32, #tpu.memory_space<hbm>> -> memref<10240x16xf32, #tpu.memory_space<hbm>>
      tpu.enqueue_indirect_dma source(%dma_start3A_319 : memref<10240x16xf32, #tpu.memory_space<hbm>>) target(%dma_start3A_315 : memref<496x16xf32, #tpu.memory_space<vmem>>) offsets(%dma_start3A_316 : memref<496xi32, #tpu.memory_space<vmem>>) semaphore(%arg11 : memref<!tpu.dma_semaphore, #tpu.memory_space<semaphore_mem>>)
      %add3A_320 = arith.constant 1 : i32
      %add3A_321 = arith.addi %mul3A_187, %add3A_320 : i32
      %mul3A_322 = arith.constant 496 : i32
      %mul3A_323 = arith.muli %add3A_321, %mul3A_322 : i32
      %dma_wait3A_324 = arith.constant 1 : i32
      %dma_wait3A_325 = arith.constant 0 : i32
      %dma_wait3A_326 = arith.constant 0 : i32
      %dma_wait3A_327 = tpu.memref_slice %arg8[%dma_wait3A_324, %dma_wait3A_325, %dma_wait3A_326] : memref<4x496x16xf32, #tpu.memory_space<vmem>> -> memref<1x496x16xf32, #tpu.memory_space<vmem>>
      %dma_wait3A_328 = tpu.memref_squeeze %dma_wait3A_327 : memref<1x496x16xf32, #tpu.memory_space<vmem>> -> memref<496x16xf32, #tpu.memory_space<vmem>>
      %dma_wait3A_329 = tpu.memref_slice %arg7[%mul3A_323] : memref<10000xi32, #tpu.memory_space<vmem>> -> memref<496xi32, #tpu.memory_space<vmem>>
      %dma_wait3A_330 = arith.constant 0 : i32
      %dma_wait3A_331 = arith.constant 0 : i32
      %dma_wait3A_332 = tpu.memref_slice %arg10[%dma_wait3A_330, %dma_wait3A_331] : memref<10240x16xf32, #tpu.memory_space<vmem_shared>> -> memref<10240x16xf32, #tpu.memory_space<vmem_shared>>
      tpu.wait_indirect_dma semaphore(%arg16 : memref<!tpu.dma_semaphore, #tpu.memory_space<semaphore_mem>>) src(%dma_wait3A_328 : memref<496x16xf32, #tpu.memory_space<vmem>>) dst(%dma_wait3A_332 : memref<10240x16xf32, #tpu.memory_space<vmem_shared>>)
      %add3A_333 = arith.constant 4 : i32
      %add3A_334 = arith.addi %mul3A_187, %add3A_333 : i32
      %add3A_335 = arith.constant 1 : i32
      %add3A_336 = arith.addi %add3A_334, %add3A_335 : i32
      %mul3A_337 = arith.constant 496 : i32
      %mul3A_338 = arith.muli %add3A_336, %mul3A_337 : i32
      %dma_start3A_339 = arith.constant 1 : i32
      %dma_start3A_340 = arith.constant 0 : i32
      %dma_start3A_341 = arith.constant 0 : i32
      %dma_start3A_342 = tpu.memref_slice %arg8[%dma_start3A_339, %dma_start3A_340, %dma_start3A_341] : memref<4x496x16xf32, #tpu.memory_space<vmem>> -> memref<1x496x16xf32, #tpu.memory_space<vmem>>
      %dma_start3A_343 = tpu.memref_squeeze %dma_start3A_342 : memref<1x496x16xf32, #tpu.memory_space<vmem>> -> memref<496x16xf32, #tpu.memory_space<vmem>>
      %dma_start3A_344 = tpu.memref_slice %arg6[%mul3A_338] : memref<10000xi32, #tpu.memory_space<vmem>> -> memref<496xi32, #tpu.memory_space<vmem>>
      %dma_start3A_345 = arith.constant 0 : i32
      %dma_start3A_346 = arith.constant 0 : i32
      %dma_start3A_347 = tpu.memref_slice %arg2[%dma_start3A_345, %dma_start3A_346] : memref<10240x16xf32, #tpu.memory_space<hbm>> -> memref<10240x16xf32, #tpu.memory_space<hbm>>
      tpu.enqueue_indirect_dma source(%dma_start3A_347 : memref<10240x16xf32, #tpu.memory_space<hbm>>) target(%dma_start3A_343 : memref<496x16xf32, #tpu.memory_space<vmem>>) offsets(%dma_start3A_344 : memref<496xi32, #tpu.memory_space<vmem>>) semaphore(%arg12 : memref<!tpu.dma_semaphore, #tpu.memory_space<semaphore_mem>>)
      %add3A_348 = arith.constant 2 : i32
      %add3A_349 = arith.addi %mul3A_187, %add3A_348 : i32
      %mul3A_350 = arith.constant 496 : i32
      %mul3A_351 = arith.muli %add3A_349, %mul3A_350 : i32
      %dma_wait3A_352 = arith.constant 2 : i32
      %dma_wait3A_353 = arith.constant 0 : i32
      %dma_wait3A_354 = arith.constant 0 : i32
      %dma_wait3A_355 = tpu.memref_slice %arg8[%dma_wait3A_352, %dma_wait3A_353, %dma_wait3A_354] : memref<4x496x16xf32, #tpu.memory_space<vmem>> -> memref<1x496x16xf32, #tpu.memory_space<vmem>>
      %dma_wait3A_356 = tpu.memref_squeeze %dma_wait3A_355 : memref<1x496x16xf32, #tpu.memory_space<vmem>> -> memref<496x16xf32, #tpu.memory_space<vmem>>
      %dma_wait3A_357 = tpu.memref_slice %arg7[%mul3A_351] : memref<10000xi32, #tpu.memory_space<vmem>> -> memref<496xi32, #tpu.memory_space<vmem>>
      %dma_wait3A_358 = arith.constant 0 : i32
      %dma_wait3A_359 = arith.constant 0 : i32
      %dma_wait3A_360 = tpu.memref_slice %arg10[%dma_wait3A_358, %dma_wait3A_359] : memref<10240x16xf32, #tpu.memory_space<vmem_shared>> -> memref<10240x16xf32, #tpu.memory_space<vmem_shared>>
      tpu.wait_indirect_dma semaphore(%arg17 : memref<!tpu.dma_semaphore, #tpu.memory_space<semaphore_mem>>) src(%dma_wait3A_356 : memref<496x16xf32, #tpu.memory_space<vmem>>) dst(%dma_wait3A_360 : memref<10240x16xf32, #tpu.memory_space<vmem_shared>>)
      %add3A_361 = arith.constant 4 : i32
      %add3A_362 = arith.addi %mul3A_187, %add3A_361 : i32
      %add3A_363 = arith.constant 2 : i32
      %add3A_364 = arith.addi %add3A_362, %add3A_363 : i32
      %mul3A_365 = arith.constant 496 : i32
      %mul3A_366 = arith.muli %add3A_364, %mul3A_365 : i32
      %dma_start3A_367 = arith.constant 2 : i32
      %dma_start3A_368 = arith.constant 0 : i32
      %dma_start3A_369 = arith.constant 0 : i32
      %dma_start3A_370 = tpu.memref_slice %arg8[%dma_start3A_367, %dma_start3A_368, %dma_start3A_369] : memref<4x496x16xf32, #tpu.memory_space<vmem>> -> memref<1x496x16xf32, #tpu.memory_space<vmem>>
      %dma_start3A_371 = tpu.memref_squeeze %dma_start3A_370 : memref<1x496x16xf32, #tpu.memory_space<vmem>> -> memref<496x16xf32, #tpu.memory_space<vmem>>
      %dma_start3A_372 = tpu.memref_slice %arg6[%mul3A_366] : memref<10000xi32, #tpu.memory_space<vmem>> -> memref<496xi32, #tpu.memory_space<vmem>>
      %dma_start3A_373 = arith.constant 0 : i32
      %dma_start3A_374 = arith.constant 0 : i32
      %dma_start3A_375 = tpu.memref_slice %arg2[%dma_start3A_373, %dma_start3A_374] : memref<10240x16xf32, #tpu.memory_space<hbm>> -> memref<10240x16xf32, #tpu.memory_space<hbm>>
      tpu.enqueue_indirect_dma source(%dma_start3A_375 : memref<10240x16xf32, #tpu.memory_space<hbm>>) target(%dma_start3A_371 : memref<496x16xf32, #tpu.memory_space<vmem>>) offsets(%dma_start3A_372 : memref<496xi32, #tpu.memory_space<vmem>>) semaphore(%arg13 : memref<!tpu.dma_semaphore, #tpu.memory_space<semaphore_mem>>)
      %add3A_376 = arith.constant 3 : i32
      %add3A_377 = arith.addi %mul3A_187, %add3A_376 : i32
      %mul3A_378 = arith.constant 496 : i32
      %mul3A_379 = arith.muli %add3A_377, %mul3A_378 : i32
      %dma_wait3A_380 = arith.constant 3 : i32
      %dma_wait3A_381 = arith.constant 0 : i32
      %dma_wait3A_382 = arith.constant 0 : i32
      %dma_wait3A_383 = tpu.memref_slice %arg8[%dma_wait3A_380, %dma_wait3A_381, %dma_wait3A_382] : memref<4x496x16xf32, #tpu.memory_space<vmem>> -> memref<1x496x16xf32, #tpu.memory_space<vmem>>
      %dma_wait3A_384 = tpu.memref_squeeze %dma_wait3A_383 : memref<1x496x16xf32, #tpu.memory_space<vmem>> -> memref<496x16xf32, #tpu.memory_space<vmem>>
      %dma_wait3A_385 = tpu.memref_slice %arg7[%mul3A_379] : memref<10000xi32, #tpu.memory_space<vmem>> -> memref<496xi32, #tpu.memory_space<vmem>>
      %dma_wait3A_386 = arith.constant 0 : i32
      %dma_wait3A_387 = arith.constant 0 : i32
      %dma_wait3A_388 = tpu.memref_slice %arg10[%dma_wait3A_386, %dma_wait3A_387] : memref<10240x16xf32, #tpu.memory_space<vmem_shared>> -> memref<10240x16xf32, #tpu.memory_space<vmem_shared>>
      tpu.wait_indirect_dma semaphore(%arg18 : memref<!tpu.dma_semaphore, #tpu.memory_space<semaphore_mem>>) src(%dma_wait3A_384 : memref<496x16xf32, #tpu.memory_space<vmem>>) dst(%dma_wait3A_388 : memref<10240x16xf32, #tpu.memory_space<vmem_shared>>)
      %add3A_389 = arith.constant 4 : i32
      %add3A_390 = arith.addi %mul3A_187, %add3A_389 : i32
      %add3A_391 = arith.constant 3 : i32
      %add3A_392 = arith.addi %add3A_390, %add3A_391 : i32
      %mul3A_393 = arith.constant 496 : i32
      %mul3A_394 = arith.muli %add3A_392, %mul3A_393 : i32
      %dma_start3A_395 = arith.constant 3 : i32
      %dma_start3A_396 = arith.constant 0 : i32
      %dma_start3A_397 = arith.constant 0 : i32
      %dma_start3A_398 = tpu.memref_slice %arg8[%dma_start3A_395, %dma_start3A_396, %dma_start3A_397] : memref<4x496x16xf32, #tpu.memory_space<vmem>> -> memref<1x496x16xf32, #tpu.memory_space<vmem>>
      %dma_start3A_399 = tpu.memref_squeeze %dma_start3A_398 : memref<1x496x16xf32, #tpu.memory_space<vmem>> -> memref<496x16xf32, #tpu.memory_space<vmem>>
      %dma_start3A_400 = tpu.memref_slice %arg6[%mul3A_394] : memref<10000xi32, #tpu.memory_space<vmem>> -> memref<496xi32, #tpu.memory_space<vmem>>
      %dma_start3A_401 = arith.constant 0 : i32
      %dma_start3A_402 = arith.constant 0 : i32
      %dma_start3A_403 = tpu.memref_slice %arg2[%dma_start3A_401, %dma_start3A_402] : memref<10240x16xf32, #tpu.memory_space<hbm>> -> memref<10240x16xf32, #tpu.memory_space<hbm>>
      tpu.enqueue_indirect_dma source(%dma_start3A_403 : memref<10240x16xf32, #tpu.memory_space<hbm>>) target(%dma_start3A_399 : memref<496x16xf32, #tpu.memory_space<vmem>>) offsets(%dma_start3A_400 : memref<496xi32, #tpu.memory_space<vmem>>) semaphore(%arg14 : memref<!tpu.dma_semaphore, #tpu.memory_space<semaphore_mem>>)
    }
    %scan3A_50 = arith.constant 4 : i32
    %dma_wait3A = arith.constant 0 : i32
    %dma_wait3A_51 = arith.constant 0 : i32
    %dma_wait3A_52 = arith.constant 0 : i32
    %dma_wait3A_53 = tpu.memref_slice %arg8[%dma_wait3A, %dma_wait3A_51, %dma_wait3A_52] : memref<4x496x16xf32, #tpu.memory_space<vmem>> -> memref<1x496x16xf32, #tpu.memory_space<vmem>>
    %dma_wait3A_54 = tpu.memref_squeeze %dma_wait3A_53 : memref<1x496x16xf32, #tpu.memory_space<vmem>> -> memref<496x16xf32, #tpu.memory_space<vmem>>
    %dma_wait3A_55 = arith.constant 7936 : i32
    %dma_wait3A_56 = tpu.memref_slice %arg6[%dma_wait3A_55] : memref<10000xi32, #tpu.memory_space<vmem>> -> memref<496xi32, #tpu.memory_space<vmem>>
    %dma_wait3A_57 = arith.constant 0 : i32
    %dma_wait3A_58 = arith.constant 0 : i32
    %dma_wait3A_59 = tpu.memref_slice %arg2[%dma_wait3A_57, %dma_wait3A_58] : memref<10240x16xf32, #tpu.memory_space<hbm>> -> memref<10240x16xf32, #tpu.memory_space<hbm>>
    tpu.wait_indirect_dma semaphore(%arg11 : memref<!tpu.dma_semaphore, #tpu.memory_space<semaphore_mem>>) src(%dma_wait3A_59 : memref<10240x16xf32, #tpu.memory_space<hbm>>) dst(%dma_wait3A_54 : memref<496x16xf32, #tpu.memory_space<vmem>>)
    %dma_start3A_60 = arith.constant 0 : i32
    %dma_start3A_61 = arith.constant 0 : i32
    %dma_start3A_62 = arith.constant 0 : i32
    %dma_start3A_63 = tpu.memref_slice %arg8[%dma_start3A_60, %dma_start3A_61, %dma_start3A_62] : memref<4x496x16xf32, #tpu.memory_space<vmem>> -> memref<1x496x16xf32, #tpu.memory_space<vmem>>
    %dma_start3A_64 = tpu.memref_squeeze %dma_start3A_63 : memref<1x496x16xf32, #tpu.memory_space<vmem>> -> memref<496x16xf32, #tpu.memory_space<vmem>>
    %dma_start3A_65 = arith.constant 7936 : i32
    %dma_start3A_66 = tpu.memref_slice %arg7[%dma_start3A_65] : memref<10000xi32, #tpu.memory_space<vmem>> -> memref<496xi32, #tpu.memory_space<vmem>>
    %dma_start3A_67 = arith.constant 0 : i32
    %dma_start3A_68 = arith.constant 0 : i32
    %dma_start3A_69 = tpu.memref_slice %arg10[%dma_start3A_67, %dma_start3A_68] : memref<10240x16xf32, #tpu.memory_space<vmem_shared>> -> memref<10240x16xf32, #tpu.memory_space<vmem_shared>>
    tpu.enqueue_indirect_dma source(%dma_start3A_64 : memref<496x16xf32, #tpu.memory_space<vmem>>) target(%dma_start3A_69 : memref<10240x16xf32, #tpu.memory_space<vmem_shared>>) offsets(%dma_start3A_66 : memref<496xi32, #tpu.memory_space<vmem>>) semaphore(%arg15 : memref<!tpu.dma_semaphore, #tpu.memory_space<semaphore_mem>>) {add = true}
    %dma_wait3A_70 = arith.constant 1 : i32
    %dma_wait3A_71 = arith.constant 0 : i32
    %dma_wait3A_72 = arith.constant 0 : i32
    %dma_wait3A_73 = tpu.memref_slice %arg8[%dma_wait3A_70, %dma_wait3A_71, %dma_wait3A_72] : memref<4x496x16xf32, #tpu.memory_space<vmem>> -> memref<1x496x16xf32, #tpu.memory_space<vmem>>
    %dma_wait3A_74 = tpu.memref_squeeze %dma_wait3A_73 : memref<1x496x16xf32, #tpu.memory_space<vmem>> -> memref<496x16xf32, #tpu.memory_space<vmem>>
    %dma_wait3A_75 = arith.constant 8432 : i32
    %dma_wait3A_76 = tpu.memref_slice %arg6[%dma_wait3A_75] : memref<10000xi32, #tpu.memory_space<vmem>> -> memref<496xi32, #tpu.memory_space<vmem>>
    %dma_wait3A_77 = arith.constant 0 : i32
    %dma_wait3A_78 = arith.constant 0 : i32
    %dma_wait3A_79 = tpu.memref_slice %arg2[%dma_wait3A_77, %dma_wait3A_78] : memref<10240x16xf32, #tpu.memory_space<hbm>> -> memref<10240x16xf32, #tpu.memory_space<hbm>>
    tpu.wait_indirect_dma semaphore(%arg12 : memref<!tpu.dma_semaphore, #tpu.memory_space<semaphore_mem>>) src(%dma_wait3A_79 : memref<10240x16xf32, #tpu.memory_space<hbm>>) dst(%dma_wait3A_74 : memref<496x16xf32, #tpu.memory_space<vmem>>)
    %dma_start3A_80 = arith.constant 1 : i32
    %dma_start3A_81 = arith.constant 0 : i32
    %dma_start3A_82 = arith.constant 0 : i32
    %dma_start3A_83 = tpu.memref_slice %arg8[%dma_start3A_80, %dma_start3A_81, %dma_start3A_82] : memref<4x496x16xf32, #tpu.memory_space<vmem>> -> memref<1x496x16xf32, #tpu.memory_space<vmem>>
    %dma_start3A_84 = tpu.memref_squeeze %dma_start3A_83 : memref<1x496x16xf32, #tpu.memory_space<vmem>> -> memref<496x16xf32, #tpu.memory_space<vmem>>
    %dma_start3A_85 = arith.constant 8432 : i32
    %dma_start3A_86 = tpu.memref_slice %arg7[%dma_start3A_85] : memref<10000xi32, #tpu.memory_space<vmem>> -> memref<496xi32, #tpu.memory_space<vmem>>
    %dma_start3A_87 = arith.constant 0 : i32
    %dma_start3A_88 = arith.constant 0 : i32
    %dma_start3A_89 = tpu.memref_slice %arg10[%dma_start3A_87, %dma_start3A_88] : memref<10240x16xf32, #tpu.memory_space<vmem_shared>> -> memref<10240x16xf32, #tpu.memory_space<vmem_shared>>
    tpu.enqueue_indirect_dma source(%dma_start3A_84 : memref<496x16xf32, #tpu.memory_space<vmem>>) target(%dma_start3A_89 : memref<10240x16xf32, #tpu.memory_space<vmem_shared>>) offsets(%dma_start3A_86 : memref<496xi32, #tpu.memory_space<vmem>>) semaphore(%arg16 : memref<!tpu.dma_semaphore, #tpu.memory_space<semaphore_mem>>) {add = true}
    %dma_wait3A_90 = arith.constant 2 : i32
    %dma_wait3A_91 = arith.constant 0 : i32
    %dma_wait3A_92 = arith.constant 0 : i32
    %dma_wait3A_93 = tpu.memref_slice %arg8[%dma_wait3A_90, %dma_wait3A_91, %dma_wait3A_92] : memref<4x496x16xf32, #tpu.memory_space<vmem>> -> memref<1x496x16xf32, #tpu.memory_space<vmem>>
    %dma_wait3A_94 = tpu.memref_squeeze %dma_wait3A_93 : memref<1x496x16xf32, #tpu.memory_space<vmem>> -> memref<496x16xf32, #tpu.memory_space<vmem>>
    %dma_wait3A_95 = arith.constant 8928 : i32
    %dma_wait3A_96 = tpu.memref_slice %arg6[%dma_wait3A_95] : memref<10000xi32, #tpu.memory_space<vmem>> -> memref<496xi32, #tpu.memory_space<vmem>>
    %dma_wait3A_97 = arith.constant 0 : i32
    %dma_wait3A_98 = arith.constant 0 : i32
    %dma_wait3A_99 = tpu.memref_slice %arg2[%dma_wait3A_97, %dma_wait3A_98] : memref<10240x16xf32, #tpu.memory_space<hbm>> -> memref<10240x16xf32, #tpu.memory_space<hbm>>
    tpu.wait_indirect_dma semaphore(%arg13 : memref<!tpu.dma_semaphore, #tpu.memory_space<semaphore_mem>>) src(%dma_wait3A_99 : memref<10240x16xf32, #tpu.memory_space<hbm>>) dst(%dma_wait3A_94 : memref<496x16xf32, #tpu.memory_space<vmem>>)
    %dma_start3A_100 = arith.constant 2 : i32
    %dma_start3A_101 = arith.constant 0 : i32
    %dma_start3A_102 = arith.constant 0 : i32
    %dma_start3A_103 = tpu.memref_slice %arg8[%dma_start3A_100, %dma_start3A_101, %dma_start3A_102] : memref<4x496x16xf32, #tpu.memory_space<vmem>> -> memref<1x496x16xf32, #tpu.memory_space<vmem>>
    %dma_start3A_104 = tpu.memref_squeeze %dma_start3A_103 : memref<1x496x16xf32, #tpu.memory_space<vmem>> -> memref<496x16xf32, #tpu.memory_space<vmem>>
    %dma_start3A_105 = arith.constant 8928 : i32
    %dma_start3A_106 = tpu.memref_slice %arg7[%dma_start3A_105] : memref<10000xi32, #tpu.memory_space<vmem>> -> memref<496xi32, #tpu.memory_space<vmem>>
    %dma_start3A_107 = arith.constant 0 : i32
    %dma_start3A_108 = arith.constant 0 : i32
    %dma_start3A_109 = tpu.memref_slice %arg10[%dma_start3A_107, %dma_start3A_108] : memref<10240x16xf32, #tpu.memory_space<vmem_shared>> -> memref<10240x16xf32, #tpu.memory_space<vmem_shared>>
    tpu.enqueue_indirect_dma source(%dma_start3A_104 : memref<496x16xf32, #tpu.memory_space<vmem>>) target(%dma_start3A_109 : memref<10240x16xf32, #tpu.memory_space<vmem_shared>>) offsets(%dma_start3A_106 : memref<496xi32, #tpu.memory_space<vmem>>) semaphore(%arg17 : memref<!tpu.dma_semaphore, #tpu.memory_space<semaphore_mem>>) {add = true}
    %dma_wait3A_110 = arith.constant 3 : i32
    %dma_wait3A_111 = arith.constant 0 : i32
    %dma_wait3A_112 = arith.constant 0 : i32
    %dma_wait3A_113 = tpu.memref_slice %arg8[%dma_wait3A_110, %dma_wait3A_111, %dma_wait3A_112] : memref<4x496x16xf32, #tpu.memory_space<vmem>> -> memref<1x496x16xf32, #tpu.memory_space<vmem>>
    %dma_wait3A_114 = tpu.memref_squeeze %dma_wait3A_113 : memref<1x496x16xf32, #tpu.memory_space<vmem>> -> memref<496x16xf32, #tpu.memory_space<vmem>>
    %dma_wait3A_115 = arith.constant 9424 : i32
    %dma_wait3A_116 = tpu.memref_slice %arg6[%dma_wait3A_115] : memref<10000xi32, #tpu.memory_space<vmem>> -> memref<496xi32, #tpu.memory_space<vmem>>
    %dma_wait3A_117 = arith.constant 0 : i32
    %dma_wait3A_118 = arith.constant 0 : i32
    %dma_wait3A_119 = tpu.memref_slice %arg2[%dma_wait3A_117, %dma_wait3A_118] : memref<10240x16xf32, #tpu.memory_space<hbm>> -> memref<10240x16xf32, #tpu.memory_space<hbm>>
    tpu.wait_indirect_dma semaphore(%arg14 : memref<!tpu.dma_semaphore, #tpu.memory_space<semaphore_mem>>) src(%dma_wait3A_119 : memref<10240x16xf32, #tpu.memory_space<hbm>>) dst(%dma_wait3A_114 : memref<496x16xf32, #tpu.memory_space<vmem>>)
    %dma_start3A_120 = arith.constant 3 : i32
    %dma_start3A_121 = arith.constant 0 : i32
    %dma_start3A_122 = arith.constant 0 : i32
    %dma_start3A_123 = tpu.memref_slice %arg8[%dma_start3A_120, %dma_start3A_121, %dma_start3A_122] : memref<4x496x16xf32, #tpu.memory_space<vmem>> -> memref<1x496x16xf32, #tpu.memory_space<vmem>>
    %dma_start3A_124 = tpu.memref_squeeze %dma_start3A_123 : memref<1x496x16xf32, #tpu.memory_space<vmem>> -> memref<496x16xf32, #tpu.memory_space<vmem>>
    %dma_start3A_125 = arith.constant 9424 : i32
    %dma_start3A_126 = tpu.memref_slice %arg7[%dma_start3A_125] : memref<10000xi32, #tpu.memory_space<vmem>> -> memref<496xi32, #tpu.memory_space<vmem>>
    %dma_start3A_127 = arith.constant 0 : i32
    %dma_start3A_128 = arith.constant 0 : i32
    %dma_start3A_129 = tpu.memref_slice %arg10[%dma_start3A_127, %dma_start3A_128] : memref<10240x16xf32, #tpu.memory_space<vmem_shared>> -> memref<10240x16xf32, #tpu.memory_space<vmem_shared>>
    tpu.enqueue_indirect_dma source(%dma_start3A_124 : memref<496x16xf32, #tpu.memory_space<vmem>>) target(%dma_start3A_129 : memref<10240x16xf32, #tpu.memory_space<vmem_shared>>) offsets(%dma_start3A_126 : memref<496xi32, #tpu.memory_space<vmem>>) semaphore(%arg18 : memref<!tpu.dma_semaphore, #tpu.memory_space<semaphore_mem>>) {add = true}
    %dma_start3A_130 = arith.constant 9920 : i32
    %dma_start3A_131 = tpu.memref_slice %arg6[%dma_start3A_130] : memref<10000xi32, #tpu.memory_space<vmem>> -> memref<80xi32, #tpu.memory_space<vmem>>
    %dma_start3A_132 = arith.constant 0 : i32
    %dma_start3A_133 = arith.constant 0 : i32
    %dma_start3A_134 = tpu.memref_slice %arg2[%dma_start3A_132, %dma_start3A_133] : memref<10240x16xf32, #tpu.memory_space<hbm>> -> memref<10240x16xf32, #tpu.memory_space<hbm>>
    tpu.enqueue_indirect_dma source(%dma_start3A_134 : memref<10240x16xf32, #tpu.memory_space<hbm>>) target(%arg9 : memref<80x16xf32, #tpu.memory_space<vmem>>) offsets(%dma_start3A_131 : memref<80xi32, #tpu.memory_space<vmem>>) semaphore(%arg14 : memref<!tpu.dma_semaphore, #tpu.memory_space<semaphore_mem>>)
    %dma_wait3A_135 = arith.constant 0 : i32
    %dma_wait3A_136 = arith.constant 0 : i32
    %dma_wait3A_137 = arith.constant 0 : i32
    %dma_wait3A_138 = tpu.memref_slice %arg8[%dma_wait3A_135, %dma_wait3A_136, %dma_wait3A_137] : memref<4x496x16xf32, #tpu.memory_space<vmem>> -> memref<1x496x16xf32, #tpu.memory_space<vmem>>
    %dma_wait3A_139 = tpu.memref_squeeze %dma_wait3A_138 : memref<1x496x16xf32, #tpu.memory_space<vmem>> -> memref<496x16xf32, #tpu.memory_space<vmem>>
    %dma_wait3A_140 = arith.constant 7936 : i32
    %dma_wait3A_141 = tpu.memref_slice %arg7[%dma_wait3A_140] : memref<10000xi32, #tpu.memory_space<vmem>> -> memref<496xi32, #tpu.memory_space<vmem>>
    %dma_wait3A_142 = arith.constant 0 : i32
    %dma_wait3A_143 = arith.constant 0 : i32
    %dma_wait3A_144 = tpu.memref_slice %arg10[%dma_wait3A_142, %dma_wait3A_143] : memref<10240x16xf32, #tpu.memory_space<vmem_shared>> -> memref<10240x16xf32, #tpu.memory_space<vmem_shared>>
    tpu.wait_indirect_dma semaphore(%arg15 : memref<!tpu.dma_semaphore, #tpu.memory_space<semaphore_mem>>) src(%dma_wait3A_139 : memref<496x16xf32, #tpu.memory_space<vmem>>) dst(%dma_wait3A_144 : memref<10240x16xf32, #tpu.memory_space<vmem_shared>>)
    %dma_wait3A_145 = arith.constant 1 : i32
    %dma_wait3A_146 = arith.constant 0 : i32
    %dma_wait3A_147 = arith.constant 0 : i32
    %dma_wait3A_148 = tpu.memref_slice %arg8[%dma_wait3A_145, %dma_wait3A_146, %dma_wait3A_147] : memref<4x496x16xf32, #tpu.memory_space<vmem>> -> memref<1x496x16xf32, #tpu.memory_space<vmem>>
    %dma_wait3A_149 = tpu.memref_squeeze %dma_wait3A_148 : memref<1x496x16xf32, #tpu.memory_space<vmem>> -> memref<496x16xf32, #tpu.memory_space<vmem>>
    %dma_wait3A_150 = arith.constant 8432 : i32
    %dma_wait3A_151 = tpu.memref_slice %arg7[%dma_wait3A_150] : memref<10000xi32, #tpu.memory_space<vmem>> -> memref<496xi32, #tpu.memory_space<vmem>>
    %dma_wait3A_152 = arith.constant 0 : i32
    %dma_wait3A_153 = arith.constant 0 : i32
    %dma_wait3A_154 = tpu.memref_slice %arg10[%dma_wait3A_152, %dma_wait3A_153] : memref<10240x16xf32, #tpu.memory_space<vmem_shared>> -> memref<10240x16xf32, #tpu.memory_space<vmem_shared>>
    tpu.wait_indirect_dma semaphore(%arg16 : memref<!tpu.dma_semaphore, #tpu.memory_space<semaphore_mem>>) src(%dma_wait3A_149 : memref<496x16xf32, #tpu.memory_space<vmem>>) dst(%dma_wait3A_154 : memref<10240x16xf32, #tpu.memory_space<vmem_shared>>)
    %dma_wait3A_155 = arith.constant 2 : i32
    %dma_wait3A_156 = arith.constant 0 : i32
    %dma_wait3A_157 = arith.constant 0 : i32
    %dma_wait3A_158 = tpu.memref_slice %arg8[%dma_wait3A_155, %dma_wait3A_156, %dma_wait3A_157] : memref<4x496x16xf32, #tpu.memory_space<vmem>> -> memref<1x496x16xf32, #tpu.memory_space<vmem>>
    %dma_wait3A_159 = tpu.memref_squeeze %dma_wait3A_158 : memref<1x496x16xf32, #tpu.memory_space<vmem>> -> memref<496x16xf32, #tpu.memory_space<vmem>>
    %dma_wait3A_160 = arith.constant 8928 : i32
    %dma_wait3A_161 = tpu.memref_slice %arg7[%dma_wait3A_160] : memref<10000xi32, #tpu.memory_space<vmem>> -> memref<496xi32, #tpu.memory_space<vmem>>
    %dma_wait3A_162 = arith.constant 0 : i32
    %dma_wait3A_163 = arith.constant 0 : i32
    %dma_wait3A_164 = tpu.memref_slice %arg10[%dma_wait3A_162, %dma_wait3A_163] : memref<10240x16xf32, #tpu.memory_space<vmem_shared>> -> memref<10240x16xf32, #tpu.memory_space<vmem_shared>>
    tpu.wait_indirect_dma semaphore(%arg17 : memref<!tpu.dma_semaphore, #tpu.memory_space<semaphore_mem>>) src(%dma_wait3A_159 : memref<496x16xf32, #tpu.memory_space<vmem>>) dst(%dma_wait3A_164 : memref<10240x16xf32, #tpu.memory_space<vmem_shared>>)
    %dma_wait3A_165 = arith.constant 3 : i32
    %dma_wait3A_166 = arith.constant 0 : i32
    %dma_wait3A_167 = arith.constant 0 : i32
    %dma_wait3A_168 = tpu.memref_slice %arg8[%dma_wait3A_165, %dma_wait3A_166, %dma_wait3A_167] : memref<4x496x16xf32, #tpu.memory_space<vmem>> -> memref<1x496x16xf32, #tpu.memory_space<vmem>>
    %dma_wait3A_169 = tpu.memref_squeeze %dma_wait3A_168 : memref<1x496x16xf32, #tpu.memory_space<vmem>> -> memref<496x16xf32, #tpu.memory_space<vmem>>
    %dma_wait3A_170 = arith.constant 9424 : i32
    %dma_wait3A_171 = tpu.memref_slice %arg7[%dma_wait3A_170] : memref<10000xi32, #tpu.memory_space<vmem>> -> memref<496xi32, #tpu.memory_space<vmem>>
    %dma_wait3A_172 = arith.constant 0 : i32
    %dma_wait3A_173 = arith.constant 0 : i32
    %dma_wait3A_174 = tpu.memref_slice %arg10[%dma_wait3A_172, %dma_wait3A_173] : memref<10240x16xf32, #tpu.memory_space<vmem_shared>> -> memref<10240x16xf32, #tpu.memory_space<vmem_shared>>
    tpu.wait_indirect_dma semaphore(%arg18 : memref<!tpu.dma_semaphore, #tpu.memory_space<semaphore_mem>>) src(%dma_wait3A_169 : memref<496x16xf32, #tpu.memory_space<vmem>>) dst(%dma_wait3A_174 : memref<10240x16xf32, #tpu.memory_space<vmem_shared>>)
    %dma_wait3A_175 = arith.constant 9920 : i32
    %dma_wait3A_176 = tpu.memref_slice %arg6[%dma_wait3A_175] : memref<10000xi32, #tpu.memory_space<vmem>> -> memref<80xi32, #tpu.memory_space<vmem>>
    %dma_wait3A_177 = arith.constant 0 : i32
    %dma_wait3A_178 = arith.constant 0 : i32
    %dma_wait3A_179 = tpu.memref_slice %arg2[%dma_wait3A_177, %dma_wait3A_178] : memref<10240x16xf32, #tpu.memory_space<hbm>> -> memref<10240x16xf32, #tpu.memory_space<hbm>>
    tpu.wait_indirect_dma semaphore(%arg14 : memref<!tpu.dma_semaphore, #tpu.memory_space<semaphore_mem>>) src(%dma_wait3A_179 : memref<10240x16xf32, #tpu.memory_space<hbm>>) dst(%arg9 : memref<80x16xf32, #tpu.memory_space<vmem>>)
    "tpu.region"() ({
      %run_scoped3A_185 = tpu.sem_alloc : memref<!tpu.dma_semaphore, #tpu.memory_space<semaphore_mem>>
      %dma_start3A_186 = arith.constant 9920 : i32
      %dma_start3A_187 = tpu.memref_slice %arg7[%dma_start3A_186] : memref<10000xi32, #tpu.memory_space<vmem>> -> memref<80xi32, #tpu.memory_space<vmem>>
      %dma_start3A_188 = arith.constant 0 : i32
      %dma_start3A_189 = arith.constant 0 : i32
      %dma_start3A_190 = tpu.memref_slice %arg10[%dma_start3A_188, %dma_start3A_189] : memref<10240x16xf32, #tpu.memory_space<vmem_shared>> -> memref<10240x16xf32, #tpu.memory_space<vmem_shared>>
      tpu.enqueue_indirect_dma source(%arg9 : memref<80x16xf32, #tpu.memory_space<vmem>>) target(%dma_start3A_190 : memref<10240x16xf32, #tpu.memory_space<vmem_shared>>) offsets(%dma_start3A_187 : memref<80xi32, #tpu.memory_space<vmem>>) semaphore(%run_scoped3A_185 : memref<!tpu.dma_semaphore, #tpu.memory_space<semaphore_mem>>) {add = true}
      %dma_wait3A_191 = arith.constant 9920 : i32
      %dma_wait3A_192 = tpu.memref_slice %arg7[%dma_wait3A_191] : memref<10000xi32, #tpu.memory_space<vmem>> -> memref<80xi32, #tpu.memory_space<vmem>>
      %dma_wait3A_193 = arith.constant 0 : i32
      %dma_wait3A_194 = arith.constant 0 : i32
      %dma_wait3A_195 = tpu.memref_slice %arg10[%dma_wait3A_193, %dma_wait3A_194] : memref<10240x16xf32, #tpu.memory_space<vmem_shared>> -> memref<10240x16xf32, #tpu.memory_space<vmem_shared>>
      tpu.wait_indirect_dma semaphore(%run_scoped3A_185 : memref<!tpu.dma_semaphore, #tpu.memory_space<semaphore_mem>>) src(%arg9 : memref<80x16xf32, #tpu.memory_space<vmem>>) dst(%dma_wait3A_195 : memref<10240x16xf32, #tpu.memory_space<vmem_shared>>)
      tpu.yield
    }) : () -> ()
    %barrier3A_180 = arith.constant 0 : index
    tpu.barrier barrier_id(%barrier3A_180)
    %mul3A_181 = arith.constant 640 : i32
    %mul3A_182 = arith.muli %arg1, %mul3A_181 : i32
    %mul3A_183 = arith.constant 640 : i32
    %mul3A_184 = arith.muli %arg1, %mul3A_183 : i32
    "tpu.region"() ({
      %run_scoped3A_185 = tpu.sem_alloc : memref<!tpu.dma_semaphore, #tpu.memory_space<semaphore_mem>>
      %dma_start3A_186 = arith.constant 0 : i32
      %dma_start3A_187 = tpu.memref_slice %arg5[%arg0, %mul3A_184, %dma_start3A_186] : memref<2x10240x16xf32, #tpu.memory_space<hbm>> -> memref<1x640x16xf32, #tpu.memory_space<hbm>>
      %dma_start3A_188 = tpu.memref_squeeze %dma_start3A_187 : memref<1x640x16xf32, #tpu.memory_space<hbm>> -> memref<640x16xf32, #tpu.memory_space<hbm>>
      %dma_start3A_189 = arith.constant 0 : i32
      %dma_start3A_190 = tpu.memref_slice %arg10[%mul3A_182, %dma_start3A_189] : memref<10240x16xf32, #tpu.memory_space<vmem_shared>> -> memref<640x16xf32, #tpu.memory_space<vmem_shared>>
      tpu.enqueue_dma source(%dma_start3A_190 : memref<640x16xf32, #tpu.memory_space<vmem_shared>>) target(%dma_start3A_188 : memref<640x16xf32, #tpu.memory_space<hbm>>) target_semaphore(%run_scoped3A_185 : memref<!tpu.dma_semaphore, #tpu.memory_space<semaphore_mem>>)
      %dma_wait3A_191 = arith.constant 0 : i32
      %dma_wait3A_192 = tpu.memref_slice %arg5[%arg0, %mul3A_184, %dma_wait3A_191] : memref<2x10240x16xf32, #tpu.memory_space<hbm>> -> memref<1x640x16xf32, #tpu.memory_space<hbm>>
      %dma_wait3A_193 = tpu.memref_squeeze %dma_wait3A_192 : memref<1x640x16xf32, #tpu.memory_space<hbm>> -> memref<640x16xf32, #tpu.memory_space<hbm>>
      %dma_wait3A_194 = arith.constant 0 : i32
      %dma_wait3A_195 = tpu.memref_slice %arg10[%mul3A_182, %dma_wait3A_194] : memref<10240x16xf32, #tpu.memory_space<vmem_shared>> -> memref<640x16xf32, #tpu.memory_space<vmem_shared>>
      tpu.wait_dma2 semaphore(%run_scoped3A_185 : memref<!tpu.dma_semaphore, #tpu.memory_space<semaphore_mem>>) src(%dma_wait3A_195 : memref<640x16xf32, #tpu.memory_space<vmem_shared>>) dst(%dma_wait3A_193 : memref<640x16xf32, #tpu.memory_space<hbm>>)
      tpu.yield
    }) : () -> ()
    return
  }
}

#map = affine_map<(d0, d1) -> (0, 0)>
#map1 = affine_map<(d0, d1) -> (0, 0, 0)>
module attributes {stable_mosaic.version = 14 : i64} {
  func.func @deg_kernel(%arg0: i32, %arg1: i32, %arg2: memref<2x320000xi32, #tpu.memory_space<hbm>>, %arg3: memref<496x16xf32, #tpu.memory_space<hbm>>, %arg4: memref<640x16xf32, #tpu.memory_space<hbm>>, %arg5: memref<2x10240x16xf32, #tpu.memory_space<hbm>>, %arg6: memref<10000xi32, #tpu.memory_space<vmem>>, %arg7: memref<496x16xf32, #tpu.memory_space<vmem>>, %arg8: memref<10240x16xf32, #tpu.memory_space<vmem_shared>>, %arg9: memref<!tpu.dma_semaphore, #tpu.memory_space<semaphore_mem>>, %arg10: memref<!tpu.dma_semaphore, #tpu.memory_space<semaphore_mem>>, %arg11: memref<!tpu.dma_semaphore, #tpu.memory_space<semaphore_mem>>, %arg12: memref<!tpu.dma_semaphore, #tpu.memory_space<semaphore_mem>>) attributes {dimension_semantics = [#tpu.dimension_semantics<core_parallel>, #tpu.dimension_semantics<subcore_parallel>], iteration_bounds = array<i64: 2, 16>, scalar_prefetch = 0 : i64, scratch_operands = 7 : i64, tpu.core_type = #tpu.core_type<sc_vector_subcore>, window_params = [{transform_indices = #map}, {transform_indices = #map}, {transform_indices = #map}, {transform_indices = #map1}]} {
    %mul3A = arith.constant 2 : i32
    %mul3A_0 = arith.muli %arg1, %mul3A : i32
    %add3A = arith.addi %mul3A_0, %arg0 : i32
    %mul3A_1 = arith.constant 640 : i32
    %mul3A_2 = arith.muli %arg1, %mul3A_1 : i32
    "tpu.region"() ({
      %run_scoped3A_68 = tpu.sem_alloc : memref<!tpu.dma_semaphore, #tpu.memory_space<semaphore_mem>>
      %dma_start3A_69 = arith.constant 0 : i32
      %dma_start3A_70 = tpu.memref_slice %arg8[%mul3A_2, %dma_start3A_69] : memref<10240x16xf32, #tpu.memory_space<vmem_shared>> -> memref<640x16xf32, #tpu.memory_space<vmem_shared>>
      tpu.enqueue_dma source(%arg4 : memref<640x16xf32, #tpu.memory_space<hbm>>) target(%dma_start3A_70 : memref<640x16xf32, #tpu.memory_space<vmem_shared>>) target_semaphore(%run_scoped3A_68 : memref<!tpu.dma_semaphore, #tpu.memory_space<semaphore_mem>>)
      %dma_wait3A_71 = arith.constant 0 : i32
      %dma_wait3A_72 = tpu.memref_slice %arg8[%mul3A_2, %dma_wait3A_71] : memref<10240x16xf32, #tpu.memory_space<vmem_shared>> -> memref<640x16xf32, #tpu.memory_space<vmem_shared>>
      tpu.wait_dma2 semaphore(%run_scoped3A_68 : memref<!tpu.dma_semaphore, #tpu.memory_space<semaphore_mem>>) src(%arg4 : memref<640x16xf32, #tpu.memory_space<hbm>>) dst(%dma_wait3A_72 : memref<640x16xf32, #tpu.memory_space<vmem_shared>>)
      tpu.yield
    }) : () -> ()
    "tpu.region"() ({
      %run_scoped3A_68 = tpu.sem_alloc : memref<!tpu.dma_semaphore, #tpu.memory_space<semaphore_mem>>
      tpu.enqueue_dma source(%arg3 : memref<496x16xf32, #tpu.memory_space<hbm>>) target(%arg7 : memref<496x16xf32, #tpu.memory_space<vmem>>) target_semaphore(%run_scoped3A_68 : memref<!tpu.dma_semaphore, #tpu.memory_space<semaphore_mem>>)
      tpu.wait_dma2 semaphore(%run_scoped3A_68 : memref<!tpu.dma_semaphore, #tpu.memory_space<semaphore_mem>>) src(%arg3 : memref<496x16xf32, #tpu.memory_space<hbm>>) dst(%arg7 : memref<496x16xf32, #tpu.memory_space<vmem>>)
      tpu.yield
    }) : () -> ()
    %mul3A_3 = arith.constant 10000 : i32
    %mul3A_4 = arith.muli %add3A, %mul3A_3 : i32
    %run_scoped3A = arith.constant 1 : i32
    "tpu.region"() ({
      %run_scoped3A_68 = tpu.sem_alloc : memref<!tpu.dma_semaphore, #tpu.memory_space<semaphore_mem>>
      %dma_start3A_69 = tpu.memref_slice %arg2[%run_scoped3A, %mul3A_4] : memref<2x320000xi32, #tpu.memory_space<hbm>> -> memref<1x10000xi32, #tpu.memory_space<hbm>>
      %dma_start3A_70 = tpu.memref_squeeze %dma_start3A_69 : memref<1x10000xi32, #tpu.memory_space<hbm>> -> memref<10000xi32, #tpu.memory_space<hbm>>
      %dma_start3A_71 = tpu.memref_slice %arg2[%run_scoped3A, %mul3A_4] : memref<2x320000xi32, #tpu.memory_space<hbm>> -> memref<1x10000xi32, #tpu.memory_space<hbm>>
      %dma_start3A_72 = tpu.memref_squeeze %dma_start3A_71 : memref<1x10000xi32, #tpu.memory_space<hbm>> -> memref<10000xi32, #tpu.memory_space<hbm>>
      tpu.enqueue_dma source(%dma_start3A_72 : memref<10000xi32, #tpu.memory_space<hbm>>) target(%arg6 : memref<10000xi32, #tpu.memory_space<vmem>>) target_semaphore(%run_scoped3A_68 : memref<!tpu.dma_semaphore, #tpu.memory_space<semaphore_mem>>)
      %dma_wait3A_73 = tpu.memref_slice %arg2[%run_scoped3A, %mul3A_4] : memref<2x320000xi32, #tpu.memory_space<hbm>> -> memref<1x10000xi32, #tpu.memory_space<hbm>>
      %dma_wait3A_74 = tpu.memref_squeeze %dma_wait3A_73 : memref<1x10000xi32, #tpu.memory_space<hbm>> -> memref<10000xi32, #tpu.memory_space<hbm>>
      %dma_wait3A_75 = tpu.memref_slice %arg2[%run_scoped3A, %mul3A_4] : memref<2x320000xi32, #tpu.memory_space<hbm>> -> memref<1x10000xi32, #tpu.memory_space<hbm>>
      %dma_wait3A_76 = tpu.memref_squeeze %dma_wait3A_75 : memref<1x10000xi32, #tpu.memory_space<hbm>> -> memref<10000xi32, #tpu.memory_space<hbm>>
      tpu.wait_dma2 semaphore(%run_scoped3A_68 : memref<!tpu.dma_semaphore, #tpu.memory_space<semaphore_mem>>) src(%dma_wait3A_76 : memref<10000xi32, #tpu.memory_space<hbm>>) dst(%arg6 : memref<10000xi32, #tpu.memory_space<vmem>>)
      tpu.yield
    }) : () -> ()
    %barrier3A = arith.constant 0 : index
    tpu.barrier barrier_id(%barrier3A)
    %dma_start3A = arith.constant 0 : i32
    %dma_start3A_5 = tpu.memref_slice %arg6[%dma_start3A] : memref<10000xi32, #tpu.memory_space<vmem>> -> memref<496xi32, #tpu.memory_space<vmem>>
    %dma_start3A_6 = arith.constant 0 : i32
    %dma_start3A_7 = arith.constant 0 : i32
    %dma_start3A_8 = tpu.memref_slice %arg8[%dma_start3A_6, %dma_start3A_7] : memref<10240x16xf32, #tpu.memory_space<vmem_shared>> -> memref<10240x16xf32, #tpu.memory_space<vmem_shared>>
    tpu.enqueue_indirect_dma source(%arg7 : memref<496x16xf32, #tpu.memory_space<vmem>>) target(%dma_start3A_8 : memref<10240x16xf32, #tpu.memory_space<vmem_shared>>) offsets(%dma_start3A_5 : memref<496xi32, #tpu.memory_space<vmem>>) semaphore(%arg9 : memref<!tpu.dma_semaphore, #tpu.memory_space<semaphore_mem>>) {add = true}
    %dma_start3A_9 = arith.constant 496 : i32
    %dma_start3A_10 = tpu.memref_slice %arg6[%dma_start3A_9] : memref<10000xi32, #tpu.memory_space<vmem>> -> memref<496xi32, #tpu.memory_space<vmem>>
    %dma_start3A_11 = arith.constant 0 : i32
    %dma_start3A_12 = arith.constant 0 : i32
    %dma_start3A_13 = tpu.memref_slice %arg8[%dma_start3A_11, %dma_start3A_12] : memref<10240x16xf32, #tpu.memory_space<vmem_shared>> -> memref<10240x16xf32, #tpu.memory_space<vmem_shared>>
    tpu.enqueue_indirect_dma source(%arg7 : memref<496x16xf32, #tpu.memory_space<vmem>>) target(%dma_start3A_13 : memref<10240x16xf32, #tpu.memory_space<vmem_shared>>) offsets(%dma_start3A_10 : memref<496xi32, #tpu.memory_space<vmem>>) semaphore(%arg10 : memref<!tpu.dma_semaphore, #tpu.memory_space<semaphore_mem>>) {add = true}
    %dma_start3A_14 = arith.constant 992 : i32
    %dma_start3A_15 = tpu.memref_slice %arg6[%dma_start3A_14] : memref<10000xi32, #tpu.memory_space<vmem>> -> memref<496xi32, #tpu.memory_space<vmem>>
    %dma_start3A_16 = arith.constant 0 : i32
    %dma_start3A_17 = arith.constant 0 : i32
    %dma_start3A_18 = tpu.memref_slice %arg8[%dma_start3A_16, %dma_start3A_17] : memref<10240x16xf32, #tpu.memory_space<vmem_shared>> -> memref<10240x16xf32, #tpu.memory_space<vmem_shared>>
    tpu.enqueue_indirect_dma source(%arg7 : memref<496x16xf32, #tpu.memory_space<vmem>>) target(%dma_start3A_18 : memref<10240x16xf32, #tpu.memory_space<vmem_shared>>) offsets(%dma_start3A_15 : memref<496xi32, #tpu.memory_space<vmem>>) semaphore(%arg11 : memref<!tpu.dma_semaphore, #tpu.memory_space<semaphore_mem>>) {add = true}
    %dma_start3A_19 = arith.constant 1488 : i32
    %dma_start3A_20 = tpu.memref_slice %arg6[%dma_start3A_19] : memref<10000xi32, #tpu.memory_space<vmem>> -> memref<496xi32, #tpu.memory_space<vmem>>
    %dma_start3A_21 = arith.constant 0 : i32
    %dma_start3A_22 = arith.constant 0 : i32
    %dma_start3A_23 = tpu.memref_slice %arg8[%dma_start3A_21, %dma_start3A_22] : memref<10240x16xf32, #tpu.memory_space<vmem_shared>> -> memref<10240x16xf32, #tpu.memory_space<vmem_shared>>
    tpu.enqueue_indirect_dma source(%arg7 : memref<496x16xf32, #tpu.memory_space<vmem>>) target(%dma_start3A_23 : memref<10240x16xf32, #tpu.memory_space<vmem_shared>>) offsets(%dma_start3A_20 : memref<496xi32, #tpu.memory_space<vmem>>) semaphore(%arg12 : memref<!tpu.dma_semaphore, #tpu.memory_space<semaphore_mem>>) {add = true}
    %scan3A = arith.constant 1 : i32
    %scan3A_24 = arith.constant 4 : i32
    %scan3A_25 = arith.addi %scan3A, %scan3A_24 : i32
    %scan3A_26 = arith.constant 1 : i32
    scf.for %scan3A_68 = %scan3A to %scan3A_25 step %scan3A_26  : i32 {
      %sub3A = arith.constant 1 : i32
      %sub3A_69 = arith.subi %scan3A_68, %sub3A : i32
      %mul3A_70 = arith.constant 4 : i32
      %mul3A_71 = arith.muli %mul3A_70, %sub3A_69 : i32
      %add3A_72 = arith.constant 0 : i32
      %add3A_73 = arith.addi %mul3A_71, %add3A_72 : i32
      %mul3A_74 = arith.constant 496 : i32
      %mul3A_75 = arith.muli %add3A_73, %mul3A_74 : i32
      %dma_wait3A_76 = tpu.memref_slice %arg6[%mul3A_75] : memref<10000xi32, #tpu.memory_space<vmem>> -> memref<496xi32, #tpu.memory_space<vmem>>
      %dma_wait3A_77 = arith.constant 0 : i32
      %dma_wait3A_78 = arith.constant 0 : i32
      %dma_wait3A_79 = tpu.memref_slice %arg8[%dma_wait3A_77, %dma_wait3A_78] : memref<10240x16xf32, #tpu.memory_space<vmem_shared>> -> memref<10240x16xf32, #tpu.memory_space<vmem_shared>>
      tpu.wait_indirect_dma semaphore(%arg9 : memref<!tpu.dma_semaphore, #tpu.memory_space<semaphore_mem>>) src(%arg7 : memref<496x16xf32, #tpu.memory_space<vmem>>) dst(%dma_wait3A_79 : memref<10240x16xf32, #tpu.memory_space<vmem_shared>>)
      %mul3A_80 = arith.constant 4 : i32
      %mul3A_81 = arith.muli %mul3A_80, %scan3A_68 : i32
      %add3A_82 = arith.constant 0 : i32
      %add3A_83 = arith.addi %mul3A_81, %add3A_82 : i32
      %mul3A_84 = arith.constant 496 : i32
      %mul3A_85 = arith.muli %add3A_83, %mul3A_84 : i32
      %dma_start3A_86 = tpu.memref_slice %arg6[%mul3A_85] : memref<10000xi32, #tpu.memory_space<vmem>> -> memref<496xi32, #tpu.memory_space<vmem>>
      %dma_start3A_87 = arith.constant 0 : i32
      %dma_start3A_88 = arith.constant 0 : i32
      %dma_start3A_89 = tpu.memref_slice %arg8[%dma_start3A_87, %dma_start3A_88] : memref<10240x16xf32, #tpu.memory_space<vmem_shared>> -> memref<10240x16xf32, #tpu.memory_space<vmem_shared>>
      tpu.enqueue_indirect_dma source(%arg7 : memref<496x16xf32, #tpu.memory_space<vmem>>) target(%dma_start3A_89 : memref<10240x16xf32, #tpu.memory_space<vmem_shared>>) offsets(%dma_start3A_86 : memref<496xi32, #tpu.memory_space<vmem>>) semaphore(%arg9 : memref<!tpu.dma_semaphore, #tpu.memory_space<semaphore_mem>>) {add = true}
      %sub3A_90 = arith.constant 1 : i32
      %sub3A_91 = arith.subi %scan3A_68, %sub3A_90 : i32
      %mul3A_92 = arith.constant 4 : i32
      %mul3A_93 = arith.muli %mul3A_92, %sub3A_91 : i32
      %add3A_94 = arith.constant 1 : i32
      %add3A_95 = arith.addi %mul3A_93, %add3A_94 : i32
      %mul3A_96 = arith.constant 496 : i32
      %mul3A_97 = arith.muli %add3A_95, %mul3A_96 : i32
      %dma_wait3A_98 = tpu.memref_slice %arg6[%mul3A_97] : memref<10000xi32, #tpu.memory_space<vmem>> -> memref<496xi32, #tpu.memory_space<vmem>>
      %dma_wait3A_99 = arith.constant 0 : i32
      %dma_wait3A_100 = arith.constant 0 : i32
      %dma_wait3A_101 = tpu.memref_slice %arg8[%dma_wait3A_99, %dma_wait3A_100] : memref<10240x16xf32, #tpu.memory_space<vmem_shared>> -> memref<10240x16xf32, #tpu.memory_space<vmem_shared>>
      tpu.wait_indirect_dma semaphore(%arg10 : memref<!tpu.dma_semaphore, #tpu.memory_space<semaphore_mem>>) src(%arg7 : memref<496x16xf32, #tpu.memory_space<vmem>>) dst(%dma_wait3A_101 : memref<10240x16xf32, #tpu.memory_space<vmem_shared>>)
      %mul3A_102 = arith.constant 4 : i32
      %mul3A_103 = arith.muli %mul3A_102, %scan3A_68 : i32
      %add3A_104 = arith.constant 1 : i32
      %add3A_105 = arith.addi %mul3A_103, %add3A_104 : i32
      %mul3A_106 = arith.constant 496 : i32
      %mul3A_107 = arith.muli %add3A_105, %mul3A_106 : i32
      %dma_start3A_108 = tpu.memref_slice %arg6[%mul3A_107] : memref<10000xi32, #tpu.memory_space<vmem>> -> memref<496xi32, #tpu.memory_space<vmem>>
      %dma_start3A_109 = arith.constant 0 : i32
      %dma_start3A_110 = arith.constant 0 : i32
      %dma_start3A_111 = tpu.memref_slice %arg8[%dma_start3A_109, %dma_start3A_110] : memref<10240x16xf32, #tpu.memory_space<vmem_shared>> -> memref<10240x16xf32, #tpu.memory_space<vmem_shared>>
      tpu.enqueue_indirect_dma source(%arg7 : memref<496x16xf32, #tpu.memory_space<vmem>>) target(%dma_start3A_111 : memref<10240x16xf32, #tpu.memory_space<vmem_shared>>) offsets(%dma_start3A_108 : memref<496xi32, #tpu.memory_space<vmem>>) semaphore(%arg10 : memref<!tpu.dma_semaphore, #tpu.memory_space<semaphore_mem>>) {add = true}
      %sub3A_112 = arith.constant 1 : i32
      %sub3A_113 = arith.subi %scan3A_68, %sub3A_112 : i32
      %mul3A_114 = arith.constant 4 : i32
      %mul3A_115 = arith.muli %mul3A_114, %sub3A_113 : i32
      %add3A_116 = arith.constant 2 : i32
      %add3A_117 = arith.addi %mul3A_115, %add3A_116 : i32
      %mul3A_118 = arith.constant 496 : i32
      %mul3A_119 = arith.muli %add3A_117, %mul3A_118 : i32
      %dma_wait3A_120 = tpu.memref_slice %arg6[%mul3A_119] : memref<10000xi32, #tpu.memory_space<vmem>> -> memref<496xi32, #tpu.memory_space<vmem>>
      %dma_wait3A_121 = arith.constant 0 : i32
      %dma_wait3A_122 = arith.constant 0 : i32
      %dma_wait3A_123 = tpu.memref_slice %arg8[%dma_wait3A_121, %dma_wait3A_122] : memref<10240x16xf32, #tpu.memory_space<vmem_shared>> -> memref<10240x16xf32, #tpu.memory_space<vmem_shared>>
      tpu.wait_indirect_dma semaphore(%arg11 : memref<!tpu.dma_semaphore, #tpu.memory_space<semaphore_mem>>) src(%arg7 : memref<496x16xf32, #tpu.memory_space<vmem>>) dst(%dma_wait3A_123 : memref<10240x16xf32, #tpu.memory_space<vmem_shared>>)
      %mul3A_124 = arith.constant 4 : i32
      %mul3A_125 = arith.muli %mul3A_124, %scan3A_68 : i32
      %add3A_126 = arith.constant 2 : i32
      %add3A_127 = arith.addi %mul3A_125, %add3A_126 : i32
      %mul3A_128 = arith.constant 496 : i32
      %mul3A_129 = arith.muli %add3A_127, %mul3A_128 : i32
      %dma_start3A_130 = tpu.memref_slice %arg6[%mul3A_129] : memref<10000xi32, #tpu.memory_space<vmem>> -> memref<496xi32, #tpu.memory_space<vmem>>
      %dma_start3A_131 = arith.constant 0 : i32
      %dma_start3A_132 = arith.constant 0 : i32
      %dma_start3A_133 = tpu.memref_slice %arg8[%dma_start3A_131, %dma_start3A_132] : memref<10240x16xf32, #tpu.memory_space<vmem_shared>> -> memref<10240x16xf32, #tpu.memory_space<vmem_shared>>
      tpu.enqueue_indirect_dma source(%arg7 : memref<496x16xf32, #tpu.memory_space<vmem>>) target(%dma_start3A_133 : memref<10240x16xf32, #tpu.memory_space<vmem_shared>>) offsets(%dma_start3A_130 : memref<496xi32, #tpu.memory_space<vmem>>) semaphore(%arg11 : memref<!tpu.dma_semaphore, #tpu.memory_space<semaphore_mem>>) {add = true}
      %sub3A_134 = arith.constant 1 : i32
      %sub3A_135 = arith.subi %scan3A_68, %sub3A_134 : i32
      %mul3A_136 = arith.constant 4 : i32
      %mul3A_137 = arith.muli %mul3A_136, %sub3A_135 : i32
      %add3A_138 = arith.constant 3 : i32
      %add3A_139 = arith.addi %mul3A_137, %add3A_138 : i32
      %mul3A_140 = arith.constant 496 : i32
      %mul3A_141 = arith.muli %add3A_139, %mul3A_140 : i32
      %dma_wait3A_142 = tpu.memref_slice %arg6[%mul3A_141] : memref<10000xi32, #tpu.memory_space<vmem>> -> memref<496xi32, #tpu.memory_space<vmem>>
      %dma_wait3A_143 = arith.constant 0 : i32
      %dma_wait3A_144 = arith.constant 0 : i32
      %dma_wait3A_145 = tpu.memref_slice %arg8[%dma_wait3A_143, %dma_wait3A_144] : memref<10240x16xf32, #tpu.memory_space<vmem_shared>> -> memref<10240x16xf32, #tpu.memory_space<vmem_shared>>
      tpu.wait_indirect_dma semaphore(%arg12 : memref<!tpu.dma_semaphore, #tpu.memory_space<semaphore_mem>>) src(%arg7 : memref<496x16xf32, #tpu.memory_space<vmem>>) dst(%dma_wait3A_145 : memref<10240x16xf32, #tpu.memory_space<vmem_shared>>)
      %mul3A_146 = arith.constant 4 : i32
      %mul3A_147 = arith.muli %mul3A_146, %scan3A_68 : i32
      %add3A_148 = arith.constant 3 : i32
      %add3A_149 = arith.addi %mul3A_147, %add3A_148 : i32
      %mul3A_150 = arith.constant 496 : i32
      %mul3A_151 = arith.muli %add3A_149, %mul3A_150 : i32
      %dma_start3A_152 = tpu.memref_slice %arg6[%mul3A_151] : memref<10000xi32, #tpu.memory_space<vmem>> -> memref<496xi32, #tpu.memory_space<vmem>>
      %dma_start3A_153 = arith.constant 0 : i32
      %dma_start3A_154 = arith.constant 0 : i32
      %dma_start3A_155 = tpu.memref_slice %arg8[%dma_start3A_153, %dma_start3A_154] : memref<10240x16xf32, #tpu.memory_space<vmem_shared>> -> memref<10240x16xf32, #tpu.memory_space<vmem_shared>>
      tpu.enqueue_indirect_dma source(%arg7 : memref<496x16xf32, #tpu.memory_space<vmem>>) target(%dma_start3A_155 : memref<10240x16xf32, #tpu.memory_space<vmem_shared>>) offsets(%dma_start3A_152 : memref<496xi32, #tpu.memory_space<vmem>>) semaphore(%arg12 : memref<!tpu.dma_semaphore, #tpu.memory_space<semaphore_mem>>) {add = true}
    }
    %scan3A_27 = arith.constant 4 : i32
    %dma_wait3A = arith.constant 7936 : i32
    %dma_wait3A_28 = tpu.memref_slice %arg6[%dma_wait3A] : memref<10000xi32, #tpu.memory_space<vmem>> -> memref<496xi32, #tpu.memory_space<vmem>>
    %dma_wait3A_29 = arith.constant 0 : i32
    %dma_wait3A_30 = arith.constant 0 : i32
    %dma_wait3A_31 = tpu.memref_slice %arg8[%dma_wait3A_29, %dma_wait3A_30] : memref<10240x16xf32, #tpu.memory_space<vmem_shared>> -> memref<10240x16xf32, #tpu.memory_space<vmem_shared>>
    tpu.wait_indirect_dma semaphore(%arg9 : memref<!tpu.dma_semaphore, #tpu.memory_space<semaphore_mem>>) src(%arg7 : memref<496x16xf32, #tpu.memory_space<vmem>>) dst(%dma_wait3A_31 : memref<10240x16xf32, #tpu.memory_space<vmem_shared>>)
    %dma_wait3A_32 = arith.constant 8432 : i32
    %dma_wait3A_33 = tpu.memref_slice %arg6[%dma_wait3A_32] : memref<10000xi32, #tpu.memory_space<vmem>> -> memref<496xi32, #tpu.memory_space<vmem>>
    %dma_wait3A_34 = arith.constant 0 : i32
    %dma_wait3A_35 = arith.constant 0 : i32
    %dma_wait3A_36 = tpu.memref_slice %arg8[%dma_wait3A_34, %dma_wait3A_35] : memref<10240x16xf32, #tpu.memory_space<vmem_shared>> -> memref<10240x16xf32, #tpu.memory_space<vmem_shared>>
    tpu.wait_indirect_dma semaphore(%arg10 : memref<!tpu.dma_semaphore, #tpu.memory_space<semaphore_mem>>) src(%arg7 : memref<496x16xf32, #tpu.memory_space<vmem>>) dst(%dma_wait3A_36 : memref<10240x16xf32, #tpu.memory_space<vmem_shared>>)
    %dma_wait3A_37 = arith.constant 8928 : i32
    %dma_wait3A_38 = tpu.memref_slice %arg6[%dma_wait3A_37] : memref<10000xi32, #tpu.memory_space<vmem>> -> memref<496xi32, #tpu.memory_space<vmem>>
    %dma_wait3A_39 = arith.constant 0 : i32
    %dma_wait3A_40 = arith.constant 0 : i32
    %dma_wait3A_41 = tpu.memref_slice %arg8[%dma_wait3A_39, %dma_wait3A_40] : memref<10240x16xf32, #tpu.memory_space<vmem_shared>> -> memref<10240x16xf32, #tpu.memory_space<vmem_shared>>
    tpu.wait_indirect_dma semaphore(%arg11 : memref<!tpu.dma_semaphore, #tpu.memory_space<semaphore_mem>>) src(%arg7 : memref<496x16xf32, #tpu.memory_space<vmem>>) dst(%dma_wait3A_41 : memref<10240x16xf32, #tpu.memory_space<vmem_shared>>)
    %dma_wait3A_42 = arith.constant 9424 : i32
    %dma_wait3A_43 = tpu.memref_slice %arg6[%dma_wait3A_42] : memref<10000xi32, #tpu.memory_space<vmem>> -> memref<496xi32, #tpu.memory_space<vmem>>
    %dma_wait3A_44 = arith.constant 0 : i32
    %dma_wait3A_45 = arith.constant 0 : i32
    %dma_wait3A_46 = tpu.memref_slice %arg8[%dma_wait3A_44, %dma_wait3A_45] : memref<10240x16xf32, #tpu.memory_space<vmem_shared>> -> memref<10240x16xf32, #tpu.memory_space<vmem_shared>>
    tpu.wait_indirect_dma semaphore(%arg12 : memref<!tpu.dma_semaphore, #tpu.memory_space<semaphore_mem>>) src(%arg7 : memref<496x16xf32, #tpu.memory_space<vmem>>) dst(%dma_wait3A_46 : memref<10240x16xf32, #tpu.memory_space<vmem_shared>>)
    %dma_start3A_47 = arith.constant 0 : i32
    %dma_start3A_48 = arith.constant 0 : i32
    %dma_start3A_49 = tpu.memref_slice %arg7[%dma_start3A_47, %dma_start3A_48] : memref<496x16xf32, #tpu.memory_space<vmem>> -> memref<80x16xf32, #tpu.memory_space<vmem>>
    %dma_start3A_50 = arith.constant 9920 : i32
    %dma_start3A_51 = tpu.memref_slice %arg6[%dma_start3A_50] : memref<10000xi32, #tpu.memory_space<vmem>> -> memref<80xi32, #tpu.memory_space<vmem>>
    %dma_start3A_52 = arith.constant 0 : i32
    %dma_start3A_53 = arith.constant 0 : i32
    %dma_start3A_54 = tpu.memref_slice %arg8[%dma_start3A_52, %dma_start3A_53] : memref<10240x16xf32, #tpu.memory_space<vmem_shared>> -> memref<10240x16xf32, #tpu.memory_space<vmem_shared>>
    tpu.enqueue_indirect_dma source(%dma_start3A_49 : memref<80x16xf32, #tpu.memory_space<vmem>>) target(%dma_start3A_54 : memref<10240x16xf32, #tpu.memory_space<vmem_shared>>) offsets(%dma_start3A_51 : memref<80xi32, #tpu.memory_space<vmem>>) semaphore(%arg12 : memref<!tpu.dma_semaphore, #tpu.memory_space<semaphore_mem>>) {add = true}
    %dma_wait3A_55 = arith.constant 0 : i32
    %dma_wait3A_56 = arith.constant 0 : i32
    %dma_wait3A_57 = tpu.memref_slice %arg7[%dma_wait3A_55, %dma_wait3A_56] : memref<496x16xf32, #tpu.memory_space<vmem>> -> memref<80x16xf32, #tpu.memory_space<vmem>>
    %dma_wait3A_58 = arith.constant 9920 : i32
    %dma_wait3A_59 = tpu.memref_slice %arg6[%dma_wait3A_58] : memref<10000xi32, #tpu.memory_space<vmem>> -> memref<80xi32, #tpu.memory_space<vmem>>
    %dma_wait3A_60 = arith.constant 0 : i32
    %dma_wait3A_61 = arith.constant 0 : i32
    %dma_wait3A_62 = tpu.memref_slice %arg8[%dma_wait3A_60, %dma_wait3A_61] : memref<10240x16xf32, #tpu.memory_space<vmem_shared>> -> memref<10240x16xf32, #tpu.memory_space<vmem_shared>>
    tpu.wait_indirect_dma semaphore(%arg12 : memref<!tpu.dma_semaphore, #tpu.memory_space<semaphore_mem>>) src(%dma_wait3A_57 : memref<80x16xf32, #tpu.memory_space<vmem>>) dst(%dma_wait3A_62 : memref<10240x16xf32, #tpu.memory_space<vmem_shared>>)
    %barrier3A_63 = arith.constant 0 : index
    tpu.barrier barrier_id(%barrier3A_63)
    %mul3A_64 = arith.constant 640 : i32
    %mul3A_65 = arith.muli %arg1, %mul3A_64 : i32
    %mul3A_66 = arith.constant 640 : i32
    %mul3A_67 = arith.muli %arg1, %mul3A_66 : i32
    "tpu.region"() ({
      %run_scoped3A_68 = tpu.sem_alloc : memref<!tpu.dma_semaphore, #tpu.memory_space<semaphore_mem>>
      %dma_start3A_69 = arith.constant 0 : i32
      %dma_start3A_70 = tpu.memref_slice %arg5[%arg0, %mul3A_67, %dma_start3A_69] : memref<2x10240x16xf32, #tpu.memory_space<hbm>> -> memref<1x640x16xf32, #tpu.memory_space<hbm>>
      %dma_start3A_71 = tpu.memref_squeeze %dma_start3A_70 : memref<1x640x16xf32, #tpu.memory_space<hbm>> -> memref<640x16xf32, #tpu.memory_space<hbm>>
      %dma_start3A_72 = arith.constant 0 : i32
      %dma_start3A_73 = tpu.memref_slice %arg8[%mul3A_65, %dma_start3A_72] : memref<10240x16xf32, #tpu.memory_space<vmem_shared>> -> memref<640x16xf32, #tpu.memory_space<vmem_shared>>
      tpu.enqueue_dma source(%dma_start3A_73 : memref<640x16xf32, #tpu.memory_space<vmem_shared>>) target(%dma_start3A_71 : memref<640x16xf32, #tpu.memory_space<hbm>>) target_semaphore(%run_scoped3A_68 : memref<!tpu.dma_semaphore, #tpu.memory_space<semaphore_mem>>)
      %dma_wait3A_74 = arith.constant 0 : i32
      %dma_wait3A_75 = tpu.memref_slice %arg5[%arg0, %mul3A_67, %dma_wait3A_74] : memref<2x10240x16xf32, #tpu.memory_space<hbm>> -> memref<1x640x16xf32, #tpu.memory_space<hbm>>
      %dma_wait3A_76 = tpu.memref_squeeze %dma_wait3A_75 : memref<1x640x16xf32, #tpu.memory_space<hbm>> -> memref<640x16xf32, #tpu.memory_space<hbm>>
      %dma_wait3A_77 = arith.constant 0 : i32
      %dma_wait3A_78 = tpu.memref_slice %arg8[%mul3A_65, %dma_wait3A_77] : memref<10240x16xf32, #tpu.memory_space<vmem_shared>> -> memref<640x16xf32, #tpu.memory_space<vmem_shared>>
      tpu.wait_dma2 semaphore(%run_scoped3A_68 : memref<!tpu.dma_semaphore, #tpu.memory_space<semaphore_mem>>) src(%dma_wait3A_78 : memref<640x16xf32, #tpu.memory_space<vmem_shared>>) dst(%dma_wait3A_76 : memref<640x16xf32, #tpu.memory_space<hbm>>)
      tpu.yield
    }) : () -> ()
    return
  }
}

#map = affine_map<(d0, d1) -> (0, 0)>
#map1 = affine_map<(d0, d1) -> (0, 0, 0)>
module attributes {stable_mosaic.version = 14 : i64} {
  func.func @scat_kernel(%arg0: i32, %arg1: i32, %arg2: memref<10240x16xf32, #tpu.memory_space<hbm>>, %arg3: memref<2x320000xi32, #tpu.memory_space<hbm>>, %arg4: memref<640x16xf32, #tpu.memory_space<hbm>>, %arg5: memref<2x10240x16xf32, #tpu.memory_space<hbm>>, %arg6: memref<10000xi32, #tpu.memory_space<vmem>>, %arg7: memref<10000xi32, #tpu.memory_space<vmem>>, %arg8: memref<4x496x16xf32, #tpu.memory_space<vmem>>, %arg9: memref<80x16xf32, #tpu.memory_space<vmem>>, %arg10: memref<10240x16xf32, #tpu.memory_space<vmem_shared>>, %arg11: memref<!tpu.dma_semaphore, #tpu.memory_space<semaphore_mem>>, %arg12: memref<!tpu.dma_semaphore, #tpu.memory_space<semaphore_mem>>, %arg13: memref<!tpu.dma_semaphore, #tpu.memory_space<semaphore_mem>>, %arg14: memref<!tpu.dma_semaphore, #tpu.memory_space<semaphore_mem>>, %arg15: memref<!tpu.dma_semaphore, #tpu.memory_space<semaphore_mem>>, %arg16: memref<!tpu.dma_semaphore, #tpu.memory_space<semaphore_mem>>, %arg17: memref<!tpu.dma_semaphore, #tpu.memory_space<semaphore_mem>>, %arg18: memref<!tpu.dma_semaphore, #tpu.memory_space<semaphore_mem>>) attributes {dimension_semantics = [#tpu.dimension_semantics<core_parallel>, #tpu.dimension_semantics<subcore_parallel>], iteration_bounds = array<i64: 2, 16>, scalar_prefetch = 0 : i64, scratch_operands = 13 : i64, tpu.core_type = #tpu.core_type<sc_vector_subcore>, window_params = [{transform_indices = #map}, {transform_indices = #map}, {transform_indices = #map}, {transform_indices = #map1}]} {
    %mul3A = arith.constant 2 : i32
    %mul3A_0 = arith.muli %arg1, %mul3A : i32
    %add3A = arith.addi %mul3A_0, %arg0 : i32
    %mul3A_1 = arith.constant 640 : i32
    %mul3A_2 = arith.muli %arg1, %mul3A_1 : i32
    "tpu.region"() ({
      %run_scoped3A_185 = tpu.sem_alloc : memref<!tpu.dma_semaphore, #tpu.memory_space<semaphore_mem>>
      %dma_start3A_186 = arith.constant 0 : i32
      %dma_start3A_187 = tpu.memref_slice %arg10[%mul3A_2, %dma_start3A_186] : memref<10240x16xf32, #tpu.memory_space<vmem_shared>> -> memref<640x16xf32, #tpu.memory_space<vmem_shared>>
      tpu.enqueue_dma source(%arg4 : memref<640x16xf32, #tpu.memory_space<hbm>>) target(%dma_start3A_187 : memref<640x16xf32, #tpu.memory_space<vmem_shared>>) target_semaphore(%run_scoped3A_185 : memref<!tpu.dma_semaphore, #tpu.memory_space<semaphore_mem>>)
      %dma_wait3A_188 = arith.constant 0 : i32
      %dma_wait3A_189 = tpu.memref_slice %arg10[%mul3A_2, %dma_wait3A_188] : memref<10240x16xf32, #tpu.memory_space<vmem_shared>> -> memref<640x16xf32, #tpu.memory_space<vmem_shared>>
      tpu.wait_dma2 semaphore(%run_scoped3A_185 : memref<!tpu.dma_semaphore, #tpu.memory_space<semaphore_mem>>) src(%arg4 : memref<640x16xf32, #tpu.memory_space<hbm>>) dst(%dma_wait3A_189 : memref<640x16xf32, #tpu.memory_space<vmem_shared>>)
      tpu.yield
    }) : () -> ()
    %mul3A_3 = arith.constant 10000 : i32
    %mul3A_4 = arith.muli %add3A, %mul3A_3 : i32
    %run_scoped3A = arith.constant 0 : i32
    "tpu.region"() ({
      %run_scoped3A_185 = tpu.sem_alloc : memref<!tpu.dma_semaphore, #tpu.memory_space<semaphore_mem>>
      %dma_start3A_186 = tpu.memref_slice %arg3[%run_scoped3A, %mul3A_4] : memref<2x320000xi32, #tpu.memory_space<hbm>> -> memref<1x10000xi32, #tpu.memory_space<hbm>>
      %dma_start3A_187 = tpu.memref_squeeze %dma_start3A_186 : memref<1x10000xi32, #tpu.memory_space<hbm>> -> memref<10000xi32, #tpu.memory_space<hbm>>
      %dma_start3A_188 = tpu.memref_slice %arg3[%run_scoped3A, %mul3A_4] : memref<2x320000xi32, #tpu.memory_space<hbm>> -> memref<1x10000xi32, #tpu.memory_space<hbm>>
      %dma_start3A_189 = tpu.memref_squeeze %dma_start3A_188 : memref<1x10000xi32, #tpu.memory_space<hbm>> -> memref<10000xi32, #tpu.memory_space<hbm>>
      tpu.enqueue_dma source(%dma_start3A_189 : memref<10000xi32, #tpu.memory_space<hbm>>) target(%arg6 : memref<10000xi32, #tpu.memory_space<vmem>>) target_semaphore(%run_scoped3A_185 : memref<!tpu.dma_semaphore, #tpu.memory_space<semaphore_mem>>)
      %dma_wait3A_190 = tpu.memref_slice %arg3[%run_scoped3A, %mul3A_4] : memref<2x320000xi32, #tpu.memory_space<hbm>> -> memref<1x10000xi32, #tpu.memory_space<hbm>>
      %dma_wait3A_191 = tpu.memref_squeeze %dma_wait3A_190 : memref<1x10000xi32, #tpu.memory_space<hbm>> -> memref<10000xi32, #tpu.memory_space<hbm>>
      %dma_wait3A_192 = tpu.memref_slice %arg3[%run_scoped3A, %mul3A_4] : memref<2x320000xi32, #tpu.memory_space<hbm>> -> memref<1x10000xi32, #tpu.memory_space<hbm>>
      %dma_wait3A_193 = tpu.memref_squeeze %dma_wait3A_192 : memref<1x10000xi32, #tpu.memory_space<hbm>> -> memref<10000xi32, #tpu.memory_space<hbm>>
      tpu.wait_dma2 semaphore(%run_scoped3A_185 : memref<!tpu.dma_semaphore, #tpu.memory_space<semaphore_mem>>) src(%dma_wait3A_193 : memref<10000xi32, #tpu.memory_space<hbm>>) dst(%arg6 : memref<10000xi32, #tpu.memory_space<vmem>>)
      tpu.yield
    }) : () -> ()
    %mul3A_5 = arith.constant 10000 : i32
    %mul3A_6 = arith.muli %add3A, %mul3A_5 : i32
    %run_scoped3A_7 = arith.constant 1 : i32
    "tpu.region"() ({
      %run_scoped3A_185 = tpu.sem_alloc : memref<!tpu.dma_semaphore, #tpu.memory_space<semaphore_mem>>
      %dma_start3A_186 = tpu.memref_slice %arg3[%run_scoped3A_7, %mul3A_6] : memref<2x320000xi32, #tpu.memory_space<hbm>> -> memref<1x10000xi32, #tpu.memory_space<hbm>>
      %dma_start3A_187 = tpu.memref_squeeze %dma_start3A_186 : memref<1x10000xi32, #tpu.memory_space<hbm>> -> memref<10000xi32, #tpu.memory_space<hbm>>
      %dma_start3A_188 = tpu.memref_slice %arg3[%run_scoped3A_7, %mul3A_6] : memref<2x320000xi32, #tpu.memory_space<hbm>> -> memref<1x10000xi32, #tpu.memory_space<hbm>>
      %dma_start3A_189 = tpu.memref_squeeze %dma_start3A_188 : memref<1x10000xi32, #tpu.memory_space<hbm>> -> memref<10000xi32, #tpu.memory_space<hbm>>
      tpu.enqueue_dma source(%dma_start3A_189 : memref<10000xi32, #tpu.memory_space<hbm>>) target(%arg7 : memref<10000xi32, #tpu.memory_space<vmem>>) target_semaphore(%run_scoped3A_185 : memref<!tpu.dma_semaphore, #tpu.memory_space<semaphore_mem>>)
      %dma_wait3A_190 = tpu.memref_slice %arg3[%run_scoped3A_7, %mul3A_6] : memref<2x320000xi32, #tpu.memory_space<hbm>> -> memref<1x10000xi32, #tpu.memory_space<hbm>>
      %dma_wait3A_191 = tpu.memref_squeeze %dma_wait3A_190 : memref<1x10000xi32, #tpu.memory_space<hbm>> -> memref<10000xi32, #tpu.memory_space<hbm>>
      %dma_wait3A_192 = tpu.memref_slice %arg3[%run_scoped3A_7, %mul3A_6] : memref<2x320000xi32, #tpu.memory_space<hbm>> -> memref<1x10000xi32, #tpu.memory_space<hbm>>
      %dma_wait3A_193 = tpu.memref_squeeze %dma_wait3A_192 : memref<1x10000xi32, #tpu.memory_space<hbm>> -> memref<10000xi32, #tpu.memory_space<hbm>>
      tpu.wait_dma2 semaphore(%run_scoped3A_185 : memref<!tpu.dma_semaphore, #tpu.memory_space<semaphore_mem>>) src(%dma_wait3A_193 : memref<10000xi32, #tpu.memory_space<hbm>>) dst(%arg7 : memref<10000xi32, #tpu.memory_space<vmem>>)
      tpu.yield
    }) : () -> ()
    %barrier3A = arith.constant 0 : index
    tpu.barrier barrier_id(%barrier3A)
    %dma_start3A = arith.constant 0 : i32
    %dma_start3A_8 = arith.constant 0 : i32
    %dma_start3A_9 = arith.constant 0 : i32
    %dma_start3A_10 = tpu.memref_slice %arg8[%dma_start3A, %dma_start3A_8, %dma_start3A_9] : memref<4x496x16xf32, #tpu.memory_space<vmem>> -> memref<1x496x16xf32, #tpu.memory_space<vmem>>
    %dma_start3A_11 = tpu.memref_squeeze %dma_start3A_10 : memref<1x496x16xf32, #tpu.memory_space<vmem>> -> memref<496x16xf32, #tpu.memory_space<vmem>>
    %dma_start3A_12 = arith.constant 0 : i32
    %dma_start3A_13 = tpu.memref_slice %arg6[%dma_start3A_12] : memref<10000xi32, #tpu.memory_space<vmem>> -> memref<496xi32, #tpu.memory_space<vmem>>
    %dma_start3A_14 = arith.constant 0 : i32
    %dma_start3A_15 = arith.constant 0 : i32
    %dma_start3A_16 = tpu.memref_slice %arg2[%dma_start3A_14, %dma_start3A_15] : memref<10240x16xf32, #tpu.memory_space<hbm>> -> memref<10240x16xf32, #tpu.memory_space<hbm>>
    tpu.enqueue_indirect_dma source(%dma_start3A_16 : memref<10240x16xf32, #tpu.memory_space<hbm>>) target(%dma_start3A_11 : memref<496x16xf32, #tpu.memory_space<vmem>>) offsets(%dma_start3A_13 : memref<496xi32, #tpu.memory_space<vmem>>) semaphore(%arg11 : memref<!tpu.dma_semaphore, #tpu.memory_space<semaphore_mem>>)
    %dma_start3A_17 = arith.constant 1 : i32
    %dma_start3A_18 = arith.constant 0 : i32
    %dma_start3A_19 = arith.constant 0 : i32
    %dma_start3A_20 = tpu.memref_slice %arg8[%dma_start3A_17, %dma_start3A_18, %dma_start3A_19] : memref<4x496x16xf32, #tpu.memory_space<vmem>> -> memref<1x496x16xf32, #tpu.memory_space<vmem>>
    %dma_start3A_21 = tpu.memref_squeeze %dma_start3A_20 : memref<1x496x16xf32, #tpu.memory_space<vmem>> -> memref<496x16xf32, #tpu.memory_space<vmem>>
    %dma_start3A_22 = arith.constant 496 : i32
    %dma_start3A_23 = tpu.memref_slice %arg6[%dma_start3A_22] : memref<10000xi32, #tpu.memory_space<vmem>> -> memref<496xi32, #tpu.memory_space<vmem>>
    %dma_start3A_24 = arith.constant 0 : i32
    %dma_start3A_25 = arith.constant 0 : i32
    %dma_start3A_26 = tpu.memref_slice %arg2[%dma_start3A_24, %dma_start3A_25] : memref<10240x16xf32, #tpu.memory_space<hbm>> -> memref<10240x16xf32, #tpu.memory_space<hbm>>
    tpu.enqueue_indirect_dma source(%dma_start3A_26 : memref<10240x16xf32, #tpu.memory_space<hbm>>) target(%dma_start3A_21 : memref<496x16xf32, #tpu.memory_space<vmem>>) offsets(%dma_start3A_23 : memref<496xi32, #tpu.memory_space<vmem>>) semaphore(%arg12 : memref<!tpu.dma_semaphore, #tpu.memory_space<semaphore_mem>>)
    %dma_start3A_27 = arith.constant 2 : i32
    %dma_start3A_28 = arith.constant 0 : i32
    %dma_start3A_29 = arith.constant 0 : i32
    %dma_start3A_30 = tpu.memref_slice %arg8[%dma_start3A_27, %dma_start3A_28, %dma_start3A_29] : memref<4x496x16xf32, #tpu.memory_space<vmem>> -> memref<1x496x16xf32, #tpu.memory_space<vmem>>
    %dma_start3A_31 = tpu.memref_squeeze %dma_start3A_30 : memref<1x496x16xf32, #tpu.memory_space<vmem>> -> memref<496x16xf32, #tpu.memory_space<vmem>>
    %dma_start3A_32 = arith.constant 992 : i32
    %dma_start3A_33 = tpu.memref_slice %arg6[%dma_start3A_32] : memref<10000xi32, #tpu.memory_space<vmem>> -> memref<496xi32, #tpu.memory_space<vmem>>
    %dma_start3A_34 = arith.constant 0 : i32
    %dma_start3A_35 = arith.constant 0 : i32
    %dma_start3A_36 = tpu.memref_slice %arg2[%dma_start3A_34, %dma_start3A_35] : memref<10240x16xf32, #tpu.memory_space<hbm>> -> memref<10240x16xf32, #tpu.memory_space<hbm>>
    tpu.enqueue_indirect_dma source(%dma_start3A_36 : memref<10240x16xf32, #tpu.memory_space<hbm>>) target(%dma_start3A_31 : memref<496x16xf32, #tpu.memory_space<vmem>>) offsets(%dma_start3A_33 : memref<496xi32, #tpu.memory_space<vmem>>) semaphore(%arg13 : memref<!tpu.dma_semaphore, #tpu.memory_space<semaphore_mem>>)
    %dma_start3A_37 = arith.constant 3 : i32
    %dma_start3A_38 = arith.constant 0 : i32
    %dma_start3A_39 = arith.constant 0 : i32
    %dma_start3A_40 = tpu.memref_slice %arg8[%dma_start3A_37, %dma_start3A_38, %dma_start3A_39] : memref<4x496x16xf32, #tpu.memory_space<vmem>> -> memref<1x496x16xf32, #tpu.memory_space<vmem>>
    %dma_start3A_41 = tpu.memref_squeeze %dma_start3A_40 : memref<1x496x16xf32, #tpu.memory_space<vmem>> -> memref<496x16xf32, #tpu.memory_space<vmem>>
    %dma_start3A_42 = arith.constant 1488 : i32
    %dma_start3A_43 = tpu.memref_slice %arg6[%dma_start3A_42] : memref<10000xi32, #tpu.memory_space<vmem>> -> memref<496xi32, #tpu.memory_space<vmem>>
    %dma_start3A_44 = arith.constant 0 : i32
    %dma_start3A_45 = arith.constant 0 : i32
    %dma_start3A_46 = tpu.memref_slice %arg2[%dma_start3A_44, %dma_start3A_45] : memref<10240x16xf32, #tpu.memory_space<hbm>> -> memref<10240x16xf32, #tpu.memory_space<hbm>>
    tpu.enqueue_indirect_dma source(%dma_start3A_46 : memref<10240x16xf32, #tpu.memory_space<hbm>>) target(%dma_start3A_41 : memref<496x16xf32, #tpu.memory_space<vmem>>) offsets(%dma_start3A_43 : memref<496xi32, #tpu.memory_space<vmem>>) semaphore(%arg14 : memref<!tpu.dma_semaphore, #tpu.memory_space<semaphore_mem>>)
    %scan3A = arith.constant 0 : i32
    %scan3A_47 = arith.constant 4 : i32
    %scan3A_48 = arith.addi %scan3A, %scan3A_47 : i32
    %scan3A_49 = arith.constant 1 : i32
    scf.for %scan3A_185 = %scan3A to %scan3A_48 step %scan3A_49  : i32 {
      %mul3A_186 = arith.constant 4 : i32
      %mul3A_187 = arith.muli %mul3A_186, %scan3A_185 : i32
      %add3A_188 = arith.constant 0 : i32
      %add3A_189 = arith.addi %mul3A_187, %add3A_188 : i32
      %mul3A_190 = arith.constant 496 : i32
      %mul3A_191 = arith.muli %add3A_189, %mul3A_190 : i32
      %dma_wait3A_192 = arith.constant 0 : i32
      %dma_wait3A_193 = arith.constant 0 : i32
      %dma_wait3A_194 = arith.constant 0 : i32
      %dma_wait3A_195 = tpu.memref_slice %arg8[%dma_wait3A_192, %dma_wait3A_193, %dma_wait3A_194] : memref<4x496x16xf32, #tpu.memory_space<vmem>> -> memref<1x496x16xf32, #tpu.memory_space<vmem>>
      %dma_wait3A_196 = tpu.memref_squeeze %dma_wait3A_195 : memref<1x496x16xf32, #tpu.memory_space<vmem>> -> memref<496x16xf32, #tpu.memory_space<vmem>>
      %dma_wait3A_197 = tpu.memref_slice %arg6[%mul3A_191] : memref<10000xi32, #tpu.memory_space<vmem>> -> memref<496xi32, #tpu.memory_space<vmem>>
      %dma_wait3A_198 = arith.constant 0 : i32
      %dma_wait3A_199 = arith.constant 0 : i32
      %dma_wait3A_200 = tpu.memref_slice %arg2[%dma_wait3A_198, %dma_wait3A_199] : memref<10240x16xf32, #tpu.memory_space<hbm>> -> memref<10240x16xf32, #tpu.memory_space<hbm>>
      tpu.wait_indirect_dma semaphore(%arg11 : memref<!tpu.dma_semaphore, #tpu.memory_space<semaphore_mem>>) src(%dma_wait3A_200 : memref<10240x16xf32, #tpu.memory_space<hbm>>) dst(%dma_wait3A_196 : memref<496x16xf32, #tpu.memory_space<vmem>>)
      %add3A_201 = arith.constant 0 : i32
      %add3A_202 = arith.addi %mul3A_187, %add3A_201 : i32
      %mul3A_203 = arith.constant 496 : i32
      %mul3A_204 = arith.muli %add3A_202, %mul3A_203 : i32
      %dma_start3A_205 = arith.constant 0 : i32
      %dma_start3A_206 = arith.constant 0 : i32
      %dma_start3A_207 = arith.constant 0 : i32
      %dma_start3A_208 = tpu.memref_slice %arg8[%dma_start3A_205, %dma_start3A_206, %dma_start3A_207] : memref<4x496x16xf32, #tpu.memory_space<vmem>> -> memref<1x496x16xf32, #tpu.memory_space<vmem>>
      %dma_start3A_209 = tpu.memref_squeeze %dma_start3A_208 : memref<1x496x16xf32, #tpu.memory_space<vmem>> -> memref<496x16xf32, #tpu.memory_space<vmem>>
      %dma_start3A_210 = tpu.memref_slice %arg7[%mul3A_204] : memref<10000xi32, #tpu.memory_space<vmem>> -> memref<496xi32, #tpu.memory_space<vmem>>
      %dma_start3A_211 = arith.constant 0 : i32
      %dma_start3A_212 = arith.constant 0 : i32
      %dma_start3A_213 = tpu.memref_slice %arg10[%dma_start3A_211, %dma_start3A_212] : memref<10240x16xf32, #tpu.memory_space<vmem_shared>> -> memref<10240x16xf32, #tpu.memory_space<vmem_shared>>
      tpu.enqueue_indirect_dma source(%dma_start3A_209 : memref<496x16xf32, #tpu.memory_space<vmem>>) target(%dma_start3A_213 : memref<10240x16xf32, #tpu.memory_space<vmem_shared>>) offsets(%dma_start3A_210 : memref<496xi32, #tpu.memory_space<vmem>>) semaphore(%arg15 : memref<!tpu.dma_semaphore, #tpu.memory_space<semaphore_mem>>) {add = true}
      %add3A_214 = arith.constant 1 : i32
      %add3A_215 = arith.addi %mul3A_187, %add3A_214 : i32
      %mul3A_216 = arith.constant 496 : i32
      %mul3A_217 = arith.muli %add3A_215, %mul3A_216 : i32
      %dma_wait3A_218 = arith.constant 1 : i32
      %dma_wait3A_219 = arith.constant 0 : i32
      %dma_wait3A_220 = arith.constant 0 : i32
      %dma_wait3A_221 = tpu.memref_slice %arg8[%dma_wait3A_218, %dma_wait3A_219, %dma_wait3A_220] : memref<4x496x16xf32, #tpu.memory_space<vmem>> -> memref<1x496x16xf32, #tpu.memory_space<vmem>>
      %dma_wait3A_222 = tpu.memref_squeeze %dma_wait3A_221 : memref<1x496x16xf32, #tpu.memory_space<vmem>> -> memref<496x16xf32, #tpu.memory_space<vmem>>
      %dma_wait3A_223 = tpu.memref_slice %arg6[%mul3A_217] : memref<10000xi32, #tpu.memory_space<vmem>> -> memref<496xi32, #tpu.memory_space<vmem>>
      %dma_wait3A_224 = arith.constant 0 : i32
      %dma_wait3A_225 = arith.constant 0 : i32
      %dma_wait3A_226 = tpu.memref_slice %arg2[%dma_wait3A_224, %dma_wait3A_225] : memref<10240x16xf32, #tpu.memory_space<hbm>> -> memref<10240x16xf32, #tpu.memory_space<hbm>>
      tpu.wait_indirect_dma semaphore(%arg12 : memref<!tpu.dma_semaphore, #tpu.memory_space<semaphore_mem>>) src(%dma_wait3A_226 : memref<10240x16xf32, #tpu.memory_space<hbm>>) dst(%dma_wait3A_222 : memref<496x16xf32, #tpu.memory_space<vmem>>)
      %add3A_227 = arith.constant 1 : i32
      %add3A_228 = arith.addi %mul3A_187, %add3A_227 : i32
      %mul3A_229 = arith.constant 496 : i32
      %mul3A_230 = arith.muli %add3A_228, %mul3A_229 : i32
      %dma_start3A_231 = arith.constant 1 : i32
      %dma_start3A_232 = arith.constant 0 : i32
      %dma_start3A_233 = arith.constant 0 : i32
      %dma_start3A_234 = tpu.memref_slice %arg8[%dma_start3A_231, %dma_start3A_232, %dma_start3A_233] : memref<4x496x16xf32, #tpu.memory_space<vmem>> -> memref<1x496x16xf32, #tpu.memory_space<vmem>>
      %dma_start3A_235 = tpu.memref_squeeze %dma_start3A_234 : memref<1x496x16xf32, #tpu.memory_space<vmem>> -> memref<496x16xf32, #tpu.memory_space<vmem>>
      %dma_start3A_236 = tpu.memref_slice %arg7[%mul3A_230] : memref<10000xi32, #tpu.memory_space<vmem>> -> memref<496xi32, #tpu.memory_space<vmem>>
      %dma_start3A_237 = arith.constant 0 : i32
      %dma_start3A_238 = arith.constant 0 : i32
      %dma_start3A_239 = tpu.memref_slice %arg10[%dma_start3A_237, %dma_start3A_238] : memref<10240x16xf32, #tpu.memory_space<vmem_shared>> -> memref<10240x16xf32, #tpu.memory_space<vmem_shared>>
      tpu.enqueue_indirect_dma source(%dma_start3A_235 : memref<496x16xf32, #tpu.memory_space<vmem>>) target(%dma_start3A_239 : memref<10240x16xf32, #tpu.memory_space<vmem_shared>>) offsets(%dma_start3A_236 : memref<496xi32, #tpu.memory_space<vmem>>) semaphore(%arg16 : memref<!tpu.dma_semaphore, #tpu.memory_space<semaphore_mem>>) {add = true}
      %add3A_240 = arith.constant 2 : i32
      %add3A_241 = arith.addi %mul3A_187, %add3A_240 : i32
      %mul3A_242 = arith.constant 496 : i32
      %mul3A_243 = arith.muli %add3A_241, %mul3A_242 : i32
      %dma_wait3A_244 = arith.constant 2 : i32
      %dma_wait3A_245 = arith.constant 0 : i32
      %dma_wait3A_246 = arith.constant 0 : i32
      %dma_wait3A_247 = tpu.memref_slice %arg8[%dma_wait3A_244, %dma_wait3A_245, %dma_wait3A_246] : memref<4x496x16xf32, #tpu.memory_space<vmem>> -> memref<1x496x16xf32, #tpu.memory_space<vmem>>
      %dma_wait3A_248 = tpu.memref_squeeze %dma_wait3A_247 : memref<1x496x16xf32, #tpu.memory_space<vmem>> -> memref<496x16xf32, #tpu.memory_space<vmem>>
      %dma_wait3A_249 = tpu.memref_slice %arg6[%mul3A_243] : memref<10000xi32, #tpu.memory_space<vmem>> -> memref<496xi32, #tpu.memory_space<vmem>>
      %dma_wait3A_250 = arith.constant 0 : i32
      %dma_wait3A_251 = arith.constant 0 : i32
      %dma_wait3A_252 = tpu.memref_slice %arg2[%dma_wait3A_250, %dma_wait3A_251] : memref<10240x16xf32, #tpu.memory_space<hbm>> -> memref<10240x16xf32, #tpu.memory_space<hbm>>
      tpu.wait_indirect_dma semaphore(%arg13 : memref<!tpu.dma_semaphore, #tpu.memory_space<semaphore_mem>>) src(%dma_wait3A_252 : memref<10240x16xf32, #tpu.memory_space<hbm>>) dst(%dma_wait3A_248 : memref<496x16xf32, #tpu.memory_space<vmem>>)
      %add3A_253 = arith.constant 2 : i32
      %add3A_254 = arith.addi %mul3A_187, %add3A_253 : i32
      %mul3A_255 = arith.constant 496 : i32
      %mul3A_256 = arith.muli %add3A_254, %mul3A_255 : i32
      %dma_start3A_257 = arith.constant 2 : i32
      %dma_start3A_258 = arith.constant 0 : i32
      %dma_start3A_259 = arith.constant 0 : i32
      %dma_start3A_260 = tpu.memref_slice %arg8[%dma_start3A_257, %dma_start3A_258, %dma_start3A_259] : memref<4x496x16xf32, #tpu.memory_space<vmem>> -> memref<1x496x16xf32, #tpu.memory_space<vmem>>
      %dma_start3A_261 = tpu.memref_squeeze %dma_start3A_260 : memref<1x496x16xf32, #tpu.memory_space<vmem>> -> memref<496x16xf32, #tpu.memory_space<vmem>>
      %dma_start3A_262 = tpu.memref_slice %arg7[%mul3A_256] : memref<10000xi32, #tpu.memory_space<vmem>> -> memref<496xi32, #tpu.memory_space<vmem>>
      %dma_start3A_263 = arith.constant 0 : i32
      %dma_start3A_264 = arith.constant 0 : i32
      %dma_start3A_265 = tpu.memref_slice %arg10[%dma_start3A_263, %dma_start3A_264] : memref<10240x16xf32, #tpu.memory_space<vmem_shared>> -> memref<10240x16xf32, #tpu.memory_space<vmem_shared>>
      tpu.enqueue_indirect_dma source(%dma_start3A_261 : memref<496x16xf32, #tpu.memory_space<vmem>>) target(%dma_start3A_265 : memref<10240x16xf32, #tpu.memory_space<vmem_shared>>) offsets(%dma_start3A_262 : memref<496xi32, #tpu.memory_space<vmem>>) semaphore(%arg17 : memref<!tpu.dma_semaphore, #tpu.memory_space<semaphore_mem>>) {add = true}
      %add3A_266 = arith.constant 3 : i32
      %add3A_267 = arith.addi %mul3A_187, %add3A_266 : i32
      %mul3A_268 = arith.constant 496 : i32
      %mul3A_269 = arith.muli %add3A_267, %mul3A_268 : i32
      %dma_wait3A_270 = arith.constant 3 : i32
      %dma_wait3A_271 = arith.constant 0 : i32
      %dma_wait3A_272 = arith.constant 0 : i32
      %dma_wait3A_273 = tpu.memref_slice %arg8[%dma_wait3A_270, %dma_wait3A_271, %dma_wait3A_272] : memref<4x496x16xf32, #tpu.memory_space<vmem>> -> memref<1x496x16xf32, #tpu.memory_space<vmem>>
      %dma_wait3A_274 = tpu.memref_squeeze %dma_wait3A_273 : memref<1x496x16xf32, #tpu.memory_space<vmem>> -> memref<496x16xf32, #tpu.memory_space<vmem>>
      %dma_wait3A_275 = tpu.memref_slice %arg6[%mul3A_269] : memref<10000xi32, #tpu.memory_space<vmem>> -> memref<496xi32, #tpu.memory_space<vmem>>
      %dma_wait3A_276 = arith.constant 0 : i32
      %dma_wait3A_277 = arith.constant 0 : i32
      %dma_wait3A_278 = tpu.memref_slice %arg2[%dma_wait3A_276, %dma_wait3A_277] : memref<10240x16xf32, #tpu.memory_space<hbm>> -> memref<10240x16xf32, #tpu.memory_space<hbm>>
      tpu.wait_indirect_dma semaphore(%arg14 : memref<!tpu.dma_semaphore, #tpu.memory_space<semaphore_mem>>) src(%dma_wait3A_278 : memref<10240x16xf32, #tpu.memory_space<hbm>>) dst(%dma_wait3A_274 : memref<496x16xf32, #tpu.memory_space<vmem>>)
      %add3A_279 = arith.constant 3 : i32
      %add3A_280 = arith.addi %mul3A_187, %add3A_279 : i32
      %mul3A_281 = arith.constant 496 : i32
      %mul3A_282 = arith.muli %add3A_280, %mul3A_281 : i32
      %dma_start3A_283 = arith.constant 3 : i32
      %dma_start3A_284 = arith.constant 0 : i32
      %dma_start3A_285 = arith.constant 0 : i32
      %dma_start3A_286 = tpu.memref_slice %arg8[%dma_start3A_283, %dma_start3A_284, %dma_start3A_285] : memref<4x496x16xf32, #tpu.memory_space<vmem>> -> memref<1x496x16xf32, #tpu.memory_space<vmem>>
      %dma_start3A_287 = tpu.memref_squeeze %dma_start3A_286 : memref<1x496x16xf32, #tpu.memory_space<vmem>> -> memref<496x16xf32, #tpu.memory_space<vmem>>
      %dma_start3A_288 = tpu.memref_slice %arg7[%mul3A_282] : memref<10000xi32, #tpu.memory_space<vmem>> -> memref<496xi32, #tpu.memory_space<vmem>>
      %dma_start3A_289 = arith.constant 0 : i32
      %dma_start3A_290 = arith.constant 0 : i32
      %dma_start3A_291 = tpu.memref_slice %arg10[%dma_start3A_289, %dma_start3A_290] : memref<10240x16xf32, #tpu.memory_space<vmem_shared>> -> memref<10240x16xf32, #tpu.memory_space<vmem_shared>>
      tpu.enqueue_indirect_dma source(%dma_start3A_287 : memref<496x16xf32, #tpu.memory_space<vmem>>) target(%dma_start3A_291 : memref<10240x16xf32, #tpu.memory_space<vmem_shared>>) offsets(%dma_start3A_288 : memref<496xi32, #tpu.memory_space<vmem>>) semaphore(%arg18 : memref<!tpu.dma_semaphore, #tpu.memory_space<semaphore_mem>>) {add = true}
      %add3A_292 = arith.constant 0 : i32
      %add3A_293 = arith.addi %mul3A_187, %add3A_292 : i32
      %mul3A_294 = arith.constant 496 : i32
      %mul3A_295 = arith.muli %add3A_293, %mul3A_294 : i32
      %dma_wait3A_296 = arith.constant 0 : i32
      %dma_wait3A_297 = arith.constant 0 : i32
      %dma_wait3A_298 = arith.constant 0 : i32
      %dma_wait3A_299 = tpu.memref_slice %arg8[%dma_wait3A_296, %dma_wait3A_297, %dma_wait3A_298] : memref<4x496x16xf32, #tpu.memory_space<vmem>> -> memref<1x496x16xf32, #tpu.memory_space<vmem>>
      %dma_wait3A_300 = tpu.memref_squeeze %dma_wait3A_299 : memref<1x496x16xf32, #tpu.memory_space<vmem>> -> memref<496x16xf32, #tpu.memory_space<vmem>>
      %dma_wait3A_301 = tpu.memref_slice %arg7[%mul3A_295] : memref<10000xi32, #tpu.memory_space<vmem>> -> memref<496xi32, #tpu.memory_space<vmem>>
      %dma_wait3A_302 = arith.constant 0 : i32
      %dma_wait3A_303 = arith.constant 0 : i32
      %dma_wait3A_304 = tpu.memref_slice %arg10[%dma_wait3A_302, %dma_wait3A_303] : memref<10240x16xf32, #tpu.memory_space<vmem_shared>> -> memref<10240x16xf32, #tpu.memory_space<vmem_shared>>
      tpu.wait_indirect_dma semaphore(%arg15 : memref<!tpu.dma_semaphore, #tpu.memory_space<semaphore_mem>>) src(%dma_wait3A_300 : memref<496x16xf32, #tpu.memory_space<vmem>>) dst(%dma_wait3A_304 : memref<10240x16xf32, #tpu.memory_space<vmem_shared>>)
      %add3A_305 = arith.constant 4 : i32
      %add3A_306 = arith.addi %mul3A_187, %add3A_305 : i32
      %add3A_307 = arith.constant 0 : i32
      %add3A_308 = arith.addi %add3A_306, %add3A_307 : i32
      %mul3A_309 = arith.constant 496 : i32
      %mul3A_310 = arith.muli %add3A_308, %mul3A_309 : i32
      %dma_start3A_311 = arith.constant 0 : i32
      %dma_start3A_312 = arith.constant 0 : i32
      %dma_start3A_313 = arith.constant 0 : i32
      %dma_start3A_314 = tpu.memref_slice %arg8[%dma_start3A_311, %dma_start3A_312, %dma_start3A_313] : memref<4x496x16xf32, #tpu.memory_space<vmem>> -> memref<1x496x16xf32, #tpu.memory_space<vmem>>
      %dma_start3A_315 = tpu.memref_squeeze %dma_start3A_314 : memref<1x496x16xf32, #tpu.memory_space<vmem>> -> memref<496x16xf32, #tpu.memory_space<vmem>>
      %dma_start3A_316 = tpu.memref_slice %arg6[%mul3A_310] : memref<10000xi32, #tpu.memory_space<vmem>> -> memref<496xi32, #tpu.memory_space<vmem>>
      %dma_start3A_317 = arith.constant 0 : i32
      %dma_start3A_318 = arith.constant 0 : i32
      %dma_start3A_319 = tpu.memref_slice %arg2[%dma_start3A_317, %dma_start3A_318] : memref<10240x16xf32, #tpu.memory_space<hbm>> -> memref<10240x16xf32, #tpu.memory_space<hbm>>
      tpu.enqueue_indirect_dma source(%dma_start3A_319 : memref<10240x16xf32, #tpu.memory_space<hbm>>) target(%dma_start3A_315 : memref<496x16xf32, #tpu.memory_space<vmem>>) offsets(%dma_start3A_316 : memref<496xi32, #tpu.memory_space<vmem>>) semaphore(%arg11 : memref<!tpu.dma_semaphore, #tpu.memory_space<semaphore_mem>>)
      %add3A_320 = arith.constant 1 : i32
      %add3A_321 = arith.addi %mul3A_187, %add3A_320 : i32
      %mul3A_322 = arith.constant 496 : i32
      %mul3A_323 = arith.muli %add3A_321, %mul3A_322 : i32
      %dma_wait3A_324 = arith.constant 1 : i32
      %dma_wait3A_325 = arith.constant 0 : i32
      %dma_wait3A_326 = arith.constant 0 : i32
      %dma_wait3A_327 = tpu.memref_slice %arg8[%dma_wait3A_324, %dma_wait3A_325, %dma_wait3A_326] : memref<4x496x16xf32, #tpu.memory_space<vmem>> -> memref<1x496x16xf32, #tpu.memory_space<vmem>>
      %dma_wait3A_328 = tpu.memref_squeeze %dma_wait3A_327 : memref<1x496x16xf32, #tpu.memory_space<vmem>> -> memref<496x16xf32, #tpu.memory_space<vmem>>
      %dma_wait3A_329 = tpu.memref_slice %arg7[%mul3A_323] : memref<10000xi32, #tpu.memory_space<vmem>> -> memref<496xi32, #tpu.memory_space<vmem>>
      %dma_wait3A_330 = arith.constant 0 : i32
      %dma_wait3A_331 = arith.constant 0 : i32
      %dma_wait3A_332 = tpu.memref_slice %arg10[%dma_wait3A_330, %dma_wait3A_331] : memref<10240x16xf32, #tpu.memory_space<vmem_shared>> -> memref<10240x16xf32, #tpu.memory_space<vmem_shared>>
      tpu.wait_indirect_dma semaphore(%arg16 : memref<!tpu.dma_semaphore, #tpu.memory_space<semaphore_mem>>) src(%dma_wait3A_328 : memref<496x16xf32, #tpu.memory_space<vmem>>) dst(%dma_wait3A_332 : memref<10240x16xf32, #tpu.memory_space<vmem_shared>>)
      %add3A_333 = arith.constant 4 : i32
      %add3A_334 = arith.addi %mul3A_187, %add3A_333 : i32
      %add3A_335 = arith.constant 1 : i32
      %add3A_336 = arith.addi %add3A_334, %add3A_335 : i32
      %mul3A_337 = arith.constant 496 : i32
      %mul3A_338 = arith.muli %add3A_336, %mul3A_337 : i32
      %dma_start3A_339 = arith.constant 1 : i32
      %dma_start3A_340 = arith.constant 0 : i32
      %dma_start3A_341 = arith.constant 0 : i32
      %dma_start3A_342 = tpu.memref_slice %arg8[%dma_start3A_339, %dma_start3A_340, %dma_start3A_341] : memref<4x496x16xf32, #tpu.memory_space<vmem>> -> memref<1x496x16xf32, #tpu.memory_space<vmem>>
      %dma_start3A_343 = tpu.memref_squeeze %dma_start3A_342 : memref<1x496x16xf32, #tpu.memory_space<vmem>> -> memref<496x16xf32, #tpu.memory_space<vmem>>
      %dma_start3A_344 = tpu.memref_slice %arg6[%mul3A_338] : memref<10000xi32, #tpu.memory_space<vmem>> -> memref<496xi32, #tpu.memory_space<vmem>>
      %dma_start3A_345 = arith.constant 0 : i32
      %dma_start3A_346 = arith.constant 0 : i32
      %dma_start3A_347 = tpu.memref_slice %arg2[%dma_start3A_345, %dma_start3A_346] : memref<10240x16xf32, #tpu.memory_space<hbm>> -> memref<10240x16xf32, #tpu.memory_space<hbm>>
      tpu.enqueue_indirect_dma source(%dma_start3A_347 : memref<10240x16xf32, #tpu.memory_space<hbm>>) target(%dma_start3A_343 : memref<496x16xf32, #tpu.memory_space<vmem>>) offsets(%dma_start3A_344 : memref<496xi32, #tpu.memory_space<vmem>>) semaphore(%arg12 : memref<!tpu.dma_semaphore, #tpu.memory_space<semaphore_mem>>)
      %add3A_348 = arith.constant 2 : i32
      %add3A_349 = arith.addi %mul3A_187, %add3A_348 : i32
      %mul3A_350 = arith.constant 496 : i32
      %mul3A_351 = arith.muli %add3A_349, %mul3A_350 : i32
      %dma_wait3A_352 = arith.constant 2 : i32
      %dma_wait3A_353 = arith.constant 0 : i32
      %dma_wait3A_354 = arith.constant 0 : i32
      %dma_wait3A_355 = tpu.memref_slice %arg8[%dma_wait3A_352, %dma_wait3A_353, %dma_wait3A_354] : memref<4x496x16xf32, #tpu.memory_space<vmem>> -> memref<1x496x16xf32, #tpu.memory_space<vmem>>
      %dma_wait3A_356 = tpu.memref_squeeze %dma_wait3A_355 : memref<1x496x16xf32, #tpu.memory_space<vmem>> -> memref<496x16xf32, #tpu.memory_space<vmem>>
      %dma_wait3A_357 = tpu.memref_slice %arg7[%mul3A_351] : memref<10000xi32, #tpu.memory_space<vmem>> -> memref<496xi32, #tpu.memory_space<vmem>>
      %dma_wait3A_358 = arith.constant 0 : i32
      %dma_wait3A_359 = arith.constant 0 : i32
      %dma_wait3A_360 = tpu.memref_slice %arg10[%dma_wait3A_358, %dma_wait3A_359] : memref<10240x16xf32, #tpu.memory_space<vmem_shared>> -> memref<10240x16xf32, #tpu.memory_space<vmem_shared>>
      tpu.wait_indirect_dma semaphore(%arg17 : memref<!tpu.dma_semaphore, #tpu.memory_space<semaphore_mem>>) src(%dma_wait3A_356 : memref<496x16xf32, #tpu.memory_space<vmem>>) dst(%dma_wait3A_360 : memref<10240x16xf32, #tpu.memory_space<vmem_shared>>)
      %add3A_361 = arith.constant 4 : i32
      %add3A_362 = arith.addi %mul3A_187, %add3A_361 : i32
      %add3A_363 = arith.constant 2 : i32
      %add3A_364 = arith.addi %add3A_362, %add3A_363 : i32
      %mul3A_365 = arith.constant 496 : i32
      %mul3A_366 = arith.muli %add3A_364, %mul3A_365 : i32
      %dma_start3A_367 = arith.constant 2 : i32
      %dma_start3A_368 = arith.constant 0 : i32
      %dma_start3A_369 = arith.constant 0 : i32
      %dma_start3A_370 = tpu.memref_slice %arg8[%dma_start3A_367, %dma_start3A_368, %dma_start3A_369] : memref<4x496x16xf32, #tpu.memory_space<vmem>> -> memref<1x496x16xf32, #tpu.memory_space<vmem>>
      %dma_start3A_371 = tpu.memref_squeeze %dma_start3A_370 : memref<1x496x16xf32, #tpu.memory_space<vmem>> -> memref<496x16xf32, #tpu.memory_space<vmem>>
      %dma_start3A_372 = tpu.memref_slice %arg6[%mul3A_366] : memref<10000xi32, #tpu.memory_space<vmem>> -> memref<496xi32, #tpu.memory_space<vmem>>
      %dma_start3A_373 = arith.constant 0 : i32
      %dma_start3A_374 = arith.constant 0 : i32
      %dma_start3A_375 = tpu.memref_slice %arg2[%dma_start3A_373, %dma_start3A_374] : memref<10240x16xf32, #tpu.memory_space<hbm>> -> memref<10240x16xf32, #tpu.memory_space<hbm>>
      tpu.enqueue_indirect_dma source(%dma_start3A_375 : memref<10240x16xf32, #tpu.memory_space<hbm>>) target(%dma_start3A_371 : memref<496x16xf32, #tpu.memory_space<vmem>>) offsets(%dma_start3A_372 : memref<496xi32, #tpu.memory_space<vmem>>) semaphore(%arg13 : memref<!tpu.dma_semaphore, #tpu.memory_space<semaphore_mem>>)
      %add3A_376 = arith.constant 3 : i32
      %add3A_377 = arith.addi %mul3A_187, %add3A_376 : i32
      %mul3A_378 = arith.constant 496 : i32
      %mul3A_379 = arith.muli %add3A_377, %mul3A_378 : i32
      %dma_wait3A_380 = arith.constant 3 : i32
      %dma_wait3A_381 = arith.constant 0 : i32
      %dma_wait3A_382 = arith.constant 0 : i32
      %dma_wait3A_383 = tpu.memref_slice %arg8[%dma_wait3A_380, %dma_wait3A_381, %dma_wait3A_382] : memref<4x496x16xf32, #tpu.memory_space<vmem>> -> memref<1x496x16xf32, #tpu.memory_space<vmem>>
      %dma_wait3A_384 = tpu.memref_squeeze %dma_wait3A_383 : memref<1x496x16xf32, #tpu.memory_space<vmem>> -> memref<496x16xf32, #tpu.memory_space<vmem>>
      %dma_wait3A_385 = tpu.memref_slice %arg7[%mul3A_379] : memref<10000xi32, #tpu.memory_space<vmem>> -> memref<496xi32, #tpu.memory_space<vmem>>
      %dma_wait3A_386 = arith.constant 0 : i32
      %dma_wait3A_387 = arith.constant 0 : i32
      %dma_wait3A_388 = tpu.memref_slice %arg10[%dma_wait3A_386, %dma_wait3A_387] : memref<10240x16xf32, #tpu.memory_space<vmem_shared>> -> memref<10240x16xf32, #tpu.memory_space<vmem_shared>>
      tpu.wait_indirect_dma semaphore(%arg18 : memref<!tpu.dma_semaphore, #tpu.memory_space<semaphore_mem>>) src(%dma_wait3A_384 : memref<496x16xf32, #tpu.memory_space<vmem>>) dst(%dma_wait3A_388 : memref<10240x16xf32, #tpu.memory_space<vmem_shared>>)
      %add3A_389 = arith.constant 4 : i32
      %add3A_390 = arith.addi %mul3A_187, %add3A_389 : i32
      %add3A_391 = arith.constant 3 : i32
      %add3A_392 = arith.addi %add3A_390, %add3A_391 : i32
      %mul3A_393 = arith.constant 496 : i32
      %mul3A_394 = arith.muli %add3A_392, %mul3A_393 : i32
      %dma_start3A_395 = arith.constant 3 : i32
      %dma_start3A_396 = arith.constant 0 : i32
      %dma_start3A_397 = arith.constant 0 : i32
      %dma_start3A_398 = tpu.memref_slice %arg8[%dma_start3A_395, %dma_start3A_396, %dma_start3A_397] : memref<4x496x16xf32, #tpu.memory_space<vmem>> -> memref<1x496x16xf32, #tpu.memory_space<vmem>>
      %dma_start3A_399 = tpu.memref_squeeze %dma_start3A_398 : memref<1x496x16xf32, #tpu.memory_space<vmem>> -> memref<496x16xf32, #tpu.memory_space<vmem>>
      %dma_start3A_400 = tpu.memref_slice %arg6[%mul3A_394] : memref<10000xi32, #tpu.memory_space<vmem>> -> memref<496xi32, #tpu.memory_space<vmem>>
      %dma_start3A_401 = arith.constant 0 : i32
      %dma_start3A_402 = arith.constant 0 : i32
      %dma_start3A_403 = tpu.memref_slice %arg2[%dma_start3A_401, %dma_start3A_402] : memref<10240x16xf32, #tpu.memory_space<hbm>> -> memref<10240x16xf32, #tpu.memory_space<hbm>>
      tpu.enqueue_indirect_dma source(%dma_start3A_403 : memref<10240x16xf32, #tpu.memory_space<hbm>>) target(%dma_start3A_399 : memref<496x16xf32, #tpu.memory_space<vmem>>) offsets(%dma_start3A_400 : memref<496xi32, #tpu.memory_space<vmem>>) semaphore(%arg14 : memref<!tpu.dma_semaphore, #tpu.memory_space<semaphore_mem>>)
    }
    %scan3A_50 = arith.constant 4 : i32
    %dma_wait3A = arith.constant 0 : i32
    %dma_wait3A_51 = arith.constant 0 : i32
    %dma_wait3A_52 = arith.constant 0 : i32
    %dma_wait3A_53 = tpu.memref_slice %arg8[%dma_wait3A, %dma_wait3A_51, %dma_wait3A_52] : memref<4x496x16xf32, #tpu.memory_space<vmem>> -> memref<1x496x16xf32, #tpu.memory_space<vmem>>
    %dma_wait3A_54 = tpu.memref_squeeze %dma_wait3A_53 : memref<1x496x16xf32, #tpu.memory_space<vmem>> -> memref<496x16xf32, #tpu.memory_space<vmem>>
    %dma_wait3A_55 = arith.constant 7936 : i32
    %dma_wait3A_56 = tpu.memref_slice %arg6[%dma_wait3A_55] : memref<10000xi32, #tpu.memory_space<vmem>> -> memref<496xi32, #tpu.memory_space<vmem>>
    %dma_wait3A_57 = arith.constant 0 : i32
    %dma_wait3A_58 = arith.constant 0 : i32
    %dma_wait3A_59 = tpu.memref_slice %arg2[%dma_wait3A_57, %dma_wait3A_58] : memref<10240x16xf32, #tpu.memory_space<hbm>> -> memref<10240x16xf32, #tpu.memory_space<hbm>>
    tpu.wait_indirect_dma semaphore(%arg11 : memref<!tpu.dma_semaphore, #tpu.memory_space<semaphore_mem>>) src(%dma_wait3A_59 : memref<10240x16xf32, #tpu.memory_space<hbm>>) dst(%dma_wait3A_54 : memref<496x16xf32, #tpu.memory_space<vmem>>)
    %dma_start3A_60 = arith.constant 0 : i32
    %dma_start3A_61 = arith.constant 0 : i32
    %dma_start3A_62 = arith.constant 0 : i32
    %dma_start3A_63 = tpu.memref_slice %arg8[%dma_start3A_60, %dma_start3A_61, %dma_start3A_62] : memref<4x496x16xf32, #tpu.memory_space<vmem>> -> memref<1x496x16xf32, #tpu.memory_space<vmem>>
    %dma_start3A_64 = tpu.memref_squeeze %dma_start3A_63 : memref<1x496x16xf32, #tpu.memory_space<vmem>> -> memref<496x16xf32, #tpu.memory_space<vmem>>
    %dma_start3A_65 = arith.constant 7936 : i32
    %dma_start3A_66 = tpu.memref_slice %arg7[%dma_start3A_65] : memref<10000xi32, #tpu.memory_space<vmem>> -> memref<496xi32, #tpu.memory_space<vmem>>
    %dma_start3A_67 = arith.constant 0 : i32
    %dma_start3A_68 = arith.constant 0 : i32
    %dma_start3A_69 = tpu.memref_slice %arg10[%dma_start3A_67, %dma_start3A_68] : memref<10240x16xf32, #tpu.memory_space<vmem_shared>> -> memref<10240x16xf32, #tpu.memory_space<vmem_shared>>
    tpu.enqueue_indirect_dma source(%dma_start3A_64 : memref<496x16xf32, #tpu.memory_space<vmem>>) target(%dma_start3A_69 : memref<10240x16xf32, #tpu.memory_space<vmem_shared>>) offsets(%dma_start3A_66 : memref<496xi32, #tpu.memory_space<vmem>>) semaphore(%arg15 : memref<!tpu.dma_semaphore, #tpu.memory_space<semaphore_mem>>) {add = true}
    %dma_wait3A_70 = arith.constant 1 : i32
    %dma_wait3A_71 = arith.constant 0 : i32
    %dma_wait3A_72 = arith.constant 0 : i32
    %dma_wait3A_73 = tpu.memref_slice %arg8[%dma_wait3A_70, %dma_wait3A_71, %dma_wait3A_72] : memref<4x496x16xf32, #tpu.memory_space<vmem>> -> memref<1x496x16xf32, #tpu.memory_space<vmem>>
    %dma_wait3A_74 = tpu.memref_squeeze %dma_wait3A_73 : memref<1x496x16xf32, #tpu.memory_space<vmem>> -> memref<496x16xf32, #tpu.memory_space<vmem>>
    %dma_wait3A_75 = arith.constant 8432 : i32
    %dma_wait3A_76 = tpu.memref_slice %arg6[%dma_wait3A_75] : memref<10000xi32, #tpu.memory_space<vmem>> -> memref<496xi32, #tpu.memory_space<vmem>>
    %dma_wait3A_77 = arith.constant 0 : i32
    %dma_wait3A_78 = arith.constant 0 : i32
    %dma_wait3A_79 = tpu.memref_slice %arg2[%dma_wait3A_77, %dma_wait3A_78] : memref<10240x16xf32, #tpu.memory_space<hbm>> -> memref<10240x16xf32, #tpu.memory_space<hbm>>
    tpu.wait_indirect_dma semaphore(%arg12 : memref<!tpu.dma_semaphore, #tpu.memory_space<semaphore_mem>>) src(%dma_wait3A_79 : memref<10240x16xf32, #tpu.memory_space<hbm>>) dst(%dma_wait3A_74 : memref<496x16xf32, #tpu.memory_space<vmem>>)
    %dma_start3A_80 = arith.constant 1 : i32
    %dma_start3A_81 = arith.constant 0 : i32
    %dma_start3A_82 = arith.constant 0 : i32
    %dma_start3A_83 = tpu.memref_slice %arg8[%dma_start3A_80, %dma_start3A_81, %dma_start3A_82] : memref<4x496x16xf32, #tpu.memory_space<vmem>> -> memref<1x496x16xf32, #tpu.memory_space<vmem>>
    %dma_start3A_84 = tpu.memref_squeeze %dma_start3A_83 : memref<1x496x16xf32, #tpu.memory_space<vmem>> -> memref<496x16xf32, #tpu.memory_space<vmem>>
    %dma_start3A_85 = arith.constant 8432 : i32
    %dma_start3A_86 = tpu.memref_slice %arg7[%dma_start3A_85] : memref<10000xi32, #tpu.memory_space<vmem>> -> memref<496xi32, #tpu.memory_space<vmem>>
    %dma_start3A_87 = arith.constant 0 : i32
    %dma_start3A_88 = arith.constant 0 : i32
    %dma_start3A_89 = tpu.memref_slice %arg10[%dma_start3A_87, %dma_start3A_88] : memref<10240x16xf32, #tpu.memory_space<vmem_shared>> -> memref<10240x16xf32, #tpu.memory_space<vmem_shared>>
    tpu.enqueue_indirect_dma source(%dma_start3A_84 : memref<496x16xf32, #tpu.memory_space<vmem>>) target(%dma_start3A_89 : memref<10240x16xf32, #tpu.memory_space<vmem_shared>>) offsets(%dma_start3A_86 : memref<496xi32, #tpu.memory_space<vmem>>) semaphore(%arg16 : memref<!tpu.dma_semaphore, #tpu.memory_space<semaphore_mem>>) {add = true}
    %dma_wait3A_90 = arith.constant 2 : i32
    %dma_wait3A_91 = arith.constant 0 : i32
    %dma_wait3A_92 = arith.constant 0 : i32
    %dma_wait3A_93 = tpu.memref_slice %arg8[%dma_wait3A_90, %dma_wait3A_91, %dma_wait3A_92] : memref<4x496x16xf32, #tpu.memory_space<vmem>> -> memref<1x496x16xf32, #tpu.memory_space<vmem>>
    %dma_wait3A_94 = tpu.memref_squeeze %dma_wait3A_93 : memref<1x496x16xf32, #tpu.memory_space<vmem>> -> memref<496x16xf32, #tpu.memory_space<vmem>>
    %dma_wait3A_95 = arith.constant 8928 : i32
    %dma_wait3A_96 = tpu.memref_slice %arg6[%dma_wait3A_95] : memref<10000xi32, #tpu.memory_space<vmem>> -> memref<496xi32, #tpu.memory_space<vmem>>
    %dma_wait3A_97 = arith.constant 0 : i32
    %dma_wait3A_98 = arith.constant 0 : i32
    %dma_wait3A_99 = tpu.memref_slice %arg2[%dma_wait3A_97, %dma_wait3A_98] : memref<10240x16xf32, #tpu.memory_space<hbm>> -> memref<10240x16xf32, #tpu.memory_space<hbm>>
    tpu.wait_indirect_dma semaphore(%arg13 : memref<!tpu.dma_semaphore, #tpu.memory_space<semaphore_mem>>) src(%dma_wait3A_99 : memref<10240x16xf32, #tpu.memory_space<hbm>>) dst(%dma_wait3A_94 : memref<496x16xf32, #tpu.memory_space<vmem>>)
    %dma_start3A_100 = arith.constant 2 : i32
    %dma_start3A_101 = arith.constant 0 : i32
    %dma_start3A_102 = arith.constant 0 : i32
    %dma_start3A_103 = tpu.memref_slice %arg8[%dma_start3A_100, %dma_start3A_101, %dma_start3A_102] : memref<4x496x16xf32, #tpu.memory_space<vmem>> -> memref<1x496x16xf32, #tpu.memory_space<vmem>>
    %dma_start3A_104 = tpu.memref_squeeze %dma_start3A_103 : memref<1x496x16xf32, #tpu.memory_space<vmem>> -> memref<496x16xf32, #tpu.memory_space<vmem>>
    %dma_start3A_105 = arith.constant 8928 : i32
    %dma_start3A_106 = tpu.memref_slice %arg7[%dma_start3A_105] : memref<10000xi32, #tpu.memory_space<vmem>> -> memref<496xi32, #tpu.memory_space<vmem>>
    %dma_start3A_107 = arith.constant 0 : i32
    %dma_start3A_108 = arith.constant 0 : i32
    %dma_start3A_109 = tpu.memref_slice %arg10[%dma_start3A_107, %dma_start3A_108] : memref<10240x16xf32, #tpu.memory_space<vmem_shared>> -> memref<10240x16xf32, #tpu.memory_space<vmem_shared>>
    tpu.enqueue_indirect_dma source(%dma_start3A_104 : memref<496x16xf32, #tpu.memory_space<vmem>>) target(%dma_start3A_109 : memref<10240x16xf32, #tpu.memory_space<vmem_shared>>) offsets(%dma_start3A_106 : memref<496xi32, #tpu.memory_space<vmem>>) semaphore(%arg17 : memref<!tpu.dma_semaphore, #tpu.memory_space<semaphore_mem>>) {add = true}
    %dma_wait3A_110 = arith.constant 3 : i32
    %dma_wait3A_111 = arith.constant 0 : i32
    %dma_wait3A_112 = arith.constant 0 : i32
    %dma_wait3A_113 = tpu.memref_slice %arg8[%dma_wait3A_110, %dma_wait3A_111, %dma_wait3A_112] : memref<4x496x16xf32, #tpu.memory_space<vmem>> -> memref<1x496x16xf32, #tpu.memory_space<vmem>>
    %dma_wait3A_114 = tpu.memref_squeeze %dma_wait3A_113 : memref<1x496x16xf32, #tpu.memory_space<vmem>> -> memref<496x16xf32, #tpu.memory_space<vmem>>
    %dma_wait3A_115 = arith.constant 9424 : i32
    %dma_wait3A_116 = tpu.memref_slice %arg6[%dma_wait3A_115] : memref<10000xi32, #tpu.memory_space<vmem>> -> memref<496xi32, #tpu.memory_space<vmem>>
    %dma_wait3A_117 = arith.constant 0 : i32
    %dma_wait3A_118 = arith.constant 0 : i32
    %dma_wait3A_119 = tpu.memref_slice %arg2[%dma_wait3A_117, %dma_wait3A_118] : memref<10240x16xf32, #tpu.memory_space<hbm>> -> memref<10240x16xf32, #tpu.memory_space<hbm>>
    tpu.wait_indirect_dma semaphore(%arg14 : memref<!tpu.dma_semaphore, #tpu.memory_space<semaphore_mem>>) src(%dma_wait3A_119 : memref<10240x16xf32, #tpu.memory_space<hbm>>) dst(%dma_wait3A_114 : memref<496x16xf32, #tpu.memory_space<vmem>>)
    %dma_start3A_120 = arith.constant 3 : i32
    %dma_start3A_121 = arith.constant 0 : i32
    %dma_start3A_122 = arith.constant 0 : i32
    %dma_start3A_123 = tpu.memref_slice %arg8[%dma_start3A_120, %dma_start3A_121, %dma_start3A_122] : memref<4x496x16xf32, #tpu.memory_space<vmem>> -> memref<1x496x16xf32, #tpu.memory_space<vmem>>
    %dma_start3A_124 = tpu.memref_squeeze %dma_start3A_123 : memref<1x496x16xf32, #tpu.memory_space<vmem>> -> memref<496x16xf32, #tpu.memory_space<vmem>>
    %dma_start3A_125 = arith.constant 9424 : i32
    %dma_start3A_126 = tpu.memref_slice %arg7[%dma_start3A_125] : memref<10000xi32, #tpu.memory_space<vmem>> -> memref<496xi32, #tpu.memory_space<vmem>>
    %dma_start3A_127 = arith.constant 0 : i32
    %dma_start3A_128 = arith.constant 0 : i32
    %dma_start3A_129 = tpu.memref_slice %arg10[%dma_start3A_127, %dma_start3A_128] : memref<10240x16xf32, #tpu.memory_space<vmem_shared>> -> memref<10240x16xf32, #tpu.memory_space<vmem_shared>>
    tpu.enqueue_indirect_dma source(%dma_start3A_124 : memref<496x16xf32, #tpu.memory_space<vmem>>) target(%dma_start3A_129 : memref<10240x16xf32, #tpu.memory_space<vmem_shared>>) offsets(%dma_start3A_126 : memref<496xi32, #tpu.memory_space<vmem>>) semaphore(%arg18 : memref<!tpu.dma_semaphore, #tpu.memory_space<semaphore_mem>>) {add = true}
    %dma_start3A_130 = arith.constant 9920 : i32
    %dma_start3A_131 = tpu.memref_slice %arg6[%dma_start3A_130] : memref<10000xi32, #tpu.memory_space<vmem>> -> memref<80xi32, #tpu.memory_space<vmem>>
    %dma_start3A_132 = arith.constant 0 : i32
    %dma_start3A_133 = arith.constant 0 : i32
    %dma_start3A_134 = tpu.memref_slice %arg2[%dma_start3A_132, %dma_start3A_133] : memref<10240x16xf32, #tpu.memory_space<hbm>> -> memref<10240x16xf32, #tpu.memory_space<hbm>>
    tpu.enqueue_indirect_dma source(%dma_start3A_134 : memref<10240x16xf32, #tpu.memory_space<hbm>>) target(%arg9 : memref<80x16xf32, #tpu.memory_space<vmem>>) offsets(%dma_start3A_131 : memref<80xi32, #tpu.memory_space<vmem>>) semaphore(%arg14 : memref<!tpu.dma_semaphore, #tpu.memory_space<semaphore_mem>>)
    %dma_wait3A_135 = arith.constant 0 : i32
    %dma_wait3A_136 = arith.constant 0 : i32
    %dma_wait3A_137 = arith.constant 0 : i32
    %dma_wait3A_138 = tpu.memref_slice %arg8[%dma_wait3A_135, %dma_wait3A_136, %dma_wait3A_137] : memref<4x496x16xf32, #tpu.memory_space<vmem>> -> memref<1x496x16xf32, #tpu.memory_space<vmem>>
    %dma_wait3A_139 = tpu.memref_squeeze %dma_wait3A_138 : memref<1x496x16xf32, #tpu.memory_space<vmem>> -> memref<496x16xf32, #tpu.memory_space<vmem>>
    %dma_wait3A_140 = arith.constant 7936 : i32
    %dma_wait3A_141 = tpu.memref_slice %arg7[%dma_wait3A_140] : memref<10000xi32, #tpu.memory_space<vmem>> -> memref<496xi32, #tpu.memory_space<vmem>>
    %dma_wait3A_142 = arith.constant 0 : i32
    %dma_wait3A_143 = arith.constant 0 : i32
    %dma_wait3A_144 = tpu.memref_slice %arg10[%dma_wait3A_142, %dma_wait3A_143] : memref<10240x16xf32, #tpu.memory_space<vmem_shared>> -> memref<10240x16xf32, #tpu.memory_space<vmem_shared>>
    tpu.wait_indirect_dma semaphore(%arg15 : memref<!tpu.dma_semaphore, #tpu.memory_space<semaphore_mem>>) src(%dma_wait3A_139 : memref<496x16xf32, #tpu.memory_space<vmem>>) dst(%dma_wait3A_144 : memref<10240x16xf32, #tpu.memory_space<vmem_shared>>)
    %dma_wait3A_145 = arith.constant 1 : i32
    %dma_wait3A_146 = arith.constant 0 : i32
    %dma_wait3A_147 = arith.constant 0 : i32
    %dma_wait3A_148 = tpu.memref_slice %arg8[%dma_wait3A_145, %dma_wait3A_146, %dma_wait3A_147] : memref<4x496x16xf32, #tpu.memory_space<vmem>> -> memref<1x496x16xf32, #tpu.memory_space<vmem>>
    %dma_wait3A_149 = tpu.memref_squeeze %dma_wait3A_148 : memref<1x496x16xf32, #tpu.memory_space<vmem>> -> memref<496x16xf32, #tpu.memory_space<vmem>>
    %dma_wait3A_150 = arith.constant 8432 : i32
    %dma_wait3A_151 = tpu.memref_slice %arg7[%dma_wait3A_150] : memref<10000xi32, #tpu.memory_space<vmem>> -> memref<496xi32, #tpu.memory_space<vmem>>
    %dma_wait3A_152 = arith.constant 0 : i32
    %dma_wait3A_153 = arith.constant 0 : i32
    %dma_wait3A_154 = tpu.memref_slice %arg10[%dma_wait3A_152, %dma_wait3A_153] : memref<10240x16xf32, #tpu.memory_space<vmem_shared>> -> memref<10240x16xf32, #tpu.memory_space<vmem_shared>>
    tpu.wait_indirect_dma semaphore(%arg16 : memref<!tpu.dma_semaphore, #tpu.memory_space<semaphore_mem>>) src(%dma_wait3A_149 : memref<496x16xf32, #tpu.memory_space<vmem>>) dst(%dma_wait3A_154 : memref<10240x16xf32, #tpu.memory_space<vmem_shared>>)
    %dma_wait3A_155 = arith.constant 2 : i32
    %dma_wait3A_156 = arith.constant 0 : i32
    %dma_wait3A_157 = arith.constant 0 : i32
    %dma_wait3A_158 = tpu.memref_slice %arg8[%dma_wait3A_155, %dma_wait3A_156, %dma_wait3A_157] : memref<4x496x16xf32, #tpu.memory_space<vmem>> -> memref<1x496x16xf32, #tpu.memory_space<vmem>>
    %dma_wait3A_159 = tpu.memref_squeeze %dma_wait3A_158 : memref<1x496x16xf32, #tpu.memory_space<vmem>> -> memref<496x16xf32, #tpu.memory_space<vmem>>
    %dma_wait3A_160 = arith.constant 8928 : i32
    %dma_wait3A_161 = tpu.memref_slice %arg7[%dma_wait3A_160] : memref<10000xi32, #tpu.memory_space<vmem>> -> memref<496xi32, #tpu.memory_space<vmem>>
    %dma_wait3A_162 = arith.constant 0 : i32
    %dma_wait3A_163 = arith.constant 0 : i32
    %dma_wait3A_164 = tpu.memref_slice %arg10[%dma_wait3A_162, %dma_wait3A_163] : memref<10240x16xf32, #tpu.memory_space<vmem_shared>> -> memref<10240x16xf32, #tpu.memory_space<vmem_shared>>
    tpu.wait_indirect_dma semaphore(%arg17 : memref<!tpu.dma_semaphore, #tpu.memory_space<semaphore_mem>>) src(%dma_wait3A_159 : memref<496x16xf32, #tpu.memory_space<vmem>>) dst(%dma_wait3A_164 : memref<10240x16xf32, #tpu.memory_space<vmem_shared>>)
    %dma_wait3A_165 = arith.constant 3 : i32
    %dma_wait3A_166 = arith.constant 0 : i32
    %dma_wait3A_167 = arith.constant 0 : i32
    %dma_wait3A_168 = tpu.memref_slice %arg8[%dma_wait3A_165, %dma_wait3A_166, %dma_wait3A_167] : memref<4x496x16xf32, #tpu.memory_space<vmem>> -> memref<1x496x16xf32, #tpu.memory_space<vmem>>
    %dma_wait3A_169 = tpu.memref_squeeze %dma_wait3A_168 : memref<1x496x16xf32, #tpu.memory_space<vmem>> -> memref<496x16xf32, #tpu.memory_space<vmem>>
    %dma_wait3A_170 = arith.constant 9424 : i32
    %dma_wait3A_171 = tpu.memref_slice %arg7[%dma_wait3A_170] : memref<10000xi32, #tpu.memory_space<vmem>> -> memref<496xi32, #tpu.memory_space<vmem>>
    %dma_wait3A_172 = arith.constant 0 : i32
    %dma_wait3A_173 = arith.constant 0 : i32
    %dma_wait3A_174 = tpu.memref_slice %arg10[%dma_wait3A_172, %dma_wait3A_173] : memref<10240x16xf32, #tpu.memory_space<vmem_shared>> -> memref<10240x16xf32, #tpu.memory_space<vmem_shared>>
    tpu.wait_indirect_dma semaphore(%arg18 : memref<!tpu.dma_semaphore, #tpu.memory_space<semaphore_mem>>) src(%dma_wait3A_169 : memref<496x16xf32, #tpu.memory_space<vmem>>) dst(%dma_wait3A_174 : memref<10240x16xf32, #tpu.memory_space<vmem_shared>>)
    %dma_wait3A_175 = arith.constant 9920 : i32
    %dma_wait3A_176 = tpu.memref_slice %arg6[%dma_wait3A_175] : memref<10000xi32, #tpu.memory_space<vmem>> -> memref<80xi32, #tpu.memory_space<vmem>>
    %dma_wait3A_177 = arith.constant 0 : i32
    %dma_wait3A_178 = arith.constant 0 : i32
    %dma_wait3A_179 = tpu.memref_slice %arg2[%dma_wait3A_177, %dma_wait3A_178] : memref<10240x16xf32, #tpu.memory_space<hbm>> -> memref<10240x16xf32, #tpu.memory_space<hbm>>
    tpu.wait_indirect_dma semaphore(%arg14 : memref<!tpu.dma_semaphore, #tpu.memory_space<semaphore_mem>>) src(%dma_wait3A_179 : memref<10240x16xf32, #tpu.memory_space<hbm>>) dst(%arg9 : memref<80x16xf32, #tpu.memory_space<vmem>>)
    "tpu.region"() ({
      %run_scoped3A_185 = tpu.sem_alloc : memref<!tpu.dma_semaphore, #tpu.memory_space<semaphore_mem>>
      %dma_start3A_186 = arith.constant 9920 : i32
      %dma_start3A_187 = tpu.memref_slice %arg7[%dma_start3A_186] : memref<10000xi32, #tpu.memory_space<vmem>> -> memref<80xi32, #tpu.memory_space<vmem>>
      %dma_start3A_188 = arith.constant 0 : i32
      %dma_start3A_189 = arith.constant 0 : i32
      %dma_start3A_190 = tpu.memref_slice %arg10[%dma_start3A_188, %dma_start3A_189] : memref<10240x16xf32, #tpu.memory_space<vmem_shared>> -> memref<10240x16xf32, #tpu.memory_space<vmem_shared>>
      tpu.enqueue_indirect_dma source(%arg9 : memref<80x16xf32, #tpu.memory_space<vmem>>) target(%dma_start3A_190 : memref<10240x16xf32, #tpu.memory_space<vmem_shared>>) offsets(%dma_start3A_187 : memref<80xi32, #tpu.memory_space<vmem>>) semaphore(%run_scoped3A_185 : memref<!tpu.dma_semaphore, #tpu.memory_space<semaphore_mem>>) {add = true}
      %dma_wait3A_191 = arith.constant 9920 : i32
      %dma_wait3A_192 = tpu.memref_slice %arg7[%dma_wait3A_191] : memref<10000xi32, #tpu.memory_space<vmem>> -> memref<80xi32, #tpu.memory_space<vmem>>
      %dma_wait3A_193 = arith.constant 0 : i32
      %dma_wait3A_194 = arith.constant 0 : i32
      %dma_wait3A_195 = tpu.memref_slice %arg10[%dma_wait3A_193, %dma_wait3A_194] : memref<10240x16xf32, #tpu.memory_space<vmem_shared>> -> memref<10240x16xf32, #tpu.memory_space<vmem_shared>>
      tpu.wait_indirect_dma semaphore(%run_scoped3A_185 : memref<!tpu.dma_semaphore, #tpu.memory_space<semaphore_mem>>) src(%arg9 : memref<80x16xf32, #tpu.memory_space<vmem>>) dst(%dma_wait3A_195 : memref<10240x16xf32, #tpu.memory_space<vmem_shared>>)
      tpu.yield
    }) : () -> ()
    %barrier3A_180 = arith.constant 0 : index
    tpu.barrier barrier_id(%barrier3A_180)
    %mul3A_181 = arith.constant 640 : i32
    %mul3A_182 = arith.muli %arg1, %mul3A_181 : i32
    %mul3A_183 = arith.constant 640 : i32
    %mul3A_184 = arith.muli %arg1, %mul3A_183 : i32
    "tpu.region"() ({
      %run_scoped3A_185 = tpu.sem_alloc : memref<!tpu.dma_semaphore, #tpu.memory_space<semaphore_mem>>
      %dma_start3A_186 = arith.constant 0 : i32
      %dma_start3A_187 = tpu.memref_slice %arg5[%arg0, %mul3A_184, %dma_start3A_186] : memref<2x10240x16xf32, #tpu.memory_space<hbm>> -> memref<1x640x16xf32, #tpu.memory_space<hbm>>
      %dma_start3A_188 = tpu.memref_squeeze %dma_start3A_187 : memref<1x640x16xf32, #tpu.memory_space<hbm>> -> memref<640x16xf32, #tpu.memory_space<hbm>>
      %dma_start3A_189 = arith.constant 0 : i32
      %dma_start3A_190 = tpu.memref_slice %arg10[%mul3A_182, %dma_start3A_189] : memref<10240x16xf32, #tpu.memory_space<vmem_shared>> -> memref<640x16xf32, #tpu.memory_space<vmem_shared>>
      tpu.enqueue_dma source(%dma_start3A_190 : memref<640x16xf32, #tpu.memory_space<vmem_shared>>) target(%dma_start3A_188 : memref<640x16xf32, #tpu.memory_space<hbm>>) target_semaphore(%run_scoped3A_185 : memref<!tpu.dma_semaphore, #tpu.memory_space<semaphore_mem>>)
      %dma_wait3A_191 = arith.constant 0 : i32
      %dma_wait3A_192 = tpu.memref_slice %arg5[%arg0, %mul3A_184, %dma_wait3A_191] : memref<2x10240x16xf32, #tpu.memory_space<hbm>> -> memref<1x640x16xf32, #tpu.memory_space<hbm>>
      %dma_wait3A_193 = tpu.memref_squeeze %dma_wait3A_192 : memref<1x640x16xf32, #tpu.memory_space<hbm>> -> memref<640x16xf32, #tpu.memory_space<hbm>>
      %dma_wait3A_194 = arith.constant 0 : i32
      %dma_wait3A_195 = tpu.memref_slice %arg10[%mul3A_182, %dma_wait3A_194] : memref<10240x16xf32, #tpu.memory_space<vmem_shared>> -> memref<640x16xf32, #tpu.memory_space<vmem_shared>>
      tpu.wait_dma2 semaphore(%run_scoped3A_185 : memref<!tpu.dma_semaphore, #tpu.memory_space<semaphore_mem>>) src(%dma_wait3A_195 : memref<640x16xf32, #tpu.memory_space<vmem_shared>>) dst(%dma_wait3A_193 : memref<640x16xf32, #tpu.memory_space<hbm>>)
      tpu.yield
    }) : () -> ()
    return
  }
}

module attributes {stable_mosaic.version = 14 : i64} {
  func.func @_tc1_body(%arg0: i32, %arg1: memref<128x1024xf32, #tpu.memory_space<vmem>>, %arg2: memref<1024x128xf32, #tpu.memory_space<vmem>>, %arg3: memref<2x128x128xf32, #tpu.memory_space<vmem>>, %arg4: memref<128x128xf32, #tpu.memory_space<vmem>>) attributes {dimension_semantics = [#tpu.dimension_semantics<arbitrary>], iteration_bounds = array<i64: 10>, scalar_prefetch = 0 : i64, scratch_operands = 0 : i64, tpu.core_type = #tpu.core_type<tc>, window_params = [{transform_indices = @transform_0, window_bounds = array<i64: 128, 1024>}, {pipeline_mode = #tpu.pipeline_mode<synchronous>, transform_indices = @transform_1, window_bounds = array<i64: 1024, 128>}, {transform_indices = @transform_2, window_bounds = array<i64: 2, 128, 128>}, {transform_indices = @transform_3, window_bounds = array<i64: 128, 128>}]} {
    %get3A = arith.constant 0 : index
    %get3A_0 = arith.constant 0 : index
    %get3A_1 = vector.load %arg1[%get3A, %get3A_0] : memref<128x1024xf32, #tpu.memory_space<vmem>>, vector<128x1024xf32>
    %get3A_2 = arith.constant 0 : index
    %get3A_3 = arith.constant 0 : index
    %get3A_4 = vector.load %arg2[%get3A_2, %get3A_3] : memref<1024x128xf32, #tpu.memory_space<vmem>>, vector<1024x128xf32>
    %dot_general3A = arith.constant dense<0.000000e+00> : vector<128x128xf32>
    %dot_general3A_5 = tpu.matmul %get3A_1, %get3A_4, %dot_general3A {dimension_numbers = #tpu.dot_dimension_numbers<[1], [0], [0], [1], [0, 0, 1, 1], [], []>, transpose_lhs_hint = false} : vector<128x1024xf32>, vector<1024x128xf32>, vector<128x128xf32> -> vector<128x128xf32>
    %get3A_6 = arith.constant 0 : index
    %get3A_7 = arith.constant 0 : index
    %get3A_8 = arith.constant 0 : index
    %get3A_9 = vector.load %arg3[%get3A_6, %get3A_7, %get3A_8] : memref<2x128x128xf32, #tpu.memory_space<vmem>>, vector<1x128x128xf32>
    %get3A_10 = vector.shape_cast %get3A_9 : vector<1x128x128xf32> to vector<128x128xf32>
    %get3A_11 = arith.constant 1 : index
    %get3A_12 = arith.constant 0 : index
    %get3A_13 = arith.constant 0 : index
    %get3A_14 = vector.load %arg3[%get3A_11, %get3A_12, %get3A_13] : memref<2x128x128xf32, #tpu.memory_space<vmem>>, vector<1x128x128xf32>
    %get3A_15 = vector.shape_cast %get3A_14 : vector<1x128x128xf32> to vector<128x128xf32>
    %add3A = arith.addf %get3A_10, %get3A_15 : vector<128x128xf32>
    %add3A_16 = arith.constant 1.000000e+00 : f32
    %add3A_17 = vector.broadcast %add3A_16 : f32 to vector<128x128xf32>
    %add3A_18 = arith.addf %add3A, %add3A_17 : vector<128x128xf32>
    %max3A = arith.constant 1.000000e+00 : f32
    %max3A_19 = vector.broadcast %max3A : f32 to vector<128x128xf32>
    %max3A_20 = arith.maximumf %add3A_18, %max3A_19 : vector<128x128xf32>
    %rsqrt3A = math.rsqrt %max3A_20 : vector<128x128xf32>
    %mul3A = arith.mulf %dot_general3A_5, %rsqrt3A : vector<128x128xf32>
    %swap3A = arith.constant 0 : index
    %swap3A_21 = arith.constant 0 : index
    %swap3A_22 = vector.load %arg4[%swap3A, %swap3A_21] : memref<128x128xf32, #tpu.memory_space<vmem>>, vector<128x128xf32>
    tpu.vector_store %arg4[%swap3A, %swap3A_21], %mul3A {strides = array<i32>} : memref<128x128xf32, #tpu.memory_space<vmem>>, vector<128x128xf32>,
    return
  }
  func.func @transform_0(%arg0: i32) -> (i32, i32) {
    %c0_i32 = arith.constant 0 : i32
    %c0_i32_0 = arith.constant 0 : i32
    return %arg0, %c0_i32 : i32, i32
  }
  func.func @transform_1(%arg0: i32) -> (i32, i32) {
    %c0_i32 = arith.constant 0 : i32
    %c0_i32_0 = arith.constant 0 : i32
    %c0_i32_1 = arith.constant 0 : i32
    return %c0_i32, %c0_i32_0 : i32, i32
  }
  func.func @transform_2(%arg0: i32) -> (i32, i32, i32) {
    %c0_i32 = arith.constant 0 : i32
    %c0_i32_0 = arith.constant 0 : i32
    %c0_i32_1 = arith.constant 0 : i32
    return %c0_i32, %arg0, %c0_i32_0 : i32, i32, i32
  }
  func.func @transform_3(%arg0: i32) -> (i32, i32) {
    %c0_i32 = arith.constant 0 : i32
    %c0_i32_0 = arith.constant 0 : i32
    return %arg0, %c0_i32 : i32, i32
  }
}

module attributes {stable_mosaic.version = 14 : i64} {
  func.func @_tc2_body(%arg0: i32, %arg1: memref<2x128x128xf32, #tpu.memory_space<vmem>>, %arg2: memref<128x128xf32, #tpu.memory_space<vmem>>, %arg3: memref<2x128x128xf32, #tpu.memory_space<vmem>>, %arg4: memref<128x128xf32, #tpu.memory_space<vmem>>, %arg5: memref<1x128xf32, #tpu.memory_space<vmem>>, %arg6: memref<128x128xf32, #tpu.memory_space<vmem>>) attributes {dimension_semantics = [#tpu.dimension_semantics<arbitrary>], iteration_bounds = array<i64: 10>, scalar_prefetch = 0 : i64, scratch_operands = 0 : i64, tpu.core_type = #tpu.core_type<tc>, window_params = [{transform_indices = @transform_0, window_bounds = array<i64: 2, 128, 128>}, {transform_indices = @transform_1, window_bounds = array<i64: 128, 128>}, {transform_indices = @transform_2, window_bounds = array<i64: 2, 128, 128>}, {pipeline_mode = #tpu.pipeline_mode<synchronous>, transform_indices = @transform_3, window_bounds = array<i64: 128, 128>}, {pipeline_mode = #tpu.pipeline_mode<synchronous>, transform_indices = @transform_4, window_bounds = array<i64: 1, 128>}, {transform_indices = @transform_5, window_bounds = array<i64: 128, 128>}]} {
    %get3A = arith.constant 0 : index
    %get3A_0 = arith.constant 0 : index
    %get3A_1 = arith.constant 0 : index
    %get3A_2 = vector.load %arg3[%get3A, %get3A_0, %get3A_1] : memref<2x128x128xf32, #tpu.memory_space<vmem>>, vector<1x128x128xf32>
    %get3A_3 = vector.shape_cast %get3A_2 : vector<1x128x128xf32> to vector<128x128xf32>
    %get3A_4 = arith.constant 1 : index
    %get3A_5 = arith.constant 0 : index
    %get3A_6 = arith.constant 0 : index
    %get3A_7 = vector.load %arg3[%get3A_4, %get3A_5, %get3A_6] : memref<2x128x128xf32, #tpu.memory_space<vmem>>, vector<1x128x128xf32>
    %get3A_8 = vector.shape_cast %get3A_7 : vector<1x128x128xf32> to vector<128x128xf32>
    %add3A = arith.addf %get3A_3, %get3A_8 : vector<128x128xf32>
    %add3A_9 = arith.constant 1.000000e+00 : f32
    %add3A_10 = vector.broadcast %add3A_9 : f32 to vector<128x128xf32>
    %add3A_11 = arith.addf %add3A, %add3A_10 : vector<128x128xf32>
    %max3A = arith.constant 1.000000e+00 : f32
    %max3A_12 = vector.broadcast %max3A : f32 to vector<128x128xf32>
    %max3A_13 = arith.maximumf %add3A_11, %max3A_12 : vector<128x128xf32>
    %rsqrt3A = math.rsqrt %max3A_13 : vector<128x128xf32>
    %get3A_14 = arith.constant 0 : index
    %get3A_15 = arith.constant 0 : index
    %get3A_16 = arith.constant 0 : index
    %get3A_17 = vector.load %arg1[%get3A_14, %get3A_15, %get3A_16] : memref<2x128x128xf32, #tpu.memory_space<vmem>>, vector<1x128x128xf32>
    %get3A_18 = vector.shape_cast %get3A_17 : vector<1x128x128xf32> to vector<128x128xf32>
    %get3A_19 = arith.constant 1 : index
    %get3A_20 = arith.constant 0 : index
    %get3A_21 = arith.constant 0 : index
    %get3A_22 = vector.load %arg1[%get3A_19, %get3A_20, %get3A_21] : memref<2x128x128xf32, #tpu.memory_space<vmem>>, vector<1x128x128xf32>
    %get3A_23 = vector.shape_cast %get3A_22 : vector<1x128x128xf32> to vector<128x128xf32>
    %add3A_24 = arith.addf %get3A_18, %get3A_23 : vector<128x128xf32>
    %get3A_25 = arith.constant 0 : index
    %get3A_26 = arith.constant 0 : index
    %get3A_27 = vector.load %arg2[%get3A_25, %get3A_26] : memref<128x128xf32, #tpu.memory_space<vmem>>, vector<128x128xf32>
    %add3A_28 = arith.addf %add3A_24, %get3A_27 : vector<128x128xf32>
    %mul3A = arith.mulf %add3A_28, %rsqrt3A : vector<128x128xf32>
    %get3A_29 = arith.constant 0 : index
    %get3A_30 = arith.constant 0 : index
    %get3A_31 = vector.load %arg5[%get3A_29, %get3A_30] : memref<1x128xf32, #tpu.memory_space<vmem>>, vector<1x128xf32>
    %add3A_32 = vector.broadcast %get3A_31 : vector<1x128xf32> to vector<128x128xf32>
    %add3A_33 = arith.addf %mul3A, %add3A_32 : vector<128x128xf32>
    %max3A_34 = arith.constant 0.000000e+00 : f32
    %max3A_35 = vector.broadcast %max3A_34 : f32 to vector<128x128xf32>
    %max3A_36 = arith.maximumf %add3A_33, %max3A_35 : vector<128x128xf32>
    %get3A_37 = arith.constant 0 : index
    %get3A_38 = arith.constant 0 : index
    %get3A_39 = vector.load %arg4[%get3A_37, %get3A_38] : memref<128x128xf32, #tpu.memory_space<vmem>>, vector<128x128xf32>
    %dot_general3A = arith.constant dense<0.000000e+00> : vector<128x128xf32>
    %dot_general3A_40 = tpu.matmul %max3A_36, %get3A_39, %dot_general3A {dimension_numbers = #tpu.dot_dimension_numbers<[1], [0], [0], [1], [0, 0, 1, 1], [], []>, transpose_lhs_hint = false} : vector<128x128xf32>, vector<128x128xf32>, vector<128x128xf32> -> vector<128x128xf32>
    %mul3A_41 = arith.mulf %dot_general3A_40, %rsqrt3A : vector<128x128xf32>
    %swap3A = arith.constant 0 : index
    %swap3A_42 = arith.constant 0 : index
    %swap3A_43 = vector.load %arg6[%swap3A, %swap3A_42] : memref<128x128xf32, #tpu.memory_space<vmem>>, vector<128x128xf32>
    tpu.vector_store %arg6[%swap3A, %swap3A_42], %mul3A_41 {strides = array<i32>} : memref<128x128xf32, #tpu.memory_space<vmem>>, vector<128x128xf32>,
    return
  }
  func.func @transform_0(%arg0: i32) -> (i32, i32, i32) {
    %c0_i32 = arith.constant 0 : i32
    %c0_i32_0 = arith.constant 0 : i32
    %c0_i32_1 = arith.constant 0 : i32
    return %c0_i32, %arg0, %c0_i32_0 : i32, i32, i32
  }
  func.func @transform_1(%arg0: i32) -> (i32, i32) {
    %c0_i32 = arith.constant 0 : i32
    %c0_i32_0 = arith.constant 0 : i32
    return %arg0, %c0_i32 : i32, i32
  }
  func.func @transform_2(%arg0: i32) -> (i32, i32, i32) {
    %c0_i32 = arith.constant 0 : i32
    %c0_i32_0 = arith.constant 0 : i32
    %c0_i32_1 = arith.constant 0 : i32
    return %c0_i32, %arg0, %c0_i32_0 : i32, i32, i32
  }
  func.func @transform_3(%arg0: i32) -> (i32, i32) {
    %c0_i32 = arith.constant 0 : i32
    %c0_i32_0 = arith.constant 0 : i32
    %c0_i32_1 = arith.constant 0 : i32
    return %c0_i32, %c0_i32_0 : i32, i32
  }
  func.func @transform_4(%arg0: i32) -> (i32, i32) {
    %c0_i32 = arith.constant 0 : i32
    %c0_i32_0 = arith.constant 0 : i32
    %c0_i32_1 = arith.constant 0 : i32
    return %c0_i32, %c0_i32_0 : i32, i32
  }
  func.func @transform_5(%arg0: i32) -> (i32, i32) {
    %c0_i32 = arith.constant 0 : i32
    %c0_i32_0 = arith.constant 0 : i32
    return %arg0, %c0_i32 : i32, i32
  }
}

module attributes {stable_mosaic.version = 14 : i64} {
  func.func @_tc3_body(%arg0: i32, %arg1: memref<2x128x128xf32, #tpu.memory_space<vmem>>, %arg2: memref<128x128xf32, #tpu.memory_space<vmem>>, %arg3: memref<2x128x128xf32, #tpu.memory_space<vmem>>, %arg4: memref<1x128xf32, #tpu.memory_space<vmem>>, %arg5: memref<128x128xf32, #tpu.memory_space<vmem>>) attributes {dimension_semantics = [#tpu.dimension_semantics<arbitrary>], iteration_bounds = array<i64: 10>, scalar_prefetch = 0 : i64, scratch_operands = 0 : i64, tpu.core_type = #tpu.core_type<tc>, window_params = [{transform_indices = @transform_0, window_bounds = array<i64: 2, 128, 128>}, {transform_indices = @transform_1, window_bounds = array<i64: 128, 128>}, {transform_indices = @transform_2, window_bounds = array<i64: 2, 128, 128>}, {pipeline_mode = #tpu.pipeline_mode<synchronous>, transform_indices = @transform_3, window_bounds = array<i64: 1, 128>}, {transform_indices = @transform_4, window_bounds = array<i64: 128, 128>}]} {
    %get3A = arith.constant 0 : index
    %get3A_0 = arith.constant 0 : index
    %get3A_1 = arith.constant 0 : index
    %get3A_2 = vector.load %arg3[%get3A, %get3A_0, %get3A_1] : memref<2x128x128xf32, #tpu.memory_space<vmem>>, vector<1x128x128xf32>
    %get3A_3 = vector.shape_cast %get3A_2 : vector<1x128x128xf32> to vector<128x128xf32>
    %get3A_4 = arith.constant 1 : index
    %get3A_5 = arith.constant 0 : index
    %get3A_6 = arith.constant 0 : index
    %get3A_7 = vector.load %arg3[%get3A_4, %get3A_5, %get3A_6] : memref<2x128x128xf32, #tpu.memory_space<vmem>>, vector<1x128x128xf32>
    %get3A_8 = vector.shape_cast %get3A_7 : vector<1x128x128xf32> to vector<128x128xf32>
    %add3A = arith.addf %get3A_3, %get3A_8 : vector<128x128xf32>
    %add3A_9 = arith.constant 1.000000e+00 : f32
    %add3A_10 = vector.broadcast %add3A_9 : f32 to vector<128x128xf32>
    %add3A_11 = arith.addf %add3A, %add3A_10 : vector<128x128xf32>
    %max3A = arith.constant 1.000000e+00 : f32
    %max3A_12 = vector.broadcast %max3A : f32 to vector<128x128xf32>
    %max3A_13 = arith.maximumf %add3A_11, %max3A_12 : vector<128x128xf32>
    %rsqrt3A = math.rsqrt %max3A_13 : vector<128x128xf32>
    %get3A_14 = arith.constant 0 : index
    %get3A_15 = arith.constant 0 : index
    %get3A_16 = arith.constant 0 : index
    %get3A_17 = vector.load %arg1[%get3A_14, %get3A_15, %get3A_16] : memref<2x128x128xf32, #tpu.memory_space<vmem>>, vector<1x128x128xf32>
    %get3A_18 = vector.shape_cast %get3A_17 : vector<1x128x128xf32> to vector<128x128xf32>
    %get3A_19 = arith.constant 1 : index
    %get3A_20 = arith.constant 0 : index
    %get3A_21 = arith.constant 0 : index
    %get3A_22 = vector.load %arg1[%get3A_19, %get3A_20, %get3A_21] : memref<2x128x128xf32, #tpu.memory_space<vmem>>, vector<1x128x128xf32>
    %get3A_23 = vector.shape_cast %get3A_22 : vector<1x128x128xf32> to vector<128x128xf32>
    %add3A_24 = arith.addf %get3A_18, %get3A_23 : vector<128x128xf32>
    %get3A_25 = arith.constant 0 : index
    %get3A_26 = arith.constant 0 : index
    %get3A_27 = vector.load %arg2[%get3A_25, %get3A_26] : memref<128x128xf32, #tpu.memory_space<vmem>>, vector<128x128xf32>
    %add3A_28 = arith.addf %add3A_24, %get3A_27 : vector<128x128xf32>
    %mul3A = arith.mulf %add3A_28, %rsqrt3A : vector<128x128xf32>
    %get3A_29 = arith.constant 0 : index
    %get3A_30 = arith.constant 0 : index
    %get3A_31 = vector.load %arg4[%get3A_29, %get3A_30] : memref<1x128xf32, #tpu.memory_space<vmem>>, vector<1x128xf32>
    %add3A_32 = vector.broadcast %get3A_31 : vector<1x128xf32> to vector<128x128xf32>
    %add3A_33 = arith.addf %mul3A, %add3A_32 : vector<128x128xf32>
    %iota3A = tpu.iota {dimensions = array<i32: 1>} : vector<128x16xi32>
    %lt3A = arith.constant 10 : i32
    %lt3A_34 = vector.broadcast %lt3A : i32 to vector<128x16xi32>
    %lt3A_35 = arith.cmpi slt, %iota3A, %lt3A_34 : vector<128x16xi32>
    %slice3A = vector.extract_strided_slice %add3A_33 {offsets = [0, 0], sizes = [128, 16], strides = [1, 1]} : vector<128x128xf32> to vector<128x16xf32>
    %broadcast_in_dim3A = arith.constant -3.000000e+38 : f32
    %broadcast_in_dim3A_36 = vector.broadcast %broadcast_in_dim3A : f32 to vector<128x16xf32>
    %select_n3A = arith.select %lt3A_35, %slice3A, %broadcast_in_dim3A_36 : vector<128x16xi1>, vector<128x16xf32>
    %reduce_max3A = arith.constant dense<0xFF800000> : vector<128xf32>
    %reduce_max3A_37 = vector.multi_reduction <maximumf>, %select_n3A, %reduce_max3A [1] : vector<128x16xf32> to vector<128xf32>
    %broadcast_in_dim3A_38 = vector.shape_cast %reduce_max3A_37 : vector<128xf32> to vector<128x1xf32>
    %broadcast_in_dim3A_39 = vector.shape_cast %broadcast_in_dim3A_38 : vector<128x1xf32> to vector<128x1xf32>
    %broadcast_in_dim3A_40 = vector.broadcast %broadcast_in_dim3A_39 : vector<128x1xf32> to vector<128x16xf32>
    %slice3A_41 = vector.extract_strided_slice %add3A_33 {offsets = [0, 16], sizes = [128, 16], strides = [1, 1]} : vector<128x128xf32> to vector<128x16xf32>
    %broadcast_in_dim3A_42 = arith.constant -3.000000e+38 : f32
    %broadcast_in_dim3A_43 = vector.broadcast %broadcast_in_dim3A_42 : f32 to vector<128x16xf32>
    %select_n3A_44 = arith.select %lt3A_35, %slice3A_41, %broadcast_in_dim3A_43 : vector<128x16xi1>, vector<128x16xf32>
    %reduce_max3A_45 = arith.constant dense<0xFF800000> : vector<128xf32>
    %reduce_max3A_46 = vector.multi_reduction <maximumf>, %select_n3A_44, %reduce_max3A_45 [1] : vector<128x16xf32> to vector<128xf32>
    %broadcast_in_dim3A_47 = vector.shape_cast %reduce_max3A_46 : vector<128xf32> to vector<128x1xf32>
    %broadcast_in_dim3A_48 = vector.shape_cast %broadcast_in_dim3A_47 : vector<128x1xf32> to vector<128x1xf32>
    %broadcast_in_dim3A_49 = vector.broadcast %broadcast_in_dim3A_48 : vector<128x1xf32> to vector<128x16xf32>
    %slice3A_50 = vector.extract_strided_slice %add3A_33 {offsets = [0, 32], sizes = [128, 16], strides = [1, 1]} : vector<128x128xf32> to vector<128x16xf32>
    %broadcast_in_dim3A_51 = arith.constant -3.000000e+38 : f32
    %broadcast_in_dim3A_52 = vector.broadcast %broadcast_in_dim3A_51 : f32 to vector<128x16xf32>
    %select_n3A_53 = arith.select %lt3A_35, %slice3A_50, %broadcast_in_dim3A_52 : vector<128x16xi1>, vector<128x16xf32>
    %reduce_max3A_54 = arith.constant dense<0xFF800000> : vector<128xf32>
    %reduce_max3A_55 = vector.multi_reduction <maximumf>, %select_n3A_53, %reduce_max3A_54 [1] : vector<128x16xf32> to vector<128xf32>
    %broadcast_in_dim3A_56 = vector.shape_cast %reduce_max3A_55 : vector<128xf32> to vector<128x1xf32>
    %broadcast_in_dim3A_57 = vector.shape_cast %broadcast_in_dim3A_56 : vector<128x1xf32> to vector<128x1xf32>
    %broadcast_in_dim3A_58 = vector.broadcast %broadcast_in_dim3A_57 : vector<128x1xf32> to vector<128x16xf32>
    %slice3A_59 = vector.extract_strided_slice %add3A_33 {offsets = [0, 48], sizes = [128, 16], strides = [1, 1]} : vector<128x128xf32> to vector<128x16xf32>
    %broadcast_in_dim3A_60 = arith.constant -3.000000e+38 : f32
    %broadcast_in_dim3A_61 = vector.broadcast %broadcast_in_dim3A_60 : f32 to vector<128x16xf32>
    %select_n3A_62 = arith.select %lt3A_35, %slice3A_59, %broadcast_in_dim3A_61 : vector<128x16xi1>, vector<128x16xf32>
    %reduce_max3A_63 = arith.constant dense<0xFF800000> : vector<128xf32>
    %reduce_max3A_64 = vector.multi_reduction <maximumf>, %select_n3A_62, %reduce_max3A_63 [1] : vector<128x16xf32> to vector<128xf32>
    %broadcast_in_dim3A_65 = vector.shape_cast %reduce_max3A_64 : vector<128xf32> to vector<128x1xf32>
    %broadcast_in_dim3A_66 = vector.shape_cast %broadcast_in_dim3A_65 : vector<128x1xf32> to vector<128x1xf32>
    %broadcast_in_dim3A_67 = vector.broadcast %broadcast_in_dim3A_66 : vector<128x1xf32> to vector<128x16xf32>
    %slice3A_68 = vector.extract_strided_slice %add3A_33 {offsets = [0, 64], sizes = [128, 16], strides = [1, 1]} : vector<128x128xf32> to vector<128x16xf32>
    %broadcast_in_dim3A_69 = arith.constant -3.000000e+38 : f32
    %broadcast_in_dim3A_70 = vector.broadcast %broadcast_in_dim3A_69 : f32 to vector<128x16xf32>
    %select_n3A_71 = arith.select %lt3A_35, %slice3A_68, %broadcast_in_dim3A_70 : vector<128x16xi1>, vector<128x16xf32>
    %reduce_max3A_72 = arith.constant dense<0xFF800000> : vector<128xf32>
    %reduce_max3A_73 = vector.multi_reduction <maximumf>, %select_n3A_71, %reduce_max3A_72 [1] : vector<128x16xf32> to vector<128xf32>
    %broadcast_in_dim3A_74 = vector.shape_cast %reduce_max3A_73 : vector<128xf32> to vector<128x1xf32>
    %broadcast_in_dim3A_75 = vector.shape_cast %broadcast_in_dim3A_74 : vector<128x1xf32> to vector<128x1xf32>
    %broadcast_in_dim3A_76 = vector.broadcast %broadcast_in_dim3A_75 : vector<128x1xf32> to vector<128x16xf32>
    %slice3A_77 = vector.extract_strided_slice %add3A_33 {offsets = [0, 80], sizes = [128, 16], strides = [1, 1]} : vector<128x128xf32> to vector<128x16xf32>
    %broadcast_in_dim3A_78 = arith.constant -3.000000e+38 : f32
    %broadcast_in_dim3A_79 = vector.broadcast %broadcast_in_dim3A_78 : f32 to vector<128x16xf32>
    %select_n3A_80 = arith.select %lt3A_35, %slice3A_77, %broadcast_in_dim3A_79 : vector<128x16xi1>, vector<128x16xf32>
    %reduce_max3A_81 = arith.constant dense<0xFF800000> : vector<128xf32>
    %reduce_max3A_82 = vector.multi_reduction <maximumf>, %select_n3A_80, %reduce_max3A_81 [1] : vector<128x16xf32> to vector<128xf32>
    %broadcast_in_dim3A_83 = vector.shape_cast %reduce_max3A_82 : vector<128xf32> to vector<128x1xf32>
    %broadcast_in_dim3A_84 = vector.shape_cast %broadcast_in_dim3A_83 : vector<128x1xf32> to vector<128x1xf32>
    %broadcast_in_dim3A_85 = vector.broadcast %broadcast_in_dim3A_84 : vector<128x1xf32> to vector<128x16xf32>
    %slice3A_86 = vector.extract_strided_slice %add3A_33 {offsets = [0, 96], sizes = [128, 16], strides = [1, 1]} : vector<128x128xf32> to vector<128x16xf32>
    %broadcast_in_dim3A_87 = arith.constant -3.000000e+38 : f32
    %broadcast_in_dim3A_88 = vector.broadcast %broadcast_in_dim3A_87 : f32 to vector<128x16xf32>
    %select_n3A_89 = arith.select %lt3A_35, %slice3A_86, %broadcast_in_dim3A_88 : vector<128x16xi1>, vector<128x16xf32>
    %reduce_max3A_90 = arith.constant dense<0xFF800000> : vector<128xf32>
    %reduce_max3A_91 = vector.multi_reduction <maximumf>, %select_n3A_89, %reduce_max3A_90 [1] : vector<128x16xf32> to vector<128xf32>
    %broadcast_in_dim3A_92 = vector.shape_cast %reduce_max3A_91 : vector<128xf32> to vector<128x1xf32>
    %broadcast_in_dim3A_93 = vector.shape_cast %broadcast_in_dim3A_92 : vector<128x1xf32> to vector<128x1xf32>
    %broadcast_in_dim3A_94 = vector.broadcast %broadcast_in_dim3A_93 : vector<128x1xf32> to vector<128x16xf32>
    %slice3A_95 = vector.extract_strided_slice %add3A_33 {offsets = [0, 112], sizes = [128, 16], strides = [1, 1]} : vector<128x128xf32> to vector<128x16xf32>
    %broadcast_in_dim3A_96 = arith.constant -3.000000e+38 : f32
    %broadcast_in_dim3A_97 = vector.broadcast %broadcast_in_dim3A_96 : f32 to vector<128x16xf32>
    %select_n3A_98 = arith.select %lt3A_35, %slice3A_95, %broadcast_in_dim3A_97 : vector<128x16xi1>, vector<128x16xf32>
    %reduce_max3A_99 = arith.constant dense<0xFF800000> : vector<128xf32>
    %reduce_max3A_100 = vector.multi_reduction <maximumf>, %select_n3A_98, %reduce_max3A_99 [1] : vector<128x16xf32> to vector<128xf32>
    %broadcast_in_dim3A_101 = vector.shape_cast %reduce_max3A_100 : vector<128xf32> to vector<128x1xf32>
    %broadcast_in_dim3A_102 = vector.shape_cast %broadcast_in_dim3A_101 : vector<128x1xf32> to vector<128x1xf32>
    %broadcast_in_dim3A_103 = vector.broadcast %broadcast_in_dim3A_102 : vector<128x1xf32> to vector<128x16xf32>
    %concatenate3A = tpu.concatenate %broadcast_in_dim3A_40, %broadcast_in_dim3A_49, %broadcast_in_dim3A_58, %broadcast_in_dim3A_67, %broadcast_in_dim3A_76, %broadcast_in_dim3A_85, %broadcast_in_dim3A_94, %broadcast_in_dim3A_103 in 1 : vector<128x16xf32>, vector<128x16xf32>, vector<128x16xf32>, vector<128x16xf32>, vector<128x16xf32>, vector<128x16xf32>, vector<128x16xf32>, vector<128x16xf32> -> vector<128x128xf32>
    %iota3A_104 = tpu.iota {dimensions = array<i32: 1>} : vector<128x128xi32>
    %rem3A = arith.constant 16 : i32
    %rem3A_105 = vector.broadcast %rem3A : i32 to vector<128x128xi32>
    %rem3A_106 = arith.remsi %iota3A_104, %rem3A_105 : vector<128x128xi32>
    %lt3A_107 = arith.constant 10 : i32
    %lt3A_108 = vector.broadcast %lt3A_107 : i32 to vector<128x128xi32>
    %lt3A_109 = arith.cmpi slt, %rem3A_106, %lt3A_108 : vector<128x128xi32>
    %sub3A = arith.subf %add3A_33, %concatenate3A : vector<128x128xf32>
    %exp3A = math.exp %sub3A : vector<128x128xf32>
    %jit3A = arith.constant 0.000000e+00 : f32
    %broadcast_in_dim3A_110 = vector.broadcast %jit3A : f32 to vector<128x128xf32>
    %select_n3A_111 = arith.select %lt3A_109, %exp3A, %broadcast_in_dim3A_110 : vector<128x128xi1>, vector<128x128xf32>
    %iota3A_112 = tpu.iota {dimensions = array<i32: 0>} : vector<128x128xi32>
    %jit3A_113 = arith.constant 16 : i32
    %div3A = vector.broadcast %jit3A_113 : i32 to vector<128x128xi32>
    %div3A_114 = arith.divsi %iota3A_112, %div3A : vector<128x128xi32>
    %sign3A = arith.constant 0 : i32
    %sign3A_115 = vector.broadcast %sign3A : i32 to vector<128x128xi32>
    %sign3A_116 = arith.cmpi sgt, %iota3A_112, %sign3A_115 : vector<128x128xi32>
    %sign3A_117 = arith.extui %sign3A_116 : vector<128x128xi1> to vector<128x128xi32>
    %sign3A_118 = arith.constant 0 : i32
    %sign3A_119 = vector.broadcast %sign3A_118 : i32 to vector<128x128xi32>
    %sign3A_120 = arith.cmpi slt, %iota3A_112, %sign3A_119 : vector<128x128xi32>
    %sign3A_121 = arith.extui %sign3A_120 : vector<128x128xi1> to vector<128x128xi32>
    %sign3A_122 = arith.subi %sign3A_117, %sign3A_121 : vector<128x128xi32>
    %sign3A_123 = arith.constant 0 : i32
    %sign3A_124 = arith.cmpi sgt, %jit3A_113, %sign3A_123 : i32
    %sign3A_125 = arith.extui %sign3A_124 : i1 to i32
    %sign3A_126 = arith.constant 0 : i32
    %sign3A_127 = arith.cmpi slt, %jit3A_113, %sign3A_126 : i32
    %sign3A_128 = arith.extui %sign3A_127 : i1 to i32
    %sign3A_129 = arith.subi %sign3A_125, %sign3A_128 : i32
    %ne3A = vector.broadcast %sign3A_129 : i32 to vector<128x128xi32>
    %ne3A_130 = arith.cmpi ne, %sign3A_122, %ne3A : vector<128x128xi32>
    %rem3A_131 = vector.broadcast %jit3A_113 : i32 to vector<128x128xi32>
    %rem3A_132 = arith.remsi %iota3A_112, %rem3A_131 : vector<128x128xi32>
    %ne3A_133 = arith.constant 0 : i32
    %ne3A_134 = vector.broadcast %ne3A_133 : i32 to vector<128x128xi32>
    %ne3A_135 = arith.cmpi ne, %rem3A_132, %ne3A_134 : vector<128x128xi32>
    %and3A = arith.andi %ne3A_130, %ne3A_135 : vector<128x128xi1>
    %sub3A_136 = arith.constant 1 : i32
    %sub3A_137 = vector.broadcast %sub3A_136 : i32 to vector<128x128xi32>
    %sub3A_138 = arith.subi %div3A_114, %sub3A_137 : vector<128x128xi32>
    %select_n3A_139 = arith.select %and3A, %sub3A_138, %div3A_114 : vector<128x128xi1>, vector<128x128xi32>
    %iota3A_140 = tpu.iota {dimensions = array<i32: 1>} : vector<128x128xi32>
    %jit3A_141 = arith.constant 16 : i32
    %div3A_142 = vector.broadcast %jit3A_141 : i32 to vector<128x128xi32>
    %div3A_143 = arith.divsi %iota3A_140, %div3A_142 : vector<128x128xi32>
    %sign3A_144 = arith.constant 0 : i32
    %sign3A_145 = vector.broadcast %sign3A_144 : i32 to vector<128x128xi32>
    %sign3A_146 = arith.cmpi sgt, %iota3A_140, %sign3A_145 : vector<128x128xi32>
    %sign3A_147 = arith.extui %sign3A_146 : vector<128x128xi1> to vector<128x128xi32>
    %sign3A_148 = arith.constant 0 : i32
    %sign3A_149 = vector.broadcast %sign3A_148 : i32 to vector<128x128xi32>
    %sign3A_150 = arith.cmpi slt, %iota3A_140, %sign3A_149 : vector<128x128xi32>
    %sign3A_151 = arith.extui %sign3A_150 : vector<128x128xi1> to vector<128x128xi32>
    %sign3A_152 = arith.subi %sign3A_147, %sign3A_151 : vector<128x128xi32>
    %sign3A_153 = arith.constant 0 : i32
    %sign3A_154 = arith.cmpi sgt, %jit3A_141, %sign3A_153 : i32
    %sign3A_155 = arith.extui %sign3A_154 : i1 to i32
    %sign3A_156 = arith.constant 0 : i32
    %sign3A_157 = arith.cmpi slt, %jit3A_141, %sign3A_156 : i32
    %sign3A_158 = arith.extui %sign3A_157 : i1 to i32
    %sign3A_159 = arith.subi %sign3A_155, %sign3A_158 : i32
    %ne3A_160 = vector.broadcast %sign3A_159 : i32 to vector<128x128xi32>
    %ne3A_161 = arith.cmpi ne, %sign3A_152, %ne3A_160 : vector<128x128xi32>
    %rem3A_162 = vector.broadcast %jit3A_141 : i32 to vector<128x128xi32>
    %rem3A_163 = arith.remsi %iota3A_140, %rem3A_162 : vector<128x128xi32>
    %ne3A_164 = arith.constant 0 : i32
    %ne3A_165 = vector.broadcast %ne3A_164 : i32 to vector<128x128xi32>
    %ne3A_166 = arith.cmpi ne, %rem3A_163, %ne3A_165 : vector<128x128xi32>
    %and3A_167 = arith.andi %ne3A_161, %ne3A_166 : vector<128x128xi1>
    %sub3A_168 = arith.constant 1 : i32
    %sub3A_169 = vector.broadcast %sub3A_168 : i32 to vector<128x128xi32>
    %sub3A_170 = arith.subi %div3A_143, %sub3A_169 : vector<128x128xi32>
    %select_n3A_171 = arith.select %and3A_167, %sub3A_170, %div3A_143 : vector<128x128xi1>, vector<128x128xi32>
    %eq3A = arith.cmpi eq, %select_n3A_139, %select_n3A_171 : vector<128x128xi32>
    %convert_element_type3A = arith.extui %eq3A : vector<128x128xi1> to vector<128x128xi32>
    %convert_element_type3A_172 = arith.sitofp %convert_element_type3A : vector<128x128xi32> to vector<128x128xf32>
    %dot_general3A = arith.constant dense<0.000000e+00> : vector<128x128xf32>
    %dot_general3A_173 = tpu.matmul %select_n3A_111, %convert_element_type3A_172, %dot_general3A {dimension_numbers = #tpu.dot_dimension_numbers<[1], [0], [0], [1], [0, 0, 1, 1], [], []>, precision = #tpu.contract_precision<fp32>, transpose_lhs_hint = false} : vector<128x128xf32>, vector<128x128xf32>, vector<128x128xf32> -> vector<128x128xf32>
    %sub3A_174 = arith.subf %add3A_33, %concatenate3A : vector<128x128xf32>
    %log3A = math.log %dot_general3A_173 : vector<128x128xf32>
    %sub3A_175 = arith.subf %sub3A_174, %log3A : vector<128x128xf32>
    %swap3A = arith.constant 0 : index
    %swap3A_176 = arith.constant 0 : index
    %swap3A_177 = vector.load %arg5[%swap3A, %swap3A_176] : memref<128x128xf32, #tpu.memory_space<vmem>>, vector<128x128xf32>
    tpu.vector_store %arg5[%swap3A, %swap3A_176], %sub3A_175 {strides = array<i32>} : memref<128x128xf32, #tpu.memory_space<vmem>>, vector<128x128xf32>,
    return
  }
  func.func @transform_0(%arg0: i32) -> (i32, i32, i32) {
    %c0_i32 = arith.constant 0 : i32
    %c0_i32_0 = arith.constant 0 : i32
    %c0_i32_1 = arith.constant 0 : i32
    return %c0_i32, %arg0, %c0_i32_0 : i32, i32, i32
  }
  func.func @transform_1(%arg0: i32) -> (i32, i32) {
    %c0_i32 = arith.constant 0 : i32
    %c0_i32_0 = arith.constant 0 : i32
    return %arg0, %c0_i32 : i32, i32
  }
  func.func @transform_2(%arg0: i32) -> (i32, i32, i32) {
    %c0_i32 = arith.constant 0 : i32
    %c0_i32_0 = arith.constant 0 : i32
    %c0_i32_1 = arith.constant 0 : i32
    return %c0_i32, %arg0, %c0_i32_0 : i32, i32, i32
  }
  func.func @transform_3(%arg0: i32) -> (i32, i32) {
    %c0_i32 = arith.constant 0 : i32
    %c0_i32_0 = arith.constant 0 : i32
    %c0_i32_1 = arith.constant 0 : i32
    return %c0_i32, %c0_i32_0 : i32, i32
  }
  func.func @transform_4(%arg0: i32) -> (i32, i32) {
    %c0_i32 = arith.constant 0 : i32
    %c0_i32_0 = arith.constant 0 : i32
    return %arg0, %c0_i32 : i32, i32
  }
}

</mosaic_0001>

<sc_bundles>
// kernel: kernel.11.cloned.1.call-start
scs
__scs_entry_jumppad:
0x0: {  	(pc) =	sbr.rel $0x88, $3  }
0x1: {  	(tag) =	ssettag $0x0;
	lr =	simm.s32 $0x1  }
0x2: {  	[smem:$0x3F9B] =	sst lr;
	_ =	strace $0xD0000000  }
0x3: {  	_ = 	snop  }
0x4: {  	_ = 	snop  }
0x5: {  	_ = 	snop  }
0x6: {  	_ = 	snop  }
0x7: {  	_ = 	snop  }
__scs_overlays_trampoline_lowered:
0x8: {  	[smem:$0x3FAA] =	sst s0  }
0x9: {  	[smem:$0x3FAB] =	sst s1  }
0xa: {  	[smem:$0x3FAC] =	sst s2  }
0xb: {  	[smem:$0x3FAD] =	sst s3  }
0xc: {  	[smem:$0x3FAE] =	sst s4  }
0xd: {  	[smem:$0x3FAF] =	sst s5  }
0xe: {  	[smem:$0x3FB0] =	sst s6  }
0xf: {  	[smem:$0x3FB1] =	sst s7  }
0x10: {  	[smem:$0x3FB2] =	sst s8  }
0x11: {  	[smem:$0x3FB3] =	sst s9;
	s0 =	simm.s32 @!p0 $0x0  }
0x12: {  	s1 =	sld [smem:$0x3F99];
	s0 =	simm.s32 @p0 $0x1  }
0x13: {  	[smem:$0x3FB4] =	sst s0;
	s0 =	simm.s32 @!p1 $0x0  }
0x14: {  	s2 =	sld [smem:$0x3F98];
	s0 =	simm.s32 @p1 $0x1  }
0x15: {  	[smem:$0x3FB5] =	sst s0;
	s0 =	simm.s32 @!p2 $0x0  }
0x16: {  	s3 =	sld [smem:$0x3FDB];
	s0 =	simm.s32 @p2 $0x1  }
0x17: {  	s4 =	simm.s32 $0x1BF5;
	[smem:$0x3FB7] =	sst s0  }
0x18: {  	s0 =	sld [smem:$0x3F9A];
	_ =	swait.ge [sflag:s4], $0x0  }
0x19: {  	s7 =	sld [smem:$0x3F9B]  }
0x1a: {  	s8 =	sadd.s32 $0xFFFFE003, lr  }
0x1b: {  	s9 =	sadd.s32 $0xFFFFFEF7, lr;
	s5 =	simm.s32 $0xFFFFFFFF;
	p2 =	slt.u32 s8, $0xFFFFF086  }
0x1c: {  	p1 =	slt.u32 s9, $0xF7A;
	s5 =	simm.s32 @!p2 $0x0  }
0x1d: {  	s5 =	simm.s32 @p1 $0x1;
	p0 =	seq.s32 s7, s2  }
0x1e: {  	s7 =	smul.u32 @!p0 $0xF7A, s2;
	p2 =	seq.s32 @!p0 s5, $0x0  }
0x1f: {  	s9 =	smul.u32 $0xF7A, s1;
	s8 =	simm.s32 @!p0 $0x1BF5;
	p2 =	por !p2, p0  }
0x20: {  	[sflag:s8] =	ssyncset.s32 @!p0 $0xFFFFF086;
	s6 =	sadd.s32 @!p0 s3, s7;
	s7 =	simm.s32 @!p0 $0x108  }
0x21: {  	s3 =	sadd.s32 s3, s9;
	s6 =	sadd.s32 @!p0 $0x88, s6;
	s7 =	simm.s32 @p2 $0x1082  }
0x22: {  	[simem:s7], [sflag:s8] =	dma.local @!p0 [hbm:s6], $0xF7A  }
0x23: {  	s9 =	sor.u32 $0xD0000000, s2;
	s6 =	simm.s32 $0x108;
	_ =	swait.ge @!p0 [sflag:s8], $0x0  }
0x24: {  	s3 =	sadd.s32 $0x88, s3;
	s6 =	simm.s32 @!p1 $0x1082;
	[sflag:s4] =	ssyncset.s32 $0xFFFFF086  }
0x25: {  	[simem:s6], [sflag:s4] =	dma.local [hbm:s3], $0xF7A  }
0x26: {  	[smem:$0x3F9B] =	sst s1;
	(tag) =	ssettag s2;
	_ =	strace s9  }
0x27: {  	s1 =	sld [smem:$0x3FAB]  }
0x28: {  	s2 =	sld [smem:$0x3FAC]  }
0x29: {  	s4 =	sld [smem:$0x3FAE]  }
0x2a: {  	p0 =	seq.s32 s5, $0x0;
	s5 =	sld [smem:$0x3FAF]  }
0x2b: {  	s6 =	sld [smem:$0x3FB0]  }
0x2c: {  	s7 =	sld [smem:$0x3FB1]  }
0x2d: {  	s3 =	simm.s32 $0x108;
	s8 =	sld [smem:$0x3FB2]  }
0x2e: {  	s3 =	simm.s32 @!p0 $0x1082;
	s9 =	sld [smem:$0x3FB3]  }
0x2f: {  	lr =	sadd.s32 s0, s3;
	s0 =	sld [smem:$0x3FAA]  }
0x30: {  	s3 =	sld [smem:$0x3FAD]  }
0x31: {  	[smem:$0x3FB6] =	sst s10  }
0x32: {  	s10 =	sld [smem:$0x3FB4];
	_ =	sdelay $0x3  }
0x33: {  	p0 =	seq.s32 s10, $0x1;
	s10 =	sld [smem:$0x3FB6];
	_ =	sdelay $0x3  }
0x34: {  	[smem:$0x3FB6] =	sst s10  }
0x35: {  	s10 =	sld [smem:$0x3FB5];
	_ =	sdelay $0x3  }
0x36: {  	p1 =	seq.s32 s10, $0x1;
	s10 =	sld [smem:$0x3FB6];
	_ =	sdelay $0x3  }
0x37: {  	[smem:$0x3FB6] =	sst s10  }
0x38: {  	s10 =	sld [smem:$0x3FB7]  }
0x39: {  	_ = 	snop;
	(pc) =	sbr.ind lr, $3  }
0x3a: {  	_ = 	snop  }
0x3b: {  	_ = 	snop  }
0x3c: {  	p2 =	seq.s32 s10, $0x1;
	s10 =	sld [smem:$0x3FB6]  }
0x3d: {  	_ =	shalt  }
0x3e: {  	_ =	shalt  }
0x3f: {  	_ =	shalt  }
0x40: {  	_ =	shalt  }
0x41: {  	_ =	shalt  }
0x42: {  	_ =	shalt  }
0x43: {  	_ =	shalt  }
0x44: {  	_ =	shalt  }
0x45: {  	_ =	shalt  }
0x46: {  	_ =	shalt  }
0x47: {  	_ =	shalt  }
0x48: {  	_ =	shalt  }
0x49: {  	_ =	shalt  }
0x4a: {  	_ =	shalt  }
0x4b: {  	_ =	shalt  }
0x4c: {  	_ =	shalt  }
0x4d: {  	_ =	shalt  }
0x4e: {  	_ =	shalt  }
0x4f: {  	_ =	shalt  }
0x50: {  	_ =	shalt  }
0x51: {  	_ =	shalt  }
0x52: {  	_ =	shalt  }
0x53: {  	_ =	shalt  }
0x54: {  	_ =	shalt  }
0x55: {  	_ =	shalt  }
0x56: {  	_ =	shalt  }
0x57: {  	_ =	shalt  }
0x58: {  	_ =	shalt  }
0x59: {  	_ =	shalt  }
0x5a: {  	_ =	shalt  }
0x5b: {  	_ =	shalt  }
0x5c: {  	_ =	shalt  }
0x5d: {  	_ =	shalt  }
0x5e: {  	_ =	shalt  }
0x5f: {  	_ =	shalt  }
0x60: {  	_ =	shalt  }
0x61: {  	_ =	shalt  }
0x62: {  	_ =	shalt  }
0x63: {  	_ =	shalt  }
0x64: {  	_ =	shalt  }
0x65: {  	_ =	shalt  }
0x66: {  	_ =	shalt  }
0x67: {  	_ =	shalt  }
0x68: {  	_ =	shalt  }
0x69: {  	_ =	shalt  }
0x6a: {  	_ =	shalt  }
0x6b: {  	_ =	shalt  }
0x6c: {  	_ =	shalt  }
0x6d: {  	_ =	shalt  }
0x6e: {  	_ =	shalt  }
0x6f: {  	_ =	shalt  }
0x70: {  	_ =	shalt  }
0x71: {  	_ =	shalt  }
0x72: {  	_ =	shalt  }
0x73: {  	_ =	shalt  }
0x74: {  	_ =	shalt  }
0x75: {  	_ =	shalt  }
0x76: {  	_ =	shalt  }
0x77: {  	_ =	shalt  }
0x78: {  	_ =	shalt  }
0x79: {  	_ =	shalt  }
0x7a: {  	_ =	shalt  }
0x7b: {  	_ =	shalt  }
0x7c: {  	_ =	shalt  }
0x7d: {  	_ =	shalt  }
0x7e: {  	_ =	shalt  }
0x7f: {  	_ =	shalt  }
0x80: {  	_ =	shalt  }
0x81: {  	_ =	shalt  }
0x82: {  	_ =	shalt  }
0x83: {  	_ =	shalt  }
0x84: {  	_ =	shalt  }
0x85: {  	_ =	shalt  }
0x86: {  	_ =	shalt  }
0x87: {  	_ =	shalt  }
.Lfunc_end0:
.L_simem_size_0:
called_computation.1_lowered:
.L_overlay_start_0:
0x88: {  	s2 =	sld [smem:$0x3FD9]  }
0x89: {  	s3 =	sld [smem:$0x3FFE];
	_ =	sdelay $0x1  }
0x8a: {  	s1 =	srdreg.scid  }
0x8b: {  	s0 =	sand.u32 $0x1, s1  }
0x8c: {  	s17 =	sshll.u32 s0, $0xA;
	s2 =	sadd.s32 s3, s2  }
0x8d: {  	s2 =	sadd.s32 s2, s17  }
0x8e: {  	[smem:$0x3FC2] =	sst s2  }
0x8f: {  	_ = 	snop  }
0x90: {  	s2 =	sld [smem:$0x3FD0];
	(tm) =	ssettm $0x1  }
0x91: {  	s18 =	sld [smem:$0x3FFB];
	_ =	sdelay $0x3  }
0x92: {  	_ =	strace s18  }
0x93: {  	s3 =	sld [smem:$0x3FFC];
	_ =	sdelay $0x3  }
0x94: {  	_ =	strace s3  }
0x95: {  	s3 =	sld [smem:$0x3FFD];
	_ =	sdelay $0x3  }
0x96: {  	_ =	strace s3  }
0x97: {  	_ =	strace $0x8FFFFFFF  }
0x98: {  	s19 =	sld [smem:$0x3FDB];
	_ =	sdelay $0x1  }
0x99: {  	s4 =	simm.s32 $_scs_section_size  }
0x9a: {  	s5 =	simm.s32 $_size__tile_overlayer_lowered;
	s6 =	simm.s32 $_tile_overlayer_lowered  }
0x9b: {  	s22 =	simm.s32 $0x1BFF;
	s21 =	sshll.u32 s6, $0x1;
	s3 =	sadd.s32 s4, s19  }
0x9c: {  	s7 =	simm.s32 $0x0;
	s20 =	sshll.u32 s5, $0x1;
	s5 =	sadd.s32 s21, s3  }
0x9d: {  	[timem:s7], [sflag:s22] =	dma.local [hbm:s5], s20  }
0x9e: {  	_ =	swait.ge [sflag:s22], s20  }
0x9f: {  	s4 =	ssub.s32 $0x0, s20;
	[sflag:s22] =	ssyncset.done $0x0  }
0xa0: {  	[sflag:s22] =	ssyncadd.s32 s4;
	_ =	sdelay $0x1  }
0xa1: {  	s23 =	simm.s32 $0x1B8B  }
0xa2: {  	_ =	swait.ge [sflag:s23], $0x1  }
0xa3: {  	[sflag:s23] =	ssyncset.done $0x0  }
0xa4: {  	s25 =	simm.s32 $0x1B8E;
	s24 =	sld [smem:$0x3FFE];
	[sflag:s23] =	ssyncadd.s32 $0xFFFFFFFF  }
0xa5: {  	s26 =	simm.s32 $execute0_lowered;
	[smem:$0x3FD2] =	sst s25  }
0xa6: {  	s5 =	sshll.u32 s26, $0x1;
	_ =	strace $0x80000049;
	[dreg:$0x1] =	wrdreg $0xFFFFFFFF  }
0xa7: {  	s28 =	simm.s32 $_size_execute0_lowered;
	s3 =	sadd.s32 s3, s5;
	[dreg:$0x0] =	wrdreg $0x0  }
0xa8: {  	s5 =	sshll.u32 s28, $0x1;
	[dreg:$0x2] =	wrdreg s3  }
0xa9: {  	[dreg:$0x3] =	wrdreg s5  }
0xaa: {  	[dreg:$0x4] =	wrdreg $0xC0  }
0xab: {  	_ =	task [dreg:s7], $0x5FFFF  }
0xac: {  	[dreg:$0x1] =	wrdreg $0xFFFFFFFF  }
0xad: {  	[dreg:$0x0] =	wrdreg $0x60  }
0xae: {  	[dreg:$0x2] =	wrdreg s24  }
0xaf: {  	[dreg:$0x3] =	wrdreg s2  }
0xb0: {  	[dreg:$0x4] =	wrdreg $0xCF200  }
0xb1: {  	[dreg:$0x5] =	wrdreg $0x9  }
0xb2: {  	_ =	task.clear_ibuf [dreg:s7], $0x6FFFF;
	_ =	strace $0x90000049  }
0xb3: {  	s29 =	simm.s32 $0x9;
	_ =	strace $0x8000004B  }
0xb4: {  	_ =	swait.ge [sflag:s29], $0x1  }
0xb5: {  	[sflag:s29] =	ssyncadd.s32 $0xFFFFFFFF  }
0xb6: {  	_ =	strace $0x9000004B  }
0xb7: {  	_ =	sfence  }
0xb8: {  	s30 =	sld [smem:$0x0];
	_ =	sdelay $0x2  }
0xb9: {  	s31 =	sshll.u32 s1, $0xD;
	s1 =	sshrl.u32 s1, $0x2  }
0xba: {  	s3 =	sand.u32 $0x4000, s31;
	s1 =	sadd.s32 s1, s30  }
0xbb: {  	s0 =	sor.u32 s3, s0;
	s1 =	sshll.u32 s1, $0x11  }
0xbc: {  	s0 =	sor.u32 s1, s0  }
0xbd: {  	s0 =	sadd.s32 $0x8F2B, s0  }
0xbe: {  	[sflag:s0] =	ssyncadd.remote.s32 $0x1  }
0xbf: {  	_ =	sfence.sel $0xFFFF  }
0xc0: {  	[dreg:$0x0] =	wrdreg $0xFFFFFFFF;
	(pc) =	sbr.abs _section_cstart, $3  }
0xc1: {  	[dreg:$0x1] =	wrdreg $0xFFFFFFFF  }
0xc2: {  	_ =	task.clear_ibuf [dreg:s7], $0x2FFFF;
	_ =	strace $0x9FFFFFFF  }
0xc3: {  	(tm) =	ssettm $0x7FFFFFFF  }
tec
execute0_lowered:
.L_overlay_start_1:
0x0: {  	(tag) =	ssettag $0x1  }
0x1: {  	s3 =	rddreg [dreg:$0x0]  }
0x2: {  	s2 =	rddreg [dreg:$0x1]  }
0x3: {  	[dreg:$0x4] =	wrdreg s2  }
0x4: {  	s30 =	simm.s32 $0x0;
	s2 =	rddreg [dreg:$0x2]  }
0x5: {  	s9 =	simm.s32 $0x3E0;
	[smem:$0x7FF] =	sst s30  }
0x6: {  	s10 =	simm.s32 $0x5D0;
	_ =	strace $0x8000004A;
	[dreg:$0x8] =	wrdreg s9  }
0x7: {  	s11 =	simm.s32 $0x2900;
	[dreg:$0x9] =	wrdreg s10  }
0x8: {  	s12 =	simm.s32 $0x2AF0;
	[dreg:$0xa] =	wrdreg s11  }
0x9: {  	s13 =	simm.s32 $0x2CE0;
	[dreg:$0xb] =	wrdreg s12  }
0xa: {  	s0 =	srdreg.scid;
	s14 =	simm.s32 $0x7C0;
	[dreg:$0xc] =	wrdreg s13  }
0xb: {  	s22 =	stileid.u32;
	s15 =	simm.s32 $0x9B0;
	[dreg:$0xd] =	wrdreg s14  }
0xc: {  	s16 =	simm.s32 $0xBA0;
	s17 =	simm.s32 $0xD90;
	[dreg:$0xe] =	wrdreg s15  }
0xd: {  	s18 =	simm.s32 $0x2ED0;
	s19 =	simm.s32 $0x30C0;
	[dreg:$0xf] =	wrdreg s16  }
0xe: {  	s21 =	simm.s32 $0x32B0;
	s23 =	simm.s32 $0x34A0;
	[dreg:$0x10] =	wrdreg s17  }
0xf: {  	s24 =	simm.s32 $0xF80;
	s26 =	simm.s32 $0x1170;
	[dreg:$0x11] =	wrdreg s18  }
0x10: {  	s7 =	simm.s32 $0x1550;
	s31 =	simm.s32 $0x2710;
	[dreg:$0x12] =	wrdreg s19  }
0x11: {  	s29 =	simm.s32 $0x4610;
	p0 =	por $0x0, $0x0;
	[dreg:$0x13] =	wrdreg s21  }
0x12: {  	s28 =	simm.s32 $0x49F0;
	s0 =	sand.u32 $0x1, s0;
	[dreg:$0x14] =	wrdreg s23  }
0x13: {  	s1 =	sshll.u32 s22, $0x1;
	s5 =	smul.u32 $0x2800, s22;
	[dreg:$0x15] =	wrdreg s24  }
0x14: {  	s25 =	sshll.u32 s22, $0x6;
	s1 =	sor.u32 s0, s1;
	[dreg:$0x16] =	wrdreg s26  }
0x15: {  	s4 =	smul.u32 $0x28000, s0;
	s0 =	ssub.s32 $0x2, s0;
	[dreg:$0x18] =	wrdreg s7  }
0x16: {  	s9 =	simm.s32 $0x3880;
	s10 =	simm.s32 $0x3A70;
	s7 =	simm.s32 $0x1F0  }
0x17: {  	s11 =	simm.s32 $0x3C60;
	s12 =	simm.s32 $0x4E20;
	[dreg:$0x1a] =	wrdreg s9  }
0x18: {  	s13 =	simm.s32 $0x1740;
	s14 =	simm.s32 $0x1930;
	[dreg:$0x1b] =	wrdreg s10  }
0x19: {  	s15 =	simm.s32 $0x1B20;
	s16 =	simm.s32 $0x1D10;
	[dreg:$0x1c] =	wrdreg s11  }
0x1a: {  	s19 =	simm.s32 $0x1;
	s17 =	simm.s32 $0x3E50;
	[dreg:$0x1d] =	wrdreg s13  }
0x1b: {  	s18 =	simm.s32 $0x2;
	s21 =	simm.s32 $0x4230;
	[dreg:$0x1e] =	wrdreg s14  }
0x1c: {  	s23 =	simm.s32 $0x4420;
	s24 =	simm.s32 $0x1F00;
	[dreg:$0x1f] =	wrdreg s15  }
0x1d: {  	s26 =	simm.s32 $0x22E0;
	s1 =	smul.u32 $0x2710, s1;
	[smem:$0x7F6] =	sst s16  }
0x1e: {  	s20 =	sshrl.u32 s0, $0x1;
	s11 =	simm.s32 $0x6D20;
	[smem:$0x7F7] =	sst s17  }
0x1f: {  	s10 =	simm.s32 $0x8C20;
	s9 =	simm.s32 $0xAB20;
	[smem:$0x7F9] =	sst s21  }
0x20: {  	s17 =	simm.s32 $0x3;
	s13 =	simm.s32 $0x5;
	[smem:$0x7FA] =	sst s23  }
0x21: {  	s14 =	simm.s32 $0x6;
	[smem:$0x7FB] =	sst s24;
	s15 =	simm.s32 $0x7  }
0x22: {  	s16 =	simm.s32 $0x8;
	[smem:$0x7FD] =	sst s26;
	s26 =	simm.s32 $0x24D0  }
0x23: {  	s24 =	simm.s32 $0x4BE0;
	s21 =	simm.s32 $0xCA20;
	s23 =	simm.s32 $0x4DD0  }
0x24: {  	s4 =	sadd.s32 s5, s4;
	s0 =	ssub.s32 s0, s20;
	s5 =	sadd.s32 s5, s2  }
0x25: {  	s20 =	simm.s32 $0x4040;
	s1 =	sshrl.u32 s1, $0x3;
	s4 =	sshrl.u32 s4, $0x3  }
0x26: {  	s0 =	smax.u32 s0, $0x1;
	[smem:$0x7F8] =	sst s20;
	s1 =	sadd.s32 s1, s3  }
0x27: {  	s4 =	sadd.s32 s4, s3;
	p1 =	sne.s32 s0, $0x1;
	s6 =	sadd.s32 $0x2A00, s1  }
0x28: {  	s1 =	sadd.s32 $0xC640, s1;
	s8 =	sadd.s32 $0x1B400, s4;
	[dreg:$0x5] =	wrdreg s6  }
0x29: {  	s4 =	sadd.s32 $0x16400, s3;
	s3 =	sor.u32 $0x1C09, s25;
	[dreg:$0x6] =	wrdreg s1  }
.Ltmp0:
0x2a: {  	s25 =	simm.s32 $0x20F0;
	[dreg:$0x7] =	wrdreg s8;
	(pc) =	sbr.rel @!p1 .LBB2_1-.Ltmp0, $4  }
0x2b: {  	s5 =	sshrl.u32 s5, $0x3;
	s20 =	simm.s32 $0x50;
	[smem:$0x7FC] =	sst s25  }
0x2c: {  	s6 =	simm.s32 $0x1360;
	s1 =	sadd.s32 $0xFFFFFFFF, s0;
	s0 =	rddreg [dreg:$0x4]  }
0x2d: {  	s8 =	simm.s32 $0x3690;
	s25 =	simm.s32 $0x26C0;
	[dreg:$0x17] =	wrdreg s6  }
0x2e: {  	s6 =	simm.s32 $0x9;
	[dreg:$0x19] =	wrdreg s8;
	s8 =	simm.s32 $0x4  }
0x2f: {  	[spmem:s5], [sflag:s3] =	dma.local [hbm:s0], $0x500  }
0x30: {  	_ =	swait.ge [sflag:s6], $0x500  }
0x31: {  	[sflag:s6] =	ssyncset.done $0x0  }
0x32: {  	s22 =	rddreg [dreg:$0x5];
	[sflag:s6] =	ssyncadd.s32 $0xFFFFFB00  }
0x33: {  	[tilespmem:s30], [sflag:$0x9] =	stream.linear.gather [hbm4b:s22+s30], $0x2710, $0x38;
	[tilespmem:$0xF720] =	vst v63  }
0x34: {  	_ =	swait.ge [sflag:s6], $0x2710  }
0x35: {  	[sflag:s6] =	ssyncset.done $0x0  }
0x36: {  	s22 =	rddreg [dreg:$0x6];
	[sflag:s6] =	ssyncadd.s32 $0xFFFFD8F0  }
0x37: {  	[tilespmem:s31], [sflag:$0x9] =	stream.linear.gather [hbm4b:s22+s30], $0x2710, $0x38;
	[tilespmem:$0xF720] =	vst v63  }
0x38: {  	_ =	swait.ge [sflag:s6], $0x2710  }
0x39: {  	[sflag:s6] =	ssyncset.done $0x0  }
0x3a: {  	[sflag:s6] =	ssyncadd.s32 $0xFFFFD8F0  }
0x3b: {  	[bflag:$0x0] =	sbarrier.arrive $0xFFFF  }
0x3c: {  	[tilespmem:s12], [sflag:$0x1] =	stream.indirect.gather [hbm4b:s4+s7], $0x10, s30, s7, $0xb8;
	[tilespmem:$0xF720] =	vst v63  }
0x3d: {  	_ = 	snop  }
0x3e: {  	[tilespmem:s11], [sflag:$0x2] =	stream.indirect.gather [hbm4b:s4+s7], $0x10, s7, s7, $0xb8;
	[tilespmem:$0xF720] =	vst v63  }
0x3f: {  	s0 =	rddreg [dreg:$0x8]  }
0x40: {  	[tilespmem:s10], [sflag:$0x3] =	stream.indirect.gather [hbm4b:s4+s7], $0x10, s0, s7, $0xb8;
	[tilespmem:$0xF720] =	vst v63  }
0x41: {  	s22 =	smov.u32 s1;
	s1 =	rddreg [dreg:$0x9]  }
0x42: {  	[tilespmem:s9], [sflag:$0x4] =	stream.indirect.gather [hbm4b:s4+s7], $0x10, s1, s7, $0xb8;
	[tilespmem:$0xF720] =	vst v63  }
0x43: {  	_ =	swait.ge [sflag:s19], $0x1F00  }
0x44: {  	[sflag:s19] =	ssyncset.done $0x0  }
0x45: {  	[sflag:s19] =	ssyncadd.s32 $0xFFFFE100  }
0x46: {  	[spmem:s2] =	stream.indirect.scatter.add.f32 [tilespmem:s12], [sflag:$0x5], $0x10, s31, s7, $0xb8;
	[tilespmem:$0xF720] =	vst v63  }
0x47: {  	_ =	swait.ge [sflag:s18], $0x1F00  }
0x48: {  	[sflag:s18] =	ssyncset.done $0x0  }
0x49: {  	s1 =	rddreg [dreg:$0xa];
	[sflag:s18] =	ssyncadd.s32 $0xFFFFE100  }
0x4a: {  	[spmem:s2] =	stream.indirect.scatter.add.f32 [tilespmem:s11], [sflag:$0x6], $0x10, s1, s7, $0xb8;
	[tilespmem:$0xF720] =	vst v63  }
0x4b: {  	_ =	swait.ge [sflag:s17], $0x1F00  }
0x4c: {  	[sflag:s17] =	ssyncset.done $0x0  }
0x4d: {  	s1 =	rddreg [dreg:$0xb];
	[sflag:s17] =	ssyncadd.s32 $0xFFFFE100  }
0x4e: {  	[spmem:s2] =	stream.indirect.scatter.add.f32 [tilespmem:s10], [sflag:$0x7], $0x10, s1, s7, $0xb8;
	[tilespmem:$0xF720] =	vst v63  }
0x4f: {  	_ =	swait.ge [sflag:s8], $0x1F00  }
0x50: {  	[sflag:s8] =	ssyncset.done $0x0  }
0x51: {  	s1 =	rddreg [dreg:$0xc];
	[sflag:s8] =	ssyncadd.s32 $0xFFFFE100  }
0x52: {  	[spmem:s2] =	stream.indirect.scatter.add.f32 [tilespmem:s9], [sflag:$0x8], $0x10, s1, s7, $0xb8;
	[tilespmem:$0xF720] =	vst v63  }
0x53: {  	_ =	swait.ge [sflag:s13], $0x1F00  }
0x54: {  	[sflag:s13] =	ssyncset.done $0x0  }
0x55: {  	s1 =	rddreg [dreg:$0xd];
	[sflag:s13] =	ssyncadd.s32 $0xFFFFE100  }
0x56: {  	[tilespmem:s12], [sflag:$0x1] =	stream.indirect.gather [hbm4b:s4+s7], $0x10, s1, s7, $0xb8;
	[tilespmem:$0xF720] =	vst v63  }
0x57: {  	_ =	swait.ge [sflag:s14], $0x1F00  }
0x58: {  	[sflag:s14] =	ssyncset.done $0x0  }
0x59: {  	s1 =	rddreg [dreg:$0xe];
	[sflag:s14] =	ssyncadd.s32 $0xFFFFE100  }
0x5a: {  	[tilespmem:s11], [sflag:$0x2] =	stream.indirect.gather [hbm4b:s4+s7], $0x10, s1, s7, $0xb8;
	[tilespmem:$0xF720] =	vst v63  }
0x5b: {  	_ =	swait.ge [sflag:s15], $0x1F00  }
0x5c: {  	[sflag:s15] =	ssyncset.done $0x0  }
0x5d: {  	s1 =	rddreg [dreg:$0xf];
	[sflag:s15] =	ssyncadd.s32 $0xFFFFE100  }
0x5e: {  	[tilespmem:s10], [sflag:$0x3] =	stream.indirect.gather [hbm4b:s4+s7], $0x10, s1, s7, $0xb8;
	[tilespmem:$0xF720] =	vst v63  }
0x5f: {  	_ =	swait.ge [sflag:s16], $0x1F00  }
0x60: {  	[sflag:s16] =	ssyncset.done $0x0  }
0x61: {  	s1 =	rddreg [dreg:$0x10];
	[sflag:s16] =	ssyncadd.s32 $0xFFFFE100  }
0x62: {  	[tilespmem:s9], [sflag:$0x4] =	stream.indirect.gather [hbm4b:s4+s7], $0x10, s1, s7, $0xb8;
	[tilespmem:$0xF720] =	vst v63  }
0x63: {  	_ =	swait.ge [sflag:s19], $0x1F00  }
0x64: {  	[sflag:s19] =	ssyncset.done $0x0  }
0x65: {  	s1 =	rddreg [dreg:$0x11];
	[sflag:s19] =	ssyncadd.s32 $0xFFFFE100  }
0x66: {  	[spmem:s2] =	stream.indirect.scatter.add.f32 [tilespmem:s12], [sflag:$0x5], $0x10, s1, s7, $0xb8;
	[tilespmem:$0xF720] =	vst v63  }
0x67: {  	_ =	swait.ge [sflag:s18], $0x1F00  }
0x68: {  	[sflag:s18] =	ssyncset.done $0x0  }
0x69: {  	s1 =	rddreg [dreg:$0x12];
	[sflag:s18] =	ssyncadd.s32 $0xFFFFE100  }
0x6a: {  	[spmem:s2] =	stream.indirect.scatter.add.f32 [tilespmem:s11], [sflag:$0x6], $0x10, s1, s7, $0xb8;
	[tilespmem:$0xF720] =	vst v63  }
0x6b: {  	_ =	swait.ge [sflag:s17], $0x1F00  }
0x6c: {  	[sflag:s17] =	ssyncset.done $0x0  }
0x6d: {  	s1 =	rddreg [dreg:$0x13];
	[sflag:s17] =	ssyncadd.s32 $0xFFFFE100  }
0x6e: {  	[spmem:s2] =	stream.indirect.scatter.add.f32 [tilespmem:s10], [sflag:$0x7], $0x10, s1, s7, $0xb8;
	[tilespmem:$0xF720] =	vst v63  }
0x6f: {  	_ =	swait.ge [sflag:s8], $0x1F00  }
0x70: {  	[sflag:s8] =	ssyncset.done $0x0  }
0x71: {  	s1 =	rddreg [dreg:$0x14];
	[sflag:s8] =	ssyncadd.s32 $0xFFFFE100  }
0x72: {  	[spmem:s2] =	stream.indirect.scatter.add.f32 [tilespmem:s9], [sflag:$0x8], $0x10, s1, s7, $0xb8;
	[tilespmem:$0xF720] =	vst v63  }
0x73: {  	_ =	swait.ge [sflag:s13], $0x1F00  }
0x74: {  	[sflag:s13] =	ssyncset.done $0x0  }
0x75: {  	s1 =	rddreg [dreg:$0x15];
	[sflag:s13] =	ssyncadd.s32 $0xFFFFE100  }
0x76: {  	[tilespmem:s12], [sflag:$0x1] =	stream.indirect.gather [hbm4b:s4+s7], $0x10, s1, s7, $0xb8;
	[tilespmem:$0xF720] =	vst v63  }
0x77: {  	_ =	swait.ge [sflag:s14], $0x1F00  }
0x78: {  	[sflag:s14] =	ssyncset.done $0x0  }
0x79: {  	s1 =	rddreg [dreg:$0x16];
	[sflag:s14] =	ssyncadd.s32 $0xFFFFE100  }
0x7a: {  	[tilespmem:s11], [sflag:$0x2] =	stream.indirect.gather [hbm4b:s4+s7], $0x10, s1, s7, $0xb8;
	[tilespmem:$0xF720] =	vst v63  }
0x7b: {  	_ =	swait.ge [sflag:s15], $0x1F00  }
0x7c: {  	[sflag:s15] =	ssyncset.done $0x0  }
0x7d: {  	s1 =	rddreg [dreg:$0x17];
	[sflag:s15] =	ssyncadd.s32 $0xFFFFE100  }
0x7e: {  	[tilespmem:s10], [sflag:$0x3] =	stream.indirect.gather [hbm4b:s4+s7], $0x10, s1, s7, $0xb8;
	[tilespmem:$0xF720] =	vst v63  }
0x7f: {  	_ =	swait.ge [sflag:s16], $0x1F00  }
0x80: {  	[sflag:s16] =	ssyncset.done $0x0  }
0x81: {  	s1 =	rddreg [dreg:$0x18];
	[sflag:s16] =	ssyncadd.s32 $0xFFFFE100  }
0x82: {  	[tilespmem:s9], [sflag:$0x4] =	stream.indirect.gather [hbm4b:s4+s7], $0x10, s1, s7, $0xb8;
	[tilespmem:$0xF720] =	vst v63  }
0x83: {  	_ =	swait.ge [sflag:s19], $0x1F00  }
0x84: {  	[sflag:s19] =	ssyncset.done $0x0  }
0x85: {  	s1 =	rddreg [dreg:$0x19];
	[sflag:s19] =	ssyncadd.s32 $0xFFFFE100  }
0x86: {  	[spmem:s2] =	stream.indirect.scatter.add.f32 [tilespmem:s12], [sflag:$0x5], $0x10, s1, s7, $0xb8;
	[tilespmem:$0xF720] =	vst v63  }
0x87: {  	_ =	swait.ge [sflag:s18], $0x1F00  }
0x88: {  	[sflag:s18] =	ssyncset.done $0x0  }
0x89: {  	s1 =	rddreg [dreg:$0x1a];
	[sflag:s18] =	ssyncadd.s32 $0xFFFFE100  }
0x8a: {  	[spmem:s2] =	stream.indirect.scatter.add.f32 [tilespmem:s11], [sflag:$0x6], $0x10, s1, s7, $0xb8;
	[tilespmem:$0xF720] =	vst v63  }
0x8b: {  	_ =	swait.ge [sflag:s17], $0x1F00  }
0x8c: {  	[sflag:s17] =	ssyncset.done $0x0  }
0x8d: {  	s1 =	rddreg [dreg:$0x1b];
	[sflag:s17] =	ssyncadd.s32 $0xFFFFE100  }
0x8e: {  	[spmem:s2] =	stream.indirect.scatter.add.f32 [tilespmem:s10], [sflag:$0x7], $0x10, s1, s7, $0xb8;
	[tilespmem:$0xF720] =	vst v63  }
0x8f: {  	_ =	swait.ge [sflag:s8], $0x1F00  }
0x90: {  	[sflag:s8] =	ssyncset.done $0x0  }
0x91: {  	s1 =	rddreg [dreg:$0x1c];
	[sflag:s8] =	ssyncadd.s32 $0xFFFFE100  }
0x92: {  	[spmem:s2] =	stream.indirect.scatter.add.f32 [tilespmem:s9], [sflag:$0x8], $0x10, s1, s7, $0xb8;
	[tilespmem:$0xF720] =	vst v63  }
0x93: {  	_ =	swait.ge [sflag:s13], $0x1F00  }
0x94: {  	[sflag:s13] =	ssyncset.done $0x0  }
0x95: {  	s1 =	rddreg [dreg:$0x1d];
	[sflag:s13] =	ssyncadd.s32 $0xFFFFE100  }
0x96: {  	[tilespmem:s12], [sflag:$0x1] =	stream.indirect.gather [hbm4b:s4+s7], $0x10, s1, s7, $0xb8;
	[tilespmem:$0xF720] =	vst v63  }
0x97: {  	_ =	swait.ge [sflag:s14], $0x1F00  }
0x98: {  	[sflag:s14] =	ssyncset.done $0x0  }
0x99: {  	s1 =	rddreg [dreg:$0x1e];
	[sflag:s14] =	ssyncadd.s32 $0xFFFFE100  }
0x9a: {  	[tilespmem:s11], [sflag:$0x2] =	stream.indirect.gather [hbm4b:s4+s7], $0x10, s1, s7, $0xb8;
	[tilespmem:$0xF720] =	vst v63  }
0x9b: {  	_ =	swait.ge [sflag:s15], $0x1F00  }
0x9c: {  	[sflag:s15] =	ssyncset.done $0x0  }
0x9d: {  	s1 =	rddreg [dreg:$0x1f];
	[sflag:s15] =	ssyncadd.s32 $0xFFFFE100  }
0x9e: {  	[tilespmem:s10], [sflag:$0x3] =	stream.indirect.gather [hbm4b:s4+s7], $0x10, s1, s7, $0xb8;
	[tilespmem:$0xF720] =	vst v63  }
0x9f: {  	_ =	swait.ge [sflag:s16], $0x1F00  }
0xa0: {  	s1 =	sld [smem:$0x7F6]  }
0xa1: {  	[sflag:s16] =	ssyncset.done $0x0  }
0xa2: {  	[sflag:s16] =	ssyncadd.s32 $0xFFFFE100  }
0xa3: {  	[tilespmem:s9], [sflag:$0x4] =	stream.indirect.gather [hbm4b:s4+s7], $0x10, s1, s7, $0xb8;
	[tilespmem:$0xF720] =	vst v63  }
0xa4: {  	_ =	swait.ge [sflag:s19], $0x1F00  }
0xa5: {  	s1 =	sld [smem:$0x7F7]  }
0xa6: {  	[sflag:s19] =	ssyncset.done $0x0  }
0xa7: {  	[sflag:s19] =	ssyncadd.s32 $0xFFFFE100  }
0xa8: {  	[spmem:s2] =	stream.indirect.scatter.add.f32 [tilespmem:s12], [sflag:$0x5], $0x10, s1, s7, $0xb8;
	[tilespmem:$0xF720] =	vst v63  }
0xa9: {  	_ =	swait.ge [sflag:s18], $0x1F00  }
0xaa: {  	s1 =	sld [smem:$0x7F8]  }
0xab: {  	[sflag:s18] =	ssyncset.done $0x0  }
0xac: {  	[sflag:s18] =	ssyncadd.s32 $0xFFFFE100  }
0xad: {  	[spmem:s2] =	stream.indirect.scatter.add.f32 [tilespmem:s11], [sflag:$0x6], $0x10, s1, s7, $0xb8;
	[tilespmem:$0xF720] =	vst v63  }
0xae: {  	_ =	swait.ge [sflag:s17], $0x1F00  }
0xaf: {  	s1 =	sld [smem:$0x7F9]  }
0xb0: {  	[sflag:s17] =	ssyncset.done $0x0  }
0xb1: {  	[sflag:s17] =	ssyncadd.s32 $0xFFFFE100  }
0xb2: {  	[spmem:s2] =	stream.indirect.scatter.add.f32 [tilespmem:s10], [sflag:$0x7], $0x10, s1, s7, $0xb8;
	[tilespmem:$0xF720] =	vst v63  }
0xb3: {  	_ =	swait.ge [sflag:s8], $0x1F00  }
0xb4: {  	s1 =	sld [smem:$0x7FA]  }
0xb5: {  	[sflag:s8] =	ssyncset.done $0x0  }
0xb6: {  	[sflag:s8] =	ssyncadd.s32 $0xFFFFE100  }
0xb7: {  	[spmem:s2] =	stream.indirect.scatter.add.f32 [tilespmem:s9], [sflag:$0x8], $0x10, s1, s7, $0xb8;
	[tilespmem:$0xF720] =	vst v63  }
0xb8: {  	_ =	swait.ge [sflag:s13], $0x1F00  }
0xb9: {  	s1 =	sld [smem:$0x7FB]  }
0xba: {  	[sflag:s13] =	ssyncset.done $0x0  }
0xbb: {  	[sflag:s13] =	ssyncadd.s32 $0xFFFFE100  }
0xbc: {  	[tilespmem:s12], [sflag:$0x1] =	stream.indirect.gather [hbm4b:s4+s7], $0x10, s1, s7, $0xb8;
	[tilespmem:$0xF720] =	vst v63  }
0xbd: {  	_ =	swait.ge [sflag:s14], $0x1F00  }
0xbe: {  	s1 =	sld [smem:$0x7FC]  }
0xbf: {  	[sflag:s14] =	ssyncset.done $0x0  }
0xc0: {  	[sflag:s14] =	ssyncadd.s32 $0xFFFFE100  }
0xc1: {  	[tilespmem:s11], [sflag:$0x2] =	stream.indirect.gather [hbm4b:s4+s7], $0x10, s1, s7, $0xb8;
	[tilespmem:$0xF720] =	vst v63  }
0xc2: {  	_ =	swait.ge [sflag:s15], $0x1F00  }
0xc3: {  	s1 =	sld [smem:$0x7FD]  }
0xc4: {  	[sflag:s15] =	ssyncset.done $0x0  }
0xc5: {  	[sflag:s15] =	ssyncadd.s32 $0xFFFFE100  }
0xc6: {  	[tilespmem:s10], [sflag:$0x3] =	stream.indirect.gather [hbm4b:s4+s7], $0x10, s1, s7, $0xb8;
	[tilespmem:$0xF720] =	vst v63  }
0xc7: {  	_ =	swait.ge [sflag:s16], $0x1F00  }
0xc8: {  	[sflag:s16] =	ssyncset.done $0x0  }
0xc9: {  	[sflag:s16] =	ssyncadd.s32 $0xFFFFE100  }
0xca: {  	[tilespmem:s9], [sflag:$0x4] =	stream.indirect.gather [hbm4b:s4+s7], $0x10, s26, s7, $0xb8;
	[tilespmem:$0xF720] =	vst v63  }
0xcb: {  	_ =	swait.ge [sflag:s19], $0x1F00  }
0xcc: {  	[sflag:s19] =	ssyncset.done $0x0  }
0xcd: {  	[sflag:s19] =	ssyncadd.s32 $0xFFFFE100  }
0xce: {  	[spmem:s2] =	stream.indirect.scatter.add.f32 [tilespmem:s12], [sflag:$0x5], $0x10, s29, s7, $0xb8;
	[tilespmem:$0xF720] =	vst v63  }
0xcf: {  	_ =	swait.ge [sflag:s18], $0x1F00  }
0xd0: {  	[sflag:s18] =	ssyncset.done $0x0  }
0xd1: {  	s1 =	simm.s32 $0x4800;
	[sflag:s18] =	ssyncadd.s32 $0xFFFFE100  }
0xd2: {  	[spmem:s2] =	stream.indirect.scatter.add.f32 [tilespmem:s11], [sflag:$0x6], $0x10, s1, s7, $0xb8;
	[tilespmem:$0xF720] =	vst v63  }
0xd3: {  	_ =	swait.ge [sflag:s17], $0x1F00  }
0xd4: {  	[sflag:s17] =	ssyncset.done $0x0  }
0xd5: {  	[sflag:s17] =	ssyncadd.s32 $0xFFFFE100  }
0xd6: {  	[spmem:s2] =	stream.indirect.scatter.add.f32 [tilespmem:s10], [sflag:$0x7], $0x10, s28, s7, $0xb8;
	[tilespmem:$0xF720] =	vst v63  }
0xd7: {  	_ =	swait.ge [sflag:s8], $0x1F00  }
0xd8: {  	[sflag:s8] =	ssyncset.done $0x0  }
0xd9: {  	[sflag:s8] =	ssyncadd.s32 $0xFFFFE100  }
0xda: {  	[spmem:s2] =	stream.indirect.scatter.add.f32 [tilespmem:s9], [sflag:$0x8], $0x10, s24, s7, $0xb8;
	[tilespmem:$0xF720] =	vst v63  }
0xdb: {  	_ = 	snop  }
0xdc: {  	[tilespmem:s21], [sflag:$0x4] =	stream.indirect.gather [hbm4b:s4+s20], $0x10, s25, s20, $0xb8;
	[tilespmem:$0xF720] =	vst v63  }
0xdd: {  	_ =	swait.ge [sflag:s13], $0x1F00  }
0xde: {  	[sflag:s13] =	ssyncset.done $0x0  }
0xdf: {  	[sflag:s13] =	ssyncadd.s32 $0xFFFFE100  }
0xe0: {  	_ =	swait.ge [sflag:s14], $0x1F00  }
0xe1: {  	[sflag:s14] =	ssyncset.done $0x0  }
0xe2: {  	[sflag:s14] =	ssyncadd.s32 $0xFFFFE100  }
0xe3: {  	_ =	swait.ge [sflag:s15], $0x1F00  }
0xe4: {  	[sflag:s15] =	ssyncset.done $0x0  }
0xe5: {  	[sflag:s15] =	ssyncadd.s32 $0xFFFFE100  }
0xe6: {  	_ =	swait.ge [sflag:s16], $0x1F00  }
0xe7: {  	[sflag:s16] =	ssyncset.done $0x0  }
0xe8: {  	[sflag:s16] =	ssyncadd.s32 $0xFFFFE100  }
0xe9: {  	_ =	swait.ge [sflag:s8], $0x500  }
0xea: {  	[sflag:s8] =	ssyncset.done $0x0  }
0xeb: {  	[sflag:s8] =	ssyncadd.s32 $0xFFFFFB00  }
0xec: {  	[spmem:s2] =	stream.indirect.scatter.add.f32 [tilespmem:s21], [sflag:$0x9], $0x10, s23, s20, $0xb8;
	[tilespmem:$0xF720] =	vst v63  }
0xed: {  	_ =	swait.ge [sflag:s6], $0x500  }
0xee: {  	[sflag:s6] =	ssyncset.done $0x0  }
0xef: {  	p1 =	sne.s32 s22, $0x1;
	[sflag:s6] =	ssyncadd.s32 $0xFFFFFB00  }
.Ltmp1:
0xf0: {  	[bflag:$0x0] =	sbarrier.arrive $0xFFFF;
	(pc) =	sbr.rel @!p1 .LBB2_3-.Ltmp1, $4  }
0xf1: {  	s1 =	rddreg [dreg:$0x7]  }
0xf2: {  	[hbm:s1], [sflag:s3] =	dma.local [spmem:s5], $0x500  }
0xf3: {  	p0 =	por $0x1, $0x1;
	_ =	swait.ge [sflag:s6], $0x500  }
0xf4: {  	s1 =	sadd.s32 $0xFFFFFFFF, s22;
	s0 =	rddreg [dreg:$0x4];
	[sflag:s6] =	ssyncset.done $0x0  }
.LBB2_4:
0xf5: {  	[sflag:s6] =	ssyncadd.s32 $0xFFFFFB00  }
0xf6: {  	[spmem:s5], [sflag:s3] =	dma.local [hbm:s0], $0x500  }
0xf7: {  	_ =	swait.ge [sflag:s6], $0x500  }
0xf8: {  	[sflag:s6] =	ssyncset.done $0x0  }
0xf9: {  	s22 =	rddreg [dreg:$0x5];
	[sflag:s6] =	ssyncadd.s32 $0xFFFFFB00  }
0xfa: {  	[tilespmem:s30], [sflag:$0x9] =	stream.linear.gather [hbm4b:s22+s30], $0x2710, $0x38;
	[tilespmem:$0xF720] =	vst v63  }
0xfb: {  	_ =	swait.ge [sflag:s6], $0x2710  }
0xfc: {  	[sflag:s6] =	ssyncset.done $0x0  }
0xfd: {  	s22 =	rddreg [dreg:$0x6];
	[sflag:s6] =	ssyncadd.s32 $0xFFFFD8F0  }
0xfe: {  	[tilespmem:s31], [sflag:$0x9] =	stream.linear.gather [hbm4b:s22+s30], $0x2710, $0x38;
	[tilespmem:$0xF720] =	vst v63  }
0xff: {  	_ =	swait.ge [sflag:s6], $0x2710  }
0x100: {  	[sflag:s6] =	ssyncset.done $0x0  }
0x101: {  	[sflag:s6] =	ssyncadd.s32 $0xFFFFD8F0  }
0x102: {  	[bflag:$0x0] =	sbarrier.arrive $0xFFFF  }
0x103: {  	[tilespmem:s12], [sflag:$0x1] =	stream.indirect.gather [hbm4b:s4+s7], $0x10, s30, s7, $0xb8;
	[tilespmem:$0xF720] =	vst v63  }
0x104: {  	_ = 	snop  }
0x105: {  	[tilespmem:s11], [sflag:$0x2] =	stream.indirect.gather [hbm4b:s4+s7], $0x10, s7, s7, $0xb8;
	[tilespmem:$0xF720] =	vst v63  }
0x106: {  	s0 =	rddreg [dreg:$0x8]  }
0x107: {  	[tilespmem:s10], [sflag:$0x3] =	stream.indirect.gather [hbm4b:s4+s7], $0x10, s0, s7, $0xb8;
	[tilespmem:$0xF720] =	vst v63  }
0x108: {  	s22 =	rddreg [dreg:$0x9]  }
0x109: {  	[tilespmem:s9], [sflag:$0x4] =	stream.indirect.gather [hbm4b:s4+s7], $0x10, s22, s7, $0xb8;
	[tilespmem:$0xF720] =	vst v63  }
0x10a: {  	_ =	swait.ge [sflag:s19], $0x1F00  }
0x10b: {  	[sflag:s19] =	ssyncset.done $0x0  }
0x10c: {  	[sflag:s19] =	ssyncadd.s32 $0xFFFFE100  }
0x10d: {  	[spmem:s2] =	stream.indirect.scatter.add.f32 [tilespmem:s12], [sflag:$0x5], $0x10, s31, s7, $0xb8;
	[tilespmem:$0xF720] =	vst v63  }
0x10e: {  	_ =	swait.ge [sflag:s18], $0x1F00  }
0x10f: {  	[sflag:s18] =	ssyncset.done $0x0  }
0x110: {  	s22 =	rddreg [dreg:$0xa];
	[sflag:s18] =	ssyncadd.s32 $0xFFFFE100  }
0x111: {  	[spmem:s2] =	stream.indirect.scatter.add.f32 [tilespmem:s11], [sflag:$0x6], $0x10, s22, s7, $0xb8;
	[tilespmem:$0xF720] =	vst v63  }
0x112: {  	_ =	swait.ge [sflag:s17], $0x1F00  }
0x113: {  	[sflag:s17] =	ssyncset.done $0x0  }
0x114: {  	s22 =	rddreg [dreg:$0xb];
	[sflag:s17] =	ssyncadd.s32 $0xFFFFE100  }
0x115: {  	[spmem:s2] =	stream.indirect.scatter.add.f32 [tilespmem:s10], [sflag:$0x7], $0x10, s22, s7, $0xb8;
	[tilespmem:$0xF720] =	vst v63  }
0x116: {  	_ =	swait.ge [sflag:s8], $0x1F00  }
0x117: {  	[sflag:s8] =	ssyncset.done $0x0  }
0x118: {  	s22 =	rddreg [dreg:$0xc];
	[sflag:s8] =	ssyncadd.s32 $0xFFFFE100  }
0x119: {  	[spmem:s2] =	stream.indirect.scatter.add.f32 [tilespmem:s9], [sflag:$0x8], $0x10, s22, s7, $0xb8;
	[tilespmem:$0xF720] =	vst v63  }
0x11a: {  	_ =	swait.ge [sflag:s13], $0x1F00  }
0x11b: {  	[sflag:s13] =	ssyncset.done $0x0  }
0x11c: {  	s22 =	rddreg [dreg:$0xd];
	[sflag:s13] =	ssyncadd.s32 $0xFFFFE100  }
0x11d: {  	[tilespmem:s12], [sflag:$0x1] =	stream.indirect.gather [hbm4b:s4+s7], $0x10, s22, s7, $0xb8;
	[tilespmem:$0xF720] =	vst v63  }
0x11e: {  	_ =	swait.ge [sflag:s14], $0x1F00  }
0x11f: {  	[sflag:s14] =	ssyncset.done $0x0  }
0x120: {  	s22 =	rddreg [dreg:$0xe];
	[sflag:s14] =	ssyncadd.s32 $0xFFFFE100  }
0x121: {  	[tilespmem:s11], [sflag:$0x2] =	stream.indirect.gather [hbm4b:s4+s7], $0x10, s22, s7, $0xb8;
	[tilespmem:$0xF720] =	vst v63  }
0x122: {  	_ =	swait.ge [sflag:s15], $0x1F00  }
0x123: {  	[sflag:s15] =	ssyncset.done $0x0  }
0x124: {  	s22 =	rddreg [dreg:$0xf];
	[sflag:s15] =	ssyncadd.s32 $0xFFFFE100  }
0x125: {  	[tilespmem:s10], [sflag:$0x3] =	stream.indirect.gather [hbm4b:s4+s7], $0x10, s22, s7, $0xb8;
	[tilespmem:$0xF720] =	vst v63  }
0x126: {  	_ =	swait.ge [sflag:s16], $0x1F00  }
0x127: {  	[sflag:s16] =	ssyncset.done $0x0  }
0x128: {  	s22 =	rddreg [dreg:$0x10];
	[sflag:s16] =	ssyncadd.s32 $0xFFFFE100  }
0x129: {  	[tilespmem:s9], [sflag:$0x4] =	stream.indirect.gather [hbm4b:s4+s7], $0x10, s22, s7, $0xb8;
	[tilespmem:$0xF720] =	vst v63  }
0x12a: {  	_ =	swait.ge [sflag:s19], $0x1F00  }
0x12b: {  	[sflag:s19] =	ssyncset.done $0x0  }
0x12c: {  	s22 =	rddreg [dreg:$0x11];
	[sflag:s19] =	ssyncadd.s32 $0xFFFFE100  }
0x12d: {  	[spmem:s2] =	stream.indirect.scatter.add.f32 [tilespmem:s12], [sflag:$0x5], $0x10, s22, s7, $0xb8;
	[tilespmem:$0xF720] =	vst v63  }
0x12e: {  	_ =	swait.ge [sflag:s18], $0x1F00  }
0x12f: {  	[sflag:s18] =	ssyncset.done $0x0  }
0x130: {  	s22 =	rddreg [dreg:$0x12];
	[sflag:s18] =	ssyncadd.s32 $0xFFFFE100  }
0x131: {  	[spmem:s2] =	stream.indirect.scatter.add.f32 [tilespmem:s11], [sflag:$0x6], $0x10, s22, s7, $0xb8;
	[tilespmem:$0xF720] =	vst v63  }
0x132: {  	_ =	swait.ge [sflag:s17], $0x1F00  }
0x133: {  	[sflag:s17] =	ssyncset.done $0x0  }
0x134: {  	s22 =	rddreg [dreg:$0x13];
	[sflag:s17] =	ssyncadd.s32 $0xFFFFE100  }
0x135: {  	[spmem:s2] =	stream.indirect.scatter.add.f32 [tilespmem:s10], [sflag:$0x7], $0x10, s22, s7, $0xb8;
	[tilespmem:$0xF720] =	vst v63  }
0x136: {  	_ =	swait.ge [sflag:s8], $0x1F00  }
0x137: {  	[sflag:s8] =	ssyncset.done $0x0  }
0x138: {  	s22 =	rddreg [dreg:$0x14];
	[sflag:s8] =	ssyncadd.s32 $0xFFFFE100  }
0x139: {  	[spmem:s2] =	stream.indirect.scatter.add.f32 [tilespmem:s9], [sflag:$0x8], $0x10, s22, s7, $0xb8;
	[tilespmem:$0xF720] =	vst v63  }
0x13a: {  	_ =	swait.ge [sflag:s13], $0x1F00  }
0x13b: {  	[sflag:s13] =	ssyncset.done $0x0  }
0x13c: {  	s22 =	rddreg [dreg:$0x15];
	[sflag:s13] =	ssyncadd.s32 $0xFFFFE100  }
0x13d: {  	[tilespmem:s12], [sflag:$0x1] =	stream.indirect.gather [hbm4b:s4+s7], $0x10, s22, s7, $0xb8;
	[tilespmem:$0xF720] =	vst v63  }
0x13e: {  	_ =	swait.ge [sflag:s14], $0x1F00  }
0x13f: {  	[sflag:s14] =	ssyncset.done $0x0  }
0x140: {  	s22 =	rddreg [dreg:$0x16];
	[sflag:s14] =	ssyncadd.s32 $0xFFFFE100  }
0x141: {  	[tilespmem:s11], [sflag:$0x2] =	stream.indirect.gather [hbm4b:s4+s7], $0x10, s22, s7, $0xb8;
	[tilespmem:$0xF720] =	vst v63  }
0x142: {  	_ =	swait.ge [sflag:s15], $0x1F00  }
0x143: {  	[sflag:s15] =	ssyncset.done $0x0  }
0x144: {  	s22 =	rddreg [dreg:$0x17];
	[sflag:s15] =	ssyncadd.s32 $0xFFFFE100  }
0x145: {  	[tilespmem:s10], [sflag:$0x3] =	stream.indirect.gather [hbm4b:s4+s7], $0x10, s22, s7, $0xb8;
	[tilespmem:$0xF720] =	vst v63  }
0x146: {  	_ =	swait.ge [sflag:s16], $0x1F00  }
0x147: {  	[sflag:s16] =	ssyncset.done $0x0  }
0x148: {  	s22 =	rddreg [dreg:$0x18];
	[sflag:s16] =	ssyncadd.s32 $0xFFFFE100  }
0x149: {  	[tilespmem:s9], [sflag:$0x4] =	stream.indirect.gather [hbm4b:s4+s7], $0x10, s22, s7, $0xb8;
	[tilespmem:$0xF720] =	vst v63  }
0x14a: {  	_ =	swait.ge [sflag:s19], $0x1F00  }
0x14b: {  	[sflag:s19] =	ssyncset.done $0x0  }
0x14c: {  	s22 =	rddreg [dreg:$0x19];
	[sflag:s19] =	ssyncadd.s32 $0xFFFFE100  }
0x14d: {  	[spmem:s2] =	stream.indirect.scatter.add.f32 [tilespmem:s12], [sflag:$0x5], $0x10, s22, s7, $0xb8;
	[tilespmem:$0xF720] =	vst v63  }
0x14e: {  	_ =	swait.ge [sflag:s18], $0x1F00  }
0x14f: {  	[sflag:s18] =	ssyncset.done $0x0  }
0x150: {  	s22 =	rddreg [dreg:$0x1a];
	[sflag:s18] =	ssyncadd.s32 $0xFFFFE100  }
0x151: {  	[spmem:s2] =	stream.indirect.scatter.add.f32 [tilespmem:s11], [sflag:$0x6], $0x10, s22, s7, $0xb8;
	[tilespmem:$0xF720] =	vst v63  }
0x152: {  	_ =	swait.ge [sflag:s17], $0x1F00  }
0x153: {  	[sflag:s17] =	ssyncset.done $0x0  }
0x154: {  	s22 =	rddreg [dreg:$0x1b];
	[sflag:s17] =	ssyncadd.s32 $0xFFFFE100  }
0x155: {  	[spmem:s2] =	stream.indirect.scatter.add.f32 [tilespmem:s10], [sflag:$0x7], $0x10, s22, s7, $0xb8;
	[tilespmem:$0xF720] =	vst v63  }
0x156: {  	_ =	swait.ge [sflag:s8], $0x1F00  }
0x157: {  	[sflag:s8] =	ssyncset.done $0x0  }
0x158: {  	s22 =	rddreg [dreg:$0x1c];
	[sflag:s8] =	ssyncadd.s32 $0xFFFFE100  }
0x159: {  	[spmem:s2] =	stream.indirect.scatter.add.f32 [tilespmem:s9], [sflag:$0x8], $0x10, s22, s7, $0xb8;
	[tilespmem:$0xF720] =	vst v63  }
0x15a: {  	_ =	swait.ge [sflag:s13], $0x1F00  }
0x15b: {  	[sflag:s13] =	ssyncset.done $0x0  }
0x15c: {  	s22 =	rddreg [dreg:$0x1d];
	[sflag:s13] =	ssyncadd.s32 $0xFFFFE100  }
0x15d: {  	[tilespmem:s12], [sflag:$0x1] =	stream.indirect.gather [hbm4b:s4+s7], $0x10, s22, s7, $0xb8;
	[tilespmem:$0xF720] =	vst v63  }
0x15e: {  	_ =	swait.ge [sflag:s14], $0x1F00  }
0x15f: {  	[sflag:s14] =	ssyncset.done $0x0  }
0x160: {  	s22 =	rddreg [dreg:$0x1e];
	[sflag:s14] =	ssyncadd.s32 $0xFFFFE100  }
0x161: {  	[tilespmem:s11], [sflag:$0x2] =	stream.indirect.gather [hbm4b:s4+s7], $0x10, s22, s7, $0xb8;
	[tilespmem:$0xF720] =	vst v63  }
0x162: {  	_ =	swait.ge [sflag:s15], $0x1F00  }
0x163: {  	[sflag:s15] =	ssyncset.done $0x0  }
0x164: {  	s22 =	rddreg [dreg:$0x1f];
	[sflag:s15] =	ssyncadd.s32 $0xFFFFE100  }
0x165: {  	[tilespmem:s10], [sflag:$0x3] =	stream.indirect.gather [hbm4b:s4+s7], $0x10, s22, s7, $0xb8;
	[tilespmem:$0xF720] =	vst v63  }
0x166: {  	_ =	swait.ge [sflag:s16], $0x1F00  }
0x167: {  	s22 =	sld [smem:$0x7F6]  }
0x168: {  	[sflag:s16] =	ssyncset.done $0x0  }
0x169: {  	[sflag:s16] =	ssyncadd.s32 $0xFFFFE100  }
0x16a: {  	[tilespmem:s9], [sflag:$0x4] =	stream.indirect.gather [hbm4b:s4+s7], $0x10, s22, s7, $0xb8;
	[tilespmem:$0xF720] =	vst v63  }
0x16b: {  	_ =	swait.ge [sflag:s19], $0x1F00  }
0x16c: {  	s22 =	sld [smem:$0x7F7]  }
0x16d: {  	[sflag:s19] =	ssyncset.done $0x0  }
0x16e: {  	[sflag:s19] =	ssyncadd.s32 $0xFFFFE100  }
0x16f: {  	[spmem:s2] =	stream.indirect.scatter.add.f32 [tilespmem:s12], [sflag:$0x5], $0x10, s22, s7, $0xb8;
	[tilespmem:$0xF720] =	vst v63  }
0x170: {  	_ =	swait.ge [sflag:s18], $0x1F00  }
0x171: {  	s22 =	sld [smem:$0x7F8]  }
0x172: {  	[sflag:s18] =	ssyncset.done $0x0  }
0x173: {  	[sflag:s18] =	ssyncadd.s32 $0xFFFFE100  }
0x174: {  	[spmem:s2] =	stream.indirect.scatter.add.f32 [tilespmem:s11], [sflag:$0x6], $0x10, s22, s7, $0xb8;
	[tilespmem:$0xF720] =	vst v63  }
0x175: {  	_ =	swait.ge [sflag:s17], $0x1F00  }
0x176: {  	s22 =	sld [smem:$0x7F9]  }
0x177: {  	[sflag:s17] =	ssyncset.done $0x0  }
0x178: {  	[sflag:s17] =	ssyncadd.s32 $0xFFFFE100  }
0x179: {  	[spmem:s2] =	stream.indirect.scatter.add.f32 [tilespmem:s10], [sflag:$0x7], $0x10, s22, s7, $0xb8;
	[tilespmem:$0xF720] =	vst v63  }
0x17a: {  	_ =	swait.ge [sflag:s8], $0x1F00  }
0x17b: {  	s22 =	sld [smem:$0x7FA]  }
0x17c: {  	[sflag:s8] =	ssyncset.done $0x0  }
0x17d: {  	[sflag:s8] =	ssyncadd.s32 $0xFFFFE100  }
0x17e: {  	[spmem:s2] =	stream.indirect.scatter.add.f32 [tilespmem:s9], [sflag:$0x8], $0x10, s22, s7, $0xb8;
	[tilespmem:$0xF720] =	vst v63  }
0x17f: {  	_ =	swait.ge [sflag:s13], $0x1F00  }
0x180: {  	s22 =	sld [smem:$0x7FB]  }
0x181: {  	[sflag:s13] =	ssyncset.done $0x0  }
0x182: {  	[sflag:s13] =	ssyncadd.s32 $0xFFFFE100  }
0x183: {  	[tilespmem:s12], [sflag:$0x1] =	stream.indirect.gather [hbm4b:s4+s7], $0x10, s22, s7, $0xb8;
	[tilespmem:$0xF720] =	vst v63  }
0x184: {  	_ =	swait.ge [sflag:s14], $0x1F00  }
0x185: {  	s22 =	sld [smem:$0x7FC]  }
0x186: {  	[sflag:s14] =	ssyncset.done $0x0  }
0x187: {  	[sflag:s14] =	ssyncadd.s32 $0xFFFFE100  }
0x188: {  	[tilespmem:s11], [sflag:$0x2] =	stream.indirect.gather [hbm4b:s4+s7], $0x10, s22, s7, $0xb8;
	[tilespmem:$0xF720] =	vst v63  }
0x189: {  	_ =	swait.ge [sflag:s15], $0x1F00  }
0x18a: {  	s22 =	sld [smem:$0x7FD]  }
0x18b: {  	[sflag:s15] =	ssyncset.done $0x0  }
0x18c: {  	[sflag:s15] =	ssyncadd.s32 $0xFFFFE100  }
0x18d: {  	[tilespmem:s10], [sflag:$0x3] =	stream.indirect.gather [hbm4b:s4+s7], $0x10, s22, s7, $0xb8;
	[tilespmem:$0xF720] =	vst v63  }
0x18e: {  	_ =	swait.ge [sflag:s16], $0x1F00  }
0x18f: {  	[sflag:s16] =	ssyncset.done $0x0  }
0x190: {  	[sflag:s16] =	ssyncadd.s32 $0xFFFFE100  }
0x191: {  	[tilespmem:s9], [sflag:$0x4] =	stream.indirect.gather [hbm4b:s4+s7], $0x10, s26, s7, $0xb8;
	[tilespmem:$0xF720] =	vst v63  }
0x192: {  	_ =	swait.ge [sflag:s19], $0x1F00  }
0x193: {  	[sflag:s19] =	ssyncset.done $0x0  }
0x194: {  	[sflag:s19] =	ssyncadd.s32 $0xFFFFE100  }
0x195: {  	[spmem:s2] =	stream.indirect.scatter.add.f32 [tilespmem:s12], [sflag:$0x5], $0x10, s29, s7, $0xb8;
	[tilespmem:$0xF720] =	vst v63  }
0x196: {  	_ =	swait.ge [sflag:s18], $0x1F00  }
0x197: {  	[sflag:s18] =	ssyncset.done $0x0  }
0x198: {  	s22 =	simm.s32 $0x4800;
	[sflag:s18] =	ssyncadd.s32 $0xFFFFE100  }
0x199: {  	[spmem:s2] =	stream.indirect.scatter.add.f32 [tilespmem:s11], [sflag:$0x6], $0x10, s22, s7, $0xb8;
	[tilespmem:$0xF720] =	vst v63  }
0x19a: {  	_ =	swait.ge [sflag:s17], $0x1F00  }
0x19b: {  	[sflag:s17] =	ssyncset.done $0x0  }
0x19c: {  	[sflag:s17] =	ssyncadd.s32 $0xFFFFE100  }
0x19d: {  	[spmem:s2] =	stream.indirect.scatter.add.f32 [tilespmem:s10], [sflag:$0x7], $0x10, s28, s7, $0xb8;
	[tilespmem:$0xF720] =	vst v63  }
0x19e: {  	_ =	swait.ge [sflag:s8], $0x1F00  }
0x19f: {  	[sflag:s8] =	ssyncset.done $0x0  }
0x1a0: {  	[sflag:s8] =	ssyncadd.s32 $0xFFFFE100  }
0x1a1: {  	[spmem:s2] =	stream.indirect.scatter.add.f32 [tilespmem:s9], [sflag:$0x8], $0x10, s24, s7, $0xb8;
	[tilespmem:$0xF720] =	vst v63  }
0x1a2: {  	_ = 	snop  }
0x1a3: {  	[tilespmem:s21], [sflag:$0x4] =	stream.indirect.gather [hbm4b:s4+s20], $0x10, s25, s20, $0xb8;
	[tilespmem:$0xF720] =	vst v63  }
0x1a4: {  	_ =	swait.ge [sflag:s13], $0x1F00  }
0x1a5: {  	[sflag:s13] =	ssyncset.done $0x0  }
0x1a6: {  	[sflag:s13] =	ssyncadd.s32 $0xFFFFE100  }
0x1a7: {  	_ =	swait.ge [sflag:s14], $0x1F00  }
0x1a8: {  	[sflag:s14] =	ssyncset.done $0x0  }
0x1a9: {  	[sflag:s14] =	ssyncadd.s32 $0xFFFFE100  }
0x1aa: {  	_ =	swait.ge [sflag:s15], $0x1F00  }
0x1ab: {  	[sflag:s15] =	ssyncset.done $0x0  }
0x1ac: {  	[sflag:s15] =	ssyncadd.s32 $0xFFFFE100  }
0x1ad: {  	_ =	swait.ge [sflag:s16], $0x1F00  }
0x1ae: {  	[sflag:s16] =	ssyncset.done $0x0  }
0x1af: {  	[sflag:s16] =	ssyncadd.s32 $0xFFFFE100  }
0x1b0: {  	_ =	swait.ge [sflag:s8], $0x500  }
0x1b1: {  	[sflag:s8] =	ssyncset.done $0x0  }
0x1b2: {  	[sflag:s8] =	ssyncadd.s32 $0xFFFFFB00  }
0x1b3: {  	[spmem:s2] =	stream.indirect.scatter.add.f32 [tilespmem:s21], [sflag:$0x9], $0x10, s23, s20, $0xb8;
	[tilespmem:$0xF720] =	vst v63  }
0x1b4: {  	_ =	swait.ge [sflag:s6], $0x500  }
0x1b5: {  	[sflag:s6] =	ssyncset.done $0x0  }
0x1b6: {  	p1 =	sne.s32 s1, $0x1;
	[sflag:s6] =	ssyncadd.s32 $0xFFFFFB00  }
.Ltmp2:
0x1b7: {  	[bflag:$0x0] =	sbarrier.arrive $0xFFFF;
	(pc) =	sbr.rel @p1 .LBB2_4-.Ltmp2, $4  }
0x1b8: {  	s22 =	rddreg [dreg:$0x7]  }
0x1b9: {  	[hbm:s22], [sflag:s3] =	dma.local [spmem:s5], $0x500  }
0x1ba: {  	_ =	swait.ge [sflag:s6], $0x500  }
0x1bb: {  	s1 =	sadd.s32 $0xFFFFFFFF, s1;
	s0 =	rddreg [dreg:$0x4];
	[sflag:s6] =	ssyncset.done $0x0  }
0x1bc: {  	s23 =	simm.s32 $0x24D0  }
0x1bd: {  	s29 =	simm.s32 $0x4610;
	s28 =	simm.s32 $0x49F0;
	s26 =	simm.s32 $0x4800  }
0x1be: {  	s25 =	simm.s32 $0x26C0;
	s24 =	simm.s32 $0x4BE0;
	s22 =	stileid.u32  }
.LBB2_6:
0x1bf: {  	[sflag:s6] =	ssyncadd.s32 @p0 $0xFFFFFB00  }
0x1c0: {  	[spmem:s5], [sflag:s3] =	dma.local [hbm:s0], $0x500  }
0x1c1: {  	_ =	swait.ge [sflag:s6], $0x500  }
0x1c2: {  	[sflag:s6] =	ssyncset.done $0x0  }
0x1c3: {  	s1 =	rddreg [dreg:$0x5];
	[sflag:s6] =	ssyncadd.s32 $0xFFFFFB00  }
0x1c4: {  	[tilespmem:s30], [sflag:$0x9] =	stream.linear.gather [hbm4b:s1+s30], $0x2710, $0x38;
	[tilespmem:$0xF720] =	vst v63  }
0x1c5: {  	_ =	swait.ge [sflag:s6], $0x2710  }
0x1c6: {  	[sflag:s6] =	ssyncset.done $0x0  }
0x1c7: {  	s1 =	rddreg [dreg:$0x6];
	[sflag:s6] =	ssyncadd.s32 $0xFFFFD8F0  }
0x1c8: {  	[tilespmem:s31], [sflag:$0x9] =	stream.linear.gather [hbm4b:s1+s30], $0x2710, $0x38;
	[tilespmem:$0xF720] =	vst v63  }
0x1c9: {  	_ =	swait.ge [sflag:s6], $0x2710  }
0x1ca: {  	[sflag:s6] =	ssyncset.done $0x0  }
0x1cb: {  	[sflag:s6] =	ssyncadd.s32 $0xFFFFD8F0  }
0x1cc: {  	[bflag:$0x0] =	sbarrier.arrive $0xFFFF  }
0x1cd: {  	[tilespmem:s12], [sflag:$0x1] =	stream.indirect.gather [hbm4b:s4+s7], $0x10, s30, s7, $0xb8;
	[tilespmem:$0xF720] =	vst v63  }
0x1ce: {  	_ = 	snop  }
0x1cf: {  	[tilespmem:s11], [sflag:$0x2] =	stream.indirect.gather [hbm4b:s4+s7], $0x10, s7, s7, $0xb8;
	[tilespmem:$0xF720] =	vst v63  }
0x1d0: {  	s30 =	rddreg [dreg:$0x8]  }
0x1d1: {  	[tilespmem:s10], [sflag:$0x3] =	stream.indirect.gather [hbm4b:s4+s7], $0x10, s30, s7, $0xb8;
	[tilespmem:$0xF720] =	vst v63  }
0x1d2: {  	s1 =	rddreg [dreg:$0x9]  }
0x1d3: {  	[tilespmem:s9], [sflag:$0x4] =	stream.indirect.gather [hbm4b:s4+s7], $0x10, s1, s7, $0xb8;
	[tilespmem:$0xF720] =	vst v63  }
0x1d4: {  	_ =	swait.ge [sflag:s19], $0x1F00  }
0x1d5: {  	[sflag:s19] =	ssyncset.done $0x0  }
0x1d6: {  	[sflag:s19] =	ssyncadd.s32 $0xFFFFE100  }
0x1d7: {  	[spmem:s2] =	stream.indirect.scatter.add.f32 [tilespmem:s12], [sflag:$0x5], $0x10, s31, s7, $0xb8;
	[tilespmem:$0xF720] =	vst v63  }
0x1d8: {  	_ =	swait.ge [sflag:s18], $0x1F00  }
0x1d9: {  	[sflag:s18] =	ssyncset.done $0x0  }
0x1da: {  	s30 =	rddreg [dreg:$0xa];
	[sflag:s18] =	ssyncadd.s32 $0xFFFFE100  }
0x1db: {  	[spmem:s2] =	stream.indirect.scatter.add.f32 [tilespmem:s11], [sflag:$0x6], $0x10, s30, s7, $0xb8;
	[tilespmem:$0xF720] =	vst v63  }
0x1dc: {  	_ =	swait.ge [sflag:s17], $0x1F00  }
0x1dd: {  	[sflag:s17] =	ssyncset.done $0x0  }
0x1de: {  	s31 =	rddreg [dreg:$0xb];
	[sflag:s17] =	ssyncadd.s32 $0xFFFFE100  }
0x1df: {  	[spmem:s2] =	stream.indirect.scatter.add.f32 [tilespmem:s10], [sflag:$0x7], $0x10, s31, s7, $0xb8;
	[tilespmem:$0xF720] =	vst v63  }
0x1e0: {  	_ =	swait.ge [sflag:s8], $0x1F00  }
0x1e1: {  	[sflag:s8] =	ssyncset.done $0x0  }
0x1e2: {  	s1 =	rddreg [dreg:$0xc];
	[sflag:s8] =	ssyncadd.s32 $0xFFFFE100  }
0x1e3: {  	[spmem:s2] =	stream.indirect.scatter.add.f32 [tilespmem:s9], [sflag:$0x8], $0x10, s1, s7, $0xb8;
	[tilespmem:$0xF720] =	vst v63  }
0x1e4: {  	_ =	swait.ge [sflag:s13], $0x1F00  }
0x1e5: {  	[sflag:s13] =	ssyncset.done $0x0  }
0x1e6: {  	s30 =	rddreg [dreg:$0xd];
	[sflag:s13] =	ssyncadd.s32 $0xFFFFE100  }
0x1e7: {  	[tilespmem:s12], [sflag:$0x1] =	stream.indirect.gather [hbm4b:s4+s7], $0x10, s30, s7, $0xb8;
	[tilespmem:$0xF720] =	vst v63  }
0x1e8: {  	_ =	swait.ge [sflag:s14], $0x1F00  }
0x1e9: {  	[sflag:s14] =	ssyncset.done $0x0  }
0x1ea: {  	s31 =	rddreg [dreg:$0xe];
	[sflag:s14] =	ssyncadd.s32 $0xFFFFE100  }
0x1eb: {  	[tilespmem:s11], [sflag:$0x2] =	stream.indirect.gather [hbm4b:s4+s7], $0x10, s31, s7, $0xb8;
	[tilespmem:$0xF720] =	vst v63  }
0x1ec: {  	_ =	swait.ge [sflag:s15], $0x1F00  }
0x1ed: {  	[sflag:s15] =	ssyncset.done $0x0  }
0x1ee: {  	s1 =	rddreg [dreg:$0xf];
	[sflag:s15] =	ssyncadd.s32 $0xFFFFE100  }
0x1ef: {  	[tilespmem:s10], [sflag:$0x3] =	stream.indirect.gather [hbm4b:s4+s7], $0x10, s1, s7, $0xb8;
	[tilespmem:$0xF720] =	vst v63  }
0x1f0: {  	_ =	swait.ge [sflag:s16], $0x1F00  }
0x1f1: {  	[sflag:s16] =	ssyncset.done $0x0  }
0x1f2: {  	s30 =	rddreg [dreg:$0x10];
	[sflag:s16] =	ssyncadd.s32 $0xFFFFE100  }
0x1f3: {  	[tilespmem:s9], [sflag:$0x4] =	stream.indirect.gather [hbm4b:s4+s7], $0x10, s30, s7, $0xb8;
	[tilespmem:$0xF720] =	vst v63  }
0x1f4: {  	_ =	swait.ge [sflag:s19], $0x1F00  }
0x1f5: {  	[sflag:s19] =	ssyncset.done $0x0  }
0x1f6: {  	s31 =	rddreg [dreg:$0x11];
	[sflag:s19] =	ssyncadd.s32 $0xFFFFE100  }
0x1f7: {  	[spmem:s2] =	stream.indirect.scatter.add.f32 [tilespmem:s12], [sflag:$0x5], $0x10, s31, s7, $0xb8;
	[tilespmem:$0xF720] =	vst v63  }
0x1f8: {  	_ =	swait.ge [sflag:s18], $0x1F00  }
0x1f9: {  	[sflag:s18] =	ssyncset.done $0x0  }
0x1fa: {  	s1 =	rddreg [dreg:$0x12];
	[sflag:s18] =	ssyncadd.s32 $0xFFFFE100  }
0x1fb: {  	[spmem:s2] =	stream.indirect.scatter.add.f32 [tilespmem:s11], [sflag:$0x6], $0x10, s1, s7, $0xb8;
	[tilespmem:$0xF720] =	vst v63  }
0x1fc: {  	_ =	swait.ge [sflag:s17], $0x1F00  }
0x1fd: {  	[sflag:s17] =	ssyncset.done $0x0  }
0x1fe: {  	s30 =	rddreg [dreg:$0x13];
	[sflag:s17] =	ssyncadd.s32 $0xFFFFE100  }
0x1ff: {  	[spmem:s2] =	stream.indirect.scatter.add.f32 [tilespmem:s10], [sflag:$0x7], $0x10, s30, s7, $0xb8;
	[tilespmem:$0xF720] =	vst v63  }
0x200: {  	_ =	swait.ge [sflag:s8], $0x1F00  }
0x201: {  	[sflag:s8] =	ssyncset.done $0x0  }
0x202: {  	s31 =	rddreg [dreg:$0x14];
	[sflag:s8] =	ssyncadd.s32 $0xFFFFE100  }
0x203: {  	[spmem:s2] =	stream.indirect.scatter.add.f32 [tilespmem:s9], [sflag:$0x8], $0x10, s31, s7, $0xb8;
	[tilespmem:$0xF720] =	vst v63  }
0x204: {  	_ =	swait.ge [sflag:s13], $0x1F00  }
0x205: {  	[sflag:s13] =	ssyncset.done $0x0  }
0x206: {  	s1 =	rddreg [dreg:$0x15];
	[sflag:s13] =	ssyncadd.s32 $0xFFFFE100  }
0x207: {  	[tilespmem:s12], [sflag:$0x1] =	stream.indirect.gather [hbm4b:s4+s7], $0x10, s1, s7, $0xb8;
	[tilespmem:$0xF720] =	vst v63  }
0x208: {  	_ =	swait.ge [sflag:s14], $0x1F00  }
0x209: {  	[sflag:s14] =	ssyncset.done $0x0  }
0x20a: {  	s30 =	rddreg [dreg:$0x16];
	[sflag:s14] =	ssyncadd.s32 $0xFFFFE100  }
0x20b: {  	[tilespmem:s11], [sflag:$0x2] =	stream.indirect.gather [hbm4b:s4+s7], $0x10, s30, s7, $0xb8;
	[tilespmem:$0xF720] =	vst v63  }
0x20c: {  	_ =	swait.ge [sflag:s15], $0x1F00  }
0x20d: {  	[sflag:s15] =	ssyncset.done $0x0  }
0x20e: {  	s31 =	rddreg [dreg:$0x17];
	[sflag:s15] =	ssyncadd.s32 $0xFFFFE100  }
0x20f: {  	[tilespmem:s10], [sflag:$0x3] =	stream.indirect.gather [hbm4b:s4+s7], $0x10, s31, s7, $0xb8;
	[tilespmem:$0xF720] =	vst v63  }
0x210: {  	_ =	swait.ge [sflag:s16], $0x1F00  }
0x211: {  	[sflag:s16] =	ssyncset.done $0x0  }
0x212: {  	s1 =	rddreg [dreg:$0x18];
	[sflag:s16] =	ssyncadd.s32 $0xFFFFE100  }
0x213: {  	[tilespmem:s9], [sflag:$0x4] =	stream.indirect.gather [hbm4b:s4+s7], $0x10, s1, s7, $0xb8;
	[tilespmem:$0xF720] =	vst v63  }
0x214: {  	_ =	swait.ge [sflag:s19], $0x1F00  }
0x215: {  	[sflag:s19] =	ssyncset.done $0x0  }
0x216: {  	s30 =	rddreg [dreg:$0x19];
	[sflag:s19] =	ssyncadd.s32 $0xFFFFE100  }
0x217: {  	[spmem:s2] =	stream.indirect.scatter.add.f32 [tilespmem:s12], [sflag:$0x5], $0x10, s30, s7, $0xb8;
	[tilespmem:$0xF720] =	vst v63  }
0x218: {  	_ =	swait.ge [sflag:s18], $0x1F00  }
0x219: {  	[sflag:s18] =	ssyncset.done $0x0  }
0x21a: {  	s31 =	rddreg [dreg:$0x1a];
	[sflag:s18] =	ssyncadd.s32 $0xFFFFE100  }
0x21b: {  	[spmem:s2] =	stream.indirect.scatter.add.f32 [tilespmem:s11], [sflag:$0x6], $0x10, s31, s7, $0xb8;
	[tilespmem:$0xF720] =	vst v63  }
0x21c: {  	_ =	swait.ge [sflag:s17], $0x1F00  }
0x21d: {  	[sflag:s17] =	ssyncset.done $0x0  }
0x21e: {  	s1 =	rddreg [dreg:$0x1b];
	[sflag:s17] =	ssyncadd.s32 $0xFFFFE100  }
0x21f: {  	[spmem:s2] =	stream.indirect.scatter.add.f32 [tilespmem:s10], [sflag:$0x7], $0x10, s1, s7, $0xb8;
	[tilespmem:$0xF720] =	vst v63  }
0x220: {  	_ =	swait.ge [sflag:s8], $0x1F00  }
0x221: {  	[sflag:s8] =	ssyncset.done $0x0  }
0x222: {  	s30 =	rddreg [dreg:$0x1c];
	[sflag:s8] =	ssyncadd.s32 $0xFFFFE100  }
0x223: {  	[spmem:s2] =	stream.indirect.scatter.add.f32 [tilespmem:s9], [sflag:$0x8], $0x10, s30, s7, $0xb8;
	[tilespmem:$0xF720] =	vst v63  }
0x224: {  	_ =	swait.ge [sflag:s13], $0x1F00  }
0x225: {  	[sflag:s13] =	ssyncset.done $0x0  }
0x226: {  	s31 =	rddreg [dreg:$0x1d];
	[sflag:s13] =	ssyncadd.s32 $0xFFFFE100  }
0x227: {  	[tilespmem:s12], [sflag:$0x1] =	stream.indirect.gather [hbm4b:s4+s7], $0x10, s31, s7, $0xb8;
	[tilespmem:$0xF720] =	vst v63  }
0x228: {  	_ =	swait.ge [sflag:s14], $0x1F00  }
0x229: {  	[sflag:s14] =	ssyncset.done $0x0  }
0x22a: {  	s1 =	rddreg [dreg:$0x1e];
	[sflag:s14] =	ssyncadd.s32 $0xFFFFE100  }
0x22b: {  	[tilespmem:s11], [sflag:$0x2] =	stream.indirect.gather [hbm4b:s4+s7], $0x10, s1, s7, $0xb8;
	[tilespmem:$0xF720] =	vst v63  }
0x22c: {  	_ =	swait.ge [sflag:s15], $0x1F00  }
0x22d: {  	[sflag:s15] =	ssyncset.done $0x0  }
0x22e: {  	s30 =	rddreg [dreg:$0x1f];
	[sflag:s15] =	ssyncadd.s32 $0xFFFFE100  }
0x22f: {  	[tilespmem:s10], [sflag:$0x3] =	stream.indirect.gather [hbm4b:s4+s7], $0x10, s30, s7, $0xb8;
	[tilespmem:$0xF720] =	vst v63  }
0x230: {  	_ =	swait.ge [sflag:s16], $0x1F00  }
0x231: {  	s31 =	sld [smem:$0x7F6]  }
0x232: {  	[sflag:s16] =	ssyncset.done $0x0  }
0x233: {  	[sflag:s16] =	ssyncadd.s32 $0xFFFFE100  }
0x234: {  	[tilespmem:s9], [sflag:$0x4] =	stream.indirect.gather [hbm4b:s4+s7], $0x10, s31, s7, $0xb8;
	[tilespmem:$0xF720] =	vst v63  }
0x235: {  	_ =	swait.ge [sflag:s19], $0x1F00  }
0x236: {  	s1 =	sld [smem:$0x7F7]  }
0x237: {  	[sflag:s19] =	ssyncset.done $0x0  }
0x238: {  	[sflag:s19] =	ssyncadd.s32 $0xFFFFE100  }
0x239: {  	[spmem:s2] =	stream.indirect.scatter.add.f32 [tilespmem:s12], [sflag:$0x5], $0x10, s1, s7, $0xb8;
	[tilespmem:$0xF720] =	vst v63  }
0x23a: {  	_ =	swait.ge [sflag:s18], $0x1F00  }
0x23b: {  	s30 =	sld [smem:$0x7F8]  }
0x23c: {  	[sflag:s18] =	ssyncset.done $0x0  }
0x23d: {  	[sflag:s18] =	ssyncadd.s32 $0xFFFFE100  }
0x23e: {  	[spmem:s2] =	stream.indirect.scatter.add.f32 [tilespmem:s11], [sflag:$0x6], $0x10, s30, s7, $0xb8;
	[tilespmem:$0xF720] =	vst v63  }
0x23f: {  	_ =	swait.ge [sflag:s17], $0x1F00  }
0x240: {  	s31 =	sld [smem:$0x7F9]  }
0x241: {  	[sflag:s17] =	ssyncset.done $0x0  }
0x242: {  	[sflag:s17] =	ssyncadd.s32 $0xFFFFE100  }
0x243: {  	[spmem:s2] =	stream.indirect.scatter.add.f32 [tilespmem:s10], [sflag:$0x7], $0x10, s31, s7, $0xb8;
	[tilespmem:$0xF720] =	vst v63  }
0x244: {  	_ =	swait.ge [sflag:s8], $0x1F00  }
0x245: {  	s1 =	sld [smem:$0x7FA]  }
0x246: {  	[sflag:s8] =	ssyncset.done $0x0  }
0x247: {  	[sflag:s8] =	ssyncadd.s32 $0xFFFFE100  }
0x248: {  	[spmem:s2] =	stream.indirect.scatter.add.f32 [tilespmem:s9], [sflag:$0x8], $0x10, s1, s7, $0xb8;
	[tilespmem:$0xF720] =	vst v63  }
0x249: {  	_ =	swait.ge [sflag:s13], $0x1F00  }
0x24a: {  	s30 =	sld [smem:$0x7FB]  }
0x24b: {  	[sflag:s13] =	ssyncset.done $0x0  }
0x24c: {  	[sflag:s13] =	ssyncadd.s32 $0xFFFFE100  }
0x24d: {  	[tilespmem:s12], [sflag:$0x1] =	stream.indirect.gather [hbm4b:s4+s7], $0x10, s30, s7, $0xb8;
	[tilespmem:$0xF720] =	vst v63  }
0x24e: {  	_ =	swait.ge [sflag:s14], $0x1F00  }
0x24f: {  	s31 =	sld [smem:$0x7FC]  }
0x250: {  	[sflag:s14] =	ssyncset.done $0x0  }
0x251: {  	[sflag:s14] =	ssyncadd.s32 $0xFFFFE100  }
0x252: {  	[tilespmem:s11], [sflag:$0x2] =	stream.indirect.gather [hbm4b:s4+s7], $0x10, s31, s7, $0xb8;
	[tilespmem:$0xF720] =	vst v63  }
0x253: {  	_ =	swait.ge [sflag:s15], $0x1F00  }
0x254: {  	s1 =	sld [smem:$0x7FD]  }
0x255: {  	[sflag:s15] =	ssyncset.done $0x0  }
0x256: {  	[sflag:s15] =	ssyncadd.s32 $0xFFFFE100  }
0x257: {  	[tilespmem:s10], [sflag:$0x3] =	stream.indirect.gather [hbm4b:s4+s7], $0x10, s1, s7, $0xb8;
	[tilespmem:$0xF720] =	vst v63  }
0x258: {  	_ =	swait.ge [sflag:s16], $0x1F00  }
0x259: {  	[sflag:s16] =	ssyncset.done $0x0  }
0x25a: {  	[sflag:s16] =	ssyncadd.s32 $0xFFFFE100  }
0x25b: {  	[tilespmem:s9], [sflag:$0x4] =	stream.indirect.gather [hbm4b:s4+s7], $0x10, s23, s7, $0xb8;
	[tilespmem:$0xF720] =	vst v63  }
0x25c: {  	_ =	swait.ge [sflag:s19], $0x1F00  }
0x25d: {  	[sflag:s19] =	ssyncset.done $0x0  }
0x25e: {  	[sflag:s19] =	ssyncadd.s32 $0xFFFFE100  }
0x25f: {  	[spmem:s2] =	stream.indirect.scatter.add.f32 [tilespmem:s12], [sflag:$0x5], $0x10, s29, s7, $0xb8;
	[tilespmem:$0xF720] =	vst v63  }
0x260: {  	_ =	swait.ge [sflag:s18], $0x1F00  }
0x261: {  	[sflag:s18] =	ssyncset.done $0x0  }
0x262: {  	[sflag:s18] =	ssyncadd.s32 $0xFFFFE100  }
0x263: {  	[spmem:s2] =	stream.indirect.scatter.add.f32 [tilespmem:s11], [sflag:$0x6], $0x10, s26, s7, $0xb8;
	[tilespmem:$0xF720] =	vst v63  }
0x264: {  	_ =	swait.ge [sflag:s17], $0x1F00  }
0x265: {  	[sflag:s17] =	ssyncset.done $0x0  }
0x266: {  	[sflag:s17] =	ssyncadd.s32 $0xFFFFE100  }
0x267: {  	[spmem:s2] =	stream.indirect.scatter.add.f32 [tilespmem:s10], [sflag:$0x7], $0x10, s28, s7, $0xb8;
	[tilespmem:$0xF720] =	vst v63  }
0x268: {  	_ =	swait.ge [sflag:s8], $0x1F00  }
0x269: {  	[sflag:s8] =	ssyncset.done $0x0  }
0x26a: {  	[sflag:s8] =	ssyncadd.s32 $0xFFFFE100  }
0x26b: {  	[spmem:s2] =	stream.indirect.scatter.add.f32 [tilespmem:s9], [sflag:$0x8], $0x10, s24, s7, $0xb8;
	[tilespmem:$0xF720] =	vst v63  }
0x26c: {  	_ = 	snop  }
0x26d: {  	[tilespmem:s21], [sflag:$0x4] =	stream.indirect.gather [hbm4b:s4+s20], $0x10, s25, s20, $0xb8;
	[tilespmem:$0xF720] =	vst v63  }
0x26e: {  	_ =	swait.ge [sflag:s13], $0x1F00  }
0x26f: {  	[sflag:s13] =	ssyncset.done $0x0  }
0x270: {  	[sflag:s13] =	ssyncadd.s32 $0xFFFFE100  }
0x271: {  	_ =	swait.ge [sflag:s14], $0x1F00  }
0x272: {  	[sflag:s14] =	ssyncset.done $0x0  }
0x273: {  	[sflag:s14] =	ssyncadd.s32 $0xFFFFE100  }
0x274: {  	_ =	swait.ge [sflag:s15], $0x1F00  }
0x275: {  	[sflag:s15] =	ssyncset.done $0x0  }
0x276: {  	[sflag:s15] =	ssyncadd.s32 $0xFFFFE100  }
0x277: {  	_ =	swait.ge [sflag:s16], $0x1F00  }
0x278: {  	[sflag:s16] =	ssyncset.done $0x0  }
0x279: {  	[sflag:s16] =	ssyncadd.s32 $0xFFFFE100  }
0x27a: {  	_ =	swait.ge [sflag:s8], $0x500  }
0x27b: {  	[sflag:s8] =	ssyncset.done $0x0  }
0x27c: {  	s30 =	simm.s32 $0x4DD0;
	[sflag:s8] =	ssyncadd.s32 $0xFFFFFB00  }
0x27d: {  	[spmem:s2] =	stream.indirect.scatter.add.f32 [tilespmem:s21], [sflag:$0x9], $0x10, s30, s20, $0xb8;
	[tilespmem:$0xF720] =	vst v63  }
0x27e: {  	_ =	swait.ge [sflag:s6], $0x500  }
0x27f: {  	[sflag:s6] =	ssyncset.done $0x0  }
0x280: {  	[sflag:s6] =	ssyncadd.s32 $0xFFFFFB00  }
0x281: {  	[bflag:$0x0] =	sbarrier.arrive $0xFFFF  }
0x282: {  	s31 =	rddreg [dreg:$0x7]  }
0x283: {  	[hbm:s31], [sflag:s3] =	dma.local [spmem:s5], $0x500  }
0x284: {  	_ =	swait.ge [sflag:s6], $0x500  }
0x285: {  	[sflag:s6] =	ssyncset.done $0x0  }
0x286: {  	[sflag:s6] =	ssyncadd.s32 $0xFFFFFB00  }
0x287: {  	_ =	sfence.sel $0x180000  }
0x288: {  	[bflag:$0x0] =	sbarrier.arrive $0xFFFF  }
0x289: {  	_ =	strace $0x9000004A  }
0x28a: {  	[bflag:$0x2] =	sbarrier.arrive $0xFFFF  }
0x28b: {  	p0 =	sne.s32 s22, $0x0;
	s0 =	rddreg [dreg:$0x3]  }
0x28c: {  	s0 =	sadd.s32 @!p0 $0x100000, s0  }
0x28d: {  	[sflag:s0] =	ssyncadd.tile.s32 @!p0 $0x1;
	_ =	shalt  }
.LBB2_1:
.Ltmp3:
0x28e: {  	(pc) =	sbr.rel .LBB2_6-.Ltmp3, $3  }
0x28f: {  	_ =	sdelay $0x1  }
0x290: {  	s23 =	simm.s32 $0x24D0;
	s29 =	simm.s32 $0x4610;
	s28 =	simm.s32 $0x49F0  }
0x291: {  	s26 =	simm.s32 $0x4800;
	s25 =	simm.s32 $0x26C0;
	s24 =	simm.s32 $0x4BE0  }
.LBB2_3:
.Ltmp4:
0x292: {  	(pc) =	sbr.rel .LBB2_6-.Ltmp4, $4  }
0x293: {  	_ = 	snop  }
0x294: {  	s23 =	simm.s32 $0x24D0  }
0x295: {  	s29 =	simm.s32 $0x4610;
	s28 =	simm.s32 $0x49F0;
	s26 =	simm.s32 $0x4800  }
0x296: {  	s25 =	simm.s32 $0x26C0;
	s24 =	simm.s32 $0x4BE0;
	s22 =	stileid.u32  }
.Lfunc_end2:
_tile_overlayer_lowered:
.L_overlay_start_2:
0x297: {  	(tag) =	ssettag $0x2  }
0x298: {  	s0 =	rddreg [dreg:$0x0];
	s2 =	stileid.u32  }
0x299: {  	s1 =	rddreg [dreg:$0x1];
	p0 =	sne.s32 s2, $0x0  }
0x29a: {  	s3 =	rddreg [dreg:$0x2];
	[bflag:$0x3] =	sbarrier.arrive $0xFFFF;
	s2 =	simm.s32 @!p0 $0x1C09  }
0x29b: {  	[timem:s3], [sflag:s2] =	dma.local @!p0 [hbm:s0], s1  }
0x29c: {  	s0 =	simm.s32 @!p0 $0x9  }
0x29d: {  	_ =	swait.ge @!p0 [sflag:s0], s1  }
0x29e: {  	s1 =	ssub.s32 @!p0 $0x0, s1;
	[sflag:s0] =	ssyncset.done @!p0 $0x0  }
0x29f: {  	[sflag:s0] =	ssyncadd.s32 @!p0 s1  }
0x2a0: {  	[bflag:$0x3] =	sbarrier.arrive $0xFFFF  }
0x2a1: {  	_ =	shalt  }

// kernel: kernel.14.cloned.1.call-start
scs
__scs_entry_jumppad:
0x0: {  	(pc) =	sbr.rel $0x88, $3  }
0x1: {  	(tag) =	ssettag $0x0;
	lr =	simm.s32 $0x1  }
0x2: {  	[smem:$0x3F9B] =	sst lr;
	_ =	strace $0xD0000000  }
0x3: {  	_ = 	snop  }
0x4: {  	_ = 	snop  }
0x5: {  	_ = 	snop  }
0x6: {  	_ = 	snop  }
0x7: {  	_ = 	snop  }
__scs_overlays_trampoline_lowered:
0x8: {  	[smem:$0x3FAA] =	sst s0  }
0x9: {  	[smem:$0x3FAB] =	sst s1  }
0xa: {  	[smem:$0x3FAC] =	sst s2  }
0xb: {  	[smem:$0x3FAD] =	sst s3  }
0xc: {  	[smem:$0x3FAE] =	sst s4  }
0xd: {  	[smem:$0x3FAF] =	sst s5  }
0xe: {  	[smem:$0x3FB0] =	sst s6  }
0xf: {  	[smem:$0x3FB1] =	sst s7  }
0x10: {  	[smem:$0x3FB2] =	sst s8  }
0x11: {  	[smem:$0x3FB3] =	sst s9;
	s0 =	simm.s32 @!p0 $0x0  }
0x12: {  	s1 =	sld [smem:$0x3F99];
	s0 =	simm.s32 @p0 $0x1  }
0x13: {  	[smem:$0x3FB4] =	sst s0;
	s0 =	simm.s32 @!p1 $0x0  }
0x14: {  	s2 =	sld [smem:$0x3F98];
	s0 =	simm.s32 @p1 $0x1  }
0x15: {  	[smem:$0x3FB5] =	sst s0;
	s0 =	simm.s32 @!p2 $0x0  }
0x16: {  	s3 =	sld [smem:$0x3FDB];
	s0 =	simm.s32 @p2 $0x1  }
0x17: {  	s4 =	simm.s32 $0x1BF5;
	[smem:$0x3FB7] =	sst s0  }
0x18: {  	s0 =	sld [smem:$0x3F9A];
	_ =	swait.ge [sflag:s4], $0x0  }
0x19: {  	s7 =	sld [smem:$0x3F9B]  }
0x1a: {  	s8 =	sadd.s32 $0xFFFFE003, lr  }
0x1b: {  	s9 =	sadd.s32 $0xFFFFFEF7, lr;
	s5 =	simm.s32 $0xFFFFFFFF;
	p2 =	slt.u32 s8, $0xFFFFF086  }
0x1c: {  	p1 =	slt.u32 s9, $0xF7A;
	s5 =	simm.s32 @!p2 $0x0  }
0x1d: {  	s5 =	simm.s32 @p1 $0x1;
	p0 =	seq.s32 s7, s2  }
0x1e: {  	s7 =	smul.u32 @!p0 $0xF7A, s2;
	p2 =	seq.s32 @!p0 s5, $0x0  }
0x1f: {  	s9 =	smul.u32 $0xF7A, s1;
	s8 =	simm.s32 @!p0 $0x1BF5;
	p2 =	por !p2, p0  }
0x20: {  	[sflag:s8] =	ssyncset.s32 @!p0 $0xFFFFF086;
	s6 =	sadd.s32 @!p0 s3, s7;
	s7 =	simm.s32 @!p0 $0x108  }
0x21: {  	s3 =	sadd.s32 s3, s9;
	s6 =	sadd.s32 @!p0 $0x88, s6;
	s7 =	simm.s32 @p2 $0x1082  }
0x22: {  	[simem:s7], [sflag:s8] =	dma.local @!p0 [hbm:s6], $0xF7A  }
0x23: {  	s9 =	sor.u32 $0xD0000000, s2;
	s6 =	simm.s32 $0x108;
	_ =	swait.ge @!p0 [sflag:s8], $0x0  }
0x24: {  	s3 =	sadd.s32 $0x88, s3;
	s6 =	simm.s32 @!p1 $0x1082;
	[sflag:s4] =	ssyncset.s32 $0xFFFFF086  }
0x25: {  	[simem:s6], [sflag:s4] =	dma.local [hbm:s3], $0xF7A  }
0x26: {  	[smem:$0x3F9B] =	sst s1;
	(tag) =	ssettag s2;
	_ =	strace s9  }
0x27: {  	s1 =	sld [smem:$0x3FAB]  }
0x28: {  	s2 =	sld [smem:$0x3FAC]  }
0x29: {  	s4 =	sld [smem:$0x3FAE]  }
0x2a: {  	p0 =	seq.s32 s5, $0x0;
	s5 =	sld [smem:$0x3FAF]  }
0x2b: {  	s6 =	sld [smem:$0x3FB0]  }
0x2c: {  	s7 =	sld [smem:$0x3FB1]  }
0x2d: {  	s3 =	simm.s32 $0x108;
	s8 =	sld [smem:$0x3FB2]  }
0x2e: {  	s3 =	simm.s32 @!p0 $0x1082;
	s9 =	sld [smem:$0x3FB3]  }
0x2f: {  	lr =	sadd.s32 s0, s3;
	s0 =	sld [smem:$0x3FAA]  }
0x30: {  	s3 =	sld [smem:$0x3FAD]  }
0x31: {  	[smem:$0x3FB6] =	sst s10  }
0x32: {  	s10 =	sld [smem:$0x3FB4];
	_ =	sdelay $0x3  }
0x33: {  	p0 =	seq.s32 s10, $0x1;
	s10 =	sld [smem:$0x3FB6];
	_ =	sdelay $0x3  }
0x34: {  	[smem:$0x3FB6] =	sst s10  }
0x35: {  	s10 =	sld [smem:$0x3FB5];
	_ =	sdelay $0x3  }
0x36: {  	p1 =	seq.s32 s10, $0x1;
	s10 =	sld [smem:$0x3FB6];
	_ =	sdelay $0x3  }
0x37: {  	[smem:$0x3FB6] =	sst s10  }
0x38: {  	s10 =	sld [smem:$0x3FB7]  }
0x39: {  	_ = 	snop;
	(pc) =	sbr.ind lr, $3  }
0x3a: {  	_ = 	snop  }
0x3b: {  	_ = 	snop  }
0x3c: {  	p2 =	seq.s32 s10, $0x1;
	s10 =	sld [smem:$0x3FB6]  }
0x3d: {  	_ =	shalt  }
0x3e: {  	_ =	shalt  }
0x3f: {  	_ =	shalt  }
0x40: {  	_ =	shalt  }
0x41: {  	_ =	shalt  }
0x42: {  	_ =	shalt  }
0x43: {  	_ =	shalt  }
0x44: {  	_ =	shalt  }
0x45: {  	_ =	shalt  }
0x46: {  	_ =	shalt  }
0x47: {  	_ =	shalt  }
0x48: {  	_ =	shalt  }
0x49: {  	_ =	shalt  }
0x4a: {  	_ =	shalt  }
0x4b: {  	_ =	shalt  }
0x4c: {  	_ =	shalt  }
0x4d: {  	_ =	shalt  }
0x4e: {  	_ =	shalt  }
0x4f: {  	_ =	shalt  }
0x50: {  	_ =	shalt  }
0x51: {  	_ =	shalt  }
0x52: {  	_ =	shalt  }
0x53: {  	_ =	shalt  }
0x54: {  	_ =	shalt  }
0x55: {  	_ =	shalt  }
0x56: {  	_ =	shalt  }
0x57: {  	_ =	shalt  }
0x58: {  	_ =	shalt  }
0x59: {  	_ =	shalt  }
0x5a: {  	_ =	shalt  }
0x5b: {  	_ =	shalt  }
0x5c: {  	_ =	shalt  }
0x5d: {  	_ =	shalt  }
0x5e: {  	_ =	shalt  }
0x5f: {  	_ =	shalt  }
0x60: {  	_ =	shalt  }
0x61: {  	_ =	shalt  }
0x62: {  	_ =	shalt  }
0x63: {  	_ =	shalt  }
0x64: {  	_ =	shalt  }
0x65: {  	_ =	shalt  }
0x66: {  	_ =	shalt  }
0x67: {  	_ =	shalt  }
0x68: {  	_ =	shalt  }
0x69: {  	_ =	shalt  }
0x6a: {  	_ =	shalt  }
0x6b: {  	_ =	shalt  }
0x6c: {  	_ =	shalt  }
0x6d: {  	_ =	shalt  }
0x6e: {  	_ =	shalt  }
0x6f: {  	_ =	shalt  }
0x70: {  	_ =	shalt  }
0x71: {  	_ =	shalt  }
0x72: {  	_ =	shalt  }
0x73: {  	_ =	shalt  }
0x74: {  	_ =	shalt  }
0x75: {  	_ =	shalt  }
0x76: {  	_ =	shalt  }
0x77: {  	_ =	shalt  }
0x78: {  	_ =	shalt  }
0x79: {  	_ =	shalt  }
0x7a: {  	_ =	shalt  }
0x7b: {  	_ =	shalt  }
0x7c: {  	_ =	shalt  }
0x7d: {  	_ =	shalt  }
0x7e: {  	_ =	shalt  }
0x7f: {  	_ =	shalt  }
0x80: {  	_ =	shalt  }
0x81: {  	_ =	shalt  }
0x82: {  	_ =	shalt  }
0x83: {  	_ =	shalt  }
0x84: {  	_ =	shalt  }
0x85: {  	_ =	shalt  }
0x86: {  	_ =	shalt  }
0x87: {  	_ =	shalt  }
.Lfunc_end0:
.L_simem_size_0:
called_computation.2_lowered:
.L_overlay_start_0:
0x88: {  	s2 =	sld [smem:$0x3FD9]  }
0x89: {  	s3 =	sld [smem:$0x3FFE];
	_ =	sdelay $0x1  }
0x8a: {  	s1 =	srdreg.scid  }
0x8b: {  	s0 =	sand.u32 $0x1, s1  }
0x8c: {  	s17 =	sshll.u32 s0, $0xA;
	s2 =	sadd.s32 s3, s2  }
0x8d: {  	s2 =	sadd.s32 s2, s17  }
0x8e: {  	[smem:$0x3FC2] =	sst s2  }
0x8f: {  	_ = 	snop  }
0x90: {  	s2 =	sld [smem:$0x3FD0];
	(tm) =	ssettm $0x1  }
0x91: {  	s18 =	sld [smem:$0x3FFB];
	_ =	sdelay $0x3  }
0x92: {  	_ =	strace s18  }
0x93: {  	s3 =	sld [smem:$0x3FFC];
	_ =	sdelay $0x3  }
0x94: {  	_ =	strace s3  }
0x95: {  	s3 =	sld [smem:$0x3FFD];
	_ =	sdelay $0x3  }
0x96: {  	_ =	strace s3  }
0x97: {  	_ =	strace $0x8FFFFFFF  }
0x98: {  	s19 =	sld [smem:$0x3FDB];
	_ =	sdelay $0x1  }
0x99: {  	s4 =	simm.s32 $_scs_section_size  }
0x9a: {  	s5 =	simm.s32 $_size__tile_overlayer_lowered;
	s6 =	simm.s32 $_tile_overlayer_lowered  }
0x9b: {  	s22 =	simm.s32 $0x1BFF;
	s21 =	sshll.u32 s6, $0x1;
	s3 =	sadd.s32 s4, s19  }
0x9c: {  	s7 =	simm.s32 $0x0;
	s20 =	sshll.u32 s5, $0x1;
	s5 =	sadd.s32 s21, s3  }
0x9d: {  	[timem:s7], [sflag:s22] =	dma.local [hbm:s5], s20  }
0x9e: {  	_ =	swait.ge [sflag:s22], s20  }
0x9f: {  	s4 =	ssub.s32 $0x0, s20;
	[sflag:s22] =	ssyncset.done $0x0  }
0xa0: {  	[sflag:s22] =	ssyncadd.s32 s4;
	_ =	sdelay $0x1  }
0xa1: {  	s23 =	simm.s32 $0x1B8B  }
0xa2: {  	_ =	swait.ge [sflag:s23], $0x1  }
0xa3: {  	[sflag:s23] =	ssyncset.done $0x0  }
0xa4: {  	s25 =	simm.s32 $0x1B8E;
	s24 =	sld [smem:$0x3FFE];
	[sflag:s23] =	ssyncadd.s32 $0xFFFFFFFF  }
0xa5: {  	s26 =	simm.s32 $execute0_lowered;
	[smem:$0x3FD2] =	sst s25  }
0xa6: {  	s5 =	sshll.u32 s26, $0x1;
	_ =	strace $0x8000004C;
	[dreg:$0x1] =	wrdreg $0xFFFFFFFF  }
0xa7: {  	s28 =	simm.s32 $_size_execute0_lowered;
	s3 =	sadd.s32 s3, s5;
	[dreg:$0x0] =	wrdreg $0x0  }
0xa8: {  	s5 =	sshll.u32 s28, $0x1;
	[dreg:$0x2] =	wrdreg s3  }
0xa9: {  	[dreg:$0x3] =	wrdreg s5  }
0xaa: {  	[dreg:$0x4] =	wrdreg $0xC0  }
0xab: {  	_ =	task [dreg:s7], $0x5FFFF  }
0xac: {  	[dreg:$0x1] =	wrdreg $0xFFFFFFFF  }
0xad: {  	[dreg:$0x0] =	wrdreg $0x60  }
0xae: {  	[dreg:$0x2] =	wrdreg s24  }
0xaf: {  	[dreg:$0x3] =	wrdreg s2  }
0xb0: {  	[dreg:$0x4] =	wrdreg $0xCF200  }
0xb1: {  	[dreg:$0x5] =	wrdreg $0x9  }
0xb2: {  	_ =	task.clear_ibuf [dreg:s7], $0x6FFFF;
	_ =	strace $0x9000004C  }
0xb3: {  	s29 =	simm.s32 $0x9;
	_ =	strace $0x8000004E  }
0xb4: {  	_ =	swait.ge [sflag:s29], $0x1  }
0xb5: {  	[sflag:s29] =	ssyncadd.s32 $0xFFFFFFFF  }
0xb6: {  	_ =	strace $0x9000004E  }
0xb7: {  	_ =	sfence  }
0xb8: {  	s30 =	sld [smem:$0x0];
	_ =	sdelay $0x2  }
0xb9: {  	s31 =	sshll.u32 s1, $0xD;
	s1 =	sshrl.u32 s1, $0x2  }
0xba: {  	s3 =	sand.u32 $0x4000, s31;
	s1 =	sadd.s32 s1, s30  }
0xbb: {  	s0 =	sor.u32 s3, s0;
	s1 =	sshll.u32 s1, $0x11  }
0xbc: {  	s0 =	sor.u32 s1, s0  }
0xbd: {  	s0 =	sadd.s32 $0x8F2B, s0  }
0xbe: {  	[sflag:s0] =	ssyncadd.remote.s32 $0x1  }
0xbf: {  	_ =	sfence.sel $0xFFFF  }
0xc0: {  	[dreg:$0x0] =	wrdreg $0xFFFFFFFF;
	(pc) =	sbr.abs _section_cstart, $3  }
0xc1: {  	[dreg:$0x1] =	wrdreg $0xFFFFFFFF  }
0xc2: {  	_ =	task.clear_ibuf [dreg:s7], $0x2FFFF;
	_ =	strace $0x9FFFFFFF  }
0xc3: {  	(tm) =	ssettm $0x7FFFFFFF  }
tec
execute0_lowered:
.L_overlay_start_1:
0x0: {  	(tag) =	ssettag $0x1  }
0x1: {  	s3 =	rddreg [dreg:$0x0]  }
0x2: {  	s2 =	rddreg [dreg:$0x1]  }
0x3: {  	[dreg:$0x4] =	wrdreg s2  }
0x4: {  	s30 =	simm.s32 $0x0;
	s2 =	rddreg [dreg:$0x2]  }
0x5: {  	s9 =	simm.s32 $0x3E0;
	[smem:$0x7FF] =	sst s30  }
0x6: {  	s10 =	simm.s32 $0x5D0;
	_ =	strace $0x8000004D;
	[dreg:$0x8] =	wrdreg s9  }
0x7: {  	s11 =	simm.s32 $0x2900;
	[dreg:$0x9] =	wrdreg s10  }
0x8: {  	s12 =	simm.s32 $0x2AF0;
	[dreg:$0xa] =	wrdreg s11  }
0x9: {  	s13 =	simm.s32 $0x2CE0;
	[dreg:$0xb] =	wrdreg s12  }
0xa: {  	s0 =	srdreg.scid;
	s14 =	simm.s32 $0x7C0;
	[dreg:$0xc] =	wrdreg s13  }
0xb: {  	s22 =	stileid.u32;
	s15 =	simm.s32 $0x9B0;
	[dreg:$0xd] =	wrdreg s14  }
0xc: {  	s16 =	simm.s32 $0xBA0;
	s17 =	simm.s32 $0xD90;
	[dreg:$0xe] =	wrdreg s15  }
0xd: {  	s18 =	simm.s32 $0x2ED0;
	s19 =	simm.s32 $0x30C0;
	[dreg:$0xf] =	wrdreg s16  }
0xe: {  	s21 =	simm.s32 $0x32B0;
	s23 =	simm.s32 $0x34A0;
	[dreg:$0x10] =	wrdreg s17  }
0xf: {  	s24 =	simm.s32 $0xF80;
	s26 =	simm.s32 $0x1170;
	[dreg:$0x11] =	wrdreg s18  }
0x10: {  	s7 =	simm.s32 $0x1550;
	s31 =	simm.s32 $0x2710;
	[dreg:$0x12] =	wrdreg s19  }
0x11: {  	s29 =	simm.s32 $0x4610;
	p0 =	por $0x0, $0x0;
	[dreg:$0x13] =	wrdreg s21  }
0x12: {  	s28 =	simm.s32 $0x49F0;
	s0 =	sand.u32 $0x1, s0;
	[dreg:$0x14] =	wrdreg s23  }
0x13: {  	s1 =	sshll.u32 s22, $0x1;
	s5 =	smul.u32 $0x2800, s22;
	[dreg:$0x15] =	wrdreg s24  }
0x14: {  	s25 =	sshll.u32 s22, $0x6;
	s1 =	sor.u32 s0, s1;
	[dreg:$0x16] =	wrdreg s26  }
0x15: {  	s4 =	smul.u32 $0x28000, s0;
	s0 =	ssub.s32 $0x2, s0;
	[dreg:$0x18] =	wrdreg s7  }
0x16: {  	s9 =	simm.s32 $0x3880;
	s10 =	simm.s32 $0x3A70;
	s7 =	simm.s32 $0x1F0  }
0x17: {  	s11 =	simm.s32 $0x3C60;
	s12 =	simm.s32 $0x4E20;
	[dreg:$0x1a] =	wrdreg s9  }
0x18: {  	s13 =	simm.s32 $0x1740;
	s14 =	simm.s32 $0x1930;
	[dreg:$0x1b] =	wrdreg s10  }
0x19: {  	s15 =	simm.s32 $0x1B20;
	s16 =	simm.s32 $0x1D10;
	[dreg:$0x1c] =	wrdreg s11  }
0x1a: {  	s19 =	simm.s32 $0x1;
	s17 =	simm.s32 $0x3E50;
	[dreg:$0x1d] =	wrdreg s13  }
0x1b: {  	s18 =	simm.s32 $0x2;
	s21 =	simm.s32 $0x4230;
	[dreg:$0x1e] =	wrdreg s14  }
0x1c: {  	s23 =	simm.s32 $0x4420;
	s24 =	simm.s32 $0x1F00;
	[dreg:$0x1f] =	wrdreg s15  }
0x1d: {  	s26 =	simm.s32 $0x22E0;
	s1 =	smul.u32 $0x2710, s1;
	[smem:$0x7F6] =	sst s16  }
0x1e: {  	s20 =	sshrl.u32 s0, $0x1;
	s11 =	simm.s32 $0x6D20;
	[smem:$0x7F7] =	sst s17  }
0x1f: {  	s10 =	simm.s32 $0x8C20;
	s9 =	simm.s32 $0xAB20;
	[smem:$0x7F9] =	sst s21  }
0x20: {  	s17 =	simm.s32 $0x3;
	s13 =	simm.s32 $0x5;
	[smem:$0x7FA] =	sst s23  }
0x21: {  	s14 =	simm.s32 $0x6;
	[smem:$0x7FB] =	sst s24;
	s15 =	simm.s32 $0x7  }
0x22: {  	s16 =	simm.s32 $0x8;
	[smem:$0x7FD] =	sst s26;
	s26 =	simm.s32 $0x24D0  }
0x23: {  	s24 =	simm.s32 $0x4BE0;
	s21 =	simm.s32 $0xCA20;
	s23 =	simm.s32 $0x4DD0  }
0x24: {  	s4 =	sadd.s32 s5, s4;
	s0 =	ssub.s32 s0, s20;
	s5 =	sadd.s32 s5, s2  }
0x25: {  	s20 =	simm.s32 $0x4040;
	s1 =	sshrl.u32 s1, $0x3;
	s4 =	sshrl.u32 s4, $0x3  }
0x26: {  	s0 =	smax.u32 s0, $0x1;
	[smem:$0x7F8] =	sst s20;
	s1 =	sadd.s32 s1, s3  }
0x27: {  	s4 =	sadd.s32 s4, s3;
	p1 =	sne.s32 s0, $0x1;
	s6 =	sadd.s32 $0x2A00, s1  }
0x28: {  	s1 =	sadd.s32 $0xC640, s1;
	s8 =	sadd.s32 $0x1B400, s4;
	[dreg:$0x5] =	wrdreg s6  }
0x29: {  	s4 =	sadd.s32 $0x16400, s3;
	s3 =	sor.u32 $0x1C09, s25;
	[dreg:$0x6] =	wrdreg s1  }
.Ltmp0:
0x2a: {  	s25 =	simm.s32 $0x20F0;
	[dreg:$0x7] =	wrdreg s8;
	(pc) =	sbr.rel @!p1 .LBB2_1-.Ltmp0, $4  }
0x2b: {  	s5 =	sshrl.u32 s5, $0x3;
	s20 =	simm.s32 $0x50;
	[smem:$0x7FC] =	sst s25  }
0x2c: {  	s6 =	simm.s32 $0x1360;
	s1 =	sadd.s32 $0xFFFFFFFF, s0;
	s0 =	rddreg [dreg:$0x4]  }
0x2d: {  	s8 =	simm.s32 $0x3690;
	s25 =	simm.s32 $0x26C0;
	[dreg:$0x17] =	wrdreg s6  }
0x2e: {  	s6 =	simm.s32 $0x9;
	[dreg:$0x19] =	wrdreg s8;
	s8 =	simm.s32 $0x4  }
0x2f: {  	[spmem:s5], [sflag:s3] =	dma.local [hbm:s0], $0x500  }
0x30: {  	_ =	swait.ge [sflag:s6], $0x500  }
0x31: {  	[sflag:s6] =	ssyncset.done $0x0  }
0x32: {  	s22 =	rddreg [dreg:$0x5];
	[sflag:s6] =	ssyncadd.s32 $0xFFFFFB00  }
0x33: {  	[tilespmem:s30], [sflag:$0x9] =	stream.linear.gather [hbm4b:s22+s30], $0x2710, $0x38;
	[tilespmem:$0xF720] =	vst v63  }
0x34: {  	_ =	swait.ge [sflag:s6], $0x2710  }
0x35: {  	[sflag:s6] =	ssyncset.done $0x0  }
0x36: {  	s22 =	rddreg [dreg:$0x6];
	[sflag:s6] =	ssyncadd.s32 $0xFFFFD8F0  }
0x37: {  	[tilespmem:s31], [sflag:$0x9] =	stream.linear.gather [hbm4b:s22+s30], $0x2710, $0x38;
	[tilespmem:$0xF720] =	vst v63  }
0x38: {  	_ =	swait.ge [sflag:s6], $0x2710  }
0x39: {  	[sflag:s6] =	ssyncset.done $0x0  }
0x3a: {  	[sflag:s6] =	ssyncadd.s32 $0xFFFFD8F0  }
0x3b: {  	[bflag:$0x0] =	sbarrier.arrive $0xFFFF  }
0x3c: {  	[tilespmem:s12], [sflag:$0x1] =	stream.indirect.gather [hbm4b:s4+s7], $0x10, s30, s7, $0xb8;
	[tilespmem:$0xF720] =	vst v63  }
0x3d: {  	_ = 	snop  }
0x3e: {  	[tilespmem:s11], [sflag:$0x2] =	stream.indirect.gather [hbm4b:s4+s7], $0x10, s7, s7, $0xb8;
	[tilespmem:$0xF720] =	vst v63  }
0x3f: {  	s0 =	rddreg [dreg:$0x8]  }
0x40: {  	[tilespmem:s10], [sflag:$0x3] =	stream.indirect.gather [hbm4b:s4+s7], $0x10, s0, s7, $0xb8;
	[tilespmem:$0xF720] =	vst v63  }
0x41: {  	s22 =	smov.u32 s1;
	s1 =	rddreg [dreg:$0x9]  }
0x42: {  	[tilespmem:s9], [sflag:$0x4] =	stream.indirect.gather [hbm4b:s4+s7], $0x10, s1, s7, $0xb8;
	[tilespmem:$0xF720] =	vst v63  }
0x43: {  	_ =	swait.ge [sflag:s19], $0x1F00  }
0x44: {  	[sflag:s19] =	ssyncset.done $0x0  }
0x45: {  	[sflag:s19] =	ssyncadd.s32 $0xFFFFE100  }
0x46: {  	[spmem:s2] =	stream.indirect.scatter.add.f32 [tilespmem:s12], [sflag:$0x5], $0x10, s31, s7, $0xb8;
	[tilespmem:$0xF720] =	vst v63  }
0x47: {  	_ =	swait.ge [sflag:s18], $0x1F00  }
0x48: {  	[sflag:s18] =	ssyncset.done $0x0  }
0x49: {  	s1 =	rddreg [dreg:$0xa];
	[sflag:s18] =	ssyncadd.s32 $0xFFFFE100  }
0x4a: {  	[spmem:s2] =	stream.indirect.scatter.add.f32 [tilespmem:s11], [sflag:$0x6], $0x10, s1, s7, $0xb8;
	[tilespmem:$0xF720] =	vst v63  }
0x4b: {  	_ =	swait.ge [sflag:s17], $0x1F00  }
0x4c: {  	[sflag:s17] =	ssyncset.done $0x0  }
0x4d: {  	s1 =	rddreg [dreg:$0xb];
	[sflag:s17] =	ssyncadd.s32 $0xFFFFE100  }
0x4e: {  	[spmem:s2] =	stream.indirect.scatter.add.f32 [tilespmem:s10], [sflag:$0x7], $0x10, s1, s7, $0xb8;
	[tilespmem:$0xF720] =	vst v63  }
0x4f: {  	_ =	swait.ge [sflag:s8], $0x1F00  }
0x50: {  	[sflag:s8] =	ssyncset.done $0x0  }
0x51: {  	s1 =	rddreg [dreg:$0xc];
	[sflag:s8] =	ssyncadd.s32 $0xFFFFE100  }
0x52: {  	[spmem:s2] =	stream.indirect.scatter.add.f32 [tilespmem:s9], [sflag:$0x8], $0x10, s1, s7, $0xb8;
	[tilespmem:$0xF720] =	vst v63  }
0x53: {  	_ =	swait.ge [sflag:s13], $0x1F00  }
0x54: {  	[sflag:s13] =	ssyncset.done $0x0  }
0x55: {  	s1 =	rddreg [dreg:$0xd];
	[sflag:s13] =	ssyncadd.s32 $0xFFFFE100  }
0x56: {  	[tilespmem:s12], [sflag:$0x1] =	stream.indirect.gather [hbm4b:s4+s7], $0x10, s1, s7, $0xb8;
	[tilespmem:$0xF720] =	vst v63  }
0x57: {  	_ =	swait.ge [sflag:s14], $0x1F00  }
0x58: {  	[sflag:s14] =	ssyncset.done $0x0  }
0x59: {  	s1 =	rddreg [dreg:$0xe];
	[sflag:s14] =	ssyncadd.s32 $0xFFFFE100  }
0x5a: {  	[tilespmem:s11], [sflag:$0x2] =	stream.indirect.gather [hbm4b:s4+s7], $0x10, s1, s7, $0xb8;
	[tilespmem:$0xF720] =	vst v63  }
0x5b: {  	_ =	swait.ge [sflag:s15], $0x1F00  }
0x5c: {  	[sflag:s15] =	ssyncset.done $0x0  }
0x5d: {  	s1 =	rddreg [dreg:$0xf];
	[sflag:s15] =	ssyncadd.s32 $0xFFFFE100  }
0x5e: {  	[tilespmem:s10], [sflag:$0x3] =	stream.indirect.gather [hbm4b:s4+s7], $0x10, s1, s7, $0xb8;
	[tilespmem:$0xF720] =	vst v63  }
0x5f: {  	_ =	swait.ge [sflag:s16], $0x1F00  }
0x60: {  	[sflag:s16] =	ssyncset.done $0x0  }
0x61: {  	s1 =	rddreg [dreg:$0x10];
	[sflag:s16] =	ssyncadd.s32 $0xFFFFE100  }
0x62: {  	[tilespmem:s9], [sflag:$0x4] =	stream.indirect.gather [hbm4b:s4+s7], $0x10, s1, s7, $0xb8;
	[tilespmem:$0xF720] =	vst v63  }
0x63: {  	_ =	swait.ge [sflag:s19], $0x1F00  }
0x64: {  	[sflag:s19] =	ssyncset.done $0x0  }
0x65: {  	s1 =	rddreg [dreg:$0x11];
	[sflag:s19] =	ssyncadd.s32 $0xFFFFE100  }
0x66: {  	[spmem:s2] =	stream.indirect.scatter.add.f32 [tilespmem:s12], [sflag:$0x5], $0x10, s1, s7, $0xb8;
	[tilespmem:$0xF720] =	vst v63  }
0x67: {  	_ =	swait.ge [sflag:s18], $0x1F00  }
0x68: {  	[sflag:s18] =	ssyncset.done $0x0  }
0x69: {  	s1 =	rddreg [dreg:$0x12];
	[sflag:s18] =	ssyncadd.s32 $0xFFFFE100  }
0x6a: {  	[spmem:s2] =	stream.indirect.scatter.add.f32 [tilespmem:s11], [sflag:$0x6], $0x10, s1, s7, $0xb8;
	[tilespmem:$0xF720] =	vst v63  }
0x6b: {  	_ =	swait.ge [sflag:s17], $0x1F00  }
0x6c: {  	[sflag:s17] =	ssyncset.done $0x0  }
0x6d: {  	s1 =	rddreg [dreg:$0x13];
	[sflag:s17] =	ssyncadd.s32 $0xFFFFE100  }
0x6e: {  	[spmem:s2] =	stream.indirect.scatter.add.f32 [tilespmem:s10], [sflag:$0x7], $0x10, s1, s7, $0xb8;
	[tilespmem:$0xF720] =	vst v63  }
0x6f: {  	_ =	swait.ge [sflag:s8], $0x1F00  }
0x70: {  	[sflag:s8] =	ssyncset.done $0x0  }
0x71: {  	s1 =	rddreg [dreg:$0x14];
	[sflag:s8] =	ssyncadd.s32 $0xFFFFE100  }
0x72: {  	[spmem:s2] =	stream.indirect.scatter.add.f32 [tilespmem:s9], [sflag:$0x8], $0x10, s1, s7, $0xb8;
	[tilespmem:$0xF720] =	vst v63  }
0x73: {  	_ =	swait.ge [sflag:s13], $0x1F00  }
0x74: {  	[sflag:s13] =	ssyncset.done $0x0  }
0x75: {  	s1 =	rddreg [dreg:$0x15];
	[sflag:s13] =	ssyncadd.s32 $0xFFFFE100  }
0x76: {  	[tilespmem:s12], [sflag:$0x1] =	stream.indirect.gather [hbm4b:s4+s7], $0x10, s1, s7, $0xb8;
	[tilespmem:$0xF720] =	vst v63  }
0x77: {  	_ =	swait.ge [sflag:s14], $0x1F00  }
0x78: {  	[sflag:s14] =	ssyncset.done $0x0  }
0x79: {  	s1 =	rddreg [dreg:$0x16];
	[sflag:s14] =	ssyncadd.s32 $0xFFFFE100  }
0x7a: {  	[tilespmem:s11], [sflag:$0x2] =	stream.indirect.gather [hbm4b:s4+s7], $0x10, s1, s7, $0xb8;
	[tilespmem:$0xF720] =	vst v63  }
0x7b: {  	_ =	swait.ge [sflag:s15], $0x1F00  }
0x7c: {  	[sflag:s15] =	ssyncset.done $0x0  }
0x7d: {  	s1 =	rddreg [dreg:$0x17];
	[sflag:s15] =	ssyncadd.s32 $0xFFFFE100  }
0x7e: {  	[tilespmem:s10], [sflag:$0x3] =	stream.indirect.gather [hbm4b:s4+s7], $0x10, s1, s7, $0xb8;
	[tilespmem:$0xF720] =	vst v63  }
0x7f: {  	_ =	swait.ge [sflag:s16], $0x1F00  }
0x80: {  	[sflag:s16] =	ssyncset.done $0x0  }
0x81: {  	s1 =	rddreg [dreg:$0x18];
	[sflag:s16] =	ssyncadd.s32 $0xFFFFE100  }
0x82: {  	[tilespmem:s9], [sflag:$0x4] =	stream.indirect.gather [hbm4b:s4+s7], $0x10, s1, s7, $0xb8;
	[tilespmem:$0xF720] =	vst v63  }
0x83: {  	_ =	swait.ge [sflag:s19], $0x1F00  }
0x84: {  	[sflag:s19] =	ssyncset.done $0x0  }
0x85: {  	s1 =	rddreg [dreg:$0x19];
	[sflag:s19] =	ssyncadd.s32 $0xFFFFE100  }
0x86: {  	[spmem:s2] =	stream.indirect.scatter.add.f32 [tilespmem:s12], [sflag:$0x5], $0x10, s1, s7, $0xb8;
	[tilespmem:$0xF720] =	vst v63  }
0x87: {  	_ =	swait.ge [sflag:s18], $0x1F00  }
0x88: {  	[sflag:s18] =	ssyncset.done $0x0  }
0x89: {  	s1 =	rddreg [dreg:$0x1a];
	[sflag:s18] =	ssyncadd.s32 $0xFFFFE100  }
0x8a: {  	[spmem:s2] =	stream.indirect.scatter.add.f32 [tilespmem:s11], [sflag:$0x6], $0x10, s1, s7, $0xb8;
	[tilespmem:$0xF720] =	vst v63  }
0x8b: {  	_ =	swait.ge [sflag:s17], $0x1F00  }
0x8c: {  	[sflag:s17] =	ssyncset.done $0x0  }
0x8d: {  	s1 =	rddreg [dreg:$0x1b];
	[sflag:s17] =	ssyncadd.s32 $0xFFFFE100  }
0x8e: {  	[spmem:s2] =	stream.indirect.scatter.add.f32 [tilespmem:s10], [sflag:$0x7], $0x10, s1, s7, $0xb8;
	[tilespmem:$0xF720] =	vst v63  }
0x8f: {  	_ =	swait.ge [sflag:s8], $0x1F00  }
0x90: {  	[sflag:s8] =	ssyncset.done $0x0  }
0x91: {  	s1 =	rddreg [dreg:$0x1c];
	[sflag:s8] =	ssyncadd.s32 $0xFFFFE100  }
0x92: {  	[spmem:s2] =	stream.indirect.scatter.add.f32 [tilespmem:s9], [sflag:$0x8], $0x10, s1, s7, $0xb8;
	[tilespmem:$0xF720] =	vst v63  }
0x93: {  	_ =	swait.ge [sflag:s13], $0x1F00  }
0x94: {  	[sflag:s13] =	ssyncset.done $0x0  }
0x95: {  	s1 =	rddreg [dreg:$0x1d];
	[sflag:s13] =	ssyncadd.s32 $0xFFFFE100  }
0x96: {  	[tilespmem:s12], [sflag:$0x1] =	stream.indirect.gather [hbm4b:s4+s7], $0x10, s1, s7, $0xb8;
	[tilespmem:$0xF720] =	vst v63  }
0x97: {  	_ =	swait.ge [sflag:s14], $0x1F00  }
0x98: {  	[sflag:s14] =	ssyncset.done $0x0  }
0x99: {  	s1 =	rddreg [dreg:$0x1e];
	[sflag:s14] =	ssyncadd.s32 $0xFFFFE100  }
0x9a: {  	[tilespmem:s11], [sflag:$0x2] =	stream.indirect.gather [hbm4b:s4+s7], $0x10, s1, s7, $0xb8;
	[tilespmem:$0xF720] =	vst v63  }
0x9b: {  	_ =	swait.ge [sflag:s15], $0x1F00  }
0x9c: {  	[sflag:s15] =	ssyncset.done $0x0  }
0x9d: {  	s1 =	rddreg [dreg:$0x1f];
	[sflag:s15] =	ssyncadd.s32 $0xFFFFE100  }
0x9e: {  	[tilespmem:s10], [sflag:$0x3] =	stream.indirect.gather [hbm4b:s4+s7], $0x10, s1, s7, $0xb8;
	[tilespmem:$0xF720] =	vst v63  }
0x9f: {  	_ =	swait.ge [sflag:s16], $0x1F00  }
0xa0: {  	s1 =	sld [smem:$0x7F6]  }
0xa1: {  	[sflag:s16] =	ssyncset.done $0x0  }
0xa2: {  	[sflag:s16] =	ssyncadd.s32 $0xFFFFE100  }
0xa3: {  	[tilespmem:s9], [sflag:$0x4] =	stream.indirect.gather [hbm4b:s4+s7], $0x10, s1, s7, $0xb8;
	[tilespmem:$0xF720] =	vst v63  }
0xa4: {  	_ =	swait.ge [sflag:s19], $0x1F00  }
0xa5: {  	s1 =	sld [smem:$0x7F7]  }
0xa6: {  	[sflag:s19] =	ssyncset.done $0x0  }
0xa7: {  	[sflag:s19] =	ssyncadd.s32 $0xFFFFE100  }
0xa8: {  	[spmem:s2] =	stream.indirect.scatter.add.f32 [tilespmem:s12], [sflag:$0x5], $0x10, s1, s7, $0xb8;
	[tilespmem:$0xF720] =	vst v63  }
0xa9: {  	_ =	swait.ge [sflag:s18], $0x1F00  }
0xaa: {  	s1 =	sld [smem:$0x7F8]  }
0xab: {  	[sflag:s18] =	ssyncset.done $0x0  }
0xac: {  	[sflag:s18] =	ssyncadd.s32 $0xFFFFE100  }
0xad: {  	[spmem:s2] =	stream.indirect.scatter.add.f32 [tilespmem:s11], [sflag:$0x6], $0x10, s1, s7, $0xb8;
	[tilespmem:$0xF720] =	vst v63  }
0xae: {  	_ =	swait.ge [sflag:s17], $0x1F00  }
0xaf: {  	s1 =	sld [smem:$0x7F9]  }
0xb0: {  	[sflag:s17] =	ssyncset.done $0x0  }
0xb1: {  	[sflag:s17] =	ssyncadd.s32 $0xFFFFE100  }
0xb2: {  	[spmem:s2] =	stream.indirect.scatter.add.f32 [tilespmem:s10], [sflag:$0x7], $0x10, s1, s7, $0xb8;
	[tilespmem:$0xF720] =	vst v63  }
0xb3: {  	_ =	swait.ge [sflag:s8], $0x1F00  }
0xb4: {  	s1 =	sld [smem:$0x7FA]  }
0xb5: {  	[sflag:s8] =	ssyncset.done $0x0  }
0xb6: {  	[sflag:s8] =	ssyncadd.s32 $0xFFFFE100  }
0xb7: {  	[spmem:s2] =	stream.indirect.scatter.add.f32 [tilespmem:s9], [sflag:$0x8], $0x10, s1, s7, $0xb8;
	[tilespmem:$0xF720] =	vst v63  }
0xb8: {  	_ =	swait.ge [sflag:s13], $0x1F00  }
0xb9: {  	s1 =	sld [smem:$0x7FB]  }
0xba: {  	[sflag:s13] =	ssyncset.done $0x0  }
0xbb: {  	[sflag:s13] =	ssyncadd.s32 $0xFFFFE100  }
0xbc: {  	[tilespmem:s12], [sflag:$0x1] =	stream.indirect.gather [hbm4b:s4+s7], $0x10, s1, s7, $0xb8;
	[tilespmem:$0xF720] =	vst v63  }
0xbd: {  	_ =	swait.ge [sflag:s14], $0x1F00  }
0xbe: {  	s1 =	sld [smem:$0x7FC]  }
0xbf: {  	[sflag:s14] =	ssyncset.done $0x0  }
0xc0: {  	[sflag:s14] =	ssyncadd.s32 $0xFFFFE100  }
0xc1: {  	[tilespmem:s11], [sflag:$0x2] =	stream.indirect.gather [hbm4b:s4+s7], $0x10, s1, s7, $0xb8;
	[tilespmem:$0xF720] =	vst v63  }
0xc2: {  	_ =	swait.ge [sflag:s15], $0x1F00  }
0xc3: {  	s1 =	sld [smem:$0x7FD]  }
0xc4: {  	[sflag:s15] =	ssyncset.done $0x0  }
0xc5: {  	[sflag:s15] =	ssyncadd.s32 $0xFFFFE100  }
0xc6: {  	[tilespmem:s10], [sflag:$0x3] =	stream.indirect.gather [hbm4b:s4+s7], $0x10, s1, s7, $0xb8;
	[tilespmem:$0xF720] =	vst v63  }
0xc7: {  	_ =	swait.ge [sflag:s16], $0x1F00  }
0xc8: {  	[sflag:s16] =	ssyncset.done $0x0  }
0xc9: {  	[sflag:s16] =	ssyncadd.s32 $0xFFFFE100  }
0xca: {  	[tilespmem:s9], [sflag:$0x4] =	stream.indirect.gather [hbm4b:s4+s7], $0x10, s26, s7, $0xb8;
	[tilespmem:$0xF720] =	vst v63  }
0xcb: {  	_ =	swait.ge [sflag:s19], $0x1F00  }
0xcc: {  	[sflag:s19] =	ssyncset.done $0x0  }
0xcd: {  	[sflag:s19] =	ssyncadd.s32 $0xFFFFE100  }
0xce: {  	[spmem:s2] =	stream.indirect.scatter.add.f32 [tilespmem:s12], [sflag:$0x5], $0x10, s29, s7, $0xb8;
	[tilespmem:$0xF720] =	vst v63  }
0xcf: {  	_ =	swait.ge [sflag:s18], $0x1F00  }
0xd0: {  	[sflag:s18] =	ssyncset.done $0x0  }
0xd1: {  	s1 =	simm.s32 $0x4800;
	[sflag:s18] =	ssyncadd.s32 $0xFFFFE100  }
0xd2: {  	[spmem:s2] =	stream.indirect.scatter.add.f32 [tilespmem:s11], [sflag:$0x6], $0x10, s1, s7, $0xb8;
	[tilespmem:$0xF720] =	vst v63  }
0xd3: {  	_ =	swait.ge [sflag:s17], $0x1F00  }
0xd4: {  	[sflag:s17] =	ssyncset.done $0x0  }
0xd5: {  	[sflag:s17] =	ssyncadd.s32 $0xFFFFE100  }
0xd6: {  	[spmem:s2] =	stream.indirect.scatter.add.f32 [tilespmem:s10], [sflag:$0x7], $0x10, s28, s7, $0xb8;
	[tilespmem:$0xF720] =	vst v63  }
0xd7: {  	_ =	swait.ge [sflag:s8], $0x1F00  }
0xd8: {  	[sflag:s8] =	ssyncset.done $0x0  }
0xd9: {  	[sflag:s8] =	ssyncadd.s32 $0xFFFFE100  }
0xda: {  	[spmem:s2] =	stream.indirect.scatter.add.f32 [tilespmem:s9], [sflag:$0x8], $0x10, s24, s7, $0xb8;
	[tilespmem:$0xF720] =	vst v63  }
0xdb: {  	_ = 	snop  }
0xdc: {  	[tilespmem:s21], [sflag:$0x4] =	stream.indirect.gather [hbm4b:s4+s20], $0x10, s25, s20, $0xb8;
	[tilespmem:$0xF720] =	vst v63  }
0xdd: {  	_ =	swait.ge [sflag:s13], $0x1F00  }
0xde: {  	[sflag:s13] =	ssyncset.done $0x0  }
0xdf: {  	[sflag:s13] =	ssyncadd.s32 $0xFFFFE100  }
0xe0: {  	_ =	swait.ge [sflag:s14], $0x1F00  }
0xe1: {  	[sflag:s14] =	ssyncset.done $0x0  }
0xe2: {  	[sflag:s14] =	ssyncadd.s32 $0xFFFFE100  }
0xe3: {  	_ =	swait.ge [sflag:s15], $0x1F00  }
0xe4: {  	[sflag:s15] =	ssyncset.done $0x0  }
0xe5: {  	[sflag:s15] =	ssyncadd.s32 $0xFFFFE100  }
0xe6: {  	_ =	swait.ge [sflag:s16], $0x1F00  }
0xe7: {  	[sflag:s16] =	ssyncset.done $0x0  }
0xe8: {  	[sflag:s16] =	ssyncadd.s32 $0xFFFFE100  }
0xe9: {  	_ =	swait.ge [sflag:s8], $0x500  }
0xea: {  	[sflag:s8] =	ssyncset.done $0x0  }
0xeb: {  	[sflag:s8] =	ssyncadd.s32 $0xFFFFFB00  }
0xec: {  	[spmem:s2] =	stream.indirect.scatter.add.f32 [tilespmem:s21], [sflag:$0x9], $0x10, s23, s20, $0xb8;
	[tilespmem:$0xF720] =	vst v63  }
0xed: {  	_ =	swait.ge [sflag:s6], $0x500  }
0xee: {  	[sflag:s6] =	ssyncset.done $0x0  }
0xef: {  	p1 =	sne.s32 s22, $0x1;
	[sflag:s6] =	ssyncadd.s32 $0xFFFFFB00  }
.Ltmp1:
0xf0: {  	[bflag:$0x0] =	sbarrier.arrive $0xFFFF;
	(pc) =	sbr.rel @!p1 .LBB2_3-.Ltmp1, $4  }
0xf1: {  	s1 =	rddreg [dreg:$0x7]  }
0xf2: {  	[hbm:s1], [sflag:s3] =	dma.local [spmem:s5], $0x500  }
0xf3: {  	p0 =	por $0x1, $0x1;
	_ =	swait.ge [sflag:s6], $0x500  }
0xf4: {  	s1 =	sadd.s32 $0xFFFFFFFF, s22;
	s0 =	rddreg [dreg:$0x4];
	[sflag:s6] =	ssyncset.done $0x0  }
.LBB2_4:
0xf5: {  	[sflag:s6] =	ssyncadd.s32 $0xFFFFFB00  }
0xf6: {  	[spmem:s5], [sflag:s3] =	dma.local [hbm:s0], $0x500  }
0xf7: {  	_ =	swait.ge [sflag:s6], $0x500  }
0xf8: {  	[sflag:s6] =	ssyncset.done $0x0  }
0xf9: {  	s22 =	rddreg [dreg:$0x5];
	[sflag:s6] =	ssyncadd.s32 $0xFFFFFB00  }
0xfa: {  	[tilespmem:s30], [sflag:$0x9] =	stream.linear.gather [hbm4b:s22+s30], $0x2710, $0x38;
	[tilespmem:$0xF720] =	vst v63  }
0xfb: {  	_ =	swait.ge [sflag:s6], $0x2710  }
0xfc: {  	[sflag:s6] =	ssyncset.done $0x0  }
0xfd: {  	s22 =	rddreg [dreg:$0x6];
	[sflag:s6] =	ssyncadd.s32 $0xFFFFD8F0  }
0xfe: {  	[tilespmem:s31], [sflag:$0x9] =	stream.linear.gather [hbm4b:s22+s30], $0x2710, $0x38;
	[tilespmem:$0xF720] =	vst v63  }
0xff: {  	_ =	swait.ge [sflag:s6], $0x2710  }
0x100: {  	[sflag:s6] =	ssyncset.done $0x0  }
0x101: {  	[sflag:s6] =	ssyncadd.s32 $0xFFFFD8F0  }
0x102: {  	[bflag:$0x0] =	sbarrier.arrive $0xFFFF  }
0x103: {  	[tilespmem:s12], [sflag:$0x1] =	stream.indirect.gather [hbm4b:s4+s7], $0x10, s30, s7, $0xb8;
	[tilespmem:$0xF720] =	vst v63  }
0x104: {  	_ = 	snop  }
0x105: {  	[tilespmem:s11], [sflag:$0x2] =	stream.indirect.gather [hbm4b:s4+s7], $0x10, s7, s7, $0xb8;
	[tilespmem:$0xF720] =	vst v63  }
0x106: {  	s0 =	rddreg [dreg:$0x8]  }
0x107: {  	[tilespmem:s10], [sflag:$0x3] =	stream.indirect.gather [hbm4b:s4+s7], $0x10, s0, s7, $0xb8;
	[tilespmem:$0xF720] =	vst v63  }
0x108: {  	s22 =	rddreg [dreg:$0x9]  }
0x109: {  	[tilespmem:s9], [sflag:$0x4] =	stream.indirect.gather [hbm4b:s4+s7], $0x10, s22, s7, $0xb8;
	[tilespmem:$0xF720] =	vst v63  }
0x10a: {  	_ =	swait.ge [sflag:s19], $0x1F00  }
0x10b: {  	[sflag:s19] =	ssyncset.done $0x0  }
0x10c: {  	[sflag:s19] =	ssyncadd.s32 $0xFFFFE100  }
0x10d: {  	[spmem:s2] =	stream.indirect.scatter.add.f32 [tilespmem:s12], [sflag:$0x5], $0x10, s31, s7, $0xb8;
	[tilespmem:$0xF720] =	vst v63  }
0x10e: {  	_ =	swait.ge [sflag:s18], $0x1F00  }
0x10f: {  	[sflag:s18] =	ssyncset.done $0x0  }
0x110: {  	s22 =	rddreg [dreg:$0xa];
	[sflag:s18] =	ssyncadd.s32 $0xFFFFE100  }
0x111: {  	[spmem:s2] =	stream.indirect.scatter.add.f32 [tilespmem:s11], [sflag:$0x6], $0x10, s22, s7, $0xb8;
	[tilespmem:$0xF720] =	vst v63  }
0x112: {  	_ =	swait.ge [sflag:s17], $0x1F00  }
0x113: {  	[sflag:s17] =	ssyncset.done $0x0  }
0x114: {  	s22 =	rddreg [dreg:$0xb];
	[sflag:s17] =	ssyncadd.s32 $0xFFFFE100  }
0x115: {  	[spmem:s2] =	stream.indirect.scatter.add.f32 [tilespmem:s10], [sflag:$0x7], $0x10, s22, s7, $0xb8;
	[tilespmem:$0xF720] =	vst v63  }
0x116: {  	_ =	swait.ge [sflag:s8], $0x1F00  }
0x117: {  	[sflag:s8] =	ssyncset.done $0x0  }
0x118: {  	s22 =	rddreg [dreg:$0xc];
	[sflag:s8] =	ssyncadd.s32 $0xFFFFE100  }
0x119: {  	[spmem:s2] =	stream.indirect.scatter.add.f32 [tilespmem:s9], [sflag:$0x8], $0x10, s22, s7, $0xb8;
	[tilespmem:$0xF720] =	vst v63  }
0x11a: {  	_ =	swait.ge [sflag:s13], $0x1F00  }
0x11b: {  	[sflag:s13] =	ssyncset.done $0x0  }
0x11c: {  	s22 =	rddreg [dreg:$0xd];
	[sflag:s13] =	ssyncadd.s32 $0xFFFFE100  }
0x11d: {  	[tilespmem:s12], [sflag:$0x1] =	stream.indirect.gather [hbm4b:s4+s7], $0x10, s22, s7, $0xb8;
	[tilespmem:$0xF720] =	vst v63  }
0x11e: {  	_ =	swait.ge [sflag:s14], $0x1F00  }
0x11f: {  	[sflag:s14] =	ssyncset.done $0x0  }
0x120: {  	s22 =	rddreg [dreg:$0xe];
	[sflag:s14] =	ssyncadd.s32 $0xFFFFE100  }
0x121: {  	[tilespmem:s11], [sflag:$0x2] =	stream.indirect.gather [hbm4b:s4+s7], $0x10, s22, s7, $0xb8;
	[tilespmem:$0xF720] =	vst v63  }
0x122: {  	_ =	swait.ge [sflag:s15], $0x1F00  }
0x123: {  	[sflag:s15] =	ssyncset.done $0x0  }
0x124: {  	s22 =	rddreg [dreg:$0xf];
	[sflag:s15] =	ssyncadd.s32 $0xFFFFE100  }
0x125: {  	[tilespmem:s10], [sflag:$0x3] =	stream.indirect.gather [hbm4b:s4+s7], $0x10, s22, s7, $0xb8;
	[tilespmem:$0xF720] =	vst v63  }
0x126: {  	_ =	swait.ge [sflag:s16], $0x1F00  }
0x127: {  	[sflag:s16] =	ssyncset.done $0x0  }
0x128: {  	s22 =	rddreg [dreg:$0x10];
	[sflag:s16] =	ssyncadd.s32 $0xFFFFE100  }
0x129: {  	[tilespmem:s9], [sflag:$0x4] =	stream.indirect.gather [hbm4b:s4+s7], $0x10, s22, s7, $0xb8;
	[tilespmem:$0xF720] =	vst v63  }
0x12a: {  	_ =	swait.ge [sflag:s19], $0x1F00  }
0x12b: {  	[sflag:s19] =	ssyncset.done $0x0  }
0x12c: {  	s22 =	rddreg [dreg:$0x11];
	[sflag:s19] =	ssyncadd.s32 $0xFFFFE100  }
0x12d: {  	[spmem:s2] =	stream.indirect.scatter.add.f32 [tilespmem:s12], [sflag:$0x5], $0x10, s22, s7, $0xb8;
	[tilespmem:$0xF720] =	vst v63  }
0x12e: {  	_ =	swait.ge [sflag:s18], $0x1F00  }
0x12f: {  	[sflag:s18] =	ssyncset.done $0x0  }
0x130: {  	s22 =	rddreg [dreg:$0x12];
	[sflag:s18] =	ssyncadd.s32 $0xFFFFE100  }
0x131: {  	[spmem:s2] =	stream.indirect.scatter.add.f32 [tilespmem:s11], [sflag:$0x6], $0x10, s22, s7, $0xb8;
	[tilespmem:$0xF720] =	vst v63  }
0x132: {  	_ =	swait.ge [sflag:s17], $0x1F00  }
0x133: {  	[sflag:s17] =	ssyncset.done $0x0  }
0x134: {  	s22 =	rddreg [dreg:$0x13];
	[sflag:s17] =	ssyncadd.s32 $0xFFFFE100  }
0x135: {  	[spmem:s2] =	stream.indirect.scatter.add.f32 [tilespmem:s10], [sflag:$0x7], $0x10, s22, s7, $0xb8;
	[tilespmem:$0xF720] =	vst v63  }
0x136: {  	_ =	swait.ge [sflag:s8], $0x1F00  }
0x137: {  	[sflag:s8] =	ssyncset.done $0x0  }
0x138: {  	s22 =	rddreg [dreg:$0x14];
	[sflag:s8] =	ssyncadd.s32 $0xFFFFE100  }
0x139: {  	[spmem:s2] =	stream.indirect.scatter.add.f32 [tilespmem:s9], [sflag:$0x8], $0x10, s22, s7, $0xb8;
	[tilespmem:$0xF720] =	vst v63  }
0x13a: {  	_ =	swait.ge [sflag:s13], $0x1F00  }
0x13b: {  	[sflag:s13] =	ssyncset.done $0x0  }
0x13c: {  	s22 =	rddreg [dreg:$0x15];
	[sflag:s13] =	ssyncadd.s32 $0xFFFFE100  }
0x13d: {  	[tilespmem:s12], [sflag:$0x1] =	stream.indirect.gather [hbm4b:s4+s7], $0x10, s22, s7, $0xb8;
	[tilespmem:$0xF720] =	vst v63  }
0x13e: {  	_ =	swait.ge [sflag:s14], $0x1F00  }
0x13f: {  	[sflag:s14] =	ssyncset.done $0x0  }
0x140: {  	s22 =	rddreg [dreg:$0x16];
	[sflag:s14] =	ssyncadd.s32 $0xFFFFE100  }
0x141: {  	[tilespmem:s11], [sflag:$0x2] =	stream.indirect.gather [hbm4b:s4+s7], $0x10, s22, s7, $0xb8;
	[tilespmem:$0xF720] =	vst v63  }
0x142: {  	_ =	swait.ge [sflag:s15], $0x1F00  }
0x143: {  	[sflag:s15] =	ssyncset.done $0x0  }
0x144: {  	s22 =	rddreg [dreg:$0x17];
	[sflag:s15] =	ssyncadd.s32 $0xFFFFE100  }
0x145: {  	[tilespmem:s10], [sflag:$0x3] =	stream.indirect.gather [hbm4b:s4+s7], $0x10, s22, s7, $0xb8;
	[tilespmem:$0xF720] =	vst v63  }
0x146: {  	_ =	swait.ge [sflag:s16], $0x1F00  }
0x147: {  	[sflag:s16] =	ssyncset.done $0x0  }
0x148: {  	s22 =	rddreg [dreg:$0x18];
	[sflag:s16] =	ssyncadd.s32 $0xFFFFE100  }
0x149: {  	[tilespmem:s9], [sflag:$0x4] =	stream.indirect.gather [hbm4b:s4+s7], $0x10, s22, s7, $0xb8;
	[tilespmem:$0xF720] =	vst v63  }
0x14a: {  	_ =	swait.ge [sflag:s19], $0x1F00  }
0x14b: {  	[sflag:s19] =	ssyncset.done $0x0  }
0x14c: {  	s22 =	rddreg [dreg:$0x19];
	[sflag:s19] =	ssyncadd.s32 $0xFFFFE100  }
0x14d: {  	[spmem:s2] =	stream.indirect.scatter.add.f32 [tilespmem:s12], [sflag:$0x5], $0x10, s22, s7, $0xb8;
	[tilespmem:$0xF720] =	vst v63  }
0x14e: {  	_ =	swait.ge [sflag:s18], $0x1F00  }
0x14f: {  	[sflag:s18] =	ssyncset.done $0x0  }
0x150: {  	s22 =	rddreg [dreg:$0x1a];
	[sflag:s18] =	ssyncadd.s32 $0xFFFFE100  }
0x151: {  	[spmem:s2] =	stream.indirect.scatter.add.f32 [tilespmem:s11], [sflag:$0x6], $0x10, s22, s7, $0xb8;
	[tilespmem:$0xF720] =	vst v63  }
0x152: {  	_ =	swait.ge [sflag:s17], $0x1F00  }
0x153: {  	[sflag:s17] =	ssyncset.done $0x0  }
0x154: {  	s22 =	rddreg [dreg:$0x1b];
	[sflag:s17] =	ssyncadd.s32 $0xFFFFE100  }
0x155: {  	[spmem:s2] =	stream.indirect.scatter.add.f32 [tilespmem:s10], [sflag:$0x7], $0x10, s22, s7, $0xb8;
	[tilespmem:$0xF720] =	vst v63  }
0x156: {  	_ =	swait.ge [sflag:s8], $0x1F00  }
0x157: {  	[sflag:s8] =	ssyncset.done $0x0  }
0x158: {  	s22 =	rddreg [dreg:$0x1c];
	[sflag:s8] =	ssyncadd.s32 $0xFFFFE100  }
0x159: {  	[spmem:s2] =	stream.indirect.scatter.add.f32 [tilespmem:s9], [sflag:$0x8], $0x10, s22, s7, $0xb8;
	[tilespmem:$0xF720] =	vst v63  }
0x15a: {  	_ =	swait.ge [sflag:s13], $0x1F00  }
0x15b: {  	[sflag:s13] =	ssyncset.done $0x0  }
0x15c: {  	s22 =	rddreg [dreg:$0x1d];
	[sflag:s13] =	ssyncadd.s32 $0xFFFFE100  }
0x15d: {  	[tilespmem:s12], [sflag:$0x1] =	stream.indirect.gather [hbm4b:s4+s7], $0x10, s22, s7, $0xb8;
	[tilespmem:$0xF720] =	vst v63  }
0x15e: {  	_ =	swait.ge [sflag:s14], $0x1F00  }
0x15f: {  	[sflag:s14] =	ssyncset.done $0x0  }
0x160: {  	s22 =	rddreg [dreg:$0x1e];
	[sflag:s14] =	ssyncadd.s32 $0xFFFFE100  }
0x161: {  	[tilespmem:s11], [sflag:$0x2] =	stream.indirect.gather [hbm4b:s4+s7], $0x10, s22, s7, $0xb8;
	[tilespmem:$0xF720] =	vst v63  }
0x162: {  	_ =	swait.ge [sflag:s15], $0x1F00  }
0x163: {  	[sflag:s15] =	ssyncset.done $0x0  }
0x164: {  	s22 =	rddreg [dreg:$0x1f];
	[sflag:s15] =	ssyncadd.s32 $0xFFFFE100  }
0x165: {  	[tilespmem:s10], [sflag:$0x3] =	stream.indirect.gather [hbm4b:s4+s7], $0x10, s22, s7, $0xb8;
	[tilespmem:$0xF720] =	vst v63  }
0x166: {  	_ =	swait.ge [sflag:s16], $0x1F00  }
0x167: {  	s22 =	sld [smem:$0x7F6]  }
0x168: {  	[sflag:s16] =	ssyncset.done $0x0  }
0x169: {  	[sflag:s16] =	ssyncadd.s32 $0xFFFFE100  }
0x16a: {  	[tilespmem:s9], [sflag:$0x4] =	stream.indirect.gather [hbm4b:s4+s7], $0x10, s22, s7, $0xb8;
	[tilespmem:$0xF720] =	vst v63  }
0x16b: {  	_ =	swait.ge [sflag:s19], $0x1F00  }
0x16c: {  	s22 =	sld [smem:$0x7F7]  }
0x16d: {  	[sflag:s19] =	ssyncset.done $0x0  }
0x16e: {  	[sflag:s19] =	ssyncadd.s32 $0xFFFFE100  }
0x16f: {  	[spmem:s2] =	stream.indirect.scatter.add.f32 [tilespmem:s12], [sflag:$0x5], $0x10, s22, s7, $0xb8;
	[tilespmem:$0xF720] =	vst v63  }
0x170: {  	_ =	swait.ge [sflag:s18], $0x1F00  }
0x171: {  	s22 =	sld [smem:$0x7F8]  }
0x172: {  	[sflag:s18] =	ssyncset.done $0x0  }
0x173: {  	[sflag:s18] =	ssyncadd.s32 $0xFFFFE100  }
0x174: {  	[spmem:s2] =	stream.indirect.scatter.add.f32 [tilespmem:s11], [sflag:$0x6], $0x10, s22, s7, $0xb8;
	[tilespmem:$0xF720] =	vst v63  }
0x175: {  	_ =	swait.ge [sflag:s17], $0x1F00  }
0x176: {  	s22 =	sld [smem:$0x7F9]  }
0x177: {  	[sflag:s17] =	ssyncset.done $0x0  }
0x178: {  	[sflag:s17] =	ssyncadd.s32 $0xFFFFE100  }
0x179: {  	[spmem:s2] =	stream.indirect.scatter.add.f32 [tilespmem:s10], [sflag:$0x7], $0x10, s22, s7, $0xb8;
	[tilespmem:$0xF720] =	vst v63  }
0x17a: {  	_ =	swait.ge [sflag:s8], $0x1F00  }
0x17b: {  	s22 =	sld [smem:$0x7FA]  }
0x17c: {  	[sflag:s8] =	ssyncset.done $0x0  }
0x17d: {  	[sflag:s8] =	ssyncadd.s32 $0xFFFFE100  }
0x17e: {  	[spmem:s2] =	stream.indirect.scatter.add.f32 [tilespmem:s9], [sflag:$0x8], $0x10, s22, s7, $0xb8;
	[tilespmem:$0xF720] =	vst v63  }
0x17f: {  	_ =	swait.ge [sflag:s13], $0x1F00  }
0x180: {  	s22 =	sld [smem:$0x7FB]  }
0x181: {  	[sflag:s13] =	ssyncset.done $0x0  }
0x182: {  	[sflag:s13] =	ssyncadd.s32 $0xFFFFE100  }
0x183: {  	[tilespmem:s12], [sflag:$0x1] =	stream.indirect.gather [hbm4b:s4+s7], $0x10, s22, s7, $0xb8;
	[tilespmem:$0xF720] =	vst v63  }
0x184: {  	_ =	swait.ge [sflag:s14], $0x1F00  }
0x185: {  	s22 =	sld [smem:$0x7FC]  }
0x186: {  	[sflag:s14] =	ssyncset.done $0x0  }
0x187: {  	[sflag:s14] =	ssyncadd.s32 $0xFFFFE100  }
0x188: {  	[tilespmem:s11], [sflag:$0x2] =	stream.indirect.gather [hbm4b:s4+s7], $0x10, s22, s7, $0xb8;
	[tilespmem:$0xF720] =	vst v63  }
0x189: {  	_ =	swait.ge [sflag:s15], $0x1F00  }
0x18a: {  	s22 =	sld [smem:$0x7FD]  }
0x18b: {  	[sflag:s15] =	ssyncset.done $0x0  }
0x18c: {  	[sflag:s15] =	ssyncadd.s32 $0xFFFFE100  }
0x18d: {  	[tilespmem:s10], [sflag:$0x3] =	stream.indirect.gather [hbm4b:s4+s7], $0x10, s22, s7, $0xb8;
	[tilespmem:$0xF720] =	vst v63  }
0x18e: {  	_ =	swait.ge [sflag:s16], $0x1F00  }
0x18f: {  	[sflag:s16] =	ssyncset.done $0x0  }
0x190: {  	[sflag:s16] =	ssyncadd.s32 $0xFFFFE100  }
0x191: {  	[tilespmem:s9], [sflag:$0x4] =	stream.indirect.gather [hbm4b:s4+s7], $0x10, s26, s7, $0xb8;
	[tilespmem:$0xF720] =	vst v63  }
0x192: {  	_ =	swait.ge [sflag:s19], $0x1F00  }
0x193: {  	[sflag:s19] =	ssyncset.done $0x0  }
0x194: {  	[sflag:s19] =	ssyncadd.s32 $0xFFFFE100  }
0x195: {  	[spmem:s2] =	stream.indirect.scatter.add.f32 [tilespmem:s12], [sflag:$0x5], $0x10, s29, s7, $0xb8;
	[tilespmem:$0xF720] =	vst v63  }
0x196: {  	_ =	swait.ge [sflag:s18], $0x1F00  }
0x197: {  	[sflag:s18] =	ssyncset.done $0x0  }
0x198: {  	s22 =	simm.s32 $0x4800;
	[sflag:s18] =	ssyncadd.s32 $0xFFFFE100  }
0x199: {  	[spmem:s2] =	stream.indirect.scatter.add.f32 [tilespmem:s11], [sflag:$0x6], $0x10, s22, s7, $0xb8;
	[tilespmem:$0xF720] =	vst v63  }
0x19a: {  	_ =	swait.ge [sflag:s17], $0x1F00  }
0x19b: {  	[sflag:s17] =	ssyncset.done $0x0  }
0x19c: {  	[sflag:s17] =	ssyncadd.s32 $0xFFFFE100  }
0x19d: {  	[spmem:s2] =	stream.indirect.scatter.add.f32 [tilespmem:s10], [sflag:$0x7], $0x10, s28, s7, $0xb8;
	[tilespmem:$0xF720] =	vst v63  }
0x19e: {  	_ =	swait.ge [sflag:s8], $0x1F00  }
0x19f: {  	[sflag:s8] =	ssyncset.done $0x0  }
0x1a0: {  	[sflag:s8] =	ssyncadd.s32 $0xFFFFE100  }
0x1a1: {  	[spmem:s2] =	stream.indirect.scatter.add.f32 [tilespmem:s9], [sflag:$0x8], $0x10, s24, s7, $0xb8;
	[tilespmem:$0xF720] =	vst v63  }
0x1a2: {  	_ = 	snop  }
0x1a3: {  	[tilespmem:s21], [sflag:$0x4] =	stream.indirect.gather [hbm4b:s4+s20], $0x10, s25, s20, $0xb8;
	[tilespmem:$0xF720] =	vst v63  }
0x1a4: {  	_ =	swait.ge [sflag:s13], $0x1F00  }
0x1a5: {  	[sflag:s13] =	ssyncset.done $0x0  }
0x1a6: {  	[sflag:s13] =	ssyncadd.s32 $0xFFFFE100  }
0x1a7: {  	_ =	swait.ge [sflag:s14], $0x1F00  }
0x1a8: {  	[sflag:s14] =	ssyncset.done $0x0  }
0x1a9: {  	[sflag:s14] =	ssyncadd.s32 $0xFFFFE100  }
0x1aa: {  	_ =	swait.ge [sflag:s15], $0x1F00  }
0x1ab: {  	[sflag:s15] =	ssyncset.done $0x0  }
0x1ac: {  	[sflag:s15] =	ssyncadd.s32 $0xFFFFE100  }
0x1ad: {  	_ =	swait.ge [sflag:s16], $0x1F00  }
0x1ae: {  	[sflag:s16] =	ssyncset.done $0x0  }
0x1af: {  	[sflag:s16] =	ssyncadd.s32 $0xFFFFE100  }
0x1b0: {  	_ =	swait.ge [sflag:s8], $0x500  }
0x1b1: {  	[sflag:s8] =	ssyncset.done $0x0  }
0x1b2: {  	[sflag:s8] =	ssyncadd.s32 $0xFFFFFB00  }
0x1b3: {  	[spmem:s2] =	stream.indirect.scatter.add.f32 [tilespmem:s21], [sflag:$0x9], $0x10, s23, s20, $0xb8;
	[tilespmem:$0xF720] =	vst v63  }
0x1b4: {  	_ =	swait.ge [sflag:s6], $0x500  }
0x1b5: {  	[sflag:s6] =	ssyncset.done $0x0  }
0x1b6: {  	p1 =	sne.s32 s1, $0x1;
	[sflag:s6] =	ssyncadd.s32 $0xFFFFFB00  }
.Ltmp2:
0x1b7: {  	[bflag:$0x0] =	sbarrier.arrive $0xFFFF;
	(pc) =	sbr.rel @p1 .LBB2_4-.Ltmp2, $4  }
0x1b8: {  	s22 =	rddreg [dreg:$0x7]  }
0x1b9: {  	[hbm:s22], [sflag:s3] =	dma.local [spmem:s5], $0x500  }
0x1ba: {  	_ =	swait.ge [sflag:s6], $0x500  }
0x1bb: {  	s1 =	sadd.s32 $0xFFFFFFFF, s1;
	s0 =	rddreg [dreg:$0x4];
	[sflag:s6] =	ssyncset.done $0x0  }
0x1bc: {  	s23 =	simm.s32 $0x24D0  }
0x1bd: {  	s29 =	simm.s32 $0x4610;
	s28 =	simm.s32 $0x49F0;
	s26 =	simm.s32 $0x4800  }
0x1be: {  	s25 =	simm.s32 $0x26C0;
	s24 =	simm.s32 $0x4BE0;
	s22 =	stileid.u32  }
.LBB2_6:
0x1bf: {  	[sflag:s6] =	ssyncadd.s32 @p0 $0xFFFFFB00  }
0x1c0: {  	[spmem:s5], [sflag:s3] =	dma.local [hbm:s0], $0x500  }
0x1c1: {  	_ =	swait.ge [sflag:s6], $0x500  }
0x1c2: {  	[sflag:s6] =	ssyncset.done $0x0  }
0x1c3: {  	s1 =	rddreg [dreg:$0x5];
	[sflag:s6] =	ssyncadd.s32 $0xFFFFFB00  }
0x1c4: {  	[tilespmem:s30], [sflag:$0x9] =	stream.linear.gather [hbm4b:s1+s30], $0x2710, $0x38;
	[tilespmem:$0xF720] =	vst v63  }
0x1c5: {  	_ =	swait.ge [sflag:s6], $0x2710  }
0x1c6: {  	[sflag:s6] =	ssyncset.done $0x0  }
0x1c7: {  	s1 =	rddreg [dreg:$0x6];
	[sflag:s6] =	ssyncadd.s32 $0xFFFFD8F0  }
0x1c8: {  	[tilespmem:s31], [sflag:$0x9] =	stream.linear.gather [hbm4b:s1+s30], $0x2710, $0x38;
	[tilespmem:$0xF720] =	vst v63  }
0x1c9: {  	_ =	swait.ge [sflag:s6], $0x2710  }
0x1ca: {  	[sflag:s6] =	ssyncset.done $0x0  }
0x1cb: {  	[sflag:s6] =	ssyncadd.s32 $0xFFFFD8F0  }
0x1cc: {  	[bflag:$0x0] =	sbarrier.arrive $0xFFFF  }
0x1cd: {  	[tilespmem:s12], [sflag:$0x1] =	stream.indirect.gather [hbm4b:s4+s7], $0x10, s30, s7, $0xb8;
	[tilespmem:$0xF720] =	vst v63  }
0x1ce: {  	_ = 	snop  }
0x1cf: {  	[tilespmem:s11], [sflag:$0x2] =	stream.indirect.gather [hbm4b:s4+s7], $0x10, s7, s7, $0xb8;
	[tilespmem:$0xF720] =	vst v63  }
0x1d0: {  	s30 =	rddreg [dreg:$0x8]  }
0x1d1: {  	[tilespmem:s10], [sflag:$0x3] =	stream.indirect.gather [hbm4b:s4+s7], $0x10, s30, s7, $0xb8;
	[tilespmem:$0xF720] =	vst v63  }
0x1d2: {  	s1 =	rddreg [dreg:$0x9]  }
0x1d3: {  	[tilespmem:s9], [sflag:$0x4] =	stream.indirect.gather [hbm4b:s4+s7], $0x10, s1, s7, $0xb8;
	[tilespmem:$0xF720] =	vst v63  }
0x1d4: {  	_ =	swait.ge [sflag:s19], $0x1F00  }
0x1d5: {  	[sflag:s19] =	ssyncset.done $0x0  }
0x1d6: {  	[sflag:s19] =	ssyncadd.s32 $0xFFFFE100  }
0x1d7: {  	[spmem:s2] =	stream.indirect.scatter.add.f32 [tilespmem:s12], [sflag:$0x5], $0x10, s31, s7, $0xb8;
	[tilespmem:$0xF720] =	vst v63  }
0x1d8: {  	_ =	swait.ge [sflag:s18], $0x1F00  }
0x1d9: {  	[sflag:s18] =	ssyncset.done $0x0  }
0x1da: {  	s30 =	rddreg [dreg:$0xa];
	[sflag:s18] =	ssyncadd.s32 $0xFFFFE100  }
0x1db: {  	[spmem:s2] =	stream.indirect.scatter.add.f32 [tilespmem:s11], [sflag:$0x6], $0x10, s30, s7, $0xb8;
	[tilespmem:$0xF720] =	vst v63  }
0x1dc: {  	_ =	swait.ge [sflag:s17], $0x1F00  }
0x1dd: {  	[sflag:s17] =	ssyncset.done $0x0  }
0x1de: {  	s31 =	rddreg [dreg:$0xb];
	[sflag:s17] =	ssyncadd.s32 $0xFFFFE100  }
0x1df: {  	[spmem:s2] =	stream.indirect.scatter.add.f32 [tilespmem:s10], [sflag:$0x7], $0x10, s31, s7, $0xb8;
	[tilespmem:$0xF720] =	vst v63  }
0x1e0: {  	_ =	swait.ge [sflag:s8], $0x1F00  }
0x1e1: {  	[sflag:s8] =	ssyncset.done $0x0  }
0x1e2: {  	s1 =	rddreg [dreg:$0xc];
	[sflag:s8] =	ssyncadd.s32 $0xFFFFE100  }
0x1e3: {  	[spmem:s2] =	stream.indirect.scatter.add.f32 [tilespmem:s9], [sflag:$0x8], $0x10, s1, s7, $0xb8;
	[tilespmem:$0xF720] =	vst v63  }
0x1e4: {  	_ =	swait.ge [sflag:s13], $0x1F00  }
0x1e5: {  	[sflag:s13] =	ssyncset.done $0x0  }
0x1e6: {  	s30 =	rddreg [dreg:$0xd];
	[sflag:s13] =	ssyncadd.s32 $0xFFFFE100  }
0x1e7: {  	[tilespmem:s12], [sflag:$0x1] =	stream.indirect.gather [hbm4b:s4+s7], $0x10, s30, s7, $0xb8;
	[tilespmem:$0xF720] =	vst v63  }
0x1e8: {  	_ =	swait.ge [sflag:s14], $0x1F00  }
0x1e9: {  	[sflag:s14] =	ssyncset.done $0x0  }
0x1ea: {  	s31 =	rddreg [dreg:$0xe];
	[sflag:s14] =	ssyncadd.s32 $0xFFFFE100  }
0x1eb: {  	[tilespmem:s11], [sflag:$0x2] =	stream.indirect.gather [hbm4b:s4+s7], $0x10, s31, s7, $0xb8;
	[tilespmem:$0xF720] =	vst v63  }
0x1ec: {  	_ =	swait.ge [sflag:s15], $0x1F00  }
0x1ed: {  	[sflag:s15] =	ssyncset.done $0x0  }
0x1ee: {  	s1 =	rddreg [dreg:$0xf];
	[sflag:s15] =	ssyncadd.s32 $0xFFFFE100  }
0x1ef: {  	[tilespmem:s10], [sflag:$0x3] =	stream.indirect.gather [hbm4b:s4+s7], $0x10, s1, s7, $0xb8;
	[tilespmem:$0xF720] =	vst v63  }
0x1f0: {  	_ =	swait.ge [sflag:s16], $0x1F00  }
0x1f1: {  	[sflag:s16] =	ssyncset.done $0x0  }
0x1f2: {  	s30 =	rddreg [dreg:$0x10];
	[sflag:s16] =	ssyncadd.s32 $0xFFFFE100  }
0x1f3: {  	[tilespmem:s9], [sflag:$0x4] =	stream.indirect.gather [hbm4b:s4+s7], $0x10, s30, s7, $0xb8;
	[tilespmem:$0xF720] =	vst v63  }
0x1f4: {  	_ =	swait.ge [sflag:s19], $0x1F00  }
0x1f5: {  	[sflag:s19] =	ssyncset.done $0x0  }
0x1f6: {  	s31 =	rddreg [dreg:$0x11];
	[sflag:s19] =	ssyncadd.s32 $0xFFFFE100  }
0x1f7: {  	[spmem:s2] =	stream.indirect.scatter.add.f32 [tilespmem:s12], [sflag:$0x5], $0x10, s31, s7, $0xb8;
	[tilespmem:$0xF720] =	vst v63  }
0x1f8: {  	_ =	swait.ge [sflag:s18], $0x1F00  }
0x1f9: {  	[sflag:s18] =	ssyncset.done $0x0  }
0x1fa: {  	s1 =	rddreg [dreg:$0x12];
	[sflag:s18] =	ssyncadd.s32 $0xFFFFE100  }
0x1fb: {  	[spmem:s2] =	stream.indirect.scatter.add.f32 [tilespmem:s11], [sflag:$0x6], $0x10, s1, s7, $0xb8;
	[tilespmem:$0xF720] =	vst v63  }
0x1fc: {  	_ =	swait.ge [sflag:s17], $0x1F00  }
0x1fd: {  	[sflag:s17] =	ssyncset.done $0x0  }
0x1fe: {  	s30 =	rddreg [dreg:$0x13];
	[sflag:s17] =	ssyncadd.s32 $0xFFFFE100  }
0x1ff: {  	[spmem:s2] =	stream.indirect.scatter.add.f32 [tilespmem:s10], [sflag:$0x7], $0x10, s30, s7, $0xb8;
	[tilespmem:$0xF720] =	vst v63  }
0x200: {  	_ =	swait.ge [sflag:s8], $0x1F00  }
0x201: {  	[sflag:s8] =	ssyncset.done $0x0  }
0x202: {  	s31 =	rddreg [dreg:$0x14];
	[sflag:s8] =	ssyncadd.s32 $0xFFFFE100  }
0x203: {  	[spmem:s2] =	stream.indirect.scatter.add.f32 [tilespmem:s9], [sflag:$0x8], $0x10, s31, s7, $0xb8;
	[tilespmem:$0xF720] =	vst v63  }
0x204: {  	_ =	swait.ge [sflag:s13], $0x1F00  }
0x205: {  	[sflag:s13] =	ssyncset.done $0x0  }
0x206: {  	s1 =	rddreg [dreg:$0x15];
	[sflag:s13] =	ssyncadd.s32 $0xFFFFE100  }
0x207: {  	[tilespmem:s12], [sflag:$0x1] =	stream.indirect.gather [hbm4b:s4+s7], $0x10, s1, s7, $0xb8;
	[tilespmem:$0xF720] =	vst v63  }
0x208: {  	_ =	swait.ge [sflag:s14], $0x1F00  }
0x209: {  	[sflag:s14] =	ssyncset.done $0x0  }
0x20a: {  	s30 =	rddreg [dreg:$0x16];
	[sflag:s14] =	ssyncadd.s32 $0xFFFFE100  }
0x20b: {  	[tilespmem:s11], [sflag:$0x2] =	stream.indirect.gather [hbm4b:s4+s7], $0x10, s30, s7, $0xb8;
	[tilespmem:$0xF720] =	vst v63  }
0x20c: {  	_ =	swait.ge [sflag:s15], $0x1F00  }
0x20d: {  	[sflag:s15] =	ssyncset.done $0x0  }
0x20e: {  	s31 =	rddreg [dreg:$0x17];
	[sflag:s15] =	ssyncadd.s32 $0xFFFFE100  }
0x20f: {  	[tilespmem:s10], [sflag:$0x3] =	stream.indirect.gather [hbm4b:s4+s7], $0x10, s31, s7, $0xb8;
	[tilespmem:$0xF720] =	vst v63  }
0x210: {  	_ =	swait.ge [sflag:s16], $0x1F00  }
0x211: {  	[sflag:s16] =	ssyncset.done $0x0  }
0x212: {  	s1 =	rddreg [dreg:$0x18];
	[sflag:s16] =	ssyncadd.s32 $0xFFFFE100  }
0x213: {  	[tilespmem:s9], [sflag:$0x4] =	stream.indirect.gather [hbm4b:s4+s7], $0x10, s1, s7, $0xb8;
	[tilespmem:$0xF720] =	vst v63  }
0x214: {  	_ =	swait.ge [sflag:s19], $0x1F00  }
0x215: {  	[sflag:s19] =	ssyncset.done $0x0  }
0x216: {  	s30 =	rddreg [dreg:$0x19];
	[sflag:s19] =	ssyncadd.s32 $0xFFFFE100  }
0x217: {  	[spmem:s2] =	stream.indirect.scatter.add.f32 [tilespmem:s12], [sflag:$0x5], $0x10, s30, s7, $0xb8;
	[tilespmem:$0xF720] =	vst v63  }
0x218: {  	_ =	swait.ge [sflag:s18], $0x1F00  }
0x219: {  	[sflag:s18] =	ssyncset.done $0x0  }
0x21a: {  	s31 =	rddreg [dreg:$0x1a];
	[sflag:s18] =	ssyncadd.s32 $0xFFFFE100  }
0x21b: {  	[spmem:s2] =	stream.indirect.scatter.add.f32 [tilespmem:s11], [sflag:$0x6], $0x10, s31, s7, $0xb8;
	[tilespmem:$0xF720] =	vst v63  }
0x21c: {  	_ =	swait.ge [sflag:s17], $0x1F00  }
0x21d: {  	[sflag:s17] =	ssyncset.done $0x0  }
0x21e: {  	s1 =	rddreg [dreg:$0x1b];
	[sflag:s17] =	ssyncadd.s32 $0xFFFFE100  }
0x21f: {  	[spmem:s2] =	stream.indirect.scatter.add.f32 [tilespmem:s10], [sflag:$0x7], $0x10, s1, s7, $0xb8;
	[tilespmem:$0xF720] =	vst v63  }
0x220: {  	_ =	swait.ge [sflag:s8], $0x1F00  }
0x221: {  	[sflag:s8] =	ssyncset.done $0x0  }
0x222: {  	s30 =	rddreg [dreg:$0x1c];
	[sflag:s8] =	ssyncadd.s32 $0xFFFFE100  }
0x223: {  	[spmem:s2] =	stream.indirect.scatter.add.f32 [tilespmem:s9], [sflag:$0x8], $0x10, s30, s7, $0xb8;
	[tilespmem:$0xF720] =	vst v63  }
0x224: {  	_ =	swait.ge [sflag:s13], $0x1F00  }
0x225: {  	[sflag:s13] =	ssyncset.done $0x0  }
0x226: {  	s31 =	rddreg [dreg:$0x1d];
	[sflag:s13] =	ssyncadd.s32 $0xFFFFE100  }
0x227: {  	[tilespmem:s12], [sflag:$0x1] =	stream.indirect.gather [hbm4b:s4+s7], $0x10, s31, s7, $0xb8;
	[tilespmem:$0xF720] =	vst v63  }
0x228: {  	_ =	swait.ge [sflag:s14], $0x1F00  }
0x229: {  	[sflag:s14] =	ssyncset.done $0x0  }
0x22a: {  	s1 =	rddreg [dreg:$0x1e];
	[sflag:s14] =	ssyncadd.s32 $0xFFFFE100  }
0x22b: {  	[tilespmem:s11], [sflag:$0x2] =	stream.indirect.gather [hbm4b:s4+s7], $0x10, s1, s7, $0xb8;
	[tilespmem:$0xF720] =	vst v63  }
0x22c: {  	_ =	swait.ge [sflag:s15], $0x1F00  }
0x22d: {  	[sflag:s15] =	ssyncset.done $0x0  }
0x22e: {  	s30 =	rddreg [dreg:$0x1f];
	[sflag:s15] =	ssyncadd.s32 $0xFFFFE100  }
0x22f: {  	[tilespmem:s10], [sflag:$0x3] =	stream.indirect.gather [hbm4b:s4+s7], $0x10, s30, s7, $0xb8;
	[tilespmem:$0xF720] =	vst v63  }
0x230: {  	_ =	swait.ge [sflag:s16], $0x1F00  }
0x231: {  	s31 =	sld [smem:$0x7F6]  }
0x232: {  	[sflag:s16] =	ssyncset.done $0x0  }
0x233: {  	[sflag:s16] =	ssyncadd.s32 $0xFFFFE100  }
0x234: {  	[tilespmem:s9], [sflag:$0x4] =	stream.indirect.gather [hbm4b:s4+s7], $0x10, s31, s7, $0xb8;
	[tilespmem:$0xF720] =	vst v63  }
0x235: {  	_ =	swait.ge [sflag:s19], $0x1F00  }
0x236: {  	s1 =	sld [smem:$0x7F7]  }
0x237: {  	[sflag:s19] =	ssyncset.done $0x0  }
0x238: {  	[sflag:s19] =	ssyncadd.s32 $0xFFFFE100  }
0x239: {  	[spmem:s2] =	stream.indirect.scatter.add.f32 [tilespmem:s12], [sflag:$0x5], $0x10, s1, s7, $0xb8;
	[tilespmem:$0xF720] =	vst v63  }
0x23a: {  	_ =	swait.ge [sflag:s18], $0x1F00  }
0x23b: {  	s30 =	sld [smem:$0x7F8]  }
0x23c: {  	[sflag:s18] =	ssyncset.done $0x0  }
0x23d: {  	[sflag:s18] =	ssyncadd.s32 $0xFFFFE100  }
0x23e: {  	[spmem:s2] =	stream.indirect.scatter.add.f32 [tilespmem:s11], [sflag:$0x6], $0x10, s30, s7, $0xb8;
	[tilespmem:$0xF720] =	vst v63  }
0x23f: {  	_ =	swait.ge [sflag:s17], $0x1F00  }
0x240: {  	s31 =	sld [smem:$0x7F9]  }
0x241: {  	[sflag:s17] =	ssyncset.done $0x0  }
0x242: {  	[sflag:s17] =	ssyncadd.s32 $0xFFFFE100  }
0x243: {  	[spmem:s2] =	stream.indirect.scatter.add.f32 [tilespmem:s10], [sflag:$0x7], $0x10, s31, s7, $0xb8;
	[tilespmem:$0xF720] =	vst v63  }
0x244: {  	_ =	swait.ge [sflag:s8], $0x1F00  }
0x245: {  	s1 =	sld [smem:$0x7FA]  }
0x246: {  	[sflag:s8] =	ssyncset.done $0x0  }
0x247: {  	[sflag:s8] =	ssyncadd.s32 $0xFFFFE100  }
0x248: {  	[spmem:s2] =	stream.indirect.scatter.add.f32 [tilespmem:s9], [sflag:$0x8], $0x10, s1, s7, $0xb8;
	[tilespmem:$0xF720] =	vst v63  }
0x249: {  	_ =	swait.ge [sflag:s13], $0x1F00  }
0x24a: {  	s30 =	sld [smem:$0x7FB]  }
0x24b: {  	[sflag:s13] =	ssyncset.done $0x0  }
0x24c: {  	[sflag:s13] =	ssyncadd.s32 $0xFFFFE100  }
0x24d: {  	[tilespmem:s12], [sflag:$0x1] =	stream.indirect.gather [hbm4b:s4+s7], $0x10, s30, s7, $0xb8;
	[tilespmem:$0xF720] =	vst v63  }
0x24e: {  	_ =	swait.ge [sflag:s14], $0x1F00  }
0x24f: {  	s31 =	sld [smem:$0x7FC]  }
0x250: {  	[sflag:s14] =	ssyncset.done $0x0  }
0x251: {  	[sflag:s14] =	ssyncadd.s32 $0xFFFFE100  }
0x252: {  	[tilespmem:s11], [sflag:$0x2] =	stream.indirect.gather [hbm4b:s4+s7], $0x10, s31, s7, $0xb8;
	[tilespmem:$0xF720] =	vst v63  }
0x253: {  	_ =	swait.ge [sflag:s15], $0x1F00  }
0x254: {  	s1 =	sld [smem:$0x7FD]  }
0x255: {  	[sflag:s15] =	ssyncset.done $0x0  }
0x256: {  	[sflag:s15] =	ssyncadd.s32 $0xFFFFE100  }
0x257: {  	[tilespmem:s10], [sflag:$0x3] =	stream.indirect.gather [hbm4b:s4+s7], $0x10, s1, s7, $0xb8;
	[tilespmem:$0xF720] =	vst v63  }
0x258: {  	_ =	swait.ge [sflag:s16], $0x1F00  }
0x259: {  	[sflag:s16] =	ssyncset.done $0x0  }
0x25a: {  	[sflag:s16] =	ssyncadd.s32 $0xFFFFE100  }
0x25b: {  	[tilespmem:s9], [sflag:$0x4] =	stream.indirect.gather [hbm4b:s4+s7], $0x10, s23, s7, $0xb8;
	[tilespmem:$0xF720] =	vst v63  }
0x25c: {  	_ =	swait.ge [sflag:s19], $0x1F00  }
0x25d: {  	[sflag:s19] =	ssyncset.done $0x0  }
0x25e: {  	[sflag:s19] =	ssyncadd.s32 $0xFFFFE100  }
0x25f: {  	[spmem:s2] =	stream.indirect.scatter.add.f32 [tilespmem:s12], [sflag:$0x5], $0x10, s29, s7, $0xb8;
	[tilespmem:$0xF720] =	vst v63  }
0x260: {  	_ =	swait.ge [sflag:s18], $0x1F00  }
0x261: {  	[sflag:s18] =	ssyncset.done $0x0  }
0x262: {  	[sflag:s18] =	ssyncadd.s32 $0xFFFFE100  }
0x263: {  	[spmem:s2] =	stream.indirect.scatter.add.f32 [tilespmem:s11], [sflag:$0x6], $0x10, s26, s7, $0xb8;
	[tilespmem:$0xF720] =	vst v63  }
0x264: {  	_ =	swait.ge [sflag:s17], $0x1F00  }
0x265: {  	[sflag:s17] =	ssyncset.done $0x0  }
0x266: {  	[sflag:s17] =	ssyncadd.s32 $0xFFFFE100  }
0x267: {  	[spmem:s2] =	stream.indirect.scatter.add.f32 [tilespmem:s10], [sflag:$0x7], $0x10, s28, s7, $0xb8;
	[tilespmem:$0xF720] =	vst v63  }
0x268: {  	_ =	swait.ge [sflag:s8], $0x1F00  }
0x269: {  	[sflag:s8] =	ssyncset.done $0x0  }
0x26a: {  	[sflag:s8] =	ssyncadd.s32 $0xFFFFE100  }
0x26b: {  	[spmem:s2] =	stream.indirect.scatter.add.f32 [tilespmem:s9], [sflag:$0x8], $0x10, s24, s7, $0xb8;
	[tilespmem:$0xF720] =	vst v63  }
0x26c: {  	_ = 	snop  }
0x26d: {  	[tilespmem:s21], [sflag:$0x4] =	stream.indirect.gather [hbm4b:s4+s20], $0x10, s25, s20, $0xb8;
	[tilespmem:$0xF720] =	vst v63  }
0x26e: {  	_ =	swait.ge [sflag:s13], $0x1F00  }
0x26f: {  	[sflag:s13] =	ssyncset.done $0x0  }
0x270: {  	[sflag:s13] =	ssyncadd.s32 $0xFFFFE100  }
0x271: {  	_ =	swait.ge [sflag:s14], $0x1F00  }
0x272: {  	[sflag:s14] =	ssyncset.done $0x0  }
0x273: {  	[sflag:s14] =	ssyncadd.s32 $0xFFFFE100  }
0x274: {  	_ =	swait.ge [sflag:s15], $0x1F00  }
0x275: {  	[sflag:s15] =	ssyncset.done $0x0  }
0x276: {  	[sflag:s15] =	ssyncadd.s32 $0xFFFFE100  }
0x277: {  	_ =	swait.ge [sflag:s16], $0x1F00  }
0x278: {  	[sflag:s16] =	ssyncset.done $0x0  }
0x279: {  	[sflag:s16] =	ssyncadd.s32 $0xFFFFE100  }
0x27a: {  	_ =	swait.ge [sflag:s8], $0x500  }
0x27b: {  	[sflag:s8] =	ssyncset.done $0x0  }
0x27c: {  	s30 =	simm.s32 $0x4DD0;
	[sflag:s8] =	ssyncadd.s32 $0xFFFFFB00  }
0x27d: {  	[spmem:s2] =	stream.indirect.scatter.add.f32 [tilespmem:s21], [sflag:$0x9], $0x10, s30, s20, $0xb8;
	[tilespmem:$0xF720] =	vst v63  }
0x27e: {  	_ =	swait.ge [sflag:s6], $0x500  }
0x27f: {  	[sflag:s6] =	ssyncset.done $0x0  }
0x280: {  	[sflag:s6] =	ssyncadd.s32 $0xFFFFFB00  }
0x281: {  	[bflag:$0x0] =	sbarrier.arrive $0xFFFF  }
0x282: {  	s31 =	rddreg [dreg:$0x7]  }
0x283: {  	[hbm:s31], [sflag:s3] =	dma.local [spmem:s5], $0x500  }
0x284: {  	_ =	swait.ge [sflag:s6], $0x500  }
0x285: {  	[sflag:s6] =	ssyncset.done $0x0  }
0x286: {  	[sflag:s6] =	ssyncadd.s32 $0xFFFFFB00  }
0x287: {  	_ =	sfence.sel $0x180000  }
0x288: {  	[bflag:$0x0] =	sbarrier.arrive $0xFFFF  }
0x289: {  	_ =	strace $0x9000004D  }
0x28a: {  	[bflag:$0x2] =	sbarrier.arrive $0xFFFF  }
0x28b: {  	p0 =	sne.s32 s22, $0x0;
	s0 =	rddreg [dreg:$0x3]  }
0x28c: {  	s0 =	sadd.s32 @!p0 $0x100000, s0  }
0x28d: {  	[sflag:s0] =	ssyncadd.tile.s32 @!p0 $0x1;
	_ =	shalt  }
.LBB2_1:
.Ltmp3:
0x28e: {  	(pc) =	sbr.rel .LBB2_6-.Ltmp3, $3  }
0x28f: {  	_ =	sdelay $0x1  }
0x290: {  	s23 =	simm.s32 $0x24D0;
	s29 =	simm.s32 $0x4610;
	s28 =	simm.s32 $0x49F0  }
0x291: {  	s26 =	simm.s32 $0x4800;
	s25 =	simm.s32 $0x26C0;
	s24 =	simm.s32 $0x4BE0  }
.LBB2_3:
.Ltmp4:
0x292: {  	(pc) =	sbr.rel .LBB2_6-.Ltmp4, $4  }
0x293: {  	_ = 	snop  }
0x294: {  	s23 =	simm.s32 $0x24D0  }
0x295: {  	s29 =	simm.s32 $0x4610;
	s28 =	simm.s32 $0x49F0;
	s26 =	simm.s32 $0x4800  }
0x296: {  	s25 =	simm.s32 $0x26C0;
	s24 =	simm.s32 $0x4BE0;
	s22 =	stileid.u32  }
.Lfunc_end2:
_tile_overlayer_lowered:
.L_overlay_start_2:
0x297: {  	(tag) =	ssettag $0x2  }
0x298: {  	s0 =	rddreg [dreg:$0x0];
	s2 =	stileid.u32  }
0x299: {  	s1 =	rddreg [dreg:$0x1];
	p0 =	sne.s32 s2, $0x0  }
0x29a: {  	s3 =	rddreg [dreg:$0x2];
	[bflag:$0x3] =	sbarrier.arrive $0xFFFF;
	s2 =	simm.s32 @!p0 $0x1C09  }
0x29b: {  	[timem:s3], [sflag:s2] =	dma.local @!p0 [hbm:s0], s1  }
0x29c: {  	s0 =	simm.s32 @!p0 $0x9  }
0x29d: {  	_ =	swait.ge @!p0 [sflag:s0], s1  }
0x29e: {  	s1 =	ssub.s32 @!p0 $0x0, s1;
	[sflag:s0] =	ssyncset.done @!p0 $0x0  }
0x29f: {  	[sflag:s0] =	ssyncadd.s32 @!p0 s1  }
0x2a0: {  	[bflag:$0x3] =	sbarrier.arrive $0xFFFF  }
0x2a1: {  	_ =	shalt  }

// kernel: kernel.8.cloned.1.call-start
scs
__scs_entry_jumppad:
0x0: {  	(pc) =	sbr.rel $0x88, $3  }
0x1: {  	(tag) =	ssettag $0x0;
	lr =	simm.s32 $0x1  }
0x2: {  	[smem:$0x3F9B] =	sst lr;
	_ =	strace $0xD0000000  }
0x3: {  	_ = 	snop  }
0x4: {  	_ = 	snop  }
0x5: {  	_ = 	snop  }
0x6: {  	_ = 	snop  }
0x7: {  	_ = 	snop  }
__scs_overlays_trampoline_lowered:
0x8: {  	[smem:$0x3FAA] =	sst s0  }
0x9: {  	[smem:$0x3FAB] =	sst s1  }
0xa: {  	[smem:$0x3FAC] =	sst s2  }
0xb: {  	[smem:$0x3FAD] =	sst s3  }
0xc: {  	[smem:$0x3FAE] =	sst s4  }
0xd: {  	[smem:$0x3FAF] =	sst s5  }
0xe: {  	[smem:$0x3FB0] =	sst s6  }
0xf: {  	[smem:$0x3FB1] =	sst s7  }
0x10: {  	[smem:$0x3FB2] =	sst s8  }
0x11: {  	[smem:$0x3FB3] =	sst s9;
	s0 =	simm.s32 @!p0 $0x0  }
0x12: {  	s1 =	sld [smem:$0x3F99];
	s0 =	simm.s32 @p0 $0x1  }
0x13: {  	[smem:$0x3FB4] =	sst s0;
	s0 =	simm.s32 @!p1 $0x0  }
0x14: {  	s2 =	sld [smem:$0x3F98];
	s0 =	simm.s32 @p1 $0x1  }
0x15: {  	[smem:$0x3FB5] =	sst s0;
	s0 =	simm.s32 @!p2 $0x0  }
0x16: {  	s3 =	sld [smem:$0x3FDB];
	s0 =	simm.s32 @p2 $0x1  }
0x17: {  	s4 =	simm.s32 $0x1BF5;
	[smem:$0x3FB7] =	sst s0  }
0x18: {  	s0 =	sld [smem:$0x3F9A];
	_ =	swait.ge [sflag:s4], $0x0  }
0x19: {  	s7 =	sld [smem:$0x3F9B]  }
0x1a: {  	s8 =	sadd.s32 $0xFFFFE003, lr  }
0x1b: {  	s9 =	sadd.s32 $0xFFFFFEF7, lr;
	s5 =	simm.s32 $0xFFFFFFFF;
	p2 =	slt.u32 s8, $0xFFFFF086  }
0x1c: {  	p1 =	slt.u32 s9, $0xF7A;
	s5 =	simm.s32 @!p2 $0x0  }
0x1d: {  	s5 =	simm.s32 @p1 $0x1;
	p0 =	seq.s32 s7, s2  }
0x1e: {  	s7 =	smul.u32 @!p0 $0xF7A, s2;
	p2 =	seq.s32 @!p0 s5, $0x0  }
0x1f: {  	s9 =	smul.u32 $0xF7A, s1;
	s8 =	simm.s32 @!p0 $0x1BF5;
	p2 =	por !p2, p0  }
0x20: {  	[sflag:s8] =	ssyncset.s32 @!p0 $0xFFFFF086;
	s6 =	sadd.s32 @!p0 s3, s7;
	s7 =	simm.s32 @!p0 $0x108  }
0x21: {  	s3 =	sadd.s32 s3, s9;
	s6 =	sadd.s32 @!p0 $0x88, s6;
	s7 =	simm.s32 @p2 $0x1082  }
0x22: {  	[simem:s7], [sflag:s8] =	dma.local @!p0 [hbm:s6], $0xF7A  }
0x23: {  	s9 =	sor.u32 $0xD0000000, s2;
	s6 =	simm.s32 $0x108;
	_ =	swait.ge @!p0 [sflag:s8], $0x0  }
0x24: {  	s3 =	sadd.s32 $0x88, s3;
	s6 =	simm.s32 @!p1 $0x1082;
	[sflag:s4] =	ssyncset.s32 $0xFFFFF086  }
0x25: {  	[simem:s6], [sflag:s4] =	dma.local [hbm:s3], $0xF7A  }
0x26: {  	[smem:$0x3F9B] =	sst s1;
	(tag) =	ssettag s2;
	_ =	strace s9  }
0x27: {  	s1 =	sld [smem:$0x3FAB]  }
0x28: {  	s2 =	sld [smem:$0x3FAC]  }
0x29: {  	s4 =	sld [smem:$0x3FAE]  }
0x2a: {  	p0 =	seq.s32 s5, $0x0;
	s5 =	sld [smem:$0x3FAF]  }
0x2b: {  	s6 =	sld [smem:$0x3FB0]  }
0x2c: {  	s7 =	sld [smem:$0x3FB1]  }
0x2d: {  	s3 =	simm.s32 $0x108;
	s8 =	sld [smem:$0x3FB2]  }
0x2e: {  	s3 =	simm.s32 @!p0 $0x1082;
	s9 =	sld [smem:$0x3FB3]  }
0x2f: {  	lr =	sadd.s32 s0, s3;
	s0 =	sld [smem:$0x3FAA]  }
0x30: {  	s3 =	sld [smem:$0x3FAD]  }
0x31: {  	[smem:$0x3FB6] =	sst s10  }
0x32: {  	s10 =	sld [smem:$0x3FB4];
	_ =	sdelay $0x3  }
0x33: {  	p0 =	seq.s32 s10, $0x1;
	s10 =	sld [smem:$0x3FB6];
	_ =	sdelay $0x3  }
0x34: {  	[smem:$0x3FB6] =	sst s10  }
0x35: {  	s10 =	sld [smem:$0x3FB5];
	_ =	sdelay $0x3  }
0x36: {  	p1 =	seq.s32 s10, $0x1;
	s10 =	sld [smem:$0x3FB6];
	_ =	sdelay $0x3  }
0x37: {  	[smem:$0x3FB6] =	sst s10  }
0x38: {  	s10 =	sld [smem:$0x3FB7]  }
0x39: {  	_ = 	snop;
	(pc) =	sbr.ind lr, $3  }
0x3a: {  	_ = 	snop  }
0x3b: {  	_ = 	snop  }
0x3c: {  	p2 =	seq.s32 s10, $0x1;
	s10 =	sld [smem:$0x3FB6]  }
0x3d: {  	_ =	shalt  }
0x3e: {  	_ =	shalt  }
0x3f: {  	_ =	shalt  }
0x40: {  	_ =	shalt  }
0x41: {  	_ =	shalt  }
0x42: {  	_ =	shalt  }
0x43: {  	_ =	shalt  }
0x44: {  	_ =	shalt  }
0x45: {  	_ =	shalt  }
0x46: {  	_ =	shalt  }
0x47: {  	_ =	shalt  }
0x48: {  	_ =	shalt  }
0x49: {  	_ =	shalt  }
0x4a: {  	_ =	shalt  }
0x4b: {  	_ =	shalt  }
0x4c: {  	_ =	shalt  }
0x4d: {  	_ =	shalt  }
0x4e: {  	_ =	shalt  }
0x4f: {  	_ =	shalt  }
0x50: {  	_ =	shalt  }
0x51: {  	_ =	shalt  }
0x52: {  	_ =	shalt  }
0x53: {  	_ =	shalt  }
0x54: {  	_ =	shalt  }
0x55: {  	_ =	shalt  }
0x56: {  	_ =	shalt  }
0x57: {  	_ =	shalt  }
0x58: {  	_ =	shalt  }
0x59: {  	_ =	shalt  }
0x5a: {  	_ =	shalt  }
0x5b: {  	_ =	shalt  }
0x5c: {  	_ =	shalt  }
0x5d: {  	_ =	shalt  }
0x5e: {  	_ =	shalt  }
0x5f: {  	_ =	shalt  }
0x60: {  	_ =	shalt  }
0x61: {  	_ =	shalt  }
0x62: {  	_ =	shalt  }
0x63: {  	_ =	shalt  }
0x64: {  	_ =	shalt  }
0x65: {  	_ =	shalt  }
0x66: {  	_ =	shalt  }
0x67: {  	_ =	shalt  }
0x68: {  	_ =	shalt  }
0x69: {  	_ =	shalt  }
0x6a: {  	_ =	shalt  }
0x6b: {  	_ =	shalt  }
0x6c: {  	_ =	shalt  }
0x6d: {  	_ =	shalt  }
0x6e: {  	_ =	shalt  }
0x6f: {  	_ =	shalt  }
0x70: {  	_ =	shalt  }
0x71: {  	_ =	shalt  }
0x72: {  	_ =	shalt  }
0x73: {  	_ =	shalt  }
0x74: {  	_ =	shalt  }
0x75: {  	_ =	shalt  }
0x76: {  	_ =	shalt  }
0x77: {  	_ =	shalt  }
0x78: {  	_ =	shalt  }
0x79: {  	_ =	shalt  }
0x7a: {  	_ =	shalt  }
0x7b: {  	_ =	shalt  }
0x7c: {  	_ =	shalt  }
0x7d: {  	_ =	shalt  }
0x7e: {  	_ =	shalt  }
0x7f: {  	_ =	shalt  }
0x80: {  	_ =	shalt  }
0x81: {  	_ =	shalt  }
0x82: {  	_ =	shalt  }
0x83: {  	_ =	shalt  }
0x84: {  	_ =	shalt  }
0x85: {  	_ =	shalt  }
0x86: {  	_ =	shalt  }
0x87: {  	_ =	shalt  }
.Lfunc_end0:
.L_simem_size_0:
called_computation_lowered:
.L_overlay_start_0:
0x88: {  	s2 =	sld [smem:$0x3FD9]  }
0x89: {  	s3 =	sld [smem:$0x3FFE];
	_ =	sdelay $0x1  }
0x8a: {  	s1 =	srdreg.scid  }
0x8b: {  	s0 =	sand.u32 $0x1, s1  }
0x8c: {  	s17 =	sshll.u32 s0, $0xA;
	s2 =	sadd.s32 s3, s2  }
0x8d: {  	s2 =	sadd.s32 s2, s17  }
0x8e: {  	[smem:$0x3FC2] =	sst s2  }
0x8f: {  	_ = 	snop  }
0x90: {  	s2 =	sld [smem:$0x3FD0];
	(tm) =	ssettm $0x1  }
0x91: {  	s18 =	sld [smem:$0x3FFB];
	_ =	sdelay $0x3  }
0x92: {  	_ =	strace s18  }
0x93: {  	s3 =	sld [smem:$0x3FFC];
	_ =	sdelay $0x3  }
0x94: {  	_ =	strace s3  }
0x95: {  	s3 =	sld [smem:$0x3FFD];
	_ =	sdelay $0x3  }
0x96: {  	_ =	strace s3  }
0x97: {  	_ =	strace $0x8FFFFFFF  }
0x98: {  	s19 =	sld [smem:$0x3FDB];
	_ =	sdelay $0x1  }
0x99: {  	s4 =	simm.s32 $_scs_section_size  }
0x9a: {  	s5 =	simm.s32 $_size__tile_overlayer_lowered;
	s6 =	simm.s32 $_tile_overlayer_lowered  }
0x9b: {  	s22 =	simm.s32 $0x1BFF;
	s21 =	sshll.u32 s6, $0x1;
	s3 =	sadd.s32 s4, s19  }
0x9c: {  	s7 =	simm.s32 $0x0;
	s20 =	sshll.u32 s5, $0x1;
	s5 =	sadd.s32 s21, s3  }
0x9d: {  	[timem:s7], [sflag:s22] =	dma.local [hbm:s5], s20  }
0x9e: {  	_ =	swait.ge [sflag:s22], s20  }
0x9f: {  	s4 =	ssub.s32 $0x0, s20;
	[sflag:s22] =	ssyncset.done $0x0  }
0xa0: {  	[sflag:s22] =	ssyncadd.s32 s4;
	_ =	sdelay $0x1  }
0xa1: {  	s23 =	simm.s32 $0x1B8B  }
0xa2: {  	_ =	swait.ge [sflag:s23], $0x1  }
0xa3: {  	[sflag:s23] =	ssyncset.done $0x0  }
0xa4: {  	s25 =	simm.s32 $0x1B8E;
	s24 =	sld [smem:$0x3FFE];
	[sflag:s23] =	ssyncadd.s32 $0xFFFFFFFF  }
0xa5: {  	s26 =	simm.s32 $execute0_lowered;
	[smem:$0x3FD2] =	sst s25  }
0xa6: {  	s5 =	sshll.u32 s26, $0x1;
	_ =	strace $0x80000046;
	[dreg:$0x1] =	wrdreg $0xFFFFFFFF  }
0xa7: {  	s28 =	simm.s32 $_size_execute0_lowered;
	s3 =	sadd.s32 s3, s5;
	[dreg:$0x0] =	wrdreg $0x0  }
0xa8: {  	s5 =	sshll.u32 s28, $0x1;
	[dreg:$0x2] =	wrdreg s3  }
0xa9: {  	[dreg:$0x3] =	wrdreg s5  }
0xaa: {  	[dreg:$0x4] =	wrdreg $0xC0  }
0xab: {  	_ =	task [dreg:s7], $0x5FFFF  }
0xac: {  	[dreg:$0x1] =	wrdreg $0xFFFFFFFF  }
0xad: {  	[dreg:$0x0] =	wrdreg $0x60  }
0xae: {  	[dreg:$0x2] =	wrdreg s24  }
0xaf: {  	[dreg:$0x3] =	wrdreg s2  }
0xb0: {  	[dreg:$0x4] =	wrdreg $0x46100  }
0xb1: {  	[dreg:$0x5] =	wrdreg $0x9  }
0xb2: {  	_ =	task.clear_ibuf [dreg:s7], $0x6FFFF;
	_ =	strace $0x90000046  }
0xb3: {  	s29 =	simm.s32 $0x9;
	_ =	strace $0x80000048  }
0xb4: {  	_ =	swait.ge [sflag:s29], $0x1  }
0xb5: {  	[sflag:s29] =	ssyncadd.s32 $0xFFFFFFFF  }
0xb6: {  	_ =	strace $0x90000048  }
0xb7: {  	_ =	sfence  }
0xb8: {  	s30 =	sld [smem:$0x0];
	_ =	sdelay $0x2  }
0xb9: {  	s31 =	sshll.u32 s1, $0xD;
	s1 =	sshrl.u32 s1, $0x2  }
0xba: {  	s3 =	sand.u32 $0x4000, s31;
	s1 =	sadd.s32 s1, s30  }
0xbb: {  	s0 =	sor.u32 s3, s0;
	s1 =	sshll.u32 s1, $0x11  }
0xbc: {  	s0 =	sor.u32 s1, s0  }
0xbd: {  	s0 =	sadd.s32 $0x8F2B, s0  }
0xbe: {  	[sflag:s0] =	ssyncadd.remote.s32 $0x1  }
0xbf: {  	_ =	sfence.sel $0xFFFF  }
0xc0: {  	[dreg:$0x0] =	wrdreg $0xFFFFFFFF;
	(pc) =	sbr.abs _section_cstart, $3  }
0xc1: {  	[dreg:$0x1] =	wrdreg $0xFFFFFFFF  }
0xc2: {  	_ =	task.clear_ibuf [dreg:s7], $0x2FFFF;
	_ =	strace $0x9FFFFFFF  }
0xc3: {  	(tm) =	ssettm $0x7FFFFFFF  }
tec
execute0_lowered:
.L_overlay_start_1:
0x0: {  	(tag) =	ssettag $0x1  }
0x1: {  	s4 =	rddreg [dreg:$0x0]  }
0x2: {  	s0 =	rddreg [dreg:$0x1];
	s1 =	srdreg.scid  }
0x3: {  	s18 =	stileid.u32;
	s2 =	rddreg [dreg:$0x2];
	s21 =	simm.s32 $0x3E0  }
0x4: {  	s23 =	simm.s32 $0x5D0;
	[dreg:$0x5] =	wrdreg s0;
	s1 =	sand.u32 $0x1, s1  }
0x5: {  	s5 =	smul.u32 $0x2800, s18;
	s3 =	sshll.u32 s18, $0x1;
	s8 =	sadd.s32 $0x16400, s4  }
0x6: {  	s6 =	smul.u32 $0x28000, s1;
	s7 =	sor.u32 s1, s3;
	s3 =	simm.s32 $0x0  }
0x7: {  	s20 =	sshll.u32 s18, $0x6;
	s7 =	smul.u32 $0x2710, s7;
	[smem:$0x7FF] =	sst s3  }
0x8: {  	_ =	strace $0x80000047;
	s6 =	sadd.s32 s5, s6;
	[dreg:$0x4] =	wrdreg s8  }
0x9: {  	s5 =	sadd.s32 s5, s2;
	[dreg:$0x8] =	wrdreg s21;
	s7 =	sshrl.u32 s7, $0x3  }
0xa: {  	[dreg:$0x9] =	wrdreg s23;
	s6 =	sshrl.u32 s6, $0x3;
	s7 =	sadd.s32 s4, s7  }
0xb: {  	s22 =	rddreg [dreg:$0x5];
	s4 =	sadd.s32 s6, s4;
	s19 =	sadd.s32 $0xC640, s7  }
0xc: {  	s6 =	sshrl.u32 s5, $0x3;
	s4 =	sadd.s32 $0x16800, s4;
	[dreg:$0x6] =	wrdreg s19  }
0xd: {  	s5 =	simm.s32 $0x5;
	[dreg:$0x7] =	wrdreg s4;
	s4 =	sor.u32 $0x1C05, s20  }
0xe: {  	[spmem:s6], [sflag:s4] =	dma.local [hbm:s22], $0x500  }
0xf: {  	_ =	swait.ge [sflag:s5], $0x500  }
0x10: {  	[sflag:s5] =	ssyncset.done $0x0  }
0x11: {  	s7 =	simm.s32 $0x2710;
	s24 =	rddreg [dreg:$0x4];
	[sflag:s5] =	ssyncadd.s32 $0xFFFFFB00  }
0x12: {  	[tilespmem:s7], [sflag:$0x5] =	stream.linear.gather [hbm4b:s24+s3], $0x1F00, $0x38;
	[tilespmem:$0x6E10] =	vst v63  }
0x13: {  	_ =	swait.ge [sflag:s5], $0x1F00  }
0x14: {  	[sflag:s5] =	ssyncset.done $0x0  }
0x15: {  	s25 =	rddreg [dreg:$0x6];
	[sflag:s5] =	ssyncadd.s32 $0xFFFFE100  }
0x16: {  	[tilespmem:s3], [sflag:$0x5] =	stream.linear.gather [hbm4b:s25+s3], $0x2710, $0x38;
	[tilespmem:$0x6E10] =	vst v63  }
0x17: {  	_ =	swait.ge [sflag:s5], $0x2710  }
0x18: {  	[sflag:s5] =	ssyncset.done $0x0  }
0x19: {  	[sflag:s5] =	ssyncadd.s32 $0xFFFFD8F0  }
0x1a: {  	s8 =	simm.s32 $0x1F0;
	[bflag:$0x0] =	sbarrier.arrive $0xFFFF  }
0x1b: {  	[spmem:s2] =	stream.indirect.scatter.add.f32 [tilespmem:s7], [sflag:$0x1], $0x10, s3, s8, $0xb8;
	[tilespmem:$0x6E10] =	vst v63  }
0x1c: {  	_ = 	snop  }
0x1d: {  	[spmem:s2] =	stream.indirect.scatter.add.f32 [tilespmem:s7], [sflag:$0x2], $0x10, s8, s8, $0xb8;
	[tilespmem:$0x6E10] =	vst v63  }
0x1e: {  	s9 =	rddreg [dreg:$0x8]  }
0x1f: {  	[spmem:s2] =	stream.indirect.scatter.add.f32 [tilespmem:s7], [sflag:$0x3], $0x10, s9, s8, $0xb8;
	[tilespmem:$0x6E10] =	vst v63  }
0x20: {  	s10 =	rddreg [dreg:$0x9];
	s9 =	simm.s32 $0x1  }
0x21: {  	[spmem:s2] =	stream.indirect.scatter.add.f32 [tilespmem:s7], [sflag:$0x4], $0x10, s10, s8, $0xb8;
	[tilespmem:$0x6E10] =	vst v63  }
0x22: {  	_ =	swait.ge [sflag:s9], $0x1F00  }
0x23: {  	[sflag:s9] =	ssyncset.done $0x0  }
0x24: {  	s26 =	simm.s32 $0x7C0;
	s11 =	simm.s32 $0x2;
	[sflag:s9] =	ssyncadd.s32 $0xFFFFE100  }
0x25: {  	[spmem:s2] =	stream.indirect.scatter.add.f32 [tilespmem:s7], [sflag:$0x1], $0x10, s26, s8, $0xb8;
	[tilespmem:$0x6E10] =	vst v63  }
0x26: {  	_ =	swait.ge [sflag:s11], $0x1F00  }
0x27: {  	[sflag:s11] =	ssyncset.done $0x0  }
0x28: {  	s12 =	simm.s32 $0x9B0;
	s13 =	simm.s32 $0x3;
	[sflag:s11] =	ssyncadd.s32 $0xFFFFE100  }
0x29: {  	[spmem:s2] =	stream.indirect.scatter.add.f32 [tilespmem:s7], [sflag:$0x2], $0x10, s12, s8, $0xb8;
	[tilespmem:$0x6E10] =	vst v63  }
0x2a: {  	_ =	swait.ge [sflag:s13], $0x1F00  }
0x2b: {  	[sflag:s13] =	ssyncset.done $0x0  }
0x2c: {  	s14 =	simm.s32 $0xBA0;
	s15 =	simm.s32 $0x4;
	[sflag:s13] =	ssyncadd.s32 $0xFFFFE100  }
0x2d: {  	[spmem:s2] =	stream.indirect.scatter.add.f32 [tilespmem:s7], [sflag:$0x3], $0x10, s14, s8, $0xb8;
	[tilespmem:$0x6E10] =	vst v63  }
0x2e: {  	_ =	swait.ge [sflag:s15], $0x1F00  }
0x2f: {  	[sflag:s15] =	ssyncset.done $0x0  }
0x30: {  	s16 =	simm.s32 $0xD90;
	[sflag:s15] =	ssyncadd.s32 $0xFFFFE100  }
0x31: {  	[spmem:s2] =	stream.indirect.scatter.add.f32 [tilespmem:s7], [sflag:$0x4], $0x10, s16, s8, $0xb8;
	[tilespmem:$0x6E10] =	vst v63  }
0x32: {  	_ =	swait.ge [sflag:s9], $0x1F00  }
0x33: {  	[sflag:s9] =	ssyncset.done $0x0  }
0x34: {  	s17 =	simm.s32 $0xF80;
	[sflag:s9] =	ssyncadd.s32 $0xFFFFE100  }
0x35: {  	[spmem:s2] =	stream.indirect.scatter.add.f32 [tilespmem:s7], [sflag:$0x1], $0x10, s17, s8, $0xb8;
	[tilespmem:$0x6E10] =	vst v63  }
0x36: {  	_ =	swait.ge [sflag:s11], $0x1F00  }
0x37: {  	[sflag:s11] =	ssyncset.done $0x0  }
0x38: {  	s18 =	simm.s32 $0x1170;
	[sflag:s11] =	ssyncadd.s32 $0xFFFFE100  }
0x39: {  	[spmem:s2] =	stream.indirect.scatter.add.f32 [tilespmem:s7], [sflag:$0x2], $0x10, s18, s8, $0xb8;
	[tilespmem:$0x6E10] =	vst v63  }
0x3a: {  	_ =	swait.ge [sflag:s13], $0x1F00  }
0x3b: {  	[sflag:s13] =	ssyncset.done $0x0  }
0x3c: {  	s19 =	simm.s32 $0x1360;
	[sflag:s13] =	ssyncadd.s32 $0xFFFFE100  }
0x3d: {  	[spmem:s2] =	stream.indirect.scatter.add.f32 [tilespmem:s7], [sflag:$0x3], $0x10, s19, s8, $0xb8;
	[tilespmem:$0x6E10] =	vst v63  }
0x3e: {  	_ =	swait.ge [sflag:s15], $0x1F00  }
0x3f: {  	[sflag:s15] =	ssyncset.done $0x0  }
0x40: {  	s20 =	simm.s32 $0x1550;
	[sflag:s15] =	ssyncadd.s32 $0xFFFFE100  }
0x41: {  	[spmem:s2] =	stream.indirect.scatter.add.f32 [tilespmem:s7], [sflag:$0x4], $0x10, s20, s8, $0xb8;
	[tilespmem:$0x6E10] =	vst v63  }
0x42: {  	_ =	swait.ge [sflag:s9], $0x1F00  }
0x43: {  	[sflag:s9] =	ssyncset.done $0x0  }
0x44: {  	s21 =	simm.s32 $0x1740;
	[sflag:s9] =	ssyncadd.s32 $0xFFFFE100  }
0x45: {  	[spmem:s2] =	stream.indirect.scatter.add.f32 [tilespmem:s7], [sflag:$0x1], $0x10, s21, s8, $0xb8;
	[tilespmem:$0x6E10] =	vst v63  }
0x46: {  	_ =	swait.ge [sflag:s11], $0x1F00  }
0x47: {  	[sflag:s11] =	ssyncset.done $0x0  }
0x48: {  	s22 =	simm.s32 $0x1930;
	[sflag:s11] =	ssyncadd.s32 $0xFFFFE100  }
0x49: {  	[spmem:s2] =	stream.indirect.scatter.add.f32 [tilespmem:s7], [sflag:$0x2], $0x10, s22, s8, $0xb8;
	[tilespmem:$0x6E10] =	vst v63  }
0x4a: {  	_ =	swait.ge [sflag:s13], $0x1F00  }
0x4b: {  	[sflag:s13] =	ssyncset.done $0x0  }
0x4c: {  	s23 =	simm.s32 $0x1B20;
	[sflag:s13] =	ssyncadd.s32 $0xFFFFE100  }
0x4d: {  	[spmem:s2] =	stream.indirect.scatter.add.f32 [tilespmem:s7], [sflag:$0x3], $0x10, s23, s8, $0xb8;
	[tilespmem:$0x6E10] =	vst v63  }
0x4e: {  	_ =	swait.ge [sflag:s15], $0x1F00  }
0x4f: {  	[sflag:s15] =	ssyncset.done $0x0  }
0x50: {  	s24 =	simm.s32 $0x1D10;
	[sflag:s15] =	ssyncadd.s32 $0xFFFFE100  }
0x51: {  	[spmem:s2] =	stream.indirect.scatter.add.f32 [tilespmem:s7], [sflag:$0x4], $0x10, s24, s8, $0xb8;
	[tilespmem:$0x6E10] =	vst v63  }
0x52: {  	_ =	swait.ge [sflag:s9], $0x1F00  }
0x53: {  	[sflag:s9] =	ssyncset.done $0x0  }
0x54: {  	s25 =	simm.s32 $0x1F00;
	[sflag:s9] =	ssyncadd.s32 $0xFFFFE100  }
0x55: {  	[spmem:s2] =	stream.indirect.scatter.add.f32 [tilespmem:s7], [sflag:$0x1], $0x10, s25, s8, $0xb8;
	[tilespmem:$0x6E10] =	vst v63  }
0x56: {  	_ =	swait.ge [sflag:s11], $0x1F00  }
0x57: {  	[sflag:s11] =	ssyncset.done $0x0  }
0x58: {  	s26 =	simm.s32 $0x20F0;
	[sflag:s11] =	ssyncadd.s32 $0xFFFFE100  }
0x59: {  	[spmem:s2] =	stream.indirect.scatter.add.f32 [tilespmem:s7], [sflag:$0x2], $0x10, s26, s8, $0xb8;
	[tilespmem:$0x6E10] =	vst v63  }
0x5a: {  	_ =	swait.ge [sflag:s13], $0x1F00  }
0x5b: {  	[sflag:s13] =	ssyncset.done $0x0  }
0x5c: {  	s28 =	simm.s32 $0x22E0;
	[sflag:s13] =	ssyncadd.s32 $0xFFFFE100  }
0x5d: {  	[spmem:s2] =	stream.indirect.scatter.add.f32 [tilespmem:s7], [sflag:$0x3], $0x10, s28, s8, $0xb8;
	[tilespmem:$0x6E10] =	vst v63  }
0x5e: {  	_ =	swait.ge [sflag:s15], $0x1F00  }
0x5f: {  	[sflag:s15] =	ssyncset.done $0x0  }
0x60: {  	s29 =	simm.s32 $0x24D0;
	[sflag:s15] =	ssyncadd.s32 $0xFFFFE100  }
0x61: {  	[spmem:s2] =	stream.indirect.scatter.add.f32 [tilespmem:s7], [sflag:$0x4], $0x10, s29, s8, $0xb8;
	[tilespmem:$0x6E10] =	vst v63  }
0x62: {  	_ =	swait.ge [sflag:s9], $0x1F00  }
0x63: {  	[sflag:s9] =	ssyncset.done $0x0  }
0x64: {  	[sflag:s9] =	ssyncadd.s32 $0xFFFFE100  }
0x65: {  	_ =	swait.ge [sflag:s11], $0x1F00  }
0x66: {  	[sflag:s11] =	ssyncset.done $0x0  }
0x67: {  	[sflag:s11] =	ssyncadd.s32 $0xFFFFE100  }
0x68: {  	_ =	swait.ge [sflag:s13], $0x1F00  }
0x69: {  	[sflag:s13] =	ssyncset.done $0x0  }
0x6a: {  	[sflag:s13] =	ssyncadd.s32 $0xFFFFE100  }
0x6b: {  	s1 =	ssub.s32 $0x2, s1;
	_ =	swait.ge [sflag:s15], $0x1F00  }
0x6c: {  	s30 =	simm.s32 $0x50;
	s0 =	sshrl.u32 s1, $0x1;
	[sflag:s15] =	ssyncset.done $0x0  }
0x6d: {  	s31 =	simm.s32 $0x26C0;
	s0 =	ssub.s32 s1, s0;
	[sflag:s15] =	ssyncadd.s32 $0xFFFFE100  }
0x6e: {  	[spmem:s2] =	stream.indirect.scatter.add.f32 [tilespmem:s7], [sflag:$0x4], $0x10, s31, s30, $0xb8;
	[tilespmem:$0x6E10] =	vst v63  }
0x6f: {  	s0 =	smax.u32 s0, $0x1;
	_ =	swait.ge [sflag:s15], $0x500  }
0x70: {  	p0 =	sne.s32 s0, $0x1;
	[sflag:s15] =	ssyncset.done $0x0  }
.Ltmp0:
0x71: {  	[sflag:s15] =	ssyncadd.s32 $0xFFFFFB00;
	(pc) =	sbr.rel @!p0 .LBB2_2-.Ltmp0, $4  }
0x72: {  	[bflag:$0x0] =	sbarrier.arrive $0xFFFF  }
0x73: {  	s10 =	rddreg [dreg:$0x7]  }
0x74: {  	[hbm:s10], [sflag:s4] =	dma.local [spmem:s6], $0x500  }
0x75: {  	s1 =	sadd.s32 $0xFFFFFFFF, s0;
	_ =	swait.ge [sflag:s5], $0x500  }
.LBB2_1:
0x76: {  	[sflag:s5] =	ssyncset.done $0x0  }
0x77: {  	s0 =	rddreg [dreg:$0x5];
	[sflag:s5] =	ssyncadd.s32 $0xFFFFFB00  }
0x78: {  	[spmem:s6], [sflag:s4] =	dma.local [hbm:s0], $0x500  }
0x79: {  	_ =	swait.ge [sflag:s5], $0x500  }
0x7a: {  	[sflag:s5] =	ssyncset.done $0x0  }
0x7b: {  	s10 =	rddreg [dreg:$0x4];
	[sflag:s5] =	ssyncadd.s32 $0xFFFFFB00  }
0x7c: {  	[tilespmem:s7], [sflag:$0x5] =	stream.linear.gather [hbm4b:s10+s3], $0x1F00, $0x38;
	[tilespmem:$0x6E10] =	vst v63  }
0x7d: {  	_ =	swait.ge [sflag:s5], $0x1F00  }
0x7e: {  	[sflag:s5] =	ssyncset.done $0x0  }
0x7f: {  	s10 =	rddreg [dreg:$0x6];
	[sflag:s5] =	ssyncadd.s32 $0xFFFFE100  }
0x80: {  	[tilespmem:s3], [sflag:$0x5] =	stream.linear.gather [hbm4b:s10+s3], $0x2710, $0x38;
	[tilespmem:$0x6E10] =	vst v63  }
0x81: {  	_ =	swait.ge [sflag:s5], $0x2710  }
0x82: {  	[sflag:s5] =	ssyncset.done $0x0  }
0x83: {  	[sflag:s5] =	ssyncadd.s32 $0xFFFFD8F0  }
0x84: {  	[bflag:$0x0] =	sbarrier.arrive $0xFFFF  }
0x85: {  	[spmem:s2] =	stream.indirect.scatter.add.f32 [tilespmem:s7], [sflag:$0x1], $0x10, s3, s8, $0xb8;
	[tilespmem:$0x6E10] =	vst v63  }
0x86: {  	_ = 	snop  }
0x87: {  	[spmem:s2] =	stream.indirect.scatter.add.f32 [tilespmem:s7], [sflag:$0x2], $0x10, s8, s8, $0xb8;
	[tilespmem:$0x6E10] =	vst v63  }
0x88: {  	s0 =	rddreg [dreg:$0x8]  }
0x89: {  	[spmem:s2] =	stream.indirect.scatter.add.f32 [tilespmem:s7], [sflag:$0x3], $0x10, s0, s8, $0xb8;
	[tilespmem:$0x6E10] =	vst v63  }
0x8a: {  	s10 =	rddreg [dreg:$0x9]  }
0x8b: {  	[spmem:s2] =	stream.indirect.scatter.add.f32 [tilespmem:s7], [sflag:$0x4], $0x10, s10, s8, $0xb8;
	[tilespmem:$0x6E10] =	vst v63  }
0x8c: {  	_ =	swait.ge [sflag:s9], $0x1F00  }
0x8d: {  	[sflag:s9] =	ssyncset.done $0x0  }
0x8e: {  	s10 =	simm.s32 $0x7C0;
	[sflag:s9] =	ssyncadd.s32 $0xFFFFE100  }
0x8f: {  	[spmem:s2] =	stream.indirect.scatter.add.f32 [tilespmem:s7], [sflag:$0x1], $0x10, s10, s8, $0xb8;
	[tilespmem:$0x6E10] =	vst v63  }
0x90: {  	_ =	swait.ge [sflag:s11], $0x1F00  }
0x91: {  	[sflag:s11] =	ssyncset.done $0x0  }
0x92: {  	[sflag:s11] =	ssyncadd.s32 $0xFFFFE100  }
0x93: {  	[spmem:s2] =	stream.indirect.scatter.add.f32 [tilespmem:s7], [sflag:$0x2], $0x10, s12, s8, $0xb8;
	[tilespmem:$0x6E10] =	vst v63  }
0x94: {  	_ =	swait.ge [sflag:s13], $0x1F00  }
0x95: {  	[sflag:s13] =	ssyncset.done $0x0  }
0x96: {  	[sflag:s13] =	ssyncadd.s32 $0xFFFFE100  }
0x97: {  	[spmem:s2] =	stream.indirect.scatter.add.f32 [tilespmem:s7], [sflag:$0x3], $0x10, s14, s8, $0xb8;
	[tilespmem:$0x6E10] =	vst v63  }
0x98: {  	_ =	swait.ge [sflag:s15], $0x1F00  }
0x99: {  	[sflag:s15] =	ssyncset.done $0x0  }
0x9a: {  	[sflag:s15] =	ssyncadd.s32 $0xFFFFE100  }
0x9b: {  	[spmem:s2] =	stream.indirect.scatter.add.f32 [tilespmem:s7], [sflag:$0x4], $0x10, s16, s8, $0xb8;
	[tilespmem:$0x6E10] =	vst v63  }
0x9c: {  	_ =	swait.ge [sflag:s9], $0x1F00  }
0x9d: {  	[sflag:s9] =	ssyncset.done $0x0  }
0x9e: {  	[sflag:s9] =	ssyncadd.s32 $0xFFFFE100  }
0x9f: {  	[spmem:s2] =	stream.indirect.scatter.add.f32 [tilespmem:s7], [sflag:$0x1], $0x10, s17, s8, $0xb8;
	[tilespmem:$0x6E10] =	vst v63  }
0xa0: {  	_ =	swait.ge [sflag:s11], $0x1F00  }
0xa1: {  	[sflag:s11] =	ssyncset.done $0x0  }
0xa2: {  	[sflag:s11] =	ssyncadd.s32 $0xFFFFE100  }
0xa3: {  	[spmem:s2] =	stream.indirect.scatter.add.f32 [tilespmem:s7], [sflag:$0x2], $0x10, s18, s8, $0xb8;
	[tilespmem:$0x6E10] =	vst v63  }
0xa4: {  	_ =	swait.ge [sflag:s13], $0x1F00  }
0xa5: {  	[sflag:s13] =	ssyncset.done $0x0  }
0xa6: {  	[sflag:s13] =	ssyncadd.s32 $0xFFFFE100  }
0xa7: {  	[spmem:s2] =	stream.indirect.scatter.add.f32 [tilespmem:s7], [sflag:$0x3], $0x10, s19, s8, $0xb8;
	[tilespmem:$0x6E10] =	vst v63  }
0xa8: {  	_ =	swait.ge [sflag:s15], $0x1F00  }
0xa9: {  	[sflag:s15] =	ssyncset.done $0x0  }
0xaa: {  	[sflag:s15] =	ssyncadd.s32 $0xFFFFE100  }
0xab: {  	[spmem:s2] =	stream.indirect.scatter.add.f32 [tilespmem:s7], [sflag:$0x4], $0x10, s20, s8, $0xb8;
	[tilespmem:$0x6E10] =	vst v63  }
0xac: {  	_ =	swait.ge [sflag:s9], $0x1F00  }
0xad: {  	[sflag:s9] =	ssyncset.done $0x0  }
0xae: {  	[sflag:s9] =	ssyncadd.s32 $0xFFFFE100  }
0xaf: {  	[spmem:s2] =	stream.indirect.scatter.add.f32 [tilespmem:s7], [sflag:$0x1], $0x10, s21, s8, $0xb8;
	[tilespmem:$0x6E10] =	vst v63  }
0xb0: {  	_ =	swait.ge [sflag:s11], $0x1F00  }
0xb1: {  	[sflag:s11] =	ssyncset.done $0x0  }
0xb2: {  	[sflag:s11] =	ssyncadd.s32 $0xFFFFE100  }
0xb3: {  	[spmem:s2] =	stream.indirect.scatter.add.f32 [tilespmem:s7], [sflag:$0x2], $0x10, s22, s8, $0xb8;
	[tilespmem:$0x6E10] =	vst v63  }
0xb4: {  	_ =	swait.ge [sflag:s13], $0x1F00  }
0xb5: {  	[sflag:s13] =	ssyncset.done $0x0  }
0xb6: {  	[sflag:s13] =	ssyncadd.s32 $0xFFFFE100  }
0xb7: {  	[spmem:s2] =	stream.indirect.scatter.add.f32 [tilespmem:s7], [sflag:$0x3], $0x10, s23, s8, $0xb8;
	[tilespmem:$0x6E10] =	vst v63  }
0xb8: {  	_ =	swait.ge [sflag:s15], $0x1F00  }
0xb9: {  	[sflag:s15] =	ssyncset.done $0x0  }
0xba: {  	[sflag:s15] =	ssyncadd.s32 $0xFFFFE100  }
0xbb: {  	[spmem:s2] =	stream.indirect.scatter.add.f32 [tilespmem:s7], [sflag:$0x4], $0x10, s24, s8, $0xb8;
	[tilespmem:$0x6E10] =	vst v63  }
0xbc: {  	_ =	swait.ge [sflag:s9], $0x1F00  }
0xbd: {  	[sflag:s9] =	ssyncset.done $0x0  }
0xbe: {  	[sflag:s9] =	ssyncadd.s32 $0xFFFFE100  }
0xbf: {  	[spmem:s2] =	stream.indirect.scatter.add.f32 [tilespmem:s7], [sflag:$0x1], $0x10, s25, s8, $0xb8;
	[tilespmem:$0x6E10] =	vst v63  }
0xc0: {  	_ =	swait.ge [sflag:s11], $0x1F00  }
0xc1: {  	[sflag:s11] =	ssyncset.done $0x0  }
0xc2: {  	[sflag:s11] =	ssyncadd.s32 $0xFFFFE100  }
0xc3: {  	[spmem:s2] =	stream.indirect.scatter.add.f32 [tilespmem:s7], [sflag:$0x2], $0x10, s26, s8, $0xb8;
	[tilespmem:$0x6E10] =	vst v63  }
0xc4: {  	_ =	swait.ge [sflag:s13], $0x1F00  }
0xc5: {  	[sflag:s13] =	ssyncset.done $0x0  }
0xc6: {  	[sflag:s13] =	ssyncadd.s32 $0xFFFFE100  }
0xc7: {  	[spmem:s2] =	stream.indirect.scatter.add.f32 [tilespmem:s7], [sflag:$0x3], $0x10, s28, s8, $0xb8;
	[tilespmem:$0x6E10] =	vst v63  }
0xc8: {  	_ =	swait.ge [sflag:s15], $0x1F00  }
0xc9: {  	[sflag:s15] =	ssyncset.done $0x0  }
0xca: {  	[sflag:s15] =	ssyncadd.s32 $0xFFFFE100  }
0xcb: {  	[spmem:s2] =	stream.indirect.scatter.add.f32 [tilespmem:s7], [sflag:$0x4], $0x10, s29, s8, $0xb8;
	[tilespmem:$0x6E10] =	vst v63  }
0xcc: {  	_ =	swait.ge [sflag:s9], $0x1F00  }
0xcd: {  	[sflag:s9] =	ssyncset.done $0x0  }
0xce: {  	[sflag:s9] =	ssyncadd.s32 $0xFFFFE100  }
0xcf: {  	_ =	swait.ge [sflag:s11], $0x1F00  }
0xd0: {  	[sflag:s11] =	ssyncset.done $0x0  }
0xd1: {  	[sflag:s11] =	ssyncadd.s32 $0xFFFFE100  }
0xd2: {  	_ =	swait.ge [sflag:s13], $0x1F00  }
0xd3: {  	[sflag:s13] =	ssyncset.done $0x0  }
0xd4: {  	[sflag:s13] =	ssyncadd.s32 $0xFFFFE100  }
0xd5: {  	_ =	swait.ge [sflag:s15], $0x1F00  }
0xd6: {  	[sflag:s15] =	ssyncset.done $0x0  }
0xd7: {  	[sflag:s15] =	ssyncadd.s32 $0xFFFFE100  }
0xd8: {  	[spmem:s2] =	stream.indirect.scatter.add.f32 [tilespmem:s7], [sflag:$0x4], $0x10, s31, s30, $0xb8;
	[tilespmem:$0x6E10] =	vst v63  }
0xd9: {  	_ =	swait.ge [sflag:s15], $0x500  }
0xda: {  	p0 =	sne.s32 s1, $0x1;
	[sflag:s15] =	ssyncset.done $0x0  }
.Ltmp1:
0xdb: {  	[sflag:s15] =	ssyncadd.s32 $0xFFFFFB00;
	(pc) =	sbr.rel @p0 .LBB2_1-.Ltmp1, $4  }
0xdc: {  	[bflag:$0x0] =	sbarrier.arrive $0xFFFF  }
0xdd: {  	s10 =	rddreg [dreg:$0x7]  }
0xde: {  	[hbm:s10], [sflag:s4] =	dma.local [spmem:s6], $0x500  }
0xdf: {  	s1 =	sadd.s32 $0xFFFFFFFF, s1;
	_ =	swait.ge [sflag:s5], $0x500  }
.LBB2_2:
0xe0: {  	[sflag:s5] =	ssyncset.done $0x0  }
0xe1: {  	[sflag:s5] =	ssyncadd.s32 $0xFFFFFB00  }
0xe2: {  	_ =	sfence.sel $0x180000  }
0xe3: {  	[bflag:$0x0] =	sbarrier.arrive $0xFFFF  }
0xe4: {  	_ =	strace $0x90000047  }
0xe5: {  	s0 =	stileid.u32;
	[bflag:$0x2] =	sbarrier.arrive $0xFFFF  }
0xe6: {  	p0 =	sne.s32 s0, $0x0;
	s0 =	rddreg [dreg:$0x3]  }
0xe7: {  	s0 =	sadd.s32 @!p0 $0x100000, s0  }
0xe8: {  	[sflag:s0] =	ssyncadd.tile.s32 @!p0 $0x1;
	_ =	shalt  }
.Lfunc_end2:
_tile_overlayer_lowered:
.L_overlay_start_2:
0xe9: {  	(tag) =	ssettag $0x2  }
0xea: {  	s0 =	rddreg [dreg:$0x0];
	s2 =	stileid.u32  }
0xeb: {  	s1 =	rddreg [dreg:$0x1];
	p0 =	sne.s32 s2, $0x0  }
0xec: {  	s3 =	rddreg [dreg:$0x2];
	[bflag:$0x3] =	sbarrier.arrive $0xFFFF;
	s2 =	simm.s32 @!p0 $0x1C05  }
0xed: {  	[timem:s3], [sflag:s2] =	dma.local @!p0 [hbm:s0], s1  }
0xee: {  	s0 =	simm.s32 @!p0 $0x5  }
0xef: {  	_ =	swait.ge @!p0 [sflag:s0], s1  }
0xf0: {  	s1 =	ssub.s32 @!p0 $0x0, s1;
	[sflag:s0] =	ssyncset.done @!p0 $0x0  }
0xf1: {  	[sflag:s0] =	ssyncadd.s32 @!p0 s1  }
0xf2: {  	[bflag:$0x3] =	sbarrier.arrive $0xFFFF  }
0xf3: {  	_ =	shalt  }

</sc_bundles>
